<compile_context>
chip_gen: v7x
topology: tpu7x:2x2x1
jax: 0.10.2.dev20260603
libtpu: 0.0.44.dev20260713+nightly
codegen_flags: <defaults>
</compile_context>

<pallas_src>
import functools

import jax
import jax.numpy as jnp
from jax import lax
from jax.experimental import pallas as pl
from jax.experimental.pallas import tpu as pltpu
from jax.experimental.pallas import tpu_sc as plsc

N = 10000
E = 320000
DIN = 128
DH = 64
HALF = 32
NP = 10240
NS = NP // 16
NV = NS // 16
CN = 128
NCH = 157
TEPT = NCH * CN
EP = 16 * TEPT
F32 = jnp.float32
I32 = jnp.int32

_Z16 = lambda: jnp.zeros((16,), F32)


def _mm_body(x_ref, w_ref, o_ref):
    o_ref[...] = jnp.dot(x_ref[...], w_ref[...], preferred_element_type=F32)


def _tc_matmul(xp, w):
    return pl.pallas_call(
        _mm_body,
        out_shape=jax.ShapeDtypeStruct((NP, 4 * DH), F32),
    )(xp, w)


def _sc_layer1(rowp, colp, z, b1):
    mesh = plsc.VectorSubcoreMesh(core_axis_name="c", subcore_axis_name="s")

    @functools.partial(
        pl.kernel,
        out_type=(
            jax.ShapeDtypeStruct((NP, DH), F32),
            jax.ShapeDtypeStruct((NP,), F32),
            jax.ShapeDtypeStruct((2 * NP, HALF), F32),
        ),
        mesh=mesh,
        compiler_params=pltpu.CompilerParams(use_tc_tiling_on_sc=False, needs_layout_passes=False),
        scratch_types=[
            pltpu.VMEM_SHARED((NP, HALF), F32),
            pltpu.VMEM_SHARED((NP,), F32),
            pltpu.VMEM((NCH, CN), I32),
            pltpu.VMEM((NCH, CN), I32),
            pltpu.VMEM((6, CN, HALF), F32),
            pltpu.VMEM((CN,), F32),
            pltpu.VMEM((NS,), F32),
            pltpu.VMEM((NS, HALF), F32),
            pltpu.VMEM((NS, HALF), F32),
            pltpu.VMEM((DH,), F32),
            pltpu.VMEM((NS,), F32),
            pltpu.SemaphoreType.DMA,
            pltpu.SemaphoreType.DMA,
        ],
    )
    def k(rowp_h, colp_h, z_h, b1_h, h_h, dinv_h, g_h,
          acc, degacc, rowb, colb, gbuf, onesb, psum, zbuf, abuf,
          b1b, dvb, gsem, ssem):
        c = lax.axis_index("c")
        s = lax.axis_index("s")
        n0 = s * NS
        cNP = c * NP

        pltpu.sync_copy(rowp_h.at[s], rowb)
        pltpu.sync_copy(colp_h.at[s], colb)
        pltpu.sync_copy(b1_h, b1b)

        def _off(j, _):
            for v in range(8):
                sl = pl.ds(v * 16, 16)
                rowb[j, sl] = rowb[j, sl] + cNP
            return 0
        lax.fori_loop(0, NCH, _off, 0)

        for v in range(CN // 16):
            onesb[pl.ds(v * 16, 16)] = jnp.full((16,), 1.0, F32)

        def _zp(v, _):
            psum[pl.ds(v * 16, 16)] = _Z16()
            return 0
        lax.fori_loop(0, NV, _zp, 0)
        pltpu.sync_copy(psum, degacc.at[pl.ds(n0, NS)])
        plsc.subcore_barrier()

        DB = 8

        def _dblk(j0, nb):
            sd = [pltpu.async_copy(onesb, degacc.at[colb.at[j0 + b]],
                                   ssem, add=True)
                  for b in range(nb)]
            for d in sd:
                d.wait()

        def _hblk(blk, _):
            _dblk(blk * DB, DB)
            return 0
        lax.fori_loop(0, NCH // DB, _hblk, 0)
        _dblk((NCH // DB) * DB, NCH - (NCH // DB) * DB)
        plsc.subcore_barrier()
        pltpu.sync_copy(degacc.at[pl.ds(n0, NS)], psum)

        def _dinv(v, _):
            sl = pl.ds(v * 16, 16)
            d = psum[sl]
            pos = d > 0.0
            dsafe = jnp.where(pos, d, 1.0)
            ib = plsc.bitcast(dsafe, I32)
            ib = jnp.int32(0x5F3759DF) - lax.shift_right_logical(ib, 1)
            y = plsc.bitcast(ib, F32)
            hd = dsafe * 0.5
            for _it in range(4):
                y = y * (1.5 - hd * y * y)
            dvb[sl] = jnp.where(pos, y, 0.0)
            return 0
        lax.fori_loop(0, NV, _dinv, 0)

        @pl.when(c == 0)
        def _():
            pltpu.sync_copy(dvb, dinv_h.at[pl.ds(n0, NS)])

        def _splat(ref, r):
            return plsc.load_gather(ref, [jnp.full((16,), r, I32)])

        def _za(r, _):
            for hh in range(2):
                abuf[r, pl.ds(hh * 16, 16)] = _Z16()
            return 0
        lax.fori_loop(0, NS, _za, 0)
        pltpu.sync_copy(abuf, acc.at[pl.ds(n0, NS)])

        pltpu.sync_copy(z_h.at[pl.ds(n0, NS), pl.ds(3 * DH + c * HALF, HALF)], zbuf)

        def _g3(r, _):
            dv = _splat(dvb, r)
            for hh in range(2):
                sl = (r, pl.ds(hh * 16, 16))
                zbuf[sl] = zbuf[sl] * dv
            return 0
        lax.fori_loop(0, NS, _g3, 0)
        pltpu.sync_copy(zbuf, g_h.at[pl.ds(cNP + n0, NS)])
        plsc.subcore_barrier()

        NB = 6

        def _edge_block(j0, nb):
            gd = [pltpu.async_copy(g_h.at[rowb.at[j0 + b]], gbuf.at[b], gsem)
                  for b in range(nb)]
            for d in gd:
                d.wait()
            sd = [pltpu.async_copy(gbuf.at[b], acc.at[colb.at[j0 + b]],
                                   ssem, add=True)
                  for b in range(nb)]
            for d in sd:
                d.wait()

        for kk in (2, 1, 0):
            def _blk(blk, _):
                _edge_block(blk * NB, NB)
                return 0
            lax.fori_loop(0, NCH // NB, _blk, 0)
            _edge_block((NCH // NB) * NB, NCH - (NCH // NB) * NB)
            plsc.subcore_barrier()

            pltpu.sync_copy(acc.at[pl.ds(n0, NS)], abuf)
            pltpu.sync_copy(
                z_h.at[pl.ds(n0, NS), pl.ds(kk * DH + c * HALF, HALF)], zbuf)

            if kk > 0:
                def _comb(r, _):
                    dv = _splat(dvb, r)
                    dv2 = dv * dv
                    for hh in range(2):
                        sl = (r, pl.ds(hh * 16, 16))
                        zbuf[sl] = zbuf[sl] * dv + abuf[sl] * dv2
                    return 0
                lax.fori_loop(0, NS, _comb, 0)
                pltpu.sync_copy(zbuf, g_h.at[pl.ds(cNP + n0, NS)])
                lax.fori_loop(0, NS, _za, 0)
                pltpu.sync_copy(abuf, acc.at[pl.ds(n0, NS)])
                plsc.subcore_barrier()
            else:
                def _fin(r, _):
                    dv = _splat(dvb, r)
                    for hh in range(2):
                        sl = (r, pl.ds(hh * 16, 16))
                        v = zbuf[sl] + abuf[sl] * dv \
                            + b1b[pl.ds(c * HALF + hh * 16, 16)]
                        zbuf[sl] = jnp.maximum(v, 0.0)
                    return 0
                lax.fori_loop(0, NS, _fin, 0)
                pltpu.sync_copy(zbuf, h_h.at[pl.ds(n0, NS), pl.ds(c * HALF, HALF)])

    return k(rowp, colp, z, b1)


def _sc_layer2(rowp, colp, ht, w2, dinv, b2):
    mesh = plsc.VectorSubcoreMesh(core_axis_name="c", subcore_axis_name="s")

    @functools.partial(
        pl.kernel,
        out_type=jax.ShapeDtypeStruct((NP,), F32),
        mesh=mesh,
        compiler_params=pltpu.CompilerParams(use_tc_tiling_on_sc=False, needs_layout_passes=False),
        scratch_types=[
            pltpu.VMEM_SHARED((NP,), F32),
            pltpu.VMEM_SHARED((16, NP), F32),
            pltpu.VMEM((NCH, CN), I32),
            pltpu.VMEM((NCH, CN), I32),
            pltpu.VMEM((NP,), F32),
            pltpu.VMEM((NP,), F32),
            pltpu.VMEM((DH, NS), F32),
            pltpu.VMEM((4, NS), F32),
            pltpu.VMEM((NS,), F32),
            pltpu.VMEM((NS,), F32),
            pltpu.VMEM((NS,), F32),
            pltpu.VMEM((NS,), F32),
            pltpu.VMEM((4 * DH,), F32),
            pltpu.VMEM((16,), F32),
        ],
    )
    def k(rowp_h, colp_h, ht_h, w2_h, dinv_h, b2_h, out_h,
          t_sh, parts, rowb, colb, tloc, sloc, hst, ub,
          dvb, psum, ptmp, ttmp, w2v, b2v):
        c = lax.axis_index("c")
        s = lax.axis_index("s")
        n0 = s * NS

        @pl.when(c == 0)
        def _body():
            pltpu.sync_copy(rowp_h.at[s], rowb)
            pltpu.sync_copy(colp_h.at[s], colb)
            pltpu.sync_copy(w2_h, w2v)
            pltpu.sync_copy(b2_h, b2v)
            pltpu.sync_copy(dinv_h.at[pl.ds(n0, NS)], dvb)
            pltpu.sync_copy(ht_h.at[pl.ds(0, DH), pl.ds(n0, NS)], hst)

            def _zu(v, _):
                for kk in range(4):
                    ub[kk, pl.ds(v * 16, 16)] = _Z16()
                return 0
            lax.fori_loop(0, NV, _zu, 0)

            def _mm(d, _):
                w = [plsc.load_gather(w2v, [jnp.full((16,), kk * DH + d, I32)])
                     for kk in range(4)]

                def _mv(v, _):
                    sl = pl.ds(v * 16, 16)
                    hv = hst[d, sl]
                    for kk in range(4):
                        ub[kk, sl] = ub[kk, sl] + hv * w[kk]
                    return 0
                lax.fori_loop(0, NV, _mv, 0)
                return 0
            lax.fori_loop(0, DH, _mm, 0)

            def _t3(v, _):
                sl = pl.ds(v * 16, 16)
                ttmp[sl] = dvb[sl] * ub[3, sl]
                return 0
            lax.fori_loop(0, NV, _t3, 0)
            pltpu.sync_copy(ttmp, t_sh.at[pl.ds(n0, NS)])
            plsc.subcore_barrier()
            pltpu.sync_copy(t_sh, tloc)

            for kk in (2, 1, 0):
                def _zs(i, _):
                    sloc[pl.ds(i * 16, 16)] = _Z16()
                    return 0
                lax.fori_loop(0, NP // 16, _zs, 0)

                def _edge(j, _):
                    for v in range(8):
                        sl = pl.ds(v * 16, 16)
                        vals = plsc.load_gather(tloc, [rowb[j, sl]])
                        plsc.addupdate_scatter(sloc, [colb[j, sl]], vals)
                    return 0
                lax.fori_loop(0, NCH, _edge, 0)

                pltpu.sync_copy(sloc, parts.at[s])
                plsc.subcore_barrier()

                def _zp(v, _):
                    psum[pl.ds(v * 16, 16)] = _Z16()
                    return 0
                lax.fori_loop(0, NV, _zp, 0)

                def _ap(p, _):
                    pltpu.sync_copy(parts.at[p, pl.ds(n0, NS)], ptmp)

                    def _add(v, _):
                        sl = pl.ds(v * 16, 16)
                        psum[sl] = psum[sl] + ptmp[sl]
                        return 0
                    lax.fori_loop(0, NV, _add, 0)
                    return 0
                lax.fori_loop(0, 16, _ap, 0)

                if kk > 0:
                    def _cmb(v, _):
                        sl = pl.ds(v * 16, 16)
                        d = dvb[sl]
                        ttmp[sl] = d * ub[kk, sl] + d * d * psum[sl]
                        return 0
                    lax.fori_loop(0, NV, _cmb, 0)
                    pltpu.sync_copy(ttmp, t_sh.at[pl.ds(n0, NS)])
                    plsc.subcore_barrier()
                    pltpu.sync_copy(t_sh, tloc)
                else:
                    b2vec = plsc.load_gather(b2v, [jnp.zeros((16,), I32)])

                    def _fin(v, _):
                        sl = pl.ds(v * 16, 16)
                        ttmp[sl] = ub[0, sl] + dvb[sl] * psum[sl] + b2vec
                        return 0
                    lax.fori_loop(0, NV, _fin, 0)
                    pltpu.sync_copy(ttmp, out_h.at[pl.ds(n0, NS)])

    return k(rowp, colp, ht, w2, dinv, b2)


def kernel(x, edge_index, y, W1, b1, W2, b2):
    row = edge_index[0].astype(I32)
    col = edge_index[1].astype(I32)
    pad = EP - E
    rowp = jnp.concatenate([row, jnp.zeros((pad,), I32)]).reshape(16, NCH, CN)
    colp = jnp.concatenate([col, jnp.full((pad,), N, I32)]).reshape(16, NCH, CN)

    xp = jnp.concatenate([x, jnp.zeros((NP - N, DIN), F32)])
    w1m = W1.transpose(1, 0, 2).reshape(DIN, 4 * DH)
    z = _tc_matmul(xp, w1m)

    h, dinv, _g = _sc_layer1(rowp, colp, z, b1)

    ht = h.T
    w2f = W2[..., 0].reshape(-1)
    b2p = jnp.concatenate([b2, jnp.zeros((15,), F32)])
    outp = _sc_layer2(rowp, colp, ht, w2f, dinv, b2p)
    return outp[:N].reshape(N, 1)

# --- scband reference (transcript-rebuilt; emitter-appended) ---
"""Pipeline reference for scband-tgan-84885733638248 (READ-ONLY COPY).

The authoritative reference and input builder live on the scoring server;
editing this copy changes nothing except your own understanding.
"""

import jax, jax.numpy as jnp
import numpy as np

N_NODES = 10000
N_EDGES = 320000
DIM_IN = 128
DIM_H = 64
K = 3  # TAGConv default number of hops


def setup_inputs(seed: int = 0) -> dict:
    key = jax.random.key(seed)
    k1, k2, k3, k4, k5, k6, k7 = jax.random.split(key, 7)
    x = jax.random.normal(k1, (N_NODES, DIM_IN), dtype=jnp.float32)
    edge_index = jax.random.randint(k2, (2, N_EDGES), 0, N_NODES, dtype=jnp.int64)
    y = jax.random.randint(k3, (N_NODES,), 0, 2, dtype=jnp.int64)
    # TAGConv layer 1: (K+1) bias-free linears [DIM_IN, DIM_H] + one bias [DIM_H]
    W1 = jax.random.normal(k4, (K + 1, DIM_IN, DIM_H), dtype=jnp.float32) * (1.0 / np.sqrt(DIM_IN))
    b1 = jnp.zeros((DIM_H,), dtype=jnp.float32)
    # TAGConv layer 2: (K+1) bias-free linears [DIM_H, 1] + one bias [1]
    W2 = jax.random.normal(k5, (K + 1, DIM_H, 1), dtype=jnp.float32) * (1.0 / np.sqrt(DIM_H))
    b2 = jnp.zeros((1,), dtype=jnp.float32)
    return {"x": x, "edge_index": edge_index, "y": y, "W1": W1, "b1": b1, "W2": W2, "b2": b2}


def _tag_conv(x, edge_index, Ws, b):
    # Faithful TAGConv (PyG): gcn_norm without self-loops, K hops, per-hop linear.
    n = x.shape[0]
    row = edge_index[0]
    col = edge_index[1]
    ew = jnp.ones((row.shape[0],), dtype=x.dtype)
    deg = jnp.zeros((n,), dtype=x.dtype).at[col].add(ew)
    deg_inv_sqrt = jnp.where(deg > 0, 1.0 / jnp.sqrt(jnp.where(deg > 0, deg, 1.0)), 0.0)
    norm = deg_inv_sqrt[row] * ew * deg_inv_sqrt[col]
    out = x @ Ws[0]
    h = x
    for k in range(1, Ws.shape[0]):
        msg = norm[:, None] * jnp.take(h, row, axis=0)  # gather from source nodes
        h = jnp.zeros((n, h.shape[1]), dtype=x.dtype).at[col].add(msg)  # scatter-add to dst
        out = out + h @ Ws[k]
    return out + b


def reference(x, edge_index, y, W1, b1, W2, b2):
    # eval mode: dropout is identity; note original code applies gcn1 to x (pre-dropout input)
    h = _tag_conv(x, edge_index, W1, b1)
    h = jax.nn.relu(h)
    h = _tag_conv(h, edge_index, W2, b2)
    return h

if __name__ == "__main__":
    import jax
    _d = setup_inputs()
    print(jax.jit(kernel)(*tuple(_d.values())))

</pallas_src>

<mosaic_0001>
#map = affine_map<(d0, d1) -> (0, 0, 0)>
#map1 = affine_map<(d0, d1) -> (0, 0)>
#map2 = affine_map<(d0, d1) -> (0)>
module attributes {stable_mosaic.version = 14 : i64} {
  func.func @k(%arg0: i32, %arg1: i32, %arg2: memref<16x157x128xi32, #tpu.memory_space<hbm>>, %arg3: memref<16x157x128xi32, #tpu.memory_space<hbm>>, %arg4: memref<64x10240xf32, #tpu.memory_space<hbm>>, %arg5: memref<256xf32, #tpu.memory_space<hbm>>, %arg6: memref<10240xf32, #tpu.memory_space<hbm>>, %arg7: memref<16xf32, #tpu.memory_space<hbm>>, %arg8: memref<10240xf32, #tpu.memory_space<hbm>>, %arg9: memref<10240xf32, #tpu.memory_space<vmem_shared>>, %arg10: memref<16x10240xf32, #tpu.memory_space<vmem_shared>>, %arg11: memref<157x128xi32, #tpu.memory_space<vmem>>, %arg12: memref<157x128xi32, #tpu.memory_space<vmem>>, %arg13: memref<10240xf32, #tpu.memory_space<vmem>>, %arg14: memref<10240xf32, #tpu.memory_space<vmem>>, %arg15: memref<64x640xf32, #tpu.memory_space<vmem>>, %arg16: memref<4x640xf32, #tpu.memory_space<vmem>>, %arg17: memref<640xf32, #tpu.memory_space<vmem>>, %arg18: memref<640xf32, #tpu.memory_space<vmem>>, %arg19: memref<640xf32, #tpu.memory_space<vmem>>, %arg20: memref<640xf32, #tpu.memory_space<vmem>>, %arg21: memref<256xf32, #tpu.memory_space<vmem>>, %arg22: memref<16xf32, #tpu.memory_space<vmem>>) attributes {dimension_semantics = [#tpu.dimension_semantics<core_parallel>, #tpu.dimension_semantics<subcore_parallel>], iteration_bounds = array<i64: 2, 16>, scalar_prefetch = 0 : i64, scratch_operands = 14 : i64, tpu.core_type = #tpu.core_type<sc_vector_subcore>, window_params = [{transform_indices = #map}, {transform_indices = #map}, {transform_indices = #map1}, {transform_indices = #map2}, {transform_indices = #map2}, {transform_indices = #map2}, {transform_indices = #map2}]} {
    %mul3A = arith.constant 640 : i32
    %mul3A_0 = arith.muli %arg1, %mul3A : i32
    %eq3A = arith.constant 0 : i32
    %eq3A_1 = arith.cmpi eq, %arg0, %eq3A : i32
    %convert_element_type3A = arith.extui %eq3A_1 : i1 to i32
    %cond3A = arith.constant 0 : i32
    %cond3A_2 = arith.cmpi ne, %convert_element_type3A, %cond3A : i32
    scf.if %cond3A_2 {
      "tpu.region"() ({
        %run_scoped3A = tpu.sem_alloc : memref<!tpu.dma_semaphore, #tpu.memory_space<semaphore_mem>>
        %dma_start3A = arith.constant 0 : i32
        %dma_start3A_134 = arith.constant 0 : i32
        %dma_start3A_135 = tpu.memref_slice %arg2[%arg1, %dma_start3A, %dma_start3A_134] : memref<16x157x128xi32, #tpu.memory_space<hbm>> -> memref<1x157x128xi32, #tpu.memory_space<hbm>>
        %dma_start3A_136 = tpu.memref_squeeze %dma_start3A_135 : memref<1x157x128xi32, #tpu.memory_space<hbm>> -> memref<157x128xi32, #tpu.memory_space<hbm>>
        %dma_start3A_137 = arith.constant 0 : i32
        %dma_start3A_138 = arith.constant 0 : i32
        %dma_start3A_139 = tpu.memref_slice %arg2[%arg1, %dma_start3A_137, %dma_start3A_138] : memref<16x157x128xi32, #tpu.memory_space<hbm>> -> memref<1x157x128xi32, #tpu.memory_space<hbm>>
        %dma_start3A_140 = tpu.memref_squeeze %dma_start3A_139 : memref<1x157x128xi32, #tpu.memory_space<hbm>> -> memref<157x128xi32, #tpu.memory_space<hbm>>
        tpu.enqueue_dma source(%dma_start3A_140 : memref<157x128xi32, #tpu.memory_space<hbm>>) target(%arg11 : memref<157x128xi32, #tpu.memory_space<vmem>>) target_semaphore(%run_scoped3A : memref<!tpu.dma_semaphore, #tpu.memory_space<semaphore_mem>>)
        %dma_wait3A = arith.constant 0 : i32
        %dma_wait3A_141 = arith.constant 0 : i32
        %dma_wait3A_142 = tpu.memref_slice %arg2[%arg1, %dma_wait3A, %dma_wait3A_141] : memref<16x157x128xi32, #tpu.memory_space<hbm>> -> memref<1x157x128xi32, #tpu.memory_space<hbm>>
        %dma_wait3A_143 = tpu.memref_squeeze %dma_wait3A_142 : memref<1x157x128xi32, #tpu.memory_space<hbm>> -> memref<157x128xi32, #tpu.memory_space<hbm>>
        %dma_wait3A_144 = arith.constant 0 : i32
        %dma_wait3A_145 = arith.constant 0 : i32
        %dma_wait3A_146 = tpu.memref_slice %arg2[%arg1, %dma_wait3A_144, %dma_wait3A_145] : memref<16x157x128xi32, #tpu.memory_space<hbm>> -> memref<1x157x128xi32, #tpu.memory_space<hbm>>
        %dma_wait3A_147 = tpu.memref_squeeze %dma_wait3A_146 : memref<1x157x128xi32, #tpu.memory_space<hbm>> -> memref<157x128xi32, #tpu.memory_space<hbm>>
        tpu.wait_dma2 semaphore(%run_scoped3A : memref<!tpu.dma_semaphore, #tpu.memory_space<semaphore_mem>>) src(%dma_wait3A_147 : memref<157x128xi32, #tpu.memory_space<hbm>>) dst(%arg11 : memref<157x128xi32, #tpu.memory_space<vmem>>)
        tpu.yield
      }) : () -> ()
      "tpu.region"() ({
        %run_scoped3A = tpu.sem_alloc : memref<!tpu.dma_semaphore, #tpu.memory_space<semaphore_mem>>
        %dma_start3A = arith.constant 0 : i32
        %dma_start3A_134 = arith.constant 0 : i32
        %dma_start3A_135 = tpu.memref_slice %arg3[%arg1, %dma_start3A, %dma_start3A_134] : memref<16x157x128xi32, #tpu.memory_space<hbm>> -> memref<1x157x128xi32, #tpu.memory_space<hbm>>
        %dma_start3A_136 = tpu.memref_squeeze %dma_start3A_135 : memref<1x157x128xi32, #tpu.memory_space<hbm>> -> memref<157x128xi32, #tpu.memory_space<hbm>>
        %dma_start3A_137 = arith.constant 0 : i32
        %dma_start3A_138 = arith.constant 0 : i32
        %dma_start3A_139 = tpu.memref_slice %arg3[%arg1, %dma_start3A_137, %dma_start3A_138] : memref<16x157x128xi32, #tpu.memory_space<hbm>> -> memref<1x157x128xi32, #tpu.memory_space<hbm>>
        %dma_start3A_140 = tpu.memref_squeeze %dma_start3A_139 : memref<1x157x128xi32, #tpu.memory_space<hbm>> -> memref<157x128xi32, #tpu.memory_space<hbm>>
        tpu.enqueue_dma source(%dma_start3A_140 : memref<157x128xi32, #tpu.memory_space<hbm>>) target(%arg12 : memref<157x128xi32, #tpu.memory_space<vmem>>) target_semaphore(%run_scoped3A : memref<!tpu.dma_semaphore, #tpu.memory_space<semaphore_mem>>)
        %dma_wait3A = arith.constant 0 : i32
        %dma_wait3A_141 = arith.constant 0 : i32
        %dma_wait3A_142 = tpu.memref_slice %arg3[%arg1, %dma_wait3A, %dma_wait3A_141] : memref<16x157x128xi32, #tpu.memory_space<hbm>> -> memref<1x157x128xi32, #tpu.memory_space<hbm>>
        %dma_wait3A_143 = tpu.memref_squeeze %dma_wait3A_142 : memref<1x157x128xi32, #tpu.memory_space<hbm>> -> memref<157x128xi32, #tpu.memory_space<hbm>>
        %dma_wait3A_144 = arith.constant 0 : i32
        %dma_wait3A_145 = arith.constant 0 : i32
        %dma_wait3A_146 = tpu.memref_slice %arg3[%arg1, %dma_wait3A_144, %dma_wait3A_145] : memref<16x157x128xi32, #tpu.memory_space<hbm>> -> memref<1x157x128xi32, #tpu.memory_space<hbm>>
        %dma_wait3A_147 = tpu.memref_squeeze %dma_wait3A_146 : memref<1x157x128xi32, #tpu.memory_space<hbm>> -> memref<157x128xi32, #tpu.memory_space<hbm>>
        tpu.wait_dma2 semaphore(%run_scoped3A : memref<!tpu.dma_semaphore, #tpu.memory_space<semaphore_mem>>) src(%dma_wait3A_147 : memref<157x128xi32, #tpu.memory_space<hbm>>) dst(%arg12 : memref<157x128xi32, #tpu.memory_space<vmem>>)
        tpu.yield
      }) : () -> ()
      "tpu.region"() ({
        %run_scoped3A = tpu.sem_alloc : memref<!tpu.dma_semaphore, #tpu.memory_space<semaphore_mem>>
        tpu.enqueue_dma source(%arg5 : memref<256xf32, #tpu.memory_space<hbm>>) target(%arg21 : memref<256xf32, #tpu.memory_space<vmem>>) target_semaphore(%run_scoped3A : memref<!tpu.dma_semaphore, #tpu.memory_space<semaphore_mem>>)
        tpu.wait_dma2 semaphore(%run_scoped3A : memref<!tpu.dma_semaphore, #tpu.memory_space<semaphore_mem>>) src(%arg5 : memref<256xf32, #tpu.memory_space<hbm>>) dst(%arg21 : memref<256xf32, #tpu.memory_space<vmem>>)
        tpu.yield
      }) : () -> ()
      "tpu.region"() ({
        %run_scoped3A = tpu.sem_alloc : memref<!tpu.dma_semaphore, #tpu.memory_space<semaphore_mem>>
        tpu.enqueue_dma source(%arg7 : memref<16xf32, #tpu.memory_space<hbm>>) target(%arg22 : memref<16xf32, #tpu.memory_space<vmem>>) target_semaphore(%run_scoped3A : memref<!tpu.dma_semaphore, #tpu.memory_space<semaphore_mem>>)
        tpu.wait_dma2 semaphore(%run_scoped3A : memref<!tpu.dma_semaphore, #tpu.memory_space<semaphore_mem>>) src(%arg7 : memref<16xf32, #tpu.memory_space<hbm>>) dst(%arg22 : memref<16xf32, #tpu.memory_space<vmem>>)
        tpu.yield
      }) : () -> ()
      "tpu.region"() ({
        %run_scoped3A = tpu.sem_alloc : memref<!tpu.dma_semaphore, #tpu.memory_space<semaphore_mem>>
        %dma_start3A = tpu.memref_slice %arg6[%mul3A_0] : memref<10240xf32, #tpu.memory_space<hbm>> -> memref<640xf32, #tpu.memory_space<hbm>>
        %dma_start3A_134 = tpu.memref_slice %arg6[%mul3A_0] : memref<10240xf32, #tpu.memory_space<hbm>> -> memref<640xf32, #tpu.memory_space<hbm>>
        tpu.enqueue_dma source(%dma_start3A_134 : memref<640xf32, #tpu.memory_space<hbm>>) target(%arg17 : memref<640xf32, #tpu.memory_space<vmem>>) target_semaphore(%run_scoped3A : memref<!tpu.dma_semaphore, #tpu.memory_space<semaphore_mem>>)
        %dma_wait3A = tpu.memref_slice %arg6[%mul3A_0] : memref<10240xf32, #tpu.memory_space<hbm>> -> memref<640xf32, #tpu.memory_space<hbm>>
        %dma_wait3A_135 = tpu.memref_slice %arg6[%mul3A_0] : memref<10240xf32, #tpu.memory_space<hbm>> -> memref<640xf32, #tpu.memory_space<hbm>>
        tpu.wait_dma2 semaphore(%run_scoped3A : memref<!tpu.dma_semaphore, #tpu.memory_space<semaphore_mem>>) src(%dma_wait3A_135 : memref<640xf32, #tpu.memory_space<hbm>>) dst(%arg17 : memref<640xf32, #tpu.memory_space<vmem>>)
        tpu.yield
      }) : () -> ()
      "tpu.region"() ({
        %run_scoped3A = tpu.sem_alloc : memref<!tpu.dma_semaphore, #tpu.memory_space<semaphore_mem>>
        %dma_start3A = arith.constant 0 : i32
        %dma_start3A_134 = tpu.memref_slice %arg4[%dma_start3A, %mul3A_0] : memref<64x10240xf32, #tpu.memory_space<hbm>> -> memref<64x640xf32, #tpu.memory_space<hbm>>
        %dma_start3A_135 = arith.constant 0 : i32
        %dma_start3A_136 = tpu.memref_slice %arg4[%dma_start3A_135, %mul3A_0] : memref<64x10240xf32, #tpu.memory_space<hbm>> -> memref<64x640xf32, #tpu.memory_space<hbm>>
        tpu.enqueue_dma source(%dma_start3A_136 : memref<64x640xf32, #tpu.memory_space<hbm>>) target(%arg15 : memref<64x640xf32, #tpu.memory_space<vmem>>) target_semaphore(%run_scoped3A : memref<!tpu.dma_semaphore, #tpu.memory_space<semaphore_mem>>)
        %dma_wait3A = arith.constant 0 : i32
        %dma_wait3A_137 = tpu.memref_slice %arg4[%dma_wait3A, %mul3A_0] : memref<64x10240xf32, #tpu.memory_space<hbm>> -> memref<64x640xf32, #tpu.memory_space<hbm>>
        %dma_wait3A_138 = arith.constant 0 : i32
        %dma_wait3A_139 = tpu.memref_slice %arg4[%dma_wait3A_138, %mul3A_0] : memref<64x10240xf32, #tpu.memory_space<hbm>> -> memref<64x640xf32, #tpu.memory_space<hbm>>
        tpu.wait_dma2 semaphore(%run_scoped3A : memref<!tpu.dma_semaphore, #tpu.memory_space<semaphore_mem>>) src(%dma_wait3A_139 : memref<64x640xf32, #tpu.memory_space<hbm>>) dst(%arg15 : memref<64x640xf32, #tpu.memory_space<vmem>>)
        tpu.yield
      }) : () -> ()
      %scan3A = arith.constant 0 : i32
      %scan3A_3 = arith.constant 0 : i32
      %scan3A_4 = arith.constant 40 : i32
      %scan3A_5 = arith.addi %scan3A_3, %scan3A_4 : i32
      %scan3A_6 = arith.constant 1 : i32
      %scan3A_7 = scf.for %scan3A_134 = %scan3A_3 to %scan3A_5 step %scan3A_6 iter_args(%scan3A_135 = %scan3A) -> (i32)  : i32 {
        %broadcast_in_dim3A_136 = arith.constant 0.000000e+00 : f32
        %broadcast_in_dim3A_137 = vector.broadcast %broadcast_in_dim3A_136 : f32 to vector<16xf32>
        %mul3A_138 = arith.constant 16 : i32
        %mul3A_139 = arith.muli %scan3A_134, %mul3A_138 : i32
        %swap3A = arith.constant 0 : i32
        %swap3A_140 = arith.index_cast %swap3A : i32 to index
        %swap3A_141 = arith.index_cast %mul3A_139 : i32 to index
        %swap3A_142 = tpu.vector_load %arg16[%swap3A_140, %swap3A_141] {strides = array<i32>} : memref<4x640xf32, #tpu.memory_space<vmem>>, vector<16xf32>,
        tpu.vector_store %arg16[%swap3A_140, %swap3A_141], %broadcast_in_dim3A_137 {strides = array<i32>} : memref<4x640xf32, #tpu.memory_space<vmem>>, vector<16xf32>,
        %broadcast_in_dim3A_143 = arith.constant 0.000000e+00 : f32
        %broadcast_in_dim3A_144 = vector.broadcast %broadcast_in_dim3A_143 : f32 to vector<16xf32>
        %mul3A_145 = arith.constant 16 : i32
        %mul3A_146 = arith.muli %scan3A_134, %mul3A_145 : i32
        %swap3A_147 = arith.constant 1 : i32
        %swap3A_148 = arith.index_cast %swap3A_147 : i32 to index
        %swap3A_149 = arith.index_cast %mul3A_146 : i32 to index
        %swap3A_150 = tpu.vector_load %arg16[%swap3A_148, %swap3A_149] {strides = array<i32>} : memref<4x640xf32, #tpu.memory_space<vmem>>, vector<16xf32>,
        tpu.vector_store %arg16[%swap3A_148, %swap3A_149], %broadcast_in_dim3A_144 {strides = array<i32>} : memref<4x640xf32, #tpu.memory_space<vmem>>, vector<16xf32>,
        %broadcast_in_dim3A_151 = arith.constant 0.000000e+00 : f32
        %broadcast_in_dim3A_152 = vector.broadcast %broadcast_in_dim3A_151 : f32 to vector<16xf32>
        %mul3A_153 = arith.constant 16 : i32
        %mul3A_154 = arith.muli %scan3A_134, %mul3A_153 : i32
        %swap3A_155 = arith.constant 2 : i32
        %swap3A_156 = arith.index_cast %swap3A_155 : i32 to index
        %swap3A_157 = arith.index_cast %mul3A_154 : i32 to index
        %swap3A_158 = tpu.vector_load %arg16[%swap3A_156, %swap3A_157] {strides = array<i32>} : memref<4x640xf32, #tpu.memory_space<vmem>>, vector<16xf32>,
        tpu.vector_store %arg16[%swap3A_156, %swap3A_157], %broadcast_in_dim3A_152 {strides = array<i32>} : memref<4x640xf32, #tpu.memory_space<vmem>>, vector<16xf32>,
        %broadcast_in_dim3A_159 = arith.constant 0.000000e+00 : f32
        %broadcast_in_dim3A_160 = vector.broadcast %broadcast_in_dim3A_159 : f32 to vector<16xf32>
        %mul3A_161 = arith.constant 16 : i32
        %mul3A_162 = arith.muli %scan3A_134, %mul3A_161 : i32
        %swap3A_163 = arith.constant 3 : i32
        %swap3A_164 = arith.index_cast %swap3A_163 : i32 to index
        %swap3A_165 = arith.index_cast %mul3A_162 : i32 to index
        %swap3A_166 = tpu.vector_load %arg16[%swap3A_164, %swap3A_165] {strides = array<i32>} : memref<4x640xf32, #tpu.memory_space<vmem>>, vector<16xf32>,
        tpu.vector_store %arg16[%swap3A_164, %swap3A_165], %broadcast_in_dim3A_160 {strides = array<i32>} : memref<4x640xf32, #tpu.memory_space<vmem>>, vector<16xf32>,
        %scan3A_167 = arith.constant 0 : i32
        scf.yield %scan3A_167 : i32
      }
      %scan3A_8 = arith.constant 40 : i32
      %scan3A_9 = arith.constant 0 : i32
      %scan3A_10 = arith.constant 0 : i32
      %scan3A_11 = arith.constant 64 : i32
      %scan3A_12 = arith.addi %scan3A_10, %scan3A_11 : i32
      %scan3A_13 = arith.constant 1 : i32
      %scan3A_14 = scf.for %scan3A_134 = %scan3A_10 to %scan3A_12 step %scan3A_13 iter_args(%scan3A_135 = %scan3A_9) -> (i32)  : i32 {
        %add3A = arith.constant 0 : i32
        %add3A_136 = arith.addi %add3A, %scan3A_134 : i32
        %broadcast_in_dim3A_137 = vector.broadcast %add3A_136 : i32 to vector<16xi32>
        %gather3A_138 = tpu.vector_load_idx %arg21[%broadcast_in_dim3A_137] : memref<256xf32, #tpu.memory_space<vmem>>[vector<16xi32>], vector<16xf32>,
        %add3A_139 = arith.constant 64 : i32
        %add3A_140 = arith.addi %add3A_139, %scan3A_134 : i32
        %broadcast_in_dim3A_141 = vector.broadcast %add3A_140 : i32 to vector<16xi32>
        %gather3A_142 = tpu.vector_load_idx %arg21[%broadcast_in_dim3A_141] : memref<256xf32, #tpu.memory_space<vmem>>[vector<16xi32>], vector<16xf32>,
        %add3A_143 = arith.constant 128 : i32
        %add3A_144 = arith.addi %add3A_143, %scan3A_134 : i32
        %broadcast_in_dim3A_145 = vector.broadcast %add3A_144 : i32 to vector<16xi32>
        %gather3A_146 = tpu.vector_load_idx %arg21[%broadcast_in_dim3A_145] : memref<256xf32, #tpu.memory_space<vmem>>[vector<16xi32>], vector<16xf32>,
        %add3A_147 = arith.constant 192 : i32
        %add3A_148 = arith.addi %add3A_147, %scan3A_134 : i32
        %broadcast_in_dim3A_149 = vector.broadcast %add3A_148 : i32 to vector<16xi32>
        %gather3A_150 = tpu.vector_load_idx %arg21[%broadcast_in_dim3A_149] : memref<256xf32, #tpu.memory_space<vmem>>[vector<16xi32>], vector<16xf32>,
        %scan3A_151 = arith.constant 0 : i32
        %scan3A_152 = arith.constant 0 : i32
        %scan3A_153 = arith.constant 40 : i32
        %scan3A_154 = arith.addi %scan3A_152, %scan3A_153 : i32
        %scan3A_155 = arith.constant 1 : i32
        %scan3A_156 = scf.for %scan3A_159 = %scan3A_152 to %scan3A_154 step %scan3A_155 iter_args(%scan3A_160 = %scan3A_151) -> (i32)  : i32 {
          %mul3A_161 = arith.constant 16 : i32
          %mul3A_162 = arith.muli %scan3A_159, %mul3A_161 : i32
          %get3A = arith.index_cast %scan3A_134 : i32 to index
          %get3A_163 = arith.index_cast %mul3A_162 : i32 to index
          %get3A_164 = tpu.vector_load %arg15[%get3A, %get3A_163] {strides = array<i32>} : memref<64x640xf32, #tpu.memory_space<vmem>>, vector<16xf32>,
          %get3A_165 = arith.constant 0 : i32
          %get3A_166 = arith.index_cast %get3A_165 : i32 to index
          %get3A_167 = arith.index_cast %mul3A_162 : i32 to index
          %get3A_168 = tpu.vector_load %arg16[%get3A_166, %get3A_167] {strides = array<i32>} : memref<4x640xf32, #tpu.memory_space<vmem>>, vector<16xf32>,
          %mul3A_169 = arith.mulf %get3A_164, %gather3A_138 : vector<16xf32>
          %add3A_170 = arith.addf %get3A_168, %mul3A_169 : vector<16xf32>
          %swap3A = arith.constant 0 : i32
          %swap3A_171 = arith.index_cast %swap3A : i32 to index
          %swap3A_172 = arith.index_cast %mul3A_162 : i32 to index
          %swap3A_173 = tpu.vector_load %arg16[%swap3A_171, %swap3A_172] {strides = array<i32>} : memref<4x640xf32, #tpu.memory_space<vmem>>, vector<16xf32>,
          tpu.vector_store %arg16[%swap3A_171, %swap3A_172], %add3A_170 {strides = array<i32>} : memref<4x640xf32, #tpu.memory_space<vmem>>, vector<16xf32>,
          %get3A_174 = arith.constant 1 : i32
          %get3A_175 = arith.index_cast %get3A_174 : i32 to index
          %get3A_176 = arith.index_cast %mul3A_162 : i32 to index
          %get3A_177 = tpu.vector_load %arg16[%get3A_175, %get3A_176] {strides = array<i32>} : memref<4x640xf32, #tpu.memory_space<vmem>>, vector<16xf32>,
          %mul3A_178 = arith.mulf %get3A_164, %gather3A_142 : vector<16xf32>
          %add3A_179 = arith.addf %get3A_177, %mul3A_178 : vector<16xf32>
          %swap3A_180 = arith.constant 1 : i32
          %swap3A_181 = arith.index_cast %swap3A_180 : i32 to index
          %swap3A_182 = arith.index_cast %mul3A_162 : i32 to index
          %swap3A_183 = tpu.vector_load %arg16[%swap3A_181, %swap3A_182] {strides = array<i32>} : memref<4x640xf32, #tpu.memory_space<vmem>>, vector<16xf32>,
          tpu.vector_store %arg16[%swap3A_181, %swap3A_182], %add3A_179 {strides = array<i32>} : memref<4x640xf32, #tpu.memory_space<vmem>>, vector<16xf32>,
          %get3A_184 = arith.constant 2 : i32
          %get3A_185 = arith.index_cast %get3A_184 : i32 to index
          %get3A_186 = arith.index_cast %mul3A_162 : i32 to index
          %get3A_187 = tpu.vector_load %arg16[%get3A_185, %get3A_186] {strides = array<i32>} : memref<4x640xf32, #tpu.memory_space<vmem>>, vector<16xf32>,
          %mul3A_188 = arith.mulf %get3A_164, %gather3A_146 : vector<16xf32>
          %add3A_189 = arith.addf %get3A_187, %mul3A_188 : vector<16xf32>
          %swap3A_190 = arith.constant 2 : i32
          %swap3A_191 = arith.index_cast %swap3A_190 : i32 to index
          %swap3A_192 = arith.index_cast %mul3A_162 : i32 to index
          %swap3A_193 = tpu.vector_load %arg16[%swap3A_191, %swap3A_192] {strides = array<i32>} : memref<4x640xf32, #tpu.memory_space<vmem>>, vector<16xf32>,
          tpu.vector_store %arg16[%swap3A_191, %swap3A_192], %add3A_189 {strides = array<i32>} : memref<4x640xf32, #tpu.memory_space<vmem>>, vector<16xf32>,
          %get3A_194 = arith.constant 3 : i32
          %get3A_195 = arith.index_cast %get3A_194 : i32 to index
          %get3A_196 = arith.index_cast %mul3A_162 : i32 to index
          %get3A_197 = tpu.vector_load %arg16[%get3A_195, %get3A_196] {strides = array<i32>} : memref<4x640xf32, #tpu.memory_space<vmem>>, vector<16xf32>,
          %mul3A_198 = arith.mulf %get3A_164, %gather3A_150 : vector<16xf32>
          %add3A_199 = arith.addf %get3A_197, %mul3A_198 : vector<16xf32>
          %swap3A_200 = arith.constant 3 : i32
          %swap3A_201 = arith.index_cast %swap3A_200 : i32 to index
          %swap3A_202 = arith.index_cast %mul3A_162 : i32 to index
          %swap3A_203 = tpu.vector_load %arg16[%swap3A_201, %swap3A_202] {strides = array<i32>} : memref<4x640xf32, #tpu.memory_space<vmem>>, vector<16xf32>,
          tpu.vector_store %arg16[%swap3A_201, %swap3A_202], %add3A_199 {strides = array<i32>} : memref<4x640xf32, #tpu.memory_space<vmem>>, vector<16xf32>,
          %scan3A_204 = arith.constant 0 : i32
          scf.yield %scan3A_204 : i32
        }
        %scan3A_157 = arith.constant 40 : i32
        %scan3A_158 = arith.constant 0 : i32
        scf.yield %scan3A_158 : i32
      }
      %scan3A_15 = arith.constant 64 : i32
      %scan3A_16 = arith.constant 0 : i32
      %scan3A_17 = arith.constant 0 : i32
      %scan3A_18 = arith.constant 40 : i32
      %scan3A_19 = arith.addi %scan3A_17, %scan3A_18 : i32
      %scan3A_20 = arith.constant 1 : i32
      %scan3A_21 = scf.for %scan3A_134 = %scan3A_17 to %scan3A_19 step %scan3A_20 iter_args(%scan3A_135 = %scan3A_16) -> (i32)  : i32 {
        %mul3A_136 = arith.constant 16 : i32
        %mul3A_137 = arith.muli %scan3A_134, %mul3A_136 : i32
        %get3A = arith.index_cast %mul3A_137 : i32 to index
        %get3A_138 = tpu.vector_load %arg17[%get3A] {strides = array<i32>} : memref<640xf32, #tpu.memory_space<vmem>>, vector<16xf32>,
        %get3A_139 = arith.constant 3 : i32
        %get3A_140 = arith.index_cast %get3A_139 : i32 to index
        %get3A_141 = arith.index_cast %mul3A_137 : i32 to index
        %get3A_142 = tpu.vector_load %arg16[%get3A_140, %get3A_141] {strides = array<i32>} : memref<4x640xf32, #tpu.memory_space<vmem>>, vector<16xf32>,
        %mul3A_143 = arith.mulf %get3A_138, %get3A_142 : vector<16xf32>
        %swap3A = arith.index_cast %mul3A_137 : i32 to index
        %swap3A_144 = tpu.vector_load %arg20[%swap3A] {strides = array<i32>} : memref<640xf32, #tpu.memory_space<vmem>>, vector<16xf32>,
        tpu.vector_store %arg20[%swap3A], %mul3A_143 {strides = array<i32>} : memref<640xf32, #tpu.memory_space<vmem>>, vector<16xf32>,
        %scan3A_145 = arith.constant 0 : i32
        scf.yield %scan3A_145 : i32
      }
      %scan3A_22 = arith.constant 40 : i32
      "tpu.region"() ({
        %run_scoped3A = tpu.sem_alloc : memref<!tpu.dma_semaphore, #tpu.memory_space<semaphore_mem>>
        %dma_start3A = tpu.memref_slice %arg9[%mul3A_0] : memref<10240xf32, #tpu.memory_space<vmem_shared>> -> memref<640xf32, #tpu.memory_space<vmem_shared>>
        %dma_start3A_134 = tpu.memref_slice %arg9[%mul3A_0] : memref<10240xf32, #tpu.memory_space<vmem_shared>> -> memref<640xf32, #tpu.memory_space<vmem_shared>>
        tpu.enqueue_dma source(%arg20 : memref<640xf32, #tpu.memory_space<vmem>>) target(%dma_start3A_134 : memref<640xf32, #tpu.memory_space<vmem_shared>>) target_semaphore(%run_scoped3A : memref<!tpu.dma_semaphore, #tpu.memory_space<semaphore_mem>>)
        %dma_wait3A = tpu.memref_slice %arg9[%mul3A_0] : memref<10240xf32, #tpu.memory_space<vmem_shared>> -> memref<640xf32, #tpu.memory_space<vmem_shared>>
        %dma_wait3A_135 = tpu.memref_slice %arg9[%mul3A_0] : memref<10240xf32, #tpu.memory_space<vmem_shared>> -> memref<640xf32, #tpu.memory_space<vmem_shared>>
        tpu.wait_dma2 semaphore(%run_scoped3A : memref<!tpu.dma_semaphore, #tpu.memory_space<semaphore_mem>>) src(%arg20 : memref<640xf32, #tpu.memory_space<vmem>>) dst(%dma_wait3A_135 : memref<640xf32, #tpu.memory_space<vmem_shared>>)
        tpu.yield
      }) : () -> ()
      %barrier3A = arith.constant 0 : index
      tpu.barrier barrier_id(%barrier3A)
      "tpu.region"() ({
        %run_scoped3A = tpu.sem_alloc : memref<!tpu.dma_semaphore, #tpu.memory_space<semaphore_mem>>
        tpu.enqueue_dma source(%arg9 : memref<10240xf32, #tpu.memory_space<vmem_shared>>) target(%arg13 : memref<10240xf32, #tpu.memory_space<vmem>>) target_semaphore(%run_scoped3A : memref<!tpu.dma_semaphore, #tpu.memory_space<semaphore_mem>>)
        tpu.wait_dma2 semaphore(%run_scoped3A : memref<!tpu.dma_semaphore, #tpu.memory_space<semaphore_mem>>) src(%arg9 : memref<10240xf32, #tpu.memory_space<vmem_shared>>) dst(%arg13 : memref<10240xf32, #tpu.memory_space<vmem>>)
        tpu.yield
      }) : () -> ()
      %scan3A_23 = arith.constant 0 : i32
      %scan3A_24 = arith.constant 0 : i32
      %scan3A_25 = arith.constant 640 : i32
      %scan3A_26 = arith.addi %scan3A_24, %scan3A_25 : i32
      %scan3A_27 = arith.constant 1 : i32
      %scan3A_28 = scf.for %scan3A_134 = %scan3A_24 to %scan3A_26 step %scan3A_27 iter_args(%scan3A_135 = %scan3A_23) -> (i32)  : i32 {
        %broadcast_in_dim3A_136 = arith.constant 0.000000e+00 : f32
        %broadcast_in_dim3A_137 = vector.broadcast %broadcast_in_dim3A_136 : f32 to vector<16xf32>
        %mul3A_138 = arith.constant 16 : i32
        %mul3A_139 = arith.muli %scan3A_134, %mul3A_138 : i32
        %swap3A = arith.index_cast %mul3A_139 : i32 to index
        %swap3A_140 = tpu.vector_load %arg14[%swap3A] {strides = array<i32>} : memref<10240xf32, #tpu.memory_space<vmem>>, vector<16xf32>,
        tpu.vector_store %arg14[%swap3A], %broadcast_in_dim3A_137 {strides = array<i32>} : memref<10240xf32, #tpu.memory_space<vmem>>, vector<16xf32>,
        %scan3A_141 = arith.constant 0 : i32
        scf.yield %scan3A_141 : i32
      }
      %scan3A_29 = arith.constant 640 : i32
      %scan3A_30 = arith.constant 0 : i32
      %scan3A_31 = arith.constant 0 : i32
      %scan3A_32 = arith.constant 157 : i32
      %scan3A_33 = arith.addi %scan3A_31, %scan3A_32 : i32
      %scan3A_34 = arith.constant 1 : i32
      %scan3A_35 = scf.for %scan3A_134 = %scan3A_31 to %scan3A_33 step %scan3A_34 iter_args(%scan3A_135 = %scan3A_30) -> (i32)  : i32 {
        %get3A = arith.index_cast %scan3A_134 : i32 to index
        %get3A_136 = arith.constant 0 : index
        %get3A_137 = tpu.vector_load %arg11[%get3A, %get3A_136] {strides = array<i32>} : memref<157x128xi32, #tpu.memory_space<vmem>>, vector<16xi32>,
        %gather3A_138 = tpu.vector_load_idx %arg13[%get3A_137] : memref<10240xf32, #tpu.memory_space<vmem>>[vector<16xi32>], vector<16xf32>,
        %get3A_139 = arith.index_cast %scan3A_134 : i32 to index
        %get3A_140 = arith.constant 0 : index
        %get3A_141 = tpu.vector_load %arg12[%get3A_139, %get3A_140] {strides = array<i32>} : memref<157x128xi32, #tpu.memory_space<vmem>>, vector<16xi32>,
        tpu.vector_store_idx %arg14[%get3A_141], %gather3A_138 {add = true} : memref<10240xf32, #tpu.memory_space<vmem>>[vector<16xi32>], vector<16xf32>,
        %get3A_142 = arith.index_cast %scan3A_134 : i32 to index
        %get3A_143 = arith.constant 16 : index
        %get3A_144 = tpu.vector_load %arg11[%get3A_142, %get3A_143] {strides = array<i32>} : memref<157x128xi32, #tpu.memory_space<vmem>>, vector<16xi32>,
        %gather3A_145 = tpu.vector_load_idx %arg13[%get3A_144] : memref<10240xf32, #tpu.memory_space<vmem>>[vector<16xi32>], vector<16xf32>,
        %get3A_146 = arith.index_cast %scan3A_134 : i32 to index
        %get3A_147 = arith.constant 16 : index
        %get3A_148 = tpu.vector_load %arg12[%get3A_146, %get3A_147] {strides = array<i32>} : memref<157x128xi32, #tpu.memory_space<vmem>>, vector<16xi32>,
        tpu.vector_store_idx %arg14[%get3A_148], %gather3A_145 {add = true} : memref<10240xf32, #tpu.memory_space<vmem>>[vector<16xi32>], vector<16xf32>,
        %get3A_149 = arith.index_cast %scan3A_134 : i32 to index
        %get3A_150 = arith.constant 32 : index
        %get3A_151 = tpu.vector_load %arg11[%get3A_149, %get3A_150] {strides = array<i32>} : memref<157x128xi32, #tpu.memory_space<vmem>>, vector<16xi32>,
        %gather3A_152 = tpu.vector_load_idx %arg13[%get3A_151] : memref<10240xf32, #tpu.memory_space<vmem>>[vector<16xi32>], vector<16xf32>,
        %get3A_153 = arith.index_cast %scan3A_134 : i32 to index
        %get3A_154 = arith.constant 32 : index
        %get3A_155 = tpu.vector_load %arg12[%get3A_153, %get3A_154] {strides = array<i32>} : memref<157x128xi32, #tpu.memory_space<vmem>>, vector<16xi32>,
        tpu.vector_store_idx %arg14[%get3A_155], %gather3A_152 {add = true} : memref<10240xf32, #tpu.memory_space<vmem>>[vector<16xi32>], vector<16xf32>,
        %get3A_156 = arith.index_cast %scan3A_134 : i32 to index
        %get3A_157 = arith.constant 48 : index
        %get3A_158 = tpu.vector_load %arg11[%get3A_156, %get3A_157] {strides = array<i32>} : memref<157x128xi32, #tpu.memory_space<vmem>>, vector<16xi32>,
        %gather3A_159 = tpu.vector_load_idx %arg13[%get3A_158] : memref<10240xf32, #tpu.memory_space<vmem>>[vector<16xi32>], vector<16xf32>,
        %get3A_160 = arith.index_cast %scan3A_134 : i32 to index
        %get3A_161 = arith.constant 48 : index
        %get3A_162 = tpu.vector_load %arg12[%get3A_160, %get3A_161] {strides = array<i32>} : memref<157x128xi32, #tpu.memory_space<vmem>>, vector<16xi32>,
        tpu.vector_store_idx %arg14[%get3A_162], %gather3A_159 {add = true} : memref<10240xf32, #tpu.memory_space<vmem>>[vector<16xi32>], vector<16xf32>,
        %get3A_163 = arith.index_cast %scan3A_134 : i32 to index
        %get3A_164 = arith.constant 64 : index
        %get3A_165 = tpu.vector_load %arg11[%get3A_163, %get3A_164] {strides = array<i32>} : memref<157x128xi32, #tpu.memory_space<vmem>>, vector<16xi32>,
        %gather3A_166 = tpu.vector_load_idx %arg13[%get3A_165] : memref<10240xf32, #tpu.memory_space<vmem>>[vector<16xi32>], vector<16xf32>,
        %get3A_167 = arith.index_cast %scan3A_134 : i32 to index
        %get3A_168 = arith.constant 64 : index
        %get3A_169 = tpu.vector_load %arg12[%get3A_167, %get3A_168] {strides = array<i32>} : memref<157x128xi32, #tpu.memory_space<vmem>>, vector<16xi32>,
        tpu.vector_store_idx %arg14[%get3A_169], %gather3A_166 {add = true} : memref<10240xf32, #tpu.memory_space<vmem>>[vector<16xi32>], vector<16xf32>,
        %get3A_170 = arith.index_cast %scan3A_134 : i32 to index
        %get3A_171 = arith.constant 80 : index
        %get3A_172 = tpu.vector_load %arg11[%get3A_170, %get3A_171] {strides = array<i32>} : memref<157x128xi32, #tpu.memory_space<vmem>>, vector<16xi32>,
        %gather3A_173 = tpu.vector_load_idx %arg13[%get3A_172] : memref<10240xf32, #tpu.memory_space<vmem>>[vector<16xi32>], vector<16xf32>,
        %get3A_174 = arith.index_cast %scan3A_134 : i32 to index
        %get3A_175 = arith.constant 80 : index
        %get3A_176 = tpu.vector_load %arg12[%get3A_174, %get3A_175] {strides = array<i32>} : memref<157x128xi32, #tpu.memory_space<vmem>>, vector<16xi32>,
        tpu.vector_store_idx %arg14[%get3A_176], %gather3A_173 {add = true} : memref<10240xf32, #tpu.memory_space<vmem>>[vector<16xi32>], vector<16xf32>,
        %get3A_177 = arith.index_cast %scan3A_134 : i32 to index
        %get3A_178 = arith.constant 96 : index
        %get3A_179 = tpu.vector_load %arg11[%get3A_177, %get3A_178] {strides = array<i32>} : memref<157x128xi32, #tpu.memory_space<vmem>>, vector<16xi32>,
        %gather3A_180 = tpu.vector_load_idx %arg13[%get3A_179] : memref<10240xf32, #tpu.memory_space<vmem>>[vector<16xi32>], vector<16xf32>,
        %get3A_181 = arith.index_cast %scan3A_134 : i32 to index
        %get3A_182 = arith.constant 96 : index
        %get3A_183 = tpu.vector_load %arg12[%get3A_181, %get3A_182] {strides = array<i32>} : memref<157x128xi32, #tpu.memory_space<vmem>>, vector<16xi32>,
        tpu.vector_store_idx %arg14[%get3A_183], %gather3A_180 {add = true} : memref<10240xf32, #tpu.memory_space<vmem>>[vector<16xi32>], vector<16xf32>,
        %get3A_184 = arith.index_cast %scan3A_134 : i32 to index
        %get3A_185 = arith.constant 112 : index
        %get3A_186 = tpu.vector_load %arg11[%get3A_184, %get3A_185] {strides = array<i32>} : memref<157x128xi32, #tpu.memory_space<vmem>>, vector<16xi32>,
        %gather3A_187 = tpu.vector_load_idx %arg13[%get3A_186] : memref<10240xf32, #tpu.memory_space<vmem>>[vector<16xi32>], vector<16xf32>,
        %get3A_188 = arith.index_cast %scan3A_134 : i32 to index
        %get3A_189 = arith.constant 112 : index
        %get3A_190 = tpu.vector_load %arg12[%get3A_188, %get3A_189] {strides = array<i32>} : memref<157x128xi32, #tpu.memory_space<vmem>>, vector<16xi32>,
        tpu.vector_store_idx %arg14[%get3A_190], %gather3A_187 {add = true} : memref<10240xf32, #tpu.memory_space<vmem>>[vector<16xi32>], vector<16xf32>,
        %scan3A_191 = arith.constant 0 : i32
        scf.yield %scan3A_191 : i32
      }
      %scan3A_36 = arith.constant 157 : i32
      "tpu.region"() ({
        %run_scoped3A = tpu.sem_alloc : memref<!tpu.dma_semaphore, #tpu.memory_space<semaphore_mem>>
        %dma_start3A = arith.constant 0 : i32
        %dma_start3A_134 = tpu.memref_slice %arg10[%arg1, %dma_start3A] : memref<16x10240xf32, #tpu.memory_space<vmem_shared>> -> memref<1x10240xf32, #tpu.memory_space<vmem_shared>>
        %dma_start3A_135 = tpu.memref_squeeze %dma_start3A_134 : memref<1x10240xf32, #tpu.memory_space<vmem_shared>> -> memref<10240xf32, #tpu.memory_space<vmem_shared>>
        %dma_start3A_136 = arith.constant 0 : i32
        %dma_start3A_137 = tpu.memref_slice %arg10[%arg1, %dma_start3A_136] : memref<16x10240xf32, #tpu.memory_space<vmem_shared>> -> memref<1x10240xf32, #tpu.memory_space<vmem_shared>>
        %dma_start3A_138 = tpu.memref_squeeze %dma_start3A_137 : memref<1x10240xf32, #tpu.memory_space<vmem_shared>> -> memref<10240xf32, #tpu.memory_space<vmem_shared>>
        tpu.enqueue_dma source(%arg14 : memref<10240xf32, #tpu.memory_space<vmem>>) target(%dma_start3A_138 : memref<10240xf32, #tpu.memory_space<vmem_shared>>) target_semaphore(%run_scoped3A : memref<!tpu.dma_semaphore, #tpu.memory_space<semaphore_mem>>)
        %dma_wait3A = arith.constant 0 : i32
        %dma_wait3A_139 = tpu.memref_slice %arg10[%arg1, %dma_wait3A] : memref<16x10240xf32, #tpu.memory_space<vmem_shared>> -> memref<1x10240xf32, #tpu.memory_space<vmem_shared>>
        %dma_wait3A_140 = tpu.memref_squeeze %dma_wait3A_139 : memref<1x10240xf32, #tpu.memory_space<vmem_shared>> -> memref<10240xf32, #tpu.memory_space<vmem_shared>>
        %dma_wait3A_141 = arith.constant 0 : i32
        %dma_wait3A_142 = tpu.memref_slice %arg10[%arg1, %dma_wait3A_141] : memref<16x10240xf32, #tpu.memory_space<vmem_shared>> -> memref<1x10240xf32, #tpu.memory_space<vmem_shared>>
        %dma_wait3A_143 = tpu.memref_squeeze %dma_wait3A_142 : memref<1x10240xf32, #tpu.memory_space<vmem_shared>> -> memref<10240xf32, #tpu.memory_space<vmem_shared>>
        tpu.wait_dma2 semaphore(%run_scoped3A : memref<!tpu.dma_semaphore, #tpu.memory_space<semaphore_mem>>) src(%arg14 : memref<10240xf32, #tpu.memory_space<vmem>>) dst(%dma_wait3A_143 : memref<10240xf32, #tpu.memory_space<vmem_shared>>)
        tpu.yield
      }) : () -> ()
      %barrier3A_37 = arith.constant 0 : index
      tpu.barrier barrier_id(%barrier3A_37)
      %scan3A_38 = arith.constant 0 : i32
      %scan3A_39 = arith.constant 0 : i32
      %scan3A_40 = arith.constant 40 : i32
      %scan3A_41 = arith.addi %scan3A_39, %scan3A_40 : i32
      %scan3A_42 = arith.constant 1 : i32
      %scan3A_43 = scf.for %scan3A_134 = %scan3A_39 to %scan3A_41 step %scan3A_42 iter_args(%scan3A_135 = %scan3A_38) -> (i32)  : i32 {
        %broadcast_in_dim3A_136 = arith.constant 0.000000e+00 : f32
        %broadcast_in_dim3A_137 = vector.broadcast %broadcast_in_dim3A_136 : f32 to vector<16xf32>
        %mul3A_138 = arith.constant 16 : i32
        %mul3A_139 = arith.muli %scan3A_134, %mul3A_138 : i32
        %swap3A = arith.index_cast %mul3A_139 : i32 to index
        %swap3A_140 = tpu.vector_load %arg18[%swap3A] {strides = array<i32>} : memref<640xf32, #tpu.memory_space<vmem>>, vector<16xf32>,
        tpu.vector_store %arg18[%swap3A], %broadcast_in_dim3A_137 {strides = array<i32>} : memref<640xf32, #tpu.memory_space<vmem>>, vector<16xf32>,
        %scan3A_141 = arith.constant 0 : i32
        scf.yield %scan3A_141 : i32
      }
      %scan3A_44 = arith.constant 40 : i32
      %scan3A_45 = arith.constant 0 : i32
      %scan3A_46 = arith.constant 0 : i32
      %scan3A_47 = arith.constant 16 : i32
      %scan3A_48 = arith.addi %scan3A_46, %scan3A_47 : i32
      %scan3A_49 = arith.constant 1 : i32
      %scan3A_50 = scf.for %scan3A_134 = %scan3A_46 to %scan3A_48 step %scan3A_49 iter_args(%scan3A_135 = %scan3A_45) -> (i32)  : i32 {
        "tpu.region"() ({
          %run_scoped3A = tpu.sem_alloc : memref<!tpu.dma_semaphore, #tpu.memory_space<semaphore_mem>>
          %dma_start3A = tpu.memref_slice %arg10[%scan3A_134, %mul3A_0] : memref<16x10240xf32, #tpu.memory_space<vmem_shared>> -> memref<1x640xf32, #tpu.memory_space<vmem_shared>>
          %dma_start3A_144 = tpu.memref_squeeze %dma_start3A : memref<1x640xf32, #tpu.memory_space<vmem_shared>> -> memref<640xf32, #tpu.memory_space<vmem_shared>>
          %dma_start3A_145 = tpu.memref_slice %arg10[%scan3A_134, %mul3A_0] : memref<16x10240xf32, #tpu.memory_space<vmem_shared>> -> memref<1x640xf32, #tpu.memory_space<vmem_shared>>
          %dma_start3A_146 = tpu.memref_squeeze %dma_start3A_145 : memref<1x640xf32, #tpu.memory_space<vmem_shared>> -> memref<640xf32, #tpu.memory_space<vmem_shared>>
          tpu.enqueue_dma source(%dma_start3A_146 : memref<640xf32, #tpu.memory_space<vmem_shared>>) target(%arg19 : memref<640xf32, #tpu.memory_space<vmem>>) target_semaphore(%run_scoped3A : memref<!tpu.dma_semaphore, #tpu.memory_space<semaphore_mem>>)
          %dma_wait3A = tpu.memref_slice %arg10[%scan3A_134, %mul3A_0] : memref<16x10240xf32, #tpu.memory_space<vmem_shared>> -> memref<1x640xf32, #tpu.memory_space<vmem_shared>>
          %dma_wait3A_147 = tpu.memref_squeeze %dma_wait3A : memref<1x640xf32, #tpu.memory_space<vmem_shared>> -> memref<640xf32, #tpu.memory_space<vmem_shared>>
          %dma_wait3A_148 = tpu.memref_slice %arg10[%scan3A_134, %mul3A_0] : memref<16x10240xf32, #tpu.memory_space<vmem_shared>> -> memref<1x640xf32, #tpu.memory_space<vmem_shared>>
          %dma_wait3A_149 = tpu.memref_squeeze %dma_wait3A_148 : memref<1x640xf32, #tpu.memory_space<vmem_shared>> -> memref<640xf32, #tpu.memory_space<vmem_shared>>
          tpu.wait_dma2 semaphore(%run_scoped3A : memref<!tpu.dma_semaphore, #tpu.memory_space<semaphore_mem>>) src(%dma_wait3A_149 : memref<640xf32, #tpu.memory_space<vmem_shared>>) dst(%arg19 : memref<640xf32, #tpu.memory_space<vmem>>)
          tpu.yield
        }) : () -> ()
        %scan3A_136 = arith.constant 0 : i32
        %scan3A_137 = arith.constant 0 : i32
        %scan3A_138 = arith.constant 40 : i32
        %scan3A_139 = arith.addi %scan3A_137, %scan3A_138 : i32
        %scan3A_140 = arith.constant 1 : i32
        %scan3A_141 = scf.for %scan3A_144 = %scan3A_137 to %scan3A_139 step %scan3A_140 iter_args(%scan3A_145 = %scan3A_136) -> (i32)  : i32 {
          %mul3A_146 = arith.constant 16 : i32
          %mul3A_147 = arith.muli %scan3A_144, %mul3A_146 : i32
          %get3A = arith.index_cast %mul3A_147 : i32 to index
          %get3A_148 = tpu.vector_load %arg18[%get3A] {strides = array<i32>} : memref<640xf32, #tpu.memory_space<vmem>>, vector<16xf32>,
          %get3A_149 = arith.index_cast %mul3A_147 : i32 to index
          %get3A_150 = tpu.vector_load %arg19[%get3A_149] {strides = array<i32>} : memref<640xf32, #tpu.memory_space<vmem>>, vector<16xf32>,
          %add3A = arith.addf %get3A_148, %get3A_150 : vector<16xf32>
          %swap3A = arith.index_cast %mul3A_147 : i32 to index
          %swap3A_151 = tpu.vector_load %arg18[%swap3A] {strides = array<i32>} : memref<640xf32, #tpu.memory_space<vmem>>, vector<16xf32>,
          tpu.vector_store %arg18[%swap3A], %add3A {strides = array<i32>} : memref<640xf32, #tpu.memory_space<vmem>>, vector<16xf32>,
          %scan3A_152 = arith.constant 0 : i32
          scf.yield %scan3A_152 : i32
        }
        %scan3A_142 = arith.constant 40 : i32
        %scan3A_143 = arith.constant 0 : i32
        scf.yield %scan3A_143 : i32
      }
      %scan3A_51 = arith.constant 16 : i32
      %scan3A_52 = arith.constant 0 : i32
      %scan3A_53 = arith.constant 0 : i32
      %scan3A_54 = arith.constant 40 : i32
      %scan3A_55 = arith.addi %scan3A_53, %scan3A_54 : i32
      %scan3A_56 = arith.constant 1 : i32
      %scan3A_57 = scf.for %scan3A_134 = %scan3A_53 to %scan3A_55 step %scan3A_56 iter_args(%scan3A_135 = %scan3A_52) -> (i32)  : i32 {
        %mul3A_136 = arith.constant 16 : i32
        %mul3A_137 = arith.muli %scan3A_134, %mul3A_136 : i32
        %get3A = arith.index_cast %mul3A_137 : i32 to index
        %get3A_138 = tpu.vector_load %arg17[%get3A] {strides = array<i32>} : memref<640xf32, #tpu.memory_space<vmem>>, vector<16xf32>,
        %get3A_139 = arith.constant 2 : i32
        %get3A_140 = arith.index_cast %get3A_139 : i32 to index
        %get3A_141 = arith.index_cast %mul3A_137 : i32 to index
        %get3A_142 = tpu.vector_load %arg16[%get3A_140, %get3A_141] {strides = array<i32>} : memref<4x640xf32, #tpu.memory_space<vmem>>, vector<16xf32>,
        %mul3A_143 = arith.mulf %get3A_138, %get3A_142 : vector<16xf32>
        %mul3A_144 = arith.mulf %get3A_138, %get3A_138 : vector<16xf32>
        %get3A_145 = arith.index_cast %mul3A_137 : i32 to index
        %get3A_146 = tpu.vector_load %arg18[%get3A_145] {strides = array<i32>} : memref<640xf32, #tpu.memory_space<vmem>>, vector<16xf32>,
        %mul3A_147 = arith.mulf %mul3A_144, %get3A_146 : vector<16xf32>
        %add3A = arith.addf %mul3A_143, %mul3A_147 : vector<16xf32>
        %swap3A = arith.index_cast %mul3A_137 : i32 to index
        %swap3A_148 = tpu.vector_load %arg20[%swap3A] {strides = array<i32>} : memref<640xf32, #tpu.memory_space<vmem>>, vector<16xf32>,
        tpu.vector_store %arg20[%swap3A], %add3A {strides = array<i32>} : memref<640xf32, #tpu.memory_space<vmem>>, vector<16xf32>,
        %scan3A_149 = arith.constant 0 : i32
        scf.yield %scan3A_149 : i32
      }
      %scan3A_58 = arith.constant 40 : i32
      "tpu.region"() ({
        %run_scoped3A = tpu.sem_alloc : memref<!tpu.dma_semaphore, #tpu.memory_space<semaphore_mem>>
        %dma_start3A = tpu.memref_slice %arg9[%mul3A_0] : memref<10240xf32, #tpu.memory_space<vmem_shared>> -> memref<640xf32, #tpu.memory_space<vmem_shared>>
        %dma_start3A_134 = tpu.memref_slice %arg9[%mul3A_0] : memref<10240xf32, #tpu.memory_space<vmem_shared>> -> memref<640xf32, #tpu.memory_space<vmem_shared>>
        tpu.enqueue_dma source(%arg20 : memref<640xf32, #tpu.memory_space<vmem>>) target(%dma_start3A_134 : memref<640xf32, #tpu.memory_space<vmem_shared>>) target_semaphore(%run_scoped3A : memref<!tpu.dma_semaphore, #tpu.memory_space<semaphore_mem>>)
        %dma_wait3A = tpu.memref_slice %arg9[%mul3A_0] : memref<10240xf32, #tpu.memory_space<vmem_shared>> -> memref<640xf32, #tpu.memory_space<vmem_shared>>
        %dma_wait3A_135 = tpu.memref_slice %arg9[%mul3A_0] : memref<10240xf32, #tpu.memory_space<vmem_shared>> -> memref<640xf32, #tpu.memory_space<vmem_shared>>
        tpu.wait_dma2 semaphore(%run_scoped3A : memref<!tpu.dma_semaphore, #tpu.memory_space<semaphore_mem>>) src(%arg20 : memref<640xf32, #tpu.memory_space<vmem>>) dst(%dma_wait3A_135 : memref<640xf32, #tpu.memory_space<vmem_shared>>)
        tpu.yield
      }) : () -> ()
      %barrier3A_59 = arith.constant 0 : index
      tpu.barrier barrier_id(%barrier3A_59)
      "tpu.region"() ({
        %run_scoped3A = tpu.sem_alloc : memref<!tpu.dma_semaphore, #tpu.memory_space<semaphore_mem>>
        tpu.enqueue_dma source(%arg9 : memref<10240xf32, #tpu.memory_space<vmem_shared>>) target(%arg13 : memref<10240xf32, #tpu.memory_space<vmem>>) target_semaphore(%run_scoped3A : memref<!tpu.dma_semaphore, #tpu.memory_space<semaphore_mem>>)
        tpu.wait_dma2 semaphore(%run_scoped3A : memref<!tpu.dma_semaphore, #tpu.memory_space<semaphore_mem>>) src(%arg9 : memref<10240xf32, #tpu.memory_space<vmem_shared>>) dst(%arg13 : memref<10240xf32, #tpu.memory_space<vmem>>)
        tpu.yield
      }) : () -> ()
      %scan3A_60 = arith.constant 0 : i32
      %scan3A_61 = arith.constant 0 : i32
      %scan3A_62 = arith.constant 640 : i32
      %scan3A_63 = arith.addi %scan3A_61, %scan3A_62 : i32
      %scan3A_64 = arith.constant 1 : i32
      %scan3A_65 = scf.for %scan3A_134 = %scan3A_61 to %scan3A_63 step %scan3A_64 iter_args(%scan3A_135 = %scan3A_60) -> (i32)  : i32 {
        %broadcast_in_dim3A_136 = arith.constant 0.000000e+00 : f32
        %broadcast_in_dim3A_137 = vector.broadcast %broadcast_in_dim3A_136 : f32 to vector<16xf32>
        %mul3A_138 = arith.constant 16 : i32
        %mul3A_139 = arith.muli %scan3A_134, %mul3A_138 : i32
        %swap3A = arith.index_cast %mul3A_139 : i32 to index
        %swap3A_140 = tpu.vector_load %arg14[%swap3A] {strides = array<i32>} : memref<10240xf32, #tpu.memory_space<vmem>>, vector<16xf32>,
        tpu.vector_store %arg14[%swap3A], %broadcast_in_dim3A_137 {strides = array<i32>} : memref<10240xf32, #tpu.memory_space<vmem>>, vector<16xf32>,
        %scan3A_141 = arith.constant 0 : i32
        scf.yield %scan3A_141 : i32
      }
      %scan3A_66 = arith.constant 640 : i32
      %scan3A_67 = arith.constant 0 : i32
      %scan3A_68 = arith.constant 0 : i32
      %scan3A_69 = arith.constant 157 : i32
      %scan3A_70 = arith.addi %scan3A_68, %scan3A_69 : i32
      %scan3A_71 = arith.constant 1 : i32
      %scan3A_72 = scf.for %scan3A_134 = %scan3A_68 to %scan3A_70 step %scan3A_71 iter_args(%scan3A_135 = %scan3A_67) -> (i32)  : i32 {
        %get3A = arith.index_cast %scan3A_134 : i32 to index
        %get3A_136 = arith.constant 0 : index
        %get3A_137 = tpu.vector_load %arg11[%get3A, %get3A_136] {strides = array<i32>} : memref<157x128xi32, #tpu.memory_space<vmem>>, vector<16xi32>,
        %gather3A_138 = tpu.vector_load_idx %arg13[%get3A_137] : memref<10240xf32, #tpu.memory_space<vmem>>[vector<16xi32>], vector<16xf32>,
        %get3A_139 = arith.index_cast %scan3A_134 : i32 to index
        %get3A_140 = arith.constant 0 : index
        %get3A_141 = tpu.vector_load %arg12[%get3A_139, %get3A_140] {strides = array<i32>} : memref<157x128xi32, #tpu.memory_space<vmem>>, vector<16xi32>,
        tpu.vector_store_idx %arg14[%get3A_141], %gather3A_138 {add = true} : memref<10240xf32, #tpu.memory_space<vmem>>[vector<16xi32>], vector<16xf32>,
        %get3A_142 = arith.index_cast %scan3A_134 : i32 to index
        %get3A_143 = arith.constant 16 : index
        %get3A_144 = tpu.vector_load %arg11[%get3A_142, %get3A_143] {strides = array<i32>} : memref<157x128xi32, #tpu.memory_space<vmem>>, vector<16xi32>,
        %gather3A_145 = tpu.vector_load_idx %arg13[%get3A_144] : memref<10240xf32, #tpu.memory_space<vmem>>[vector<16xi32>], vector<16xf32>,
        %get3A_146 = arith.index_cast %scan3A_134 : i32 to index
        %get3A_147 = arith.constant 16 : index
        %get3A_148 = tpu.vector_load %arg12[%get3A_146, %get3A_147] {strides = array<i32>} : memref<157x128xi32, #tpu.memory_space<vmem>>, vector<16xi32>,
        tpu.vector_store_idx %arg14[%get3A_148], %gather3A_145 {add = true} : memref<10240xf32, #tpu.memory_space<vmem>>[vector<16xi32>], vector<16xf32>,
        %get3A_149 = arith.index_cast %scan3A_134 : i32 to index
        %get3A_150 = arith.constant 32 : index
        %get3A_151 = tpu.vector_load %arg11[%get3A_149, %get3A_150] {strides = array<i32>} : memref<157x128xi32, #tpu.memory_space<vmem>>, vector<16xi32>,
        %gather3A_152 = tpu.vector_load_idx %arg13[%get3A_151] : memref<10240xf32, #tpu.memory_space<vmem>>[vector<16xi32>], vector<16xf32>,
        %get3A_153 = arith.index_cast %scan3A_134 : i32 to index
        %get3A_154 = arith.constant 32 : index
        %get3A_155 = tpu.vector_load %arg12[%get3A_153, %get3A_154] {strides = array<i32>} : memref<157x128xi32, #tpu.memory_space<vmem>>, vector<16xi32>,
        tpu.vector_store_idx %arg14[%get3A_155], %gather3A_152 {add = true} : memref<10240xf32, #tpu.memory_space<vmem>>[vector<16xi32>], vector<16xf32>,
        %get3A_156 = arith.index_cast %scan3A_134 : i32 to index
        %get3A_157 = arith.constant 48 : index
        %get3A_158 = tpu.vector_load %arg11[%get3A_156, %get3A_157] {strides = array<i32>} : memref<157x128xi32, #tpu.memory_space<vmem>>, vector<16xi32>,
        %gather3A_159 = tpu.vector_load_idx %arg13[%get3A_158] : memref<10240xf32, #tpu.memory_space<vmem>>[vector<16xi32>], vector<16xf32>,
        %get3A_160 = arith.index_cast %scan3A_134 : i32 to index
        %get3A_161 = arith.constant 48 : index
        %get3A_162 = tpu.vector_load %arg12[%get3A_160, %get3A_161] {strides = array<i32>} : memref<157x128xi32, #tpu.memory_space<vmem>>, vector<16xi32>,
        tpu.vector_store_idx %arg14[%get3A_162], %gather3A_159 {add = true} : memref<10240xf32, #tpu.memory_space<vmem>>[vector<16xi32>], vector<16xf32>,
        %get3A_163 = arith.index_cast %scan3A_134 : i32 to index
        %get3A_164 = arith.constant 64 : index
        %get3A_165 = tpu.vector_load %arg11[%get3A_163, %get3A_164] {strides = array<i32>} : memref<157x128xi32, #tpu.memory_space<vmem>>, vector<16xi32>,
        %gather3A_166 = tpu.vector_load_idx %arg13[%get3A_165] : memref<10240xf32, #tpu.memory_space<vmem>>[vector<16xi32>], vector<16xf32>,
        %get3A_167 = arith.index_cast %scan3A_134 : i32 to index
        %get3A_168 = arith.constant 64 : index
        %get3A_169 = tpu.vector_load %arg12[%get3A_167, %get3A_168] {strides = array<i32>} : memref<157x128xi32, #tpu.memory_space<vmem>>, vector<16xi32>,
        tpu.vector_store_idx %arg14[%get3A_169], %gather3A_166 {add = true} : memref<10240xf32, #tpu.memory_space<vmem>>[vector<16xi32>], vector<16xf32>,
        %get3A_170 = arith.index_cast %scan3A_134 : i32 to index
        %get3A_171 = arith.constant 80 : index
        %get3A_172 = tpu.vector_load %arg11[%get3A_170, %get3A_171] {strides = array<i32>} : memref<157x128xi32, #tpu.memory_space<vmem>>, vector<16xi32>,
        %gather3A_173 = tpu.vector_load_idx %arg13[%get3A_172] : memref<10240xf32, #tpu.memory_space<vmem>>[vector<16xi32>], vector<16xf32>,
        %get3A_174 = arith.index_cast %scan3A_134 : i32 to index
        %get3A_175 = arith.constant 80 : index
        %get3A_176 = tpu.vector_load %arg12[%get3A_174, %get3A_175] {strides = array<i32>} : memref<157x128xi32, #tpu.memory_space<vmem>>, vector<16xi32>,
        tpu.vector_store_idx %arg14[%get3A_176], %gather3A_173 {add = true} : memref<10240xf32, #tpu.memory_space<vmem>>[vector<16xi32>], vector<16xf32>,
        %get3A_177 = arith.index_cast %scan3A_134 : i32 to index
        %get3A_178 = arith.constant 96 : index
        %get3A_179 = tpu.vector_load %arg11[%get3A_177, %get3A_178] {strides = array<i32>} : memref<157x128xi32, #tpu.memory_space<vmem>>, vector<16xi32>,
        %gather3A_180 = tpu.vector_load_idx %arg13[%get3A_179] : memref<10240xf32, #tpu.memory_space<vmem>>[vector<16xi32>], vector<16xf32>,
        %get3A_181 = arith.index_cast %scan3A_134 : i32 to index
        %get3A_182 = arith.constant 96 : index
        %get3A_183 = tpu.vector_load %arg12[%get3A_181, %get3A_182] {strides = array<i32>} : memref<157x128xi32, #tpu.memory_space<vmem>>, vector<16xi32>,
        tpu.vector_store_idx %arg14[%get3A_183], %gather3A_180 {add = true} : memref<10240xf32, #tpu.memory_space<vmem>>[vector<16xi32>], vector<16xf32>,
        %get3A_184 = arith.index_cast %scan3A_134 : i32 to index
        %get3A_185 = arith.constant 112 : index
        %get3A_186 = tpu.vector_load %arg11[%get3A_184, %get3A_185] {strides = array<i32>} : memref<157x128xi32, #tpu.memory_space<vmem>>, vector<16xi32>,
        %gather3A_187 = tpu.vector_load_idx %arg13[%get3A_186] : memref<10240xf32, #tpu.memory_space<vmem>>[vector<16xi32>], vector<16xf32>,
        %get3A_188 = arith.index_cast %scan3A_134 : i32 to index
        %get3A_189 = arith.constant 112 : index
        %get3A_190 = tpu.vector_load %arg12[%get3A_188, %get3A_189] {strides = array<i32>} : memref<157x128xi32, #tpu.memory_space<vmem>>, vector<16xi32>,
        tpu.vector_store_idx %arg14[%get3A_190], %gather3A_187 {add = true} : memref<10240xf32, #tpu.memory_space<vmem>>[vector<16xi32>], vector<16xf32>,
        %scan3A_191 = arith.constant 0 : i32
        scf.yield %scan3A_191 : i32
      }
      %scan3A_73 = arith.constant 157 : i32
      "tpu.region"() ({
        %run_scoped3A = tpu.sem_alloc : memref<!tpu.dma_semaphore, #tpu.memory_space<semaphore_mem>>
        %dma_start3A = arith.constant 0 : i32
        %dma_start3A_134 = tpu.memref_slice %arg10[%arg1, %dma_start3A] : memref<16x10240xf32, #tpu.memory_space<vmem_shared>> -> memref<1x10240xf32, #tpu.memory_space<vmem_shared>>
        %dma_start3A_135 = tpu.memref_squeeze %dma_start3A_134 : memref<1x10240xf32, #tpu.memory_space<vmem_shared>> -> memref<10240xf32, #tpu.memory_space<vmem_shared>>
        %dma_start3A_136 = arith.constant 0 : i32
        %dma_start3A_137 = tpu.memref_slice %arg10[%arg1, %dma_start3A_136] : memref<16x10240xf32, #tpu.memory_space<vmem_shared>> -> memref<1x10240xf32, #tpu.memory_space<vmem_shared>>
        %dma_start3A_138 = tpu.memref_squeeze %dma_start3A_137 : memref<1x10240xf32, #tpu.memory_space<vmem_shared>> -> memref<10240xf32, #tpu.memory_space<vmem_shared>>
        tpu.enqueue_dma source(%arg14 : memref<10240xf32, #tpu.memory_space<vmem>>) target(%dma_start3A_138 : memref<10240xf32, #tpu.memory_space<vmem_shared>>) target_semaphore(%run_scoped3A : memref<!tpu.dma_semaphore, #tpu.memory_space<semaphore_mem>>)
        %dma_wait3A = arith.constant 0 : i32
        %dma_wait3A_139 = tpu.memref_slice %arg10[%arg1, %dma_wait3A] : memref<16x10240xf32, #tpu.memory_space<vmem_shared>> -> memref<1x10240xf32, #tpu.memory_space<vmem_shared>>
        %dma_wait3A_140 = tpu.memref_squeeze %dma_wait3A_139 : memref<1x10240xf32, #tpu.memory_space<vmem_shared>> -> memref<10240xf32, #tpu.memory_space<vmem_shared>>
        %dma_wait3A_141 = arith.constant 0 : i32
        %dma_wait3A_142 = tpu.memref_slice %arg10[%arg1, %dma_wait3A_141] : memref<16x10240xf32, #tpu.memory_space<vmem_shared>> -> memref<1x10240xf32, #tpu.memory_space<vmem_shared>>
        %dma_wait3A_143 = tpu.memref_squeeze %dma_wait3A_142 : memref<1x10240xf32, #tpu.memory_space<vmem_shared>> -> memref<10240xf32, #tpu.memory_space<vmem_shared>>
        tpu.wait_dma2 semaphore(%run_scoped3A : memref<!tpu.dma_semaphore, #tpu.memory_space<semaphore_mem>>) src(%arg14 : memref<10240xf32, #tpu.memory_space<vmem>>) dst(%dma_wait3A_143 : memref<10240xf32, #tpu.memory_space<vmem_shared>>)
        tpu.yield
      }) : () -> ()
      %barrier3A_74 = arith.constant 0 : index
      tpu.barrier barrier_id(%barrier3A_74)
      %scan3A_75 = arith.constant 0 : i32
      %scan3A_76 = arith.constant 0 : i32
      %scan3A_77 = arith.constant 40 : i32
      %scan3A_78 = arith.addi %scan3A_76, %scan3A_77 : i32
      %scan3A_79 = arith.constant 1 : i32
      %scan3A_80 = scf.for %scan3A_134 = %scan3A_76 to %scan3A_78 step %scan3A_79 iter_args(%scan3A_135 = %scan3A_75) -> (i32)  : i32 {
        %broadcast_in_dim3A_136 = arith.constant 0.000000e+00 : f32
        %broadcast_in_dim3A_137 = vector.broadcast %broadcast_in_dim3A_136 : f32 to vector<16xf32>
        %mul3A_138 = arith.constant 16 : i32
        %mul3A_139 = arith.muli %scan3A_134, %mul3A_138 : i32
        %swap3A = arith.index_cast %mul3A_139 : i32 to index
        %swap3A_140 = tpu.vector_load %arg18[%swap3A] {strides = array<i32>} : memref<640xf32, #tpu.memory_space<vmem>>, vector<16xf32>,
        tpu.vector_store %arg18[%swap3A], %broadcast_in_dim3A_137 {strides = array<i32>} : memref<640xf32, #tpu.memory_space<vmem>>, vector<16xf32>,
        %scan3A_141 = arith.constant 0 : i32
        scf.yield %scan3A_141 : i32
      }
      %scan3A_81 = arith.constant 40 : i32
      %scan3A_82 = arith.constant 0 : i32
      %scan3A_83 = arith.constant 0 : i32
      %scan3A_84 = arith.constant 16 : i32
      %scan3A_85 = arith.addi %scan3A_83, %scan3A_84 : i32
      %scan3A_86 = arith.constant 1 : i32
      %scan3A_87 = scf.for %scan3A_134 = %scan3A_83 to %scan3A_85 step %scan3A_86 iter_args(%scan3A_135 = %scan3A_82) -> (i32)  : i32 {
        "tpu.region"() ({
          %run_scoped3A = tpu.sem_alloc : memref<!tpu.dma_semaphore, #tpu.memory_space<semaphore_mem>>
          %dma_start3A = tpu.memref_slice %arg10[%scan3A_134, %mul3A_0] : memref<16x10240xf32, #tpu.memory_space<vmem_shared>> -> memref<1x640xf32, #tpu.memory_space<vmem_shared>>
          %dma_start3A_144 = tpu.memref_squeeze %dma_start3A : memref<1x640xf32, #tpu.memory_space<vmem_shared>> -> memref<640xf32, #tpu.memory_space<vmem_shared>>
          %dma_start3A_145 = tpu.memref_slice %arg10[%scan3A_134, %mul3A_0] : memref<16x10240xf32, #tpu.memory_space<vmem_shared>> -> memref<1x640xf32, #tpu.memory_space<vmem_shared>>
          %dma_start3A_146 = tpu.memref_squeeze %dma_start3A_145 : memref<1x640xf32, #tpu.memory_space<vmem_shared>> -> memref<640xf32, #tpu.memory_space<vmem_shared>>
          tpu.enqueue_dma source(%dma_start3A_146 : memref<640xf32, #tpu.memory_space<vmem_shared>>) target(%arg19 : memref<640xf32, #tpu.memory_space<vmem>>) target_semaphore(%run_scoped3A : memref<!tpu.dma_semaphore, #tpu.memory_space<semaphore_mem>>)
          %dma_wait3A = tpu.memref_slice %arg10[%scan3A_134, %mul3A_0] : memref<16x10240xf32, #tpu.memory_space<vmem_shared>> -> memref<1x640xf32, #tpu.memory_space<vmem_shared>>
          %dma_wait3A_147 = tpu.memref_squeeze %dma_wait3A : memref<1x640xf32, #tpu.memory_space<vmem_shared>> -> memref<640xf32, #tpu.memory_space<vmem_shared>>
          %dma_wait3A_148 = tpu.memref_slice %arg10[%scan3A_134, %mul3A_0] : memref<16x10240xf32, #tpu.memory_space<vmem_shared>> -> memref<1x640xf32, #tpu.memory_space<vmem_shared>>
          %dma_wait3A_149 = tpu.memref_squeeze %dma_wait3A_148 : memref<1x640xf32, #tpu.memory_space<vmem_shared>> -> memref<640xf32, #tpu.memory_space<vmem_shared>>
          tpu.wait_dma2 semaphore(%run_scoped3A : memref<!tpu.dma_semaphore, #tpu.memory_space<semaphore_mem>>) src(%dma_wait3A_149 : memref<640xf32, #tpu.memory_space<vmem_shared>>) dst(%arg19 : memref<640xf32, #tpu.memory_space<vmem>>)
          tpu.yield
        }) : () -> ()
        %scan3A_136 = arith.constant 0 : i32
        %scan3A_137 = arith.constant 0 : i32
        %scan3A_138 = arith.constant 40 : i32
        %scan3A_139 = arith.addi %scan3A_137, %scan3A_138 : i32
        %scan3A_140 = arith.constant 1 : i32
        %scan3A_141 = scf.for %scan3A_144 = %scan3A_137 to %scan3A_139 step %scan3A_140 iter_args(%scan3A_145 = %scan3A_136) -> (i32)  : i32 {
          %mul3A_146 = arith.constant 16 : i32
          %mul3A_147 = arith.muli %scan3A_144, %mul3A_146 : i32
          %get3A = arith.index_cast %mul3A_147 : i32 to index
          %get3A_148 = tpu.vector_load %arg18[%get3A] {strides = array<i32>} : memref<640xf32, #tpu.memory_space<vmem>>, vector<16xf32>,
          %get3A_149 = arith.index_cast %mul3A_147 : i32 to index
          %get3A_150 = tpu.vector_load %arg19[%get3A_149] {strides = array<i32>} : memref<640xf32, #tpu.memory_space<vmem>>, vector<16xf32>,
          %add3A = arith.addf %get3A_148, %get3A_150 : vector<16xf32>
          %swap3A = arith.index_cast %mul3A_147 : i32 to index
          %swap3A_151 = tpu.vector_load %arg18[%swap3A] {strides = array<i32>} : memref<640xf32, #tpu.memory_space<vmem>>, vector<16xf32>,
          tpu.vector_store %arg18[%swap3A], %add3A {strides = array<i32>} : memref<640xf32, #tpu.memory_space<vmem>>, vector<16xf32>,
          %scan3A_152 = arith.constant 0 : i32
          scf.yield %scan3A_152 : i32
        }
        %scan3A_142 = arith.constant 40 : i32
        %scan3A_143 = arith.constant 0 : i32
        scf.yield %scan3A_143 : i32
      }
      %scan3A_88 = arith.constant 16 : i32
      %scan3A_89 = arith.constant 0 : i32
      %scan3A_90 = arith.constant 0 : i32
      %scan3A_91 = arith.constant 40 : i32
      %scan3A_92 = arith.addi %scan3A_90, %scan3A_91 : i32
      %scan3A_93 = arith.constant 1 : i32
      %scan3A_94 = scf.for %scan3A_134 = %scan3A_90 to %scan3A_92 step %scan3A_93 iter_args(%scan3A_135 = %scan3A_89) -> (i32)  : i32 {
        %mul3A_136 = arith.constant 16 : i32
        %mul3A_137 = arith.muli %scan3A_134, %mul3A_136 : i32
        %get3A = arith.index_cast %mul3A_137 : i32 to index
        %get3A_138 = tpu.vector_load %arg17[%get3A] {strides = array<i32>} : memref<640xf32, #tpu.memory_space<vmem>>, vector<16xf32>,
        %get3A_139 = arith.constant 1 : i32
        %get3A_140 = arith.index_cast %get3A_139 : i32 to index
        %get3A_141 = arith.index_cast %mul3A_137 : i32 to index
        %get3A_142 = tpu.vector_load %arg16[%get3A_140, %get3A_141] {strides = array<i32>} : memref<4x640xf32, #tpu.memory_space<vmem>>, vector<16xf32>,
        %mul3A_143 = arith.mulf %get3A_138, %get3A_142 : vector<16xf32>
        %mul3A_144 = arith.mulf %get3A_138, %get3A_138 : vector<16xf32>
        %get3A_145 = arith.index_cast %mul3A_137 : i32 to index
        %get3A_146 = tpu.vector_load %arg18[%get3A_145] {strides = array<i32>} : memref<640xf32, #tpu.memory_space<vmem>>, vector<16xf32>,
        %mul3A_147 = arith.mulf %mul3A_144, %get3A_146 : vector<16xf32>
        %add3A = arith.addf %mul3A_143, %mul3A_147 : vector<16xf32>
        %swap3A = arith.index_cast %mul3A_137 : i32 to index
        %swap3A_148 = tpu.vector_load %arg20[%swap3A] {strides = array<i32>} : memref<640xf32, #tpu.memory_space<vmem>>, vector<16xf32>,
        tpu.vector_store %arg20[%swap3A], %add3A {strides = array<i32>} : memref<640xf32, #tpu.memory_space<vmem>>, vector<16xf32>,
        %scan3A_149 = arith.constant 0 : i32
        scf.yield %scan3A_149 : i32
      }
      %scan3A_95 = arith.constant 40 : i32
      "tpu.region"() ({
        %run_scoped3A = tpu.sem_alloc : memref<!tpu.dma_semaphore, #tpu.memory_space<semaphore_mem>>
        %dma_start3A = tpu.memref_slice %arg9[%mul3A_0] : memref<10240xf32, #tpu.memory_space<vmem_shared>> -> memref<640xf32, #tpu.memory_space<vmem_shared>>
        %dma_start3A_134 = tpu.memref_slice %arg9[%mul3A_0] : memref<10240xf32, #tpu.memory_space<vmem_shared>> -> memref<640xf32, #tpu.memory_space<vmem_shared>>
        tpu.enqueue_dma source(%arg20 : memref<640xf32, #tpu.memory_space<vmem>>) target(%dma_start3A_134 : memref<640xf32, #tpu.memory_space<vmem_shared>>) target_semaphore(%run_scoped3A : memref<!tpu.dma_semaphore, #tpu.memory_space<semaphore_mem>>)
        %dma_wait3A = tpu.memref_slice %arg9[%mul3A_0] : memref<10240xf32, #tpu.memory_space<vmem_shared>> -> memref<640xf32, #tpu.memory_space<vmem_shared>>
        %dma_wait3A_135 = tpu.memref_slice %arg9[%mul3A_0] : memref<10240xf32, #tpu.memory_space<vmem_shared>> -> memref<640xf32, #tpu.memory_space<vmem_shared>>
        tpu.wait_dma2 semaphore(%run_scoped3A : memref<!tpu.dma_semaphore, #tpu.memory_space<semaphore_mem>>) src(%arg20 : memref<640xf32, #tpu.memory_space<vmem>>) dst(%dma_wait3A_135 : memref<640xf32, #tpu.memory_space<vmem_shared>>)
        tpu.yield
      }) : () -> ()
      %barrier3A_96 = arith.constant 0 : index
      tpu.barrier barrier_id(%barrier3A_96)
      "tpu.region"() ({
        %run_scoped3A = tpu.sem_alloc : memref<!tpu.dma_semaphore, #tpu.memory_space<semaphore_mem>>
        tpu.enqueue_dma source(%arg9 : memref<10240xf32, #tpu.memory_space<vmem_shared>>) target(%arg13 : memref<10240xf32, #tpu.memory_space<vmem>>) target_semaphore(%run_scoped3A : memref<!tpu.dma_semaphore, #tpu.memory_space<semaphore_mem>>)
        tpu.wait_dma2 semaphore(%run_scoped3A : memref<!tpu.dma_semaphore, #tpu.memory_space<semaphore_mem>>) src(%arg9 : memref<10240xf32, #tpu.memory_space<vmem_shared>>) dst(%arg13 : memref<10240xf32, #tpu.memory_space<vmem>>)
        tpu.yield
      }) : () -> ()
      %scan3A_97 = arith.constant 0 : i32
      %scan3A_98 = arith.constant 0 : i32
      %scan3A_99 = arith.constant 640 : i32
      %scan3A_100 = arith.addi %scan3A_98, %scan3A_99 : i32
      %scan3A_101 = arith.constant 1 : i32
      %scan3A_102 = scf.for %scan3A_134 = %scan3A_98 to %scan3A_100 step %scan3A_101 iter_args(%scan3A_135 = %scan3A_97) -> (i32)  : i32 {
        %broadcast_in_dim3A_136 = arith.constant 0.000000e+00 : f32
        %broadcast_in_dim3A_137 = vector.broadcast %broadcast_in_dim3A_136 : f32 to vector<16xf32>
        %mul3A_138 = arith.constant 16 : i32
        %mul3A_139 = arith.muli %scan3A_134, %mul3A_138 : i32
        %swap3A = arith.index_cast %mul3A_139 : i32 to index
        %swap3A_140 = tpu.vector_load %arg14[%swap3A] {strides = array<i32>} : memref<10240xf32, #tpu.memory_space<vmem>>, vector<16xf32>,
        tpu.vector_store %arg14[%swap3A], %broadcast_in_dim3A_137 {strides = array<i32>} : memref<10240xf32, #tpu.memory_space<vmem>>, vector<16xf32>,
        %scan3A_141 = arith.constant 0 : i32
        scf.yield %scan3A_141 : i32
      }
      %scan3A_103 = arith.constant 640 : i32
      %scan3A_104 = arith.constant 0 : i32
      %scan3A_105 = arith.constant 0 : i32
      %scan3A_106 = arith.constant 157 : i32
      %scan3A_107 = arith.addi %scan3A_105, %scan3A_106 : i32
      %scan3A_108 = arith.constant 1 : i32
      %scan3A_109 = scf.for %scan3A_134 = %scan3A_105 to %scan3A_107 step %scan3A_108 iter_args(%scan3A_135 = %scan3A_104) -> (i32)  : i32 {
        %get3A = arith.index_cast %scan3A_134 : i32 to index
        %get3A_136 = arith.constant 0 : index
        %get3A_137 = tpu.vector_load %arg11[%get3A, %get3A_136] {strides = array<i32>} : memref<157x128xi32, #tpu.memory_space<vmem>>, vector<16xi32>,
        %gather3A_138 = tpu.vector_load_idx %arg13[%get3A_137] : memref<10240xf32, #tpu.memory_space<vmem>>[vector<16xi32>], vector<16xf32>,
        %get3A_139 = arith.index_cast %scan3A_134 : i32 to index
        %get3A_140 = arith.constant 0 : index
        %get3A_141 = tpu.vector_load %arg12[%get3A_139, %get3A_140] {strides = array<i32>} : memref<157x128xi32, #tpu.memory_space<vmem>>, vector<16xi32>,
        tpu.vector_store_idx %arg14[%get3A_141], %gather3A_138 {add = true} : memref<10240xf32, #tpu.memory_space<vmem>>[vector<16xi32>], vector<16xf32>,
        %get3A_142 = arith.index_cast %scan3A_134 : i32 to index
        %get3A_143 = arith.constant 16 : index
        %get3A_144 = tpu.vector_load %arg11[%get3A_142, %get3A_143] {strides = array<i32>} : memref<157x128xi32, #tpu.memory_space<vmem>>, vector<16xi32>,
        %gather3A_145 = tpu.vector_load_idx %arg13[%get3A_144] : memref<10240xf32, #tpu.memory_space<vmem>>[vector<16xi32>], vector<16xf32>,
        %get3A_146 = arith.index_cast %scan3A_134 : i32 to index
        %get3A_147 = arith.constant 16 : index
        %get3A_148 = tpu.vector_load %arg12[%get3A_146, %get3A_147] {strides = array<i32>} : memref<157x128xi32, #tpu.memory_space<vmem>>, vector<16xi32>,
        tpu.vector_store_idx %arg14[%get3A_148], %gather3A_145 {add = true} : memref<10240xf32, #tpu.memory_space<vmem>>[vector<16xi32>], vector<16xf32>,
        %get3A_149 = arith.index_cast %scan3A_134 : i32 to index
        %get3A_150 = arith.constant 32 : index
        %get3A_151 = tpu.vector_load %arg11[%get3A_149, %get3A_150] {strides = array<i32>} : memref<157x128xi32, #tpu.memory_space<vmem>>, vector<16xi32>,
        %gather3A_152 = tpu.vector_load_idx %arg13[%get3A_151] : memref<10240xf32, #tpu.memory_space<vmem>>[vector<16xi32>], vector<16xf32>,
        %get3A_153 = arith.index_cast %scan3A_134 : i32 to index
        %get3A_154 = arith.constant 32 : index
        %get3A_155 = tpu.vector_load %arg12[%get3A_153, %get3A_154] {strides = array<i32>} : memref<157x128xi32, #tpu.memory_space<vmem>>, vector<16xi32>,
        tpu.vector_store_idx %arg14[%get3A_155], %gather3A_152 {add = true} : memref<10240xf32, #tpu.memory_space<vmem>>[vector<16xi32>], vector<16xf32>,
        %get3A_156 = arith.index_cast %scan3A_134 : i32 to index
        %get3A_157 = arith.constant 48 : index
        %get3A_158 = tpu.vector_load %arg11[%get3A_156, %get3A_157] {strides = array<i32>} : memref<157x128xi32, #tpu.memory_space<vmem>>, vector<16xi32>,
        %gather3A_159 = tpu.vector_load_idx %arg13[%get3A_158] : memref<10240xf32, #tpu.memory_space<vmem>>[vector<16xi32>], vector<16xf32>,
        %get3A_160 = arith.index_cast %scan3A_134 : i32 to index
        %get3A_161 = arith.constant 48 : index
        %get3A_162 = tpu.vector_load %arg12[%get3A_160, %get3A_161] {strides = array<i32>} : memref<157x128xi32, #tpu.memory_space<vmem>>, vector<16xi32>,
        tpu.vector_store_idx %arg14[%get3A_162], %gather3A_159 {add = true} : memref<10240xf32, #tpu.memory_space<vmem>>[vector<16xi32>], vector<16xf32>,
        %get3A_163 = arith.index_cast %scan3A_134 : i32 to index
        %get3A_164 = arith.constant 64 : index
        %get3A_165 = tpu.vector_load %arg11[%get3A_163, %get3A_164] {strides = array<i32>} : memref<157x128xi32, #tpu.memory_space<vmem>>, vector<16xi32>,
        %gather3A_166 = tpu.vector_load_idx %arg13[%get3A_165] : memref<10240xf32, #tpu.memory_space<vmem>>[vector<16xi32>], vector<16xf32>,
        %get3A_167 = arith.index_cast %scan3A_134 : i32 to index
        %get3A_168 = arith.constant 64 : index
        %get3A_169 = tpu.vector_load %arg12[%get3A_167, %get3A_168] {strides = array<i32>} : memref<157x128xi32, #tpu.memory_space<vmem>>, vector<16xi32>,
        tpu.vector_store_idx %arg14[%get3A_169], %gather3A_166 {add = true} : memref<10240xf32, #tpu.memory_space<vmem>>[vector<16xi32>], vector<16xf32>,
        %get3A_170 = arith.index_cast %scan3A_134 : i32 to index
        %get3A_171 = arith.constant 80 : index
        %get3A_172 = tpu.vector_load %arg11[%get3A_170, %get3A_171] {strides = array<i32>} : memref<157x128xi32, #tpu.memory_space<vmem>>, vector<16xi32>,
        %gather3A_173 = tpu.vector_load_idx %arg13[%get3A_172] : memref<10240xf32, #tpu.memory_space<vmem>>[vector<16xi32>], vector<16xf32>,
        %get3A_174 = arith.index_cast %scan3A_134 : i32 to index
        %get3A_175 = arith.constant 80 : index
        %get3A_176 = tpu.vector_load %arg12[%get3A_174, %get3A_175] {strides = array<i32>} : memref<157x128xi32, #tpu.memory_space<vmem>>, vector<16xi32>,
        tpu.vector_store_idx %arg14[%get3A_176], %gather3A_173 {add = true} : memref<10240xf32, #tpu.memory_space<vmem>>[vector<16xi32>], vector<16xf32>,
        %get3A_177 = arith.index_cast %scan3A_134 : i32 to index
        %get3A_178 = arith.constant 96 : index
        %get3A_179 = tpu.vector_load %arg11[%get3A_177, %get3A_178] {strides = array<i32>} : memref<157x128xi32, #tpu.memory_space<vmem>>, vector<16xi32>,
        %gather3A_180 = tpu.vector_load_idx %arg13[%get3A_179] : memref<10240xf32, #tpu.memory_space<vmem>>[vector<16xi32>], vector<16xf32>,
        %get3A_181 = arith.index_cast %scan3A_134 : i32 to index
        %get3A_182 = arith.constant 96 : index
        %get3A_183 = tpu.vector_load %arg12[%get3A_181, %get3A_182] {strides = array<i32>} : memref<157x128xi32, #tpu.memory_space<vmem>>, vector<16xi32>,
        tpu.vector_store_idx %arg14[%get3A_183], %gather3A_180 {add = true} : memref<10240xf32, #tpu.memory_space<vmem>>[vector<16xi32>], vector<16xf32>,
        %get3A_184 = arith.index_cast %scan3A_134 : i32 to index
        %get3A_185 = arith.constant 112 : index
        %get3A_186 = tpu.vector_load %arg11[%get3A_184, %get3A_185] {strides = array<i32>} : memref<157x128xi32, #tpu.memory_space<vmem>>, vector<16xi32>,
        %gather3A_187 = tpu.vector_load_idx %arg13[%get3A_186] : memref<10240xf32, #tpu.memory_space<vmem>>[vector<16xi32>], vector<16xf32>,
        %get3A_188 = arith.index_cast %scan3A_134 : i32 to index
        %get3A_189 = arith.constant 112 : index
        %get3A_190 = tpu.vector_load %arg12[%get3A_188, %get3A_189] {strides = array<i32>} : memref<157x128xi32, #tpu.memory_space<vmem>>, vector<16xi32>,
        tpu.vector_store_idx %arg14[%get3A_190], %gather3A_187 {add = true} : memref<10240xf32, #tpu.memory_space<vmem>>[vector<16xi32>], vector<16xf32>,
        %scan3A_191 = arith.constant 0 : i32
        scf.yield %scan3A_191 : i32
      }
      %scan3A_110 = arith.constant 157 : i32
      "tpu.region"() ({
        %run_scoped3A = tpu.sem_alloc : memref<!tpu.dma_semaphore, #tpu.memory_space<semaphore_mem>>
        %dma_start3A = arith.constant 0 : i32
        %dma_start3A_134 = tpu.memref_slice %arg10[%arg1, %dma_start3A] : memref<16x10240xf32, #tpu.memory_space<vmem_shared>> -> memref<1x10240xf32, #tpu.memory_space<vmem_shared>>
        %dma_start3A_135 = tpu.memref_squeeze %dma_start3A_134 : memref<1x10240xf32, #tpu.memory_space<vmem_shared>> -> memref<10240xf32, #tpu.memory_space<vmem_shared>>
        %dma_start3A_136 = arith.constant 0 : i32
        %dma_start3A_137 = tpu.memref_slice %arg10[%arg1, %dma_start3A_136] : memref<16x10240xf32, #tpu.memory_space<vmem_shared>> -> memref<1x10240xf32, #tpu.memory_space<vmem_shared>>
        %dma_start3A_138 = tpu.memref_squeeze %dma_start3A_137 : memref<1x10240xf32, #tpu.memory_space<vmem_shared>> -> memref<10240xf32, #tpu.memory_space<vmem_shared>>
        tpu.enqueue_dma source(%arg14 : memref<10240xf32, #tpu.memory_space<vmem>>) target(%dma_start3A_138 : memref<10240xf32, #tpu.memory_space<vmem_shared>>) target_semaphore(%run_scoped3A : memref<!tpu.dma_semaphore, #tpu.memory_space<semaphore_mem>>)
        %dma_wait3A = arith.constant 0 : i32
        %dma_wait3A_139 = tpu.memref_slice %arg10[%arg1, %dma_wait3A] : memref<16x10240xf32, #tpu.memory_space<vmem_shared>> -> memref<1x10240xf32, #tpu.memory_space<vmem_shared>>
        %dma_wait3A_140 = tpu.memref_squeeze %dma_wait3A_139 : memref<1x10240xf32, #tpu.memory_space<vmem_shared>> -> memref<10240xf32, #tpu.memory_space<vmem_shared>>
        %dma_wait3A_141 = arith.constant 0 : i32
        %dma_wait3A_142 = tpu.memref_slice %arg10[%arg1, %dma_wait3A_141] : memref<16x10240xf32, #tpu.memory_space<vmem_shared>> -> memref<1x10240xf32, #tpu.memory_space<vmem_shared>>
        %dma_wait3A_143 = tpu.memref_squeeze %dma_wait3A_142 : memref<1x10240xf32, #tpu.memory_space<vmem_shared>> -> memref<10240xf32, #tpu.memory_space<vmem_shared>>
        tpu.wait_dma2 semaphore(%run_scoped3A : memref<!tpu.dma_semaphore, #tpu.memory_space<semaphore_mem>>) src(%arg14 : memref<10240xf32, #tpu.memory_space<vmem>>) dst(%dma_wait3A_143 : memref<10240xf32, #tpu.memory_space<vmem_shared>>)
        tpu.yield
      }) : () -> ()
      %barrier3A_111 = arith.constant 0 : index
      tpu.barrier barrier_id(%barrier3A_111)
      %scan3A_112 = arith.constant 0 : i32
      %scan3A_113 = arith.constant 0 : i32
      %scan3A_114 = arith.constant 40 : i32
      %scan3A_115 = arith.addi %scan3A_113, %scan3A_114 : i32
      %scan3A_116 = arith.constant 1 : i32
      %scan3A_117 = scf.for %scan3A_134 = %scan3A_113 to %scan3A_115 step %scan3A_116 iter_args(%scan3A_135 = %scan3A_112) -> (i32)  : i32 {
        %broadcast_in_dim3A_136 = arith.constant 0.000000e+00 : f32
        %broadcast_in_dim3A_137 = vector.broadcast %broadcast_in_dim3A_136 : f32 to vector<16xf32>
        %mul3A_138 = arith.constant 16 : i32
        %mul3A_139 = arith.muli %scan3A_134, %mul3A_138 : i32
        %swap3A = arith.index_cast %mul3A_139 : i32 to index
        %swap3A_140 = tpu.vector_load %arg18[%swap3A] {strides = array<i32>} : memref<640xf32, #tpu.memory_space<vmem>>, vector<16xf32>,
        tpu.vector_store %arg18[%swap3A], %broadcast_in_dim3A_137 {strides = array<i32>} : memref<640xf32, #tpu.memory_space<vmem>>, vector<16xf32>,
        %scan3A_141 = arith.constant 0 : i32
        scf.yield %scan3A_141 : i32
      }
      %scan3A_118 = arith.constant 40 : i32
      %scan3A_119 = arith.constant 0 : i32
      %scan3A_120 = arith.constant 0 : i32
      %scan3A_121 = arith.constant 16 : i32
      %scan3A_122 = arith.addi %scan3A_120, %scan3A_121 : i32
      %scan3A_123 = arith.constant 1 : i32
      %scan3A_124 = scf.for %scan3A_134 = %scan3A_120 to %scan3A_122 step %scan3A_123 iter_args(%scan3A_135 = %scan3A_119) -> (i32)  : i32 {
        "tpu.region"() ({
          %run_scoped3A = tpu.sem_alloc : memref<!tpu.dma_semaphore, #tpu.memory_space<semaphore_mem>>
          %dma_start3A = tpu.memref_slice %arg10[%scan3A_134, %mul3A_0] : memref<16x10240xf32, #tpu.memory_space<vmem_shared>> -> memref<1x640xf32, #tpu.memory_space<vmem_shared>>
          %dma_start3A_144 = tpu.memref_squeeze %dma_start3A : memref<1x640xf32, #tpu.memory_space<vmem_shared>> -> memref<640xf32, #tpu.memory_space<vmem_shared>>
          %dma_start3A_145 = tpu.memref_slice %arg10[%scan3A_134, %mul3A_0] : memref<16x10240xf32, #tpu.memory_space<vmem_shared>> -> memref<1x640xf32, #tpu.memory_space<vmem_shared>>
          %dma_start3A_146 = tpu.memref_squeeze %dma_start3A_145 : memref<1x640xf32, #tpu.memory_space<vmem_shared>> -> memref<640xf32, #tpu.memory_space<vmem_shared>>
          tpu.enqueue_dma source(%dma_start3A_146 : memref<640xf32, #tpu.memory_space<vmem_shared>>) target(%arg19 : memref<640xf32, #tpu.memory_space<vmem>>) target_semaphore(%run_scoped3A : memref<!tpu.dma_semaphore, #tpu.memory_space<semaphore_mem>>)
          %dma_wait3A = tpu.memref_slice %arg10[%scan3A_134, %mul3A_0] : memref<16x10240xf32, #tpu.memory_space<vmem_shared>> -> memref<1x640xf32, #tpu.memory_space<vmem_shared>>
          %dma_wait3A_147 = tpu.memref_squeeze %dma_wait3A : memref<1x640xf32, #tpu.memory_space<vmem_shared>> -> memref<640xf32, #tpu.memory_space<vmem_shared>>
          %dma_wait3A_148 = tpu.memref_slice %arg10[%scan3A_134, %mul3A_0] : memref<16x10240xf32, #tpu.memory_space<vmem_shared>> -> memref<1x640xf32, #tpu.memory_space<vmem_shared>>
          %dma_wait3A_149 = tpu.memref_squeeze %dma_wait3A_148 : memref<1x640xf32, #tpu.memory_space<vmem_shared>> -> memref<640xf32, #tpu.memory_space<vmem_shared>>
          tpu.wait_dma2 semaphore(%run_scoped3A : memref<!tpu.dma_semaphore, #tpu.memory_space<semaphore_mem>>) src(%dma_wait3A_149 : memref<640xf32, #tpu.memory_space<vmem_shared>>) dst(%arg19 : memref<640xf32, #tpu.memory_space<vmem>>)
          tpu.yield
        }) : () -> ()
        %scan3A_136 = arith.constant 0 : i32
        %scan3A_137 = arith.constant 0 : i32
        %scan3A_138 = arith.constant 40 : i32
        %scan3A_139 = arith.addi %scan3A_137, %scan3A_138 : i32
        %scan3A_140 = arith.constant 1 : i32
        %scan3A_141 = scf.for %scan3A_144 = %scan3A_137 to %scan3A_139 step %scan3A_140 iter_args(%scan3A_145 = %scan3A_136) -> (i32)  : i32 {
          %mul3A_146 = arith.constant 16 : i32
          %mul3A_147 = arith.muli %scan3A_144, %mul3A_146 : i32
          %get3A = arith.index_cast %mul3A_147 : i32 to index
          %get3A_148 = tpu.vector_load %arg18[%get3A] {strides = array<i32>} : memref<640xf32, #tpu.memory_space<vmem>>, vector<16xf32>,
          %get3A_149 = arith.index_cast %mul3A_147 : i32 to index
          %get3A_150 = tpu.vector_load %arg19[%get3A_149] {strides = array<i32>} : memref<640xf32, #tpu.memory_space<vmem>>, vector<16xf32>,
          %add3A = arith.addf %get3A_148, %get3A_150 : vector<16xf32>
          %swap3A = arith.index_cast %mul3A_147 : i32 to index
          %swap3A_151 = tpu.vector_load %arg18[%swap3A] {strides = array<i32>} : memref<640xf32, #tpu.memory_space<vmem>>, vector<16xf32>,
          tpu.vector_store %arg18[%swap3A], %add3A {strides = array<i32>} : memref<640xf32, #tpu.memory_space<vmem>>, vector<16xf32>,
          %scan3A_152 = arith.constant 0 : i32
          scf.yield %scan3A_152 : i32
        }
        %scan3A_142 = arith.constant 40 : i32
        %scan3A_143 = arith.constant 0 : i32
        scf.yield %scan3A_143 : i32
      }
      %scan3A_125 = arith.constant 16 : i32
      %broadcast_in_dim3A = arith.constant 0 : i32
      %broadcast_in_dim3A_126 = vector.broadcast %broadcast_in_dim3A : i32 to vector<16xi32>
      %gather3A = tpu.vector_load_idx %arg22[%broadcast_in_dim3A_126] : memref<16xf32, #tpu.memory_space<vmem>>[vector<16xi32>], vector<16xf32>,
      %scan3A_127 = arith.constant 0 : i32
      %scan3A_128 = arith.constant 0 : i32
      %scan3A_129 = arith.constant 40 : i32
      %scan3A_130 = arith.addi %scan3A_128, %scan3A_129 : i32
      %scan3A_131 = arith.constant 1 : i32
      %scan3A_132 = scf.for %scan3A_134 = %scan3A_128 to %scan3A_130 step %scan3A_131 iter_args(%scan3A_135 = %scan3A_127) -> (i32)  : i32 {
        %mul3A_136 = arith.constant 16 : i32
        %mul3A_137 = arith.muli %scan3A_134, %mul3A_136 : i32
        %get3A = arith.constant 0 : i32
        %get3A_138 = arith.index_cast %get3A : i32 to index
        %get3A_139 = arith.index_cast %mul3A_137 : i32 to index
        %get3A_140 = tpu.vector_load %arg16[%get3A_138, %get3A_139] {strides = array<i32>} : memref<4x640xf32, #tpu.memory_space<vmem>>, vector<16xf32>,
        %get3A_141 = arith.index_cast %mul3A_137 : i32 to index
        %get3A_142 = tpu.vector_load %arg17[%get3A_141] {strides = array<i32>} : memref<640xf32, #tpu.memory_space<vmem>>, vector<16xf32>,
        %get3A_143 = arith.index_cast %mul3A_137 : i32 to index
        %get3A_144 = tpu.vector_load %arg18[%get3A_143] {strides = array<i32>} : memref<640xf32, #tpu.memory_space<vmem>>, vector<16xf32>,
        %mul3A_145 = arith.mulf %get3A_142, %get3A_144 : vector<16xf32>
        %add3A = arith.addf %get3A_140, %mul3A_145 : vector<16xf32>
        %add3A_146 = arith.addf %add3A, %gather3A : vector<16xf32>
        %swap3A = arith.index_cast %mul3A_137 : i32 to index
        %swap3A_147 = tpu.vector_load %arg20[%swap3A] {strides = array<i32>} : memref<640xf32, #tpu.memory_space<vmem>>, vector<16xf32>,
        tpu.vector_store %arg20[%swap3A], %add3A_146 {strides = array<i32>} : memref<640xf32, #tpu.memory_space<vmem>>, vector<16xf32>,
        %scan3A_148 = arith.constant 0 : i32
        scf.yield %scan3A_148 : i32
      }
      %scan3A_133 = arith.constant 40 : i32
      "tpu.region"() ({
        %run_scoped3A = tpu.sem_alloc : memref<!tpu.dma_semaphore, #tpu.memory_space<semaphore_mem>>
        %dma_start3A = tpu.memref_slice %arg8[%mul3A_0] : memref<10240xf32, #tpu.memory_space<hbm>> -> memref<640xf32, #tpu.memory_space<hbm>>
        %dma_start3A_134 = tpu.memref_slice %arg8[%mul3A_0] : memref<10240xf32, #tpu.memory_space<hbm>> -> memref<640xf32, #tpu.memory_space<hbm>>
        tpu.enqueue_dma source(%arg20 : memref<640xf32, #tpu.memory_space<vmem>>) target(%dma_start3A_134 : memref<640xf32, #tpu.memory_space<hbm>>) target_semaphore(%run_scoped3A : memref<!tpu.dma_semaphore, #tpu.memory_space<semaphore_mem>>)
        %dma_wait3A = tpu.memref_slice %arg8[%mul3A_0] : memref<10240xf32, #tpu.memory_space<hbm>> -> memref<640xf32, #tpu.memory_space<hbm>>
        %dma_wait3A_135 = tpu.memref_slice %arg8[%mul3A_0] : memref<10240xf32, #tpu.memory_space<hbm>> -> memref<640xf32, #tpu.memory_space<hbm>>
        tpu.wait_dma2 semaphore(%run_scoped3A : memref<!tpu.dma_semaphore, #tpu.memory_space<semaphore_mem>>) src(%arg20 : memref<640xf32, #tpu.memory_space<vmem>>) dst(%dma_wait3A_135 : memref<640xf32, #tpu.memory_space<hbm>>)
        tpu.yield
      }) : () -> ()
    } else {
    }
    return
  }
}

#map = affine_map<(d0, d1) -> (0, 0, 0)>
#map1 = affine_map<(d0, d1) -> (0, 0)>
#map2 = affine_map<(d0, d1) -> (0)>
module attributes {stable_mosaic.version = 14 : i64} {
  func.func @k(%arg0: i32, %arg1: i32, %arg2: memref<16x157x128xi32, #tpu.memory_space<hbm>>, %arg3: memref<16x157x128xi32, #tpu.memory_space<hbm>>, %arg4: memref<10240x256xf32, #tpu.memory_space<hbm>>, %arg5: memref<64xf32, #tpu.memory_space<hbm>>, %arg6: memref<10240x64xf32, #tpu.memory_space<hbm>>, %arg7: memref<10240xf32, #tpu.memory_space<hbm>>, %arg8: memref<20480x32xf32, #tpu.memory_space<hbm>>, %arg9: memref<10240x32xf32, #tpu.memory_space<vmem_shared>>, %arg10: memref<10240xf32, #tpu.memory_space<vmem_shared>>, %arg11: memref<157x128xi32, #tpu.memory_space<vmem>>, %arg12: memref<157x128xi32, #tpu.memory_space<vmem>>, %arg13: memref<6x128x32xf32, #tpu.memory_space<vmem>>, %arg14: memref<128xf32, #tpu.memory_space<vmem>>, %arg15: memref<640xf32, #tpu.memory_space<vmem>>, %arg16: memref<640x32xf32, #tpu.memory_space<vmem>>, %arg17: memref<640x32xf32, #tpu.memory_space<vmem>>, %arg18: memref<64xf32, #tpu.memory_space<vmem>>, %arg19: memref<640xf32, #tpu.memory_space<vmem>>, %arg20: memref<!tpu.dma_semaphore, #tpu.memory_space<semaphore_mem>>, %arg21: memref<!tpu.dma_semaphore, #tpu.memory_space<semaphore_mem>>) attributes {dimension_semantics = [#tpu.dimension_semantics<core_parallel>, #tpu.dimension_semantics<subcore_parallel>], iteration_bounds = array<i64: 2, 16>, scalar_prefetch = 0 : i64, scratch_operands = 13 : i64, tpu.core_type = #tpu.core_type<sc_vector_subcore>, window_params = [{transform_indices = #map}, {transform_indices = #map}, {transform_indices = #map1}, {transform_indices = #map2}, {transform_indices = #map1}, {transform_indices = #map2}, {transform_indices = #map1}]} {
    %mul3A = arith.constant 640 : i32
    %mul3A_0 = arith.muli %arg1, %mul3A : i32
    %mul3A_1 = arith.constant 10240 : i32
    %mul3A_2 = arith.muli %arg0, %mul3A_1 : i32
    "tpu.region"() ({
      %run_scoped3A = tpu.sem_alloc : memref<!tpu.dma_semaphore, #tpu.memory_space<semaphore_mem>>
      %dma_start3A_361 = arith.constant 0 : i32
      %dma_start3A_362 = arith.constant 0 : i32
      %dma_start3A_363 = tpu.memref_slice %arg2[%arg1, %dma_start3A_361, %dma_start3A_362] : memref<16x157x128xi32, #tpu.memory_space<hbm>> -> memref<1x157x128xi32, #tpu.memory_space<hbm>>
      %dma_start3A_364 = tpu.memref_squeeze %dma_start3A_363 : memref<1x157x128xi32, #tpu.memory_space<hbm>> -> memref<157x128xi32, #tpu.memory_space<hbm>>
      %dma_start3A_365 = arith.constant 0 : i32
      %dma_start3A_366 = arith.constant 0 : i32
      %dma_start3A_367 = tpu.memref_slice %arg2[%arg1, %dma_start3A_365, %dma_start3A_366] : memref<16x157x128xi32, #tpu.memory_space<hbm>> -> memref<1x157x128xi32, #tpu.memory_space<hbm>>
      %dma_start3A_368 = tpu.memref_squeeze %dma_start3A_367 : memref<1x157x128xi32, #tpu.memory_space<hbm>> -> memref<157x128xi32, #tpu.memory_space<hbm>>
      tpu.enqueue_dma source(%dma_start3A_368 : memref<157x128xi32, #tpu.memory_space<hbm>>) target(%arg11 : memref<157x128xi32, #tpu.memory_space<vmem>>) target_semaphore(%run_scoped3A : memref<!tpu.dma_semaphore, #tpu.memory_space<semaphore_mem>>)
      %dma_wait3A_369 = arith.constant 0 : i32
      %dma_wait3A_370 = arith.constant 0 : i32
      %dma_wait3A_371 = tpu.memref_slice %arg2[%arg1, %dma_wait3A_369, %dma_wait3A_370] : memref<16x157x128xi32, #tpu.memory_space<hbm>> -> memref<1x157x128xi32, #tpu.memory_space<hbm>>
      %dma_wait3A_372 = tpu.memref_squeeze %dma_wait3A_371 : memref<1x157x128xi32, #tpu.memory_space<hbm>> -> memref<157x128xi32, #tpu.memory_space<hbm>>
      %dma_wait3A_373 = arith.constant 0 : i32
      %dma_wait3A_374 = arith.constant 0 : i32
      %dma_wait3A_375 = tpu.memref_slice %arg2[%arg1, %dma_wait3A_373, %dma_wait3A_374] : memref<16x157x128xi32, #tpu.memory_space<hbm>> -> memref<1x157x128xi32, #tpu.memory_space<hbm>>
      %dma_wait3A_376 = tpu.memref_squeeze %dma_wait3A_375 : memref<1x157x128xi32, #tpu.memory_space<hbm>> -> memref<157x128xi32, #tpu.memory_space<hbm>>
      tpu.wait_dma2 semaphore(%run_scoped3A : memref<!tpu.dma_semaphore, #tpu.memory_space<semaphore_mem>>) src(%dma_wait3A_376 : memref<157x128xi32, #tpu.memory_space<hbm>>) dst(%arg11 : memref<157x128xi32, #tpu.memory_space<vmem>>)
      tpu.yield
    }) : () -> ()
    "tpu.region"() ({
      %run_scoped3A = tpu.sem_alloc : memref<!tpu.dma_semaphore, #tpu.memory_space<semaphore_mem>>
      %dma_start3A_361 = arith.constant 0 : i32
      %dma_start3A_362 = arith.constant 0 : i32
      %dma_start3A_363 = tpu.memref_slice %arg3[%arg1, %dma_start3A_361, %dma_start3A_362] : memref<16x157x128xi32, #tpu.memory_space<hbm>> -> memref<1x157x128xi32, #tpu.memory_space<hbm>>
      %dma_start3A_364 = tpu.memref_squeeze %dma_start3A_363 : memref<1x157x128xi32, #tpu.memory_space<hbm>> -> memref<157x128xi32, #tpu.memory_space<hbm>>
      %dma_start3A_365 = arith.constant 0 : i32
      %dma_start3A_366 = arith.constant 0 : i32
      %dma_start3A_367 = tpu.memref_slice %arg3[%arg1, %dma_start3A_365, %dma_start3A_366] : memref<16x157x128xi32, #tpu.memory_space<hbm>> -> memref<1x157x128xi32, #tpu.memory_space<hbm>>
      %dma_start3A_368 = tpu.memref_squeeze %dma_start3A_367 : memref<1x157x128xi32, #tpu.memory_space<hbm>> -> memref<157x128xi32, #tpu.memory_space<hbm>>
      tpu.enqueue_dma source(%dma_start3A_368 : memref<157x128xi32, #tpu.memory_space<hbm>>) target(%arg12 : memref<157x128xi32, #tpu.memory_space<vmem>>) target_semaphore(%run_scoped3A : memref<!tpu.dma_semaphore, #tpu.memory_space<semaphore_mem>>)
      %dma_wait3A_369 = arith.constant 0 : i32
      %dma_wait3A_370 = arith.constant 0 : i32
      %dma_wait3A_371 = tpu.memref_slice %arg3[%arg1, %dma_wait3A_369, %dma_wait3A_370] : memref<16x157x128xi32, #tpu.memory_space<hbm>> -> memref<1x157x128xi32, #tpu.memory_space<hbm>>
      %dma_wait3A_372 = tpu.memref_squeeze %dma_wait3A_371 : memref<1x157x128xi32, #tpu.memory_space<hbm>> -> memref<157x128xi32, #tpu.memory_space<hbm>>
      %dma_wait3A_373 = arith.constant 0 : i32
      %dma_wait3A_374 = arith.constant 0 : i32
      %dma_wait3A_375 = tpu.memref_slice %arg3[%arg1, %dma_wait3A_373, %dma_wait3A_374] : memref<16x157x128xi32, #tpu.memory_space<hbm>> -> memref<1x157x128xi32, #tpu.memory_space<hbm>>
      %dma_wait3A_376 = tpu.memref_squeeze %dma_wait3A_375 : memref<1x157x128xi32, #tpu.memory_space<hbm>> -> memref<157x128xi32, #tpu.memory_space<hbm>>
      tpu.wait_dma2 semaphore(%run_scoped3A : memref<!tpu.dma_semaphore, #tpu.memory_space<semaphore_mem>>) src(%dma_wait3A_376 : memref<157x128xi32, #tpu.memory_space<hbm>>) dst(%arg12 : memref<157x128xi32, #tpu.memory_space<vmem>>)
      tpu.yield
    }) : () -> ()
    "tpu.region"() ({
      %run_scoped3A = tpu.sem_alloc : memref<!tpu.dma_semaphore, #tpu.memory_space<semaphore_mem>>
      tpu.enqueue_dma source(%arg5 : memref<64xf32, #tpu.memory_space<hbm>>) target(%arg18 : memref<64xf32, #tpu.memory_space<vmem>>) target_semaphore(%run_scoped3A : memref<!tpu.dma_semaphore, #tpu.memory_space<semaphore_mem>>)
      tpu.wait_dma2 semaphore(%run_scoped3A : memref<!tpu.dma_semaphore, #tpu.memory_space<semaphore_mem>>) src(%arg5 : memref<64xf32, #tpu.memory_space<hbm>>) dst(%arg18 : memref<64xf32, #tpu.memory_space<vmem>>)
      tpu.yield
    }) : () -> ()
    %scan3A = arith.constant 0 : i32
    %scan3A_3 = arith.constant 0 : i32
    %scan3A_4 = arith.constant 157 : i32
    %scan3A_5 = arith.addi %scan3A_3, %scan3A_4 : i32
    %scan3A_6 = arith.constant 1 : i32
    %scan3A_7 = scf.for %scan3A_361 = %scan3A_3 to %scan3A_5 step %scan3A_6 iter_args(%scan3A_362 = %scan3A) -> (i32)  : i32 {
      %get3A = arith.index_cast %scan3A_361 : i32 to index
      %get3A_363 = arith.constant 0 : index
      %get3A_364 = tpu.vector_load %arg11[%get3A, %get3A_363] {strides = array<i32>} : memref<157x128xi32, #tpu.memory_space<vmem>>, vector<16xi32>,
      %add3A_365 = vector.broadcast %mul3A_2 : i32 to vector<16xi32>
      %add3A_366 = arith.addi %get3A_364, %add3A_365 : vector<16xi32>
      %swap3A_367 = arith.index_cast %scan3A_361 : i32 to index
      %swap3A_368 = arith.constant 0 : index
      %swap3A_369 = tpu.vector_load %arg11[%swap3A_367, %swap3A_368] {strides = array<i32>} : memref<157x128xi32, #tpu.memory_space<vmem>>, vector<16xi32>,
      tpu.vector_store %arg11[%swap3A_367, %swap3A_368], %add3A_366 {strides = array<i32>} : memref<157x128xi32, #tpu.memory_space<vmem>>, vector<16xi32>,
      %get3A_370 = arith.index_cast %scan3A_361 : i32 to index
      %get3A_371 = arith.constant 16 : index
      %get3A_372 = tpu.vector_load %arg11[%get3A_370, %get3A_371] {strides = array<i32>} : memref<157x128xi32, #tpu.memory_space<vmem>>, vector<16xi32>,
      %add3A_373 = vector.broadcast %mul3A_2 : i32 to vector<16xi32>
      %add3A_374 = arith.addi %get3A_372, %add3A_373 : vector<16xi32>
      %swap3A_375 = arith.index_cast %scan3A_361 : i32 to index
      %swap3A_376 = arith.constant 16 : index
      %swap3A_377 = tpu.vector_load %arg11[%swap3A_375, %swap3A_376] {strides = array<i32>} : memref<157x128xi32, #tpu.memory_space<vmem>>, vector<16xi32>,
      tpu.vector_store %arg11[%swap3A_375, %swap3A_376], %add3A_374 {strides = array<i32>} : memref<157x128xi32, #tpu.memory_space<vmem>>, vector<16xi32>,
      %get3A_378 = arith.index_cast %scan3A_361 : i32 to index
      %get3A_379 = arith.constant 32 : index
      %get3A_380 = tpu.vector_load %arg11[%get3A_378, %get3A_379] {strides = array<i32>} : memref<157x128xi32, #tpu.memory_space<vmem>>, vector<16xi32>,
      %add3A_381 = vector.broadcast %mul3A_2 : i32 to vector<16xi32>
      %add3A_382 = arith.addi %get3A_380, %add3A_381 : vector<16xi32>
      %swap3A_383 = arith.index_cast %scan3A_361 : i32 to index
      %swap3A_384 = arith.constant 32 : index
      %swap3A_385 = tpu.vector_load %arg11[%swap3A_383, %swap3A_384] {strides = array<i32>} : memref<157x128xi32, #tpu.memory_space<vmem>>, vector<16xi32>,
      tpu.vector_store %arg11[%swap3A_383, %swap3A_384], %add3A_382 {strides = array<i32>} : memref<157x128xi32, #tpu.memory_space<vmem>>, vector<16xi32>,
      %get3A_386 = arith.index_cast %scan3A_361 : i32 to index
      %get3A_387 = arith.constant 48 : index
      %get3A_388 = tpu.vector_load %arg11[%get3A_386, %get3A_387] {strides = array<i32>} : memref<157x128xi32, #tpu.memory_space<vmem>>, vector<16xi32>,
      %add3A_389 = vector.broadcast %mul3A_2 : i32 to vector<16xi32>
      %add3A_390 = arith.addi %get3A_388, %add3A_389 : vector<16xi32>
      %swap3A_391 = arith.index_cast %scan3A_361 : i32 to index
      %swap3A_392 = arith.constant 48 : index
      %swap3A_393 = tpu.vector_load %arg11[%swap3A_391, %swap3A_392] {strides = array<i32>} : memref<157x128xi32, #tpu.memory_space<vmem>>, vector<16xi32>,
      tpu.vector_store %arg11[%swap3A_391, %swap3A_392], %add3A_390 {strides = array<i32>} : memref<157x128xi32, #tpu.memory_space<vmem>>, vector<16xi32>,
      %get3A_394 = arith.index_cast %scan3A_361 : i32 to index
      %get3A_395 = arith.constant 64 : index
      %get3A_396 = tpu.vector_load %arg11[%get3A_394, %get3A_395] {strides = array<i32>} : memref<157x128xi32, #tpu.memory_space<vmem>>, vector<16xi32>,
      %add3A_397 = vector.broadcast %mul3A_2 : i32 to vector<16xi32>
      %add3A_398 = arith.addi %get3A_396, %add3A_397 : vector<16xi32>
      %swap3A_399 = arith.index_cast %scan3A_361 : i32 to index
      %swap3A_400 = arith.constant 64 : index
      %swap3A_401 = tpu.vector_load %arg11[%swap3A_399, %swap3A_400] {strides = array<i32>} : memref<157x128xi32, #tpu.memory_space<vmem>>, vector<16xi32>,
      tpu.vector_store %arg11[%swap3A_399, %swap3A_400], %add3A_398 {strides = array<i32>} : memref<157x128xi32, #tpu.memory_space<vmem>>, vector<16xi32>,
      %get3A_402 = arith.index_cast %scan3A_361 : i32 to index
      %get3A_403 = arith.constant 80 : index
      %get3A_404 = tpu.vector_load %arg11[%get3A_402, %get3A_403] {strides = array<i32>} : memref<157x128xi32, #tpu.memory_space<vmem>>, vector<16xi32>,
      %add3A_405 = vector.broadcast %mul3A_2 : i32 to vector<16xi32>
      %add3A_406 = arith.addi %get3A_404, %add3A_405 : vector<16xi32>
      %swap3A_407 = arith.index_cast %scan3A_361 : i32 to index
      %swap3A_408 = arith.constant 80 : index
      %swap3A_409 = tpu.vector_load %arg11[%swap3A_407, %swap3A_408] {strides = array<i32>} : memref<157x128xi32, #tpu.memory_space<vmem>>, vector<16xi32>,
      tpu.vector_store %arg11[%swap3A_407, %swap3A_408], %add3A_406 {strides = array<i32>} : memref<157x128xi32, #tpu.memory_space<vmem>>, vector<16xi32>,
      %get3A_410 = arith.index_cast %scan3A_361 : i32 to index
      %get3A_411 = arith.constant 96 : index
      %get3A_412 = tpu.vector_load %arg11[%get3A_410, %get3A_411] {strides = array<i32>} : memref<157x128xi32, #tpu.memory_space<vmem>>, vector<16xi32>,
      %add3A_413 = vector.broadcast %mul3A_2 : i32 to vector<16xi32>
      %add3A_414 = arith.addi %get3A_412, %add3A_413 : vector<16xi32>
      %swap3A_415 = arith.index_cast %scan3A_361 : i32 to index
      %swap3A_416 = arith.constant 96 : index
      %swap3A_417 = tpu.vector_load %arg11[%swap3A_415, %swap3A_416] {strides = array<i32>} : memref<157x128xi32, #tpu.memory_space<vmem>>, vector<16xi32>,
      tpu.vector_store %arg11[%swap3A_415, %swap3A_416], %add3A_414 {strides = array<i32>} : memref<157x128xi32, #tpu.memory_space<vmem>>, vector<16xi32>,
      %get3A_418 = arith.index_cast %scan3A_361 : i32 to index
      %get3A_419 = arith.constant 112 : index
      %get3A_420 = tpu.vector_load %arg11[%get3A_418, %get3A_419] {strides = array<i32>} : memref<157x128xi32, #tpu.memory_space<vmem>>, vector<16xi32>,
      %add3A_421 = vector.broadcast %mul3A_2 : i32 to vector<16xi32>
      %add3A_422 = arith.addi %get3A_420, %add3A_421 : vector<16xi32>
      %swap3A_423 = arith.index_cast %scan3A_361 : i32 to index
      %swap3A_424 = arith.constant 112 : index
      %swap3A_425 = tpu.vector_load %arg11[%swap3A_423, %swap3A_424] {strides = array<i32>} : memref<157x128xi32, #tpu.memory_space<vmem>>, vector<16xi32>,
      tpu.vector_store %arg11[%swap3A_423, %swap3A_424], %add3A_422 {strides = array<i32>} : memref<157x128xi32, #tpu.memory_space<vmem>>, vector<16xi32>,
      %scan3A_426 = arith.constant 0 : i32
      scf.yield %scan3A_426 : i32
    }
    %scan3A_8 = arith.constant 157 : i32
    %broadcast_in_dim3A = arith.constant 1.000000e+00 : f32
    %broadcast_in_dim3A_9 = vector.broadcast %broadcast_in_dim3A : f32 to vector<16xf32>
    %swap3A = arith.constant 0 : index
    %swap3A_10 = tpu.vector_load %arg14[%swap3A] {strides = array<i32>} : memref<128xf32, #tpu.memory_space<vmem>>, vector<16xf32>,
    tpu.vector_store %arg14[%swap3A], %broadcast_in_dim3A_9 {strides = array<i32>} : memref<128xf32, #tpu.memory_space<vmem>>, vector<16xf32>,
    %broadcast_in_dim3A_11 = arith.constant 1.000000e+00 : f32
    %broadcast_in_dim3A_12 = vector.broadcast %broadcast_in_dim3A_11 : f32 to vector<16xf32>
    %swap3A_13 = arith.constant 16 : index
    %swap3A_14 = tpu.vector_load %arg14[%swap3A_13] {strides = array<i32>} : memref<128xf32, #tpu.memory_space<vmem>>, vector<16xf32>,
    tpu.vector_store %arg14[%swap3A_13], %broadcast_in_dim3A_12 {strides = array<i32>} : memref<128xf32, #tpu.memory_space<vmem>>, vector<16xf32>,
    %broadcast_in_dim3A_15 = arith.constant 1.000000e+00 : f32
    %broadcast_in_dim3A_16 = vector.broadcast %broadcast_in_dim3A_15 : f32 to vector<16xf32>
    %swap3A_17 = arith.constant 32 : index
    %swap3A_18 = tpu.vector_load %arg14[%swap3A_17] {strides = array<i32>} : memref<128xf32, #tpu.memory_space<vmem>>, vector<16xf32>,
    tpu.vector_store %arg14[%swap3A_17], %broadcast_in_dim3A_16 {strides = array<i32>} : memref<128xf32, #tpu.memory_space<vmem>>, vector<16xf32>,
    %broadcast_in_dim3A_19 = arith.constant 1.000000e+00 : f32
    %broadcast_in_dim3A_20 = vector.broadcast %broadcast_in_dim3A_19 : f32 to vector<16xf32>
    %swap3A_21 = arith.constant 48 : index
    %swap3A_22 = tpu.vector_load %arg14[%swap3A_21] {strides = array<i32>} : memref<128xf32, #tpu.memory_space<vmem>>, vector<16xf32>,
    tpu.vector_store %arg14[%swap3A_21], %broadcast_in_dim3A_20 {strides = array<i32>} : memref<128xf32, #tpu.memory_space<vmem>>, vector<16xf32>,
    %broadcast_in_dim3A_23 = arith.constant 1.000000e+00 : f32
    %broadcast_in_dim3A_24 = vector.broadcast %broadcast_in_dim3A_23 : f32 to vector<16xf32>
    %swap3A_25 = arith.constant 64 : index
    %swap3A_26 = tpu.vector_load %arg14[%swap3A_25] {strides = array<i32>} : memref<128xf32, #tpu.memory_space<vmem>>, vector<16xf32>,
    tpu.vector_store %arg14[%swap3A_25], %broadcast_in_dim3A_24 {strides = array<i32>} : memref<128xf32, #tpu.memory_space<vmem>>, vector<16xf32>,
    %broadcast_in_dim3A_27 = arith.constant 1.000000e+00 : f32
    %broadcast_in_dim3A_28 = vector.broadcast %broadcast_in_dim3A_27 : f32 to vector<16xf32>
    %swap3A_29 = arith.constant 80 : index
    %swap3A_30 = tpu.vector_load %arg14[%swap3A_29] {strides = array<i32>} : memref<128xf32, #tpu.memory_space<vmem>>, vector<16xf32>,
    tpu.vector_store %arg14[%swap3A_29], %broadcast_in_dim3A_28 {strides = array<i32>} : memref<128xf32, #tpu.memory_space<vmem>>, vector<16xf32>,
    %broadcast_in_dim3A_31 = arith.constant 1.000000e+00 : f32
    %broadcast_in_dim3A_32 = vector.broadcast %broadcast_in_dim3A_31 : f32 to vector<16xf32>
    %swap3A_33 = arith.constant 96 : index
    %swap3A_34 = tpu.vector_load %arg14[%swap3A_33] {strides = array<i32>} : memref<128xf32, #tpu.memory_space<vmem>>, vector<16xf32>,
    tpu.vector_store %arg14[%swap3A_33], %broadcast_in_dim3A_32 {strides = array<i32>} : memref<128xf32, #tpu.memory_space<vmem>>, vector<16xf32>,
    %broadcast_in_dim3A_35 = arith.constant 1.000000e+00 : f32
    %broadcast_in_dim3A_36 = vector.broadcast %broadcast_in_dim3A_35 : f32 to vector<16xf32>
    %swap3A_37 = arith.constant 112 : index
    %swap3A_38 = tpu.vector_load %arg14[%swap3A_37] {strides = array<i32>} : memref<128xf32, #tpu.memory_space<vmem>>, vector<16xf32>,
    tpu.vector_store %arg14[%swap3A_37], %broadcast_in_dim3A_36 {strides = array<i32>} : memref<128xf32, #tpu.memory_space<vmem>>, vector<16xf32>,
    %scan3A_39 = arith.constant 0 : i32
    %scan3A_40 = arith.constant 0 : i32
    %scan3A_41 = arith.constant 40 : i32
    %scan3A_42 = arith.addi %scan3A_40, %scan3A_41 : i32
    %scan3A_43 = arith.constant 1 : i32
    %scan3A_44 = scf.for %scan3A_361 = %scan3A_40 to %scan3A_42 step %scan3A_43 iter_args(%scan3A_362 = %scan3A_39) -> (i32)  : i32 {
      %broadcast_in_dim3A_363 = arith.constant 0.000000e+00 : f32
      %broadcast_in_dim3A_364 = vector.broadcast %broadcast_in_dim3A_363 : f32 to vector<16xf32>
      %mul3A_365 = arith.constant 16 : i32
      %mul3A_366 = arith.muli %scan3A_361, %mul3A_365 : i32
      %swap3A_367 = arith.index_cast %mul3A_366 : i32 to index
      %swap3A_368 = tpu.vector_load %arg15[%swap3A_367] {strides = array<i32>} : memref<640xf32, #tpu.memory_space<vmem>>, vector<16xf32>,
      tpu.vector_store %arg15[%swap3A_367], %broadcast_in_dim3A_364 {strides = array<i32>} : memref<640xf32, #tpu.memory_space<vmem>>, vector<16xf32>,
      %scan3A_369 = arith.constant 0 : i32
      scf.yield %scan3A_369 : i32
    }
    %scan3A_45 = arith.constant 40 : i32
    "tpu.region"() ({
      %run_scoped3A = tpu.sem_alloc : memref<!tpu.dma_semaphore, #tpu.memory_space<semaphore_mem>>
      %dma_start3A_361 = tpu.memref_slice %arg10[%mul3A_0] : memref<10240xf32, #tpu.memory_space<vmem_shared>> -> memref<640xf32, #tpu.memory_space<vmem_shared>>
      %dma_start3A_362 = tpu.memref_slice %arg10[%mul3A_0] : memref<10240xf32, #tpu.memory_space<vmem_shared>> -> memref<640xf32, #tpu.memory_space<vmem_shared>>
      tpu.enqueue_dma source(%arg15 : memref<640xf32, #tpu.memory_space<vmem>>) target(%dma_start3A_362 : memref<640xf32, #tpu.memory_space<vmem_shared>>) target_semaphore(%run_scoped3A : memref<!tpu.dma_semaphore, #tpu.memory_space<semaphore_mem>>)
      %dma_wait3A_363 = tpu.memref_slice %arg10[%mul3A_0] : memref<10240xf32, #tpu.memory_space<vmem_shared>> -> memref<640xf32, #tpu.memory_space<vmem_shared>>
      %dma_wait3A_364 = tpu.memref_slice %arg10[%mul3A_0] : memref<10240xf32, #tpu.memory_space<vmem_shared>> -> memref<640xf32, #tpu.memory_space<vmem_shared>>
      tpu.wait_dma2 semaphore(%run_scoped3A : memref<!tpu.dma_semaphore, #tpu.memory_space<semaphore_mem>>) src(%arg15 : memref<640xf32, #tpu.memory_space<vmem>>) dst(%dma_wait3A_364 : memref<640xf32, #tpu.memory_space<vmem_shared>>)
      tpu.yield
    }) : () -> ()
    %barrier3A = arith.constant 0 : index
    tpu.barrier barrier_id(%barrier3A)
    %scan3A_46 = arith.constant 0 : i32
    %scan3A_47 = arith.constant 0 : i32
    %scan3A_48 = arith.constant 19 : i32
    %scan3A_49 = arith.addi %scan3A_47, %scan3A_48 : i32
    %scan3A_50 = arith.constant 1 : i32
    %scan3A_51 = scf.for %scan3A_361 = %scan3A_47 to %scan3A_49 step %scan3A_50 iter_args(%scan3A_362 = %scan3A_46) -> (i32)  : i32 {
      %mul3A_363 = arith.constant 8 : i32
      %mul3A_364 = arith.muli %scan3A_361, %mul3A_363 : i32
      %add3A_365 = arith.constant 0 : i32
      %add3A_366 = arith.addi %mul3A_364, %add3A_365 : i32
      %dma_start3A_367 = arith.constant 0 : i32
      %dma_start3A_368 = tpu.memref_slice %arg12[%add3A_366, %dma_start3A_367] : memref<157x128xi32, #tpu.memory_space<vmem>> -> memref<1x128xi32, #tpu.memory_space<vmem>>
      %dma_start3A_369 = tpu.memref_squeeze %dma_start3A_368 : memref<1x128xi32, #tpu.memory_space<vmem>> -> memref<128xi32, #tpu.memory_space<vmem>>
      %dma_start3A_370 = arith.constant 0 : i32
      %dma_start3A_371 = tpu.memref_slice %arg10[%dma_start3A_370] : memref<10240xf32, #tpu.memory_space<vmem_shared>> -> memref<10240xf32, #tpu.memory_space<vmem_shared>>
      tpu.enqueue_indirect_dma source(%arg14 : memref<128xf32, #tpu.memory_space<vmem>>) target(%dma_start3A_371 : memref<10240xf32, #tpu.memory_space<vmem_shared>>) offsets(%dma_start3A_369 : memref<128xi32, #tpu.memory_space<vmem>>) semaphore(%arg21 : memref<!tpu.dma_semaphore, #tpu.memory_space<semaphore_mem>>) {add = true}
      %add3A_372 = arith.constant 1 : i32
      %add3A_373 = arith.addi %mul3A_364, %add3A_372 : i32
      %dma_start3A_374 = arith.constant 0 : i32
      %dma_start3A_375 = tpu.memref_slice %arg12[%add3A_373, %dma_start3A_374] : memref<157x128xi32, #tpu.memory_space<vmem>> -> memref<1x128xi32, #tpu.memory_space<vmem>>
      %dma_start3A_376 = tpu.memref_squeeze %dma_start3A_375 : memref<1x128xi32, #tpu.memory_space<vmem>> -> memref<128xi32, #tpu.memory_space<vmem>>
      %dma_start3A_377 = arith.constant 0 : i32
      %dma_start3A_378 = tpu.memref_slice %arg10[%dma_start3A_377] : memref<10240xf32, #tpu.memory_space<vmem_shared>> -> memref<10240xf32, #tpu.memory_space<vmem_shared>>
      tpu.enqueue_indirect_dma source(%arg14 : memref<128xf32, #tpu.memory_space<vmem>>) target(%dma_start3A_378 : memref<10240xf32, #tpu.memory_space<vmem_shared>>) offsets(%dma_start3A_376 : memref<128xi32, #tpu.memory_space<vmem>>) semaphore(%arg21 : memref<!tpu.dma_semaphore, #tpu.memory_space<semaphore_mem>>) {add = true}
      %add3A_379 = arith.constant 2 : i32
      %add3A_380 = arith.addi %mul3A_364, %add3A_379 : i32
      %dma_start3A_381 = arith.constant 0 : i32
      %dma_start3A_382 = tpu.memref_slice %arg12[%add3A_380, %dma_start3A_381] : memref<157x128xi32, #tpu.memory_space<vmem>> -> memref<1x128xi32, #tpu.memory_space<vmem>>
      %dma_start3A_383 = tpu.memref_squeeze %dma_start3A_382 : memref<1x128xi32, #tpu.memory_space<vmem>> -> memref<128xi32, #tpu.memory_space<vmem>>
      %dma_start3A_384 = arith.constant 0 : i32
      %dma_start3A_385 = tpu.memref_slice %arg10[%dma_start3A_384] : memref<10240xf32, #tpu.memory_space<vmem_shared>> -> memref<10240xf32, #tpu.memory_space<vmem_shared>>
      tpu.enqueue_indirect_dma source(%arg14 : memref<128xf32, #tpu.memory_space<vmem>>) target(%dma_start3A_385 : memref<10240xf32, #tpu.memory_space<vmem_shared>>) offsets(%dma_start3A_383 : memref<128xi32, #tpu.memory_space<vmem>>) semaphore(%arg21 : memref<!tpu.dma_semaphore, #tpu.memory_space<semaphore_mem>>) {add = true}
      %add3A_386 = arith.constant 3 : i32
      %add3A_387 = arith.addi %mul3A_364, %add3A_386 : i32
      %dma_start3A_388 = arith.constant 0 : i32
      %dma_start3A_389 = tpu.memref_slice %arg12[%add3A_387, %dma_start3A_388] : memref<157x128xi32, #tpu.memory_space<vmem>> -> memref<1x128xi32, #tpu.memory_space<vmem>>
      %dma_start3A_390 = tpu.memref_squeeze %dma_start3A_389 : memref<1x128xi32, #tpu.memory_space<vmem>> -> memref<128xi32, #tpu.memory_space<vmem>>
      %dma_start3A_391 = arith.constant 0 : i32
      %dma_start3A_392 = tpu.memref_slice %arg10[%dma_start3A_391] : memref<10240xf32, #tpu.memory_space<vmem_shared>> -> memref<10240xf32, #tpu.memory_space<vmem_shared>>
      tpu.enqueue_indirect_dma source(%arg14 : memref<128xf32, #tpu.memory_space<vmem>>) target(%dma_start3A_392 : memref<10240xf32, #tpu.memory_space<vmem_shared>>) offsets(%dma_start3A_390 : memref<128xi32, #tpu.memory_space<vmem>>) semaphore(%arg21 : memref<!tpu.dma_semaphore, #tpu.memory_space<semaphore_mem>>) {add = true}
      %add3A_393 = arith.constant 4 : i32
      %add3A_394 = arith.addi %mul3A_364, %add3A_393 : i32
      %dma_start3A_395 = arith.constant 0 : i32
      %dma_start3A_396 = tpu.memref_slice %arg12[%add3A_394, %dma_start3A_395] : memref<157x128xi32, #tpu.memory_space<vmem>> -> memref<1x128xi32, #tpu.memory_space<vmem>>
      %dma_start3A_397 = tpu.memref_squeeze %dma_start3A_396 : memref<1x128xi32, #tpu.memory_space<vmem>> -> memref<128xi32, #tpu.memory_space<vmem>>
      %dma_start3A_398 = arith.constant 0 : i32
      %dma_start3A_399 = tpu.memref_slice %arg10[%dma_start3A_398] : memref<10240xf32, #tpu.memory_space<vmem_shared>> -> memref<10240xf32, #tpu.memory_space<vmem_shared>>
      tpu.enqueue_indirect_dma source(%arg14 : memref<128xf32, #tpu.memory_space<vmem>>) target(%dma_start3A_399 : memref<10240xf32, #tpu.memory_space<vmem_shared>>) offsets(%dma_start3A_397 : memref<128xi32, #tpu.memory_space<vmem>>) semaphore(%arg21 : memref<!tpu.dma_semaphore, #tpu.memory_space<semaphore_mem>>) {add = true}
      %add3A_400 = arith.constant 5 : i32
      %add3A_401 = arith.addi %mul3A_364, %add3A_400 : i32
      %dma_start3A_402 = arith.constant 0 : i32
      %dma_start3A_403 = tpu.memref_slice %arg12[%add3A_401, %dma_start3A_402] : memref<157x128xi32, #tpu.memory_space<vmem>> -> memref<1x128xi32, #tpu.memory_space<vmem>>
      %dma_start3A_404 = tpu.memref_squeeze %dma_start3A_403 : memref<1x128xi32, #tpu.memory_space<vmem>> -> memref<128xi32, #tpu.memory_space<vmem>>
      %dma_start3A_405 = arith.constant 0 : i32
      %dma_start3A_406 = tpu.memref_slice %arg10[%dma_start3A_405] : memref<10240xf32, #tpu.memory_space<vmem_shared>> -> memref<10240xf32, #tpu.memory_space<vmem_shared>>
      tpu.enqueue_indirect_dma source(%arg14 : memref<128xf32, #tpu.memory_space<vmem>>) target(%dma_start3A_406 : memref<10240xf32, #tpu.memory_space<vmem_shared>>) offsets(%dma_start3A_404 : memref<128xi32, #tpu.memory_space<vmem>>) semaphore(%arg21 : memref<!tpu.dma_semaphore, #tpu.memory_space<semaphore_mem>>) {add = true}
      %add3A_407 = arith.constant 6 : i32
      %add3A_408 = arith.addi %mul3A_364, %add3A_407 : i32
      %dma_start3A_409 = arith.constant 0 : i32
      %dma_start3A_410 = tpu.memref_slice %arg12[%add3A_408, %dma_start3A_409] : memref<157x128xi32, #tpu.memory_space<vmem>> -> memref<1x128xi32, #tpu.memory_space<vmem>>
      %dma_start3A_411 = tpu.memref_squeeze %dma_start3A_410 : memref<1x128xi32, #tpu.memory_space<vmem>> -> memref<128xi32, #tpu.memory_space<vmem>>
      %dma_start3A_412 = arith.constant 0 : i32
      %dma_start3A_413 = tpu.memref_slice %arg10[%dma_start3A_412] : memref<10240xf32, #tpu.memory_space<vmem_shared>> -> memref<10240xf32, #tpu.memory_space<vmem_shared>>
      tpu.enqueue_indirect_dma source(%arg14 : memref<128xf32, #tpu.memory_space<vmem>>) target(%dma_start3A_413 : memref<10240xf32, #tpu.memory_space<vmem_shared>>) offsets(%dma_start3A_411 : memref<128xi32, #tpu.memory_space<vmem>>) semaphore(%arg21 : memref<!tpu.dma_semaphore, #tpu.memory_space<semaphore_mem>>) {add = true}
      %add3A_414 = arith.constant 7 : i32
      %add3A_415 = arith.addi %mul3A_364, %add3A_414 : i32
      %dma_start3A_416 = arith.constant 0 : i32
      %dma_start3A_417 = tpu.memref_slice %arg12[%add3A_415, %dma_start3A_416] : memref<157x128xi32, #tpu.memory_space<vmem>> -> memref<1x128xi32, #tpu.memory_space<vmem>>
      %dma_start3A_418 = tpu.memref_squeeze %dma_start3A_417 : memref<1x128xi32, #tpu.memory_space<vmem>> -> memref<128xi32, #tpu.memory_space<vmem>>
      %dma_start3A_419 = arith.constant 0 : i32
      %dma_start3A_420 = tpu.memref_slice %arg10[%dma_start3A_419] : memref<10240xf32, #tpu.memory_space<vmem_shared>> -> memref<10240xf32, #tpu.memory_space<vmem_shared>>
      tpu.enqueue_indirect_dma source(%arg14 : memref<128xf32, #tpu.memory_space<vmem>>) target(%dma_start3A_420 : memref<10240xf32, #tpu.memory_space<vmem_shared>>) offsets(%dma_start3A_418 : memref<128xi32, #tpu.memory_space<vmem>>) semaphore(%arg21 : memref<!tpu.dma_semaphore, #tpu.memory_space<semaphore_mem>>) {add = true}
      %dma_wait3A_421 = arith.constant 0 : i32
      %dma_wait3A_422 = tpu.memref_slice %arg12[%add3A_366, %dma_wait3A_421] : memref<157x128xi32, #tpu.memory_space<vmem>> -> memref<1x128xi32, #tpu.memory_space<vmem>>
      %dma_wait3A_423 = tpu.memref_squeeze %dma_wait3A_422 : memref<1x128xi32, #tpu.memory_space<vmem>> -> memref<128xi32, #tpu.memory_space<vmem>>
      %dma_wait3A_424 = arith.constant 0 : i32
      %dma_wait3A_425 = tpu.memref_slice %arg10[%dma_wait3A_424] : memref<10240xf32, #tpu.memory_space<vmem_shared>> -> memref<10240xf32, #tpu.memory_space<vmem_shared>>
      tpu.wait_indirect_dma semaphore(%arg21 : memref<!tpu.dma_semaphore, #tpu.memory_space<semaphore_mem>>) src(%arg14 : memref<128xf32, #tpu.memory_space<vmem>>) dst(%dma_wait3A_425 : memref<10240xf32, #tpu.memory_space<vmem_shared>>)
      %dma_wait3A_426 = arith.constant 0 : i32
      %dma_wait3A_427 = tpu.memref_slice %arg12[%add3A_373, %dma_wait3A_426] : memref<157x128xi32, #tpu.memory_space<vmem>> -> memref<1x128xi32, #tpu.memory_space<vmem>>
      %dma_wait3A_428 = tpu.memref_squeeze %dma_wait3A_427 : memref<1x128xi32, #tpu.memory_space<vmem>> -> memref<128xi32, #tpu.memory_space<vmem>>
      %dma_wait3A_429 = arith.constant 0 : i32
      %dma_wait3A_430 = tpu.memref_slice %arg10[%dma_wait3A_429] : memref<10240xf32, #tpu.memory_space<vmem_shared>> -> memref<10240xf32, #tpu.memory_space<vmem_shared>>
      tpu.wait_indirect_dma semaphore(%arg21 : memref<!tpu.dma_semaphore, #tpu.memory_space<semaphore_mem>>) src(%arg14 : memref<128xf32, #tpu.memory_space<vmem>>) dst(%dma_wait3A_430 : memref<10240xf32, #tpu.memory_space<vmem_shared>>)
      %dma_wait3A_431 = arith.constant 0 : i32
      %dma_wait3A_432 = tpu.memref_slice %arg12[%add3A_380, %dma_wait3A_431] : memref<157x128xi32, #tpu.memory_space<vmem>> -> memref<1x128xi32, #tpu.memory_space<vmem>>
      %dma_wait3A_433 = tpu.memref_squeeze %dma_wait3A_432 : memref<1x128xi32, #tpu.memory_space<vmem>> -> memref<128xi32, #tpu.memory_space<vmem>>
      %dma_wait3A_434 = arith.constant 0 : i32
      %dma_wait3A_435 = tpu.memref_slice %arg10[%dma_wait3A_434] : memref<10240xf32, #tpu.memory_space<vmem_shared>> -> memref<10240xf32, #tpu.memory_space<vmem_shared>>
      tpu.wait_indirect_dma semaphore(%arg21 : memref<!tpu.dma_semaphore, #tpu.memory_space<semaphore_mem>>) src(%arg14 : memref<128xf32, #tpu.memory_space<vmem>>) dst(%dma_wait3A_435 : memref<10240xf32, #tpu.memory_space<vmem_shared>>)
      %dma_wait3A_436 = arith.constant 0 : i32
      %dma_wait3A_437 = tpu.memref_slice %arg12[%add3A_387, %dma_wait3A_436] : memref<157x128xi32, #tpu.memory_space<vmem>> -> memref<1x128xi32, #tpu.memory_space<vmem>>
      %dma_wait3A_438 = tpu.memref_squeeze %dma_wait3A_437 : memref<1x128xi32, #tpu.memory_space<vmem>> -> memref<128xi32, #tpu.memory_space<vmem>>
      %dma_wait3A_439 = arith.constant 0 : i32
      %dma_wait3A_440 = tpu.memref_slice %arg10[%dma_wait3A_439] : memref<10240xf32, #tpu.memory_space<vmem_shared>> -> memref<10240xf32, #tpu.memory_space<vmem_shared>>
      tpu.wait_indirect_dma semaphore(%arg21 : memref<!tpu.dma_semaphore, #tpu.memory_space<semaphore_mem>>) src(%arg14 : memref<128xf32, #tpu.memory_space<vmem>>) dst(%dma_wait3A_440 : memref<10240xf32, #tpu.memory_space<vmem_shared>>)
      %dma_wait3A_441 = arith.constant 0 : i32
      %dma_wait3A_442 = tpu.memref_slice %arg12[%add3A_394, %dma_wait3A_441] : memref<157x128xi32, #tpu.memory_space<vmem>> -> memref<1x128xi32, #tpu.memory_space<vmem>>
      %dma_wait3A_443 = tpu.memref_squeeze %dma_wait3A_442 : memref<1x128xi32, #tpu.memory_space<vmem>> -> memref<128xi32, #tpu.memory_space<vmem>>
      %dma_wait3A_444 = arith.constant 0 : i32
      %dma_wait3A_445 = tpu.memref_slice %arg10[%dma_wait3A_444] : memref<10240xf32, #tpu.memory_space<vmem_shared>> -> memref<10240xf32, #tpu.memory_space<vmem_shared>>
      tpu.wait_indirect_dma semaphore(%arg21 : memref<!tpu.dma_semaphore, #tpu.memory_space<semaphore_mem>>) src(%arg14 : memref<128xf32, #tpu.memory_space<vmem>>) dst(%dma_wait3A_445 : memref<10240xf32, #tpu.memory_space<vmem_shared>>)
      %dma_wait3A_446 = arith.constant 0 : i32
      %dma_wait3A_447 = tpu.memref_slice %arg12[%add3A_401, %dma_wait3A_446] : memref<157x128xi32, #tpu.memory_space<vmem>> -> memref<1x128xi32, #tpu.memory_space<vmem>>
      %dma_wait3A_448 = tpu.memref_squeeze %dma_wait3A_447 : memref<1x128xi32, #tpu.memory_space<vmem>> -> memref<128xi32, #tpu.memory_space<vmem>>
      %dma_wait3A_449 = arith.constant 0 : i32
      %dma_wait3A_450 = tpu.memref_slice %arg10[%dma_wait3A_449] : memref<10240xf32, #tpu.memory_space<vmem_shared>> -> memref<10240xf32, #tpu.memory_space<vmem_shared>>
      tpu.wait_indirect_dma semaphore(%arg21 : memref<!tpu.dma_semaphore, #tpu.memory_space<semaphore_mem>>) src(%arg14 : memref<128xf32, #tpu.memory_space<vmem>>) dst(%dma_wait3A_450 : memref<10240xf32, #tpu.memory_space<vmem_shared>>)
      %dma_wait3A_451 = arith.constant 0 : i32
      %dma_wait3A_452 = tpu.memref_slice %arg12[%add3A_408, %dma_wait3A_451] : memref<157x128xi32, #tpu.memory_space<vmem>> -> memref<1x128xi32, #tpu.memory_space<vmem>>
      %dma_wait3A_453 = tpu.memref_squeeze %dma_wait3A_452 : memref<1x128xi32, #tpu.memory_space<vmem>> -> memref<128xi32, #tpu.memory_space<vmem>>
      %dma_wait3A_454 = arith.constant 0 : i32
      %dma_wait3A_455 = tpu.memref_slice %arg10[%dma_wait3A_454] : memref<10240xf32, #tpu.memory_space<vmem_shared>> -> memref<10240xf32, #tpu.memory_space<vmem_shared>>
      tpu.wait_indirect_dma semaphore(%arg21 : memref<!tpu.dma_semaphore, #tpu.memory_space<semaphore_mem>>) src(%arg14 : memref<128xf32, #tpu.memory_space<vmem>>) dst(%dma_wait3A_455 : memref<10240xf32, #tpu.memory_space<vmem_shared>>)
      %dma_wait3A_456 = arith.constant 0 : i32
      %dma_wait3A_457 = tpu.memref_slice %arg12[%add3A_415, %dma_wait3A_456] : memref<157x128xi32, #tpu.memory_space<vmem>> -> memref<1x128xi32, #tpu.memory_space<vmem>>
      %dma_wait3A_458 = tpu.memref_squeeze %dma_wait3A_457 : memref<1x128xi32, #tpu.memory_space<vmem>> -> memref<128xi32, #tpu.memory_space<vmem>>
      %dma_wait3A_459 = arith.constant 0 : i32
      %dma_wait3A_460 = tpu.memref_slice %arg10[%dma_wait3A_459] : memref<10240xf32, #tpu.memory_space<vmem_shared>> -> memref<10240xf32, #tpu.memory_space<vmem_shared>>
      tpu.wait_indirect_dma semaphore(%arg21 : memref<!tpu.dma_semaphore, #tpu.memory_space<semaphore_mem>>) src(%arg14 : memref<128xf32, #tpu.memory_space<vmem>>) dst(%dma_wait3A_460 : memref<10240xf32, #tpu.memory_space<vmem_shared>>)
      %scan3A_461 = arith.constant 0 : i32
      scf.yield %scan3A_461 : i32
    }
    %scan3A_52 = arith.constant 19 : i32
    %dma_start3A = arith.constant 152 : i32
    %dma_start3A_53 = arith.constant 0 : i32
    %dma_start3A_54 = tpu.memref_slice %arg12[%dma_start3A, %dma_start3A_53] : memref<157x128xi32, #tpu.memory_space<vmem>> -> memref<1x128xi32, #tpu.memory_space<vmem>>
    %dma_start3A_55 = tpu.memref_squeeze %dma_start3A_54 : memref<1x128xi32, #tpu.memory_space<vmem>> -> memref<128xi32, #tpu.memory_space<vmem>>
    %dma_start3A_56 = arith.constant 0 : i32
    %dma_start3A_57 = tpu.memref_slice %arg10[%dma_start3A_56] : memref<10240xf32, #tpu.memory_space<vmem_shared>> -> memref<10240xf32, #tpu.memory_space<vmem_shared>>
    tpu.enqueue_indirect_dma source(%arg14 : memref<128xf32, #tpu.memory_space<vmem>>) target(%dma_start3A_57 : memref<10240xf32, #tpu.memory_space<vmem_shared>>) offsets(%dma_start3A_55 : memref<128xi32, #tpu.memory_space<vmem>>) semaphore(%arg21 : memref<!tpu.dma_semaphore, #tpu.memory_space<semaphore_mem>>) {add = true}
    %dma_start3A_58 = arith.constant 153 : i32
    %dma_start3A_59 = arith.constant 0 : i32
    %dma_start3A_60 = tpu.memref_slice %arg12[%dma_start3A_58, %dma_start3A_59] : memref<157x128xi32, #tpu.memory_space<vmem>> -> memref<1x128xi32, #tpu.memory_space<vmem>>
    %dma_start3A_61 = tpu.memref_squeeze %dma_start3A_60 : memref<1x128xi32, #tpu.memory_space<vmem>> -> memref<128xi32, #tpu.memory_space<vmem>>
    %dma_start3A_62 = arith.constant 0 : i32
    %dma_start3A_63 = tpu.memref_slice %arg10[%dma_start3A_62] : memref<10240xf32, #tpu.memory_space<vmem_shared>> -> memref<10240xf32, #tpu.memory_space<vmem_shared>>
    tpu.enqueue_indirect_dma source(%arg14 : memref<128xf32, #tpu.memory_space<vmem>>) target(%dma_start3A_63 : memref<10240xf32, #tpu.memory_space<vmem_shared>>) offsets(%dma_start3A_61 : memref<128xi32, #tpu.memory_space<vmem>>) semaphore(%arg21 : memref<!tpu.dma_semaphore, #tpu.memory_space<semaphore_mem>>) {add = true}
    %dma_start3A_64 = arith.constant 154 : i32
    %dma_start3A_65 = arith.constant 0 : i32
    %dma_start3A_66 = tpu.memref_slice %arg12[%dma_start3A_64, %dma_start3A_65] : memref<157x128xi32, #tpu.memory_space<vmem>> -> memref<1x128xi32, #tpu.memory_space<vmem>>
    %dma_start3A_67 = tpu.memref_squeeze %dma_start3A_66 : memref<1x128xi32, #tpu.memory_space<vmem>> -> memref<128xi32, #tpu.memory_space<vmem>>
    %dma_start3A_68 = arith.constant 0 : i32
    %dma_start3A_69 = tpu.memref_slice %arg10[%dma_start3A_68] : memref<10240xf32, #tpu.memory_space<vmem_shared>> -> memref<10240xf32, #tpu.memory_space<vmem_shared>>
    tpu.enqueue_indirect_dma source(%arg14 : memref<128xf32, #tpu.memory_space<vmem>>) target(%dma_start3A_69 : memref<10240xf32, #tpu.memory_space<vmem_shared>>) offsets(%dma_start3A_67 : memref<128xi32, #tpu.memory_space<vmem>>) semaphore(%arg21 : memref<!tpu.dma_semaphore, #tpu.memory_space<semaphore_mem>>) {add = true}
    %dma_start3A_70 = arith.constant 155 : i32
    %dma_start3A_71 = arith.constant 0 : i32
    %dma_start3A_72 = tpu.memref_slice %arg12[%dma_start3A_70, %dma_start3A_71] : memref<157x128xi32, #tpu.memory_space<vmem>> -> memref<1x128xi32, #tpu.memory_space<vmem>>
    %dma_start3A_73 = tpu.memref_squeeze %dma_start3A_72 : memref<1x128xi32, #tpu.memory_space<vmem>> -> memref<128xi32, #tpu.memory_space<vmem>>
    %dma_start3A_74 = arith.constant 0 : i32
    %dma_start3A_75 = tpu.memref_slice %arg10[%dma_start3A_74] : memref<10240xf32, #tpu.memory_space<vmem_shared>> -> memref<10240xf32, #tpu.memory_space<vmem_shared>>
    tpu.enqueue_indirect_dma source(%arg14 : memref<128xf32, #tpu.memory_space<vmem>>) target(%dma_start3A_75 : memref<10240xf32, #tpu.memory_space<vmem_shared>>) offsets(%dma_start3A_73 : memref<128xi32, #tpu.memory_space<vmem>>) semaphore(%arg21 : memref<!tpu.dma_semaphore, #tpu.memory_space<semaphore_mem>>) {add = true}
    %dma_start3A_76 = arith.constant 156 : i32
    %dma_start3A_77 = arith.constant 0 : i32
    %dma_start3A_78 = tpu.memref_slice %arg12[%dma_start3A_76, %dma_start3A_77] : memref<157x128xi32, #tpu.memory_space<vmem>> -> memref<1x128xi32, #tpu.memory_space<vmem>>
    %dma_start3A_79 = tpu.memref_squeeze %dma_start3A_78 : memref<1x128xi32, #tpu.memory_space<vmem>> -> memref<128xi32, #tpu.memory_space<vmem>>
    %dma_start3A_80 = arith.constant 0 : i32
    %dma_start3A_81 = tpu.memref_slice %arg10[%dma_start3A_80] : memref<10240xf32, #tpu.memory_space<vmem_shared>> -> memref<10240xf32, #tpu.memory_space<vmem_shared>>
    tpu.enqueue_indirect_dma source(%arg14 : memref<128xf32, #tpu.memory_space<vmem>>) target(%dma_start3A_81 : memref<10240xf32, #tpu.memory_space<vmem_shared>>) offsets(%dma_start3A_79 : memref<128xi32, #tpu.memory_space<vmem>>) semaphore(%arg21 : memref<!tpu.dma_semaphore, #tpu.memory_space<semaphore_mem>>) {add = true}
    %dma_wait3A = arith.constant 152 : i32
    %dma_wait3A_82 = arith.constant 0 : i32
    %dma_wait3A_83 = tpu.memref_slice %arg12[%dma_wait3A, %dma_wait3A_82] : memref<157x128xi32, #tpu.memory_space<vmem>> -> memref<1x128xi32, #tpu.memory_space<vmem>>
    %dma_wait3A_84 = tpu.memref_squeeze %dma_wait3A_83 : memref<1x128xi32, #tpu.memory_space<vmem>> -> memref<128xi32, #tpu.memory_space<vmem>>
    %dma_wait3A_85 = arith.constant 0 : i32
    %dma_wait3A_86 = tpu.memref_slice %arg10[%dma_wait3A_85] : memref<10240xf32, #tpu.memory_space<vmem_shared>> -> memref<10240xf32, #tpu.memory_space<vmem_shared>>
    tpu.wait_indirect_dma semaphore(%arg21 : memref<!tpu.dma_semaphore, #tpu.memory_space<semaphore_mem>>) src(%arg14 : memref<128xf32, #tpu.memory_space<vmem>>) dst(%dma_wait3A_86 : memref<10240xf32, #tpu.memory_space<vmem_shared>>)
    %dma_wait3A_87 = arith.constant 153 : i32
    %dma_wait3A_88 = arith.constant 0 : i32
    %dma_wait3A_89 = tpu.memref_slice %arg12[%dma_wait3A_87, %dma_wait3A_88] : memref<157x128xi32, #tpu.memory_space<vmem>> -> memref<1x128xi32, #tpu.memory_space<vmem>>
    %dma_wait3A_90 = tpu.memref_squeeze %dma_wait3A_89 : memref<1x128xi32, #tpu.memory_space<vmem>> -> memref<128xi32, #tpu.memory_space<vmem>>
    %dma_wait3A_91 = arith.constant 0 : i32
    %dma_wait3A_92 = tpu.memref_slice %arg10[%dma_wait3A_91] : memref<10240xf32, #tpu.memory_space<vmem_shared>> -> memref<10240xf32, #tpu.memory_space<vmem_shared>>
    tpu.wait_indirect_dma semaphore(%arg21 : memref<!tpu.dma_semaphore, #tpu.memory_space<semaphore_mem>>) src(%arg14 : memref<128xf32, #tpu.memory_space<vmem>>) dst(%dma_wait3A_92 : memref<10240xf32, #tpu.memory_space<vmem_shared>>)
    %dma_wait3A_93 = arith.constant 154 : i32
    %dma_wait3A_94 = arith.constant 0 : i32
    %dma_wait3A_95 = tpu.memref_slice %arg12[%dma_wait3A_93, %dma_wait3A_94] : memref<157x128xi32, #tpu.memory_space<vmem>> -> memref<1x128xi32, #tpu.memory_space<vmem>>
    %dma_wait3A_96 = tpu.memref_squeeze %dma_wait3A_95 : memref<1x128xi32, #tpu.memory_space<vmem>> -> memref<128xi32, #tpu.memory_space<vmem>>
    %dma_wait3A_97 = arith.constant 0 : i32
    %dma_wait3A_98 = tpu.memref_slice %arg10[%dma_wait3A_97] : memref<10240xf32, #tpu.memory_space<vmem_shared>> -> memref<10240xf32, #tpu.memory_space<vmem_shared>>
    tpu.wait_indirect_dma semaphore(%arg21 : memref<!tpu.dma_semaphore, #tpu.memory_space<semaphore_mem>>) src(%arg14 : memref<128xf32, #tpu.memory_space<vmem>>) dst(%dma_wait3A_98 : memref<10240xf32, #tpu.memory_space<vmem_shared>>)
    %dma_wait3A_99 = arith.constant 155 : i32
    %dma_wait3A_100 = arith.constant 0 : i32
    %dma_wait3A_101 = tpu.memref_slice %arg12[%dma_wait3A_99, %dma_wait3A_100] : memref<157x128xi32, #tpu.memory_space<vmem>> -> memref<1x128xi32, #tpu.memory_space<vmem>>
    %dma_wait3A_102 = tpu.memref_squeeze %dma_wait3A_101 : memref<1x128xi32, #tpu.memory_space<vmem>> -> memref<128xi32, #tpu.memory_space<vmem>>
    %dma_wait3A_103 = arith.constant 0 : i32
    %dma_wait3A_104 = tpu.memref_slice %arg10[%dma_wait3A_103] : memref<10240xf32, #tpu.memory_space<vmem_shared>> -> memref<10240xf32, #tpu.memory_space<vmem_shared>>
    tpu.wait_indirect_dma semaphore(%arg21 : memref<!tpu.dma_semaphore, #tpu.memory_space<semaphore_mem>>) src(%arg14 : memref<128xf32, #tpu.memory_space<vmem>>) dst(%dma_wait3A_104 : memref<10240xf32, #tpu.memory_space<vmem_shared>>)
    %dma_wait3A_105 = arith.constant 156 : i32
    %dma_wait3A_106 = arith.constant 0 : i32
    %dma_wait3A_107 = tpu.memref_slice %arg12[%dma_wait3A_105, %dma_wait3A_106] : memref<157x128xi32, #tpu.memory_space<vmem>> -> memref<1x128xi32, #tpu.memory_space<vmem>>
    %dma_wait3A_108 = tpu.memref_squeeze %dma_wait3A_107 : memref<1x128xi32, #tpu.memory_space<vmem>> -> memref<128xi32, #tpu.memory_space<vmem>>
    %dma_wait3A_109 = arith.constant 0 : i32
    %dma_wait3A_110 = tpu.memref_slice %arg10[%dma_wait3A_109] : memref<10240xf32, #tpu.memory_space<vmem_shared>> -> memref<10240xf32, #tpu.memory_space<vmem_shared>>
    tpu.wait_indirect_dma semaphore(%arg21 : memref<!tpu.dma_semaphore, #tpu.memory_space<semaphore_mem>>) src(%arg14 : memref<128xf32, #tpu.memory_space<vmem>>) dst(%dma_wait3A_110 : memref<10240xf32, #tpu.memory_space<vmem_shared>>)
    %barrier3A_111 = arith.constant 0 : index
    tpu.barrier barrier_id(%barrier3A_111)
    "tpu.region"() ({
      %run_scoped3A = tpu.sem_alloc : memref<!tpu.dma_semaphore, #tpu.memory_space<semaphore_mem>>
      %dma_start3A_361 = tpu.memref_slice %arg10[%mul3A_0] : memref<10240xf32, #tpu.memory_space<vmem_shared>> -> memref<640xf32, #tpu.memory_space<vmem_shared>>
      %dma_start3A_362 = tpu.memref_slice %arg10[%mul3A_0] : memref<10240xf32, #tpu.memory_space<vmem_shared>> -> memref<640xf32, #tpu.memory_space<vmem_shared>>
      tpu.enqueue_dma source(%dma_start3A_362 : memref<640xf32, #tpu.memory_space<vmem_shared>>) target(%arg15 : memref<640xf32, #tpu.memory_space<vmem>>) target_semaphore(%run_scoped3A : memref<!tpu.dma_semaphore, #tpu.memory_space<semaphore_mem>>)
      %dma_wait3A_363 = tpu.memref_slice %arg10[%mul3A_0] : memref<10240xf32, #tpu.memory_space<vmem_shared>> -> memref<640xf32, #tpu.memory_space<vmem_shared>>
      %dma_wait3A_364 = tpu.memref_slice %arg10[%mul3A_0] : memref<10240xf32, #tpu.memory_space<vmem_shared>> -> memref<640xf32, #tpu.memory_space<vmem_shared>>
      tpu.wait_dma2 semaphore(%run_scoped3A : memref<!tpu.dma_semaphore, #tpu.memory_space<semaphore_mem>>) src(%dma_wait3A_364 : memref<640xf32, #tpu.memory_space<vmem_shared>>) dst(%arg15 : memref<640xf32, #tpu.memory_space<vmem>>)
      tpu.yield
    }) : () -> ()
    %scan3A_112 = arith.constant 0 : i32
    %scan3A_113 = arith.constant 0 : i32
    %scan3A_114 = arith.constant 40 : i32
    %scan3A_115 = arith.addi %scan3A_113, %scan3A_114 : i32
    %scan3A_116 = arith.constant 1 : i32
    %scan3A_117 = scf.for %scan3A_361 = %scan3A_113 to %scan3A_115 step %scan3A_116 iter_args(%scan3A_362 = %scan3A_112) -> (i32)  : i32 {
      %mul3A_363 = arith.constant 16 : i32
      %mul3A_364 = arith.muli %scan3A_361, %mul3A_363 : i32
      %get3A = arith.index_cast %mul3A_364 : i32 to index
      %get3A_365 = tpu.vector_load %arg15[%get3A] {strides = array<i32>} : memref<640xf32, #tpu.memory_space<vmem>>, vector<16xf32>,
      %gt3A = arith.constant 0.000000e+00 : f32
      %gt3A_366 = vector.broadcast %gt3A : f32 to vector<16xf32>
      %gt3A_367 = arith.cmpf ogt, %get3A_365, %gt3A_366 : vector<16xf32>
      %jit3A = arith.constant 1.000000e+00 : f32
      %broadcast_in_dim3A_368 = vector.broadcast %jit3A : f32 to vector<16xf32>
      %select_n3A = arith.select %gt3A_367, %get3A_365, %broadcast_in_dim3A_368 : vector<16xi1>, vector<16xf32>
      %bitcast3A = vector.bitcast %select_n3A : vector<16xf32> to vector<16xi32>
      %shift_right_logical3A = arith.constant 1 : i32
      %shift_right_logical3A_369 = vector.broadcast %shift_right_logical3A : i32 to vector<16xi32>
      %shift_right_logical3A_370 = arith.shrui %bitcast3A, %shift_right_logical3A_369 : vector<16xi32>
      %sub3A = arith.constant 1597463007 : i32
      %sub3A_371 = vector.broadcast %sub3A : i32 to vector<16xi32>
      %sub3A_372 = arith.subi %sub3A_371, %shift_right_logical3A_370 : vector<16xi32>
      %bitcast3A_373 = vector.bitcast %sub3A_372 : vector<16xi32> to vector<16xf32>
      %mul3A_374 = arith.constant 5.000000e-01 : f32
      %mul3A_375 = vector.broadcast %mul3A_374 : f32 to vector<16xf32>
      %mul3A_376 = arith.mulf %select_n3A, %mul3A_375 : vector<16xf32>
      %mul3A_377 = arith.mulf %mul3A_376, %bitcast3A_373 : vector<16xf32>
      %mul3A_378 = arith.mulf %mul3A_377, %bitcast3A_373 : vector<16xf32>
      %sub3A_379 = arith.constant 1.500000e+00 : f32
      %sub3A_380 = vector.broadcast %sub3A_379 : f32 to vector<16xf32>
      %sub3A_381 = arith.subf %sub3A_380, %mul3A_378 : vector<16xf32>
      %mul3A_382 = arith.mulf %bitcast3A_373, %sub3A_381 : vector<16xf32>
      %mul3A_383 = arith.mulf %mul3A_376, %mul3A_382 : vector<16xf32>
      %mul3A_384 = arith.mulf %mul3A_383, %mul3A_382 : vector<16xf32>
      %sub3A_385 = arith.constant 1.500000e+00 : f32
      %sub3A_386 = vector.broadcast %sub3A_385 : f32 to vector<16xf32>
      %sub3A_387 = arith.subf %sub3A_386, %mul3A_384 : vector<16xf32>
      %mul3A_388 = arith.mulf %mul3A_382, %sub3A_387 : vector<16xf32>
      %mul3A_389 = arith.mulf %mul3A_376, %mul3A_388 : vector<16xf32>
      %mul3A_390 = arith.mulf %mul3A_389, %mul3A_388 : vector<16xf32>
      %sub3A_391 = arith.constant 1.500000e+00 : f32
      %sub3A_392 = vector.broadcast %sub3A_391 : f32 to vector<16xf32>
      %sub3A_393 = arith.subf %sub3A_392, %mul3A_390 : vector<16xf32>
      %mul3A_394 = arith.mulf %mul3A_388, %sub3A_393 : vector<16xf32>
      %mul3A_395 = arith.mulf %mul3A_376, %mul3A_394 : vector<16xf32>
      %mul3A_396 = arith.mulf %mul3A_395, %mul3A_394 : vector<16xf32>
      %sub3A_397 = arith.constant 1.500000e+00 : f32
      %sub3A_398 = vector.broadcast %sub3A_397 : f32 to vector<16xf32>
      %sub3A_399 = arith.subf %sub3A_398, %mul3A_396 : vector<16xf32>
      %mul3A_400 = arith.mulf %mul3A_394, %sub3A_399 : vector<16xf32>
      %jit3A_401 = arith.constant 0.000000e+00 : f32
      %broadcast_in_dim3A_402 = vector.broadcast %jit3A_401 : f32 to vector<16xf32>
      %select_n3A_403 = arith.select %gt3A_367, %mul3A_400, %broadcast_in_dim3A_402 : vector<16xi1>, vector<16xf32>
      %swap3A_404 = arith.index_cast %mul3A_364 : i32 to index
      %swap3A_405 = tpu.vector_load %arg19[%swap3A_404] {strides = array<i32>} : memref<640xf32, #tpu.memory_space<vmem>>, vector<16xf32>,
      tpu.vector_store %arg19[%swap3A_404], %select_n3A_403 {strides = array<i32>} : memref<640xf32, #tpu.memory_space<vmem>>, vector<16xf32>,
      %scan3A_406 = arith.constant 0 : i32
      scf.yield %scan3A_406 : i32
    }
    %scan3A_118 = arith.constant 40 : i32
    %eq3A = arith.constant 0 : i32
    %eq3A_119 = arith.cmpi eq, %arg0, %eq3A : i32
    %convert_element_type3A = arith.extui %eq3A_119 : i1 to i32
    %cond3A = arith.constant 0 : i32
    %cond3A_120 = arith.cmpi ne, %convert_element_type3A, %cond3A : i32
    scf.if %cond3A_120 {
      "tpu.region"() ({
        %run_scoped3A = tpu.sem_alloc : memref<!tpu.dma_semaphore, #tpu.memory_space<semaphore_mem>>
        %dma_start3A_361 = tpu.memref_slice %arg7[%mul3A_0] : memref<10240xf32, #tpu.memory_space<hbm>> -> memref<640xf32, #tpu.memory_space<hbm>>
        %dma_start3A_362 = tpu.memref_slice %arg7[%mul3A_0] : memref<10240xf32, #tpu.memory_space<hbm>> -> memref<640xf32, #tpu.memory_space<hbm>>
        tpu.enqueue_dma source(%arg19 : memref<640xf32, #tpu.memory_space<vmem>>) target(%dma_start3A_362 : memref<640xf32, #tpu.memory_space<hbm>>) target_semaphore(%run_scoped3A : memref<!tpu.dma_semaphore, #tpu.memory_space<semaphore_mem>>)
        %dma_wait3A_363 = tpu.memref_slice %arg7[%mul3A_0] : memref<10240xf32, #tpu.memory_space<hbm>> -> memref<640xf32, #tpu.memory_space<hbm>>
        %dma_wait3A_364 = tpu.memref_slice %arg7[%mul3A_0] : memref<10240xf32, #tpu.memory_space<hbm>> -> memref<640xf32, #tpu.memory_space<hbm>>
        tpu.wait_dma2 semaphore(%run_scoped3A : memref<!tpu.dma_semaphore, #tpu.memory_space<semaphore_mem>>) src(%arg19 : memref<640xf32, #tpu.memory_space<vmem>>) dst(%dma_wait3A_364 : memref<640xf32, #tpu.memory_space<hbm>>)
        tpu.yield
      }) : () -> ()
    } else {
    }
    %scan3A_121 = arith.constant 0 : i32
    %scan3A_122 = arith.constant 0 : i32
    %scan3A_123 = arith.constant 640 : i32
    %scan3A_124 = arith.addi %scan3A_122, %scan3A_123 : i32
    %scan3A_125 = arith.constant 1 : i32
    %scan3A_126 = scf.for %scan3A_361 = %scan3A_122 to %scan3A_124 step %scan3A_125 iter_args(%scan3A_362 = %scan3A_121) -> (i32)  : i32 {
      %broadcast_in_dim3A_363 = arith.constant 0.000000e+00 : f32
      %broadcast_in_dim3A_364 = vector.broadcast %broadcast_in_dim3A_363 : f32 to vector<16xf32>
      %swap3A_365 = arith.index_cast %scan3A_361 : i32 to index
      %swap3A_366 = arith.constant 0 : index
      %swap3A_367 = tpu.vector_load %arg17[%swap3A_365, %swap3A_366] {strides = array<i32>} : memref<640x32xf32, #tpu.memory_space<vmem>>, vector<16xf32>,
      tpu.vector_store %arg17[%swap3A_365, %swap3A_366], %broadcast_in_dim3A_364 {strides = array<i32>} : memref<640x32xf32, #tpu.memory_space<vmem>>, vector<16xf32>,
      %broadcast_in_dim3A_368 = arith.constant 0.000000e+00 : f32
      %broadcast_in_dim3A_369 = vector.broadcast %broadcast_in_dim3A_368 : f32 to vector<16xf32>
      %swap3A_370 = arith.index_cast %scan3A_361 : i32 to index
      %swap3A_371 = arith.constant 16 : index
      %swap3A_372 = tpu.vector_load %arg17[%swap3A_370, %swap3A_371] {strides = array<i32>} : memref<640x32xf32, #tpu.memory_space<vmem>>, vector<16xf32>,
      tpu.vector_store %arg17[%swap3A_370, %swap3A_371], %broadcast_in_dim3A_369 {strides = array<i32>} : memref<640x32xf32, #tpu.memory_space<vmem>>, vector<16xf32>,
      %scan3A_373 = arith.constant 0 : i32
      scf.yield %scan3A_373 : i32
    }
    %scan3A_127 = arith.constant 640 : i32
    "tpu.region"() ({
      %run_scoped3A = tpu.sem_alloc : memref<!tpu.dma_semaphore, #tpu.memory_space<semaphore_mem>>
      %dma_start3A_361 = arith.constant 0 : i32
      %dma_start3A_362 = tpu.memref_slice %arg9[%mul3A_0, %dma_start3A_361] : memref<10240x32xf32, #tpu.memory_space<vmem_shared>> -> memref<640x32xf32, #tpu.memory_space<vmem_shared>>
      %dma_start3A_363 = arith.constant 0 : i32
      %dma_start3A_364 = tpu.memref_slice %arg9[%mul3A_0, %dma_start3A_363] : memref<10240x32xf32, #tpu.memory_space<vmem_shared>> -> memref<640x32xf32, #tpu.memory_space<vmem_shared>>
      tpu.enqueue_dma source(%arg17 : memref<640x32xf32, #tpu.memory_space<vmem>>) target(%dma_start3A_364 : memref<640x32xf32, #tpu.memory_space<vmem_shared>>) target_semaphore(%run_scoped3A : memref<!tpu.dma_semaphore, #tpu.memory_space<semaphore_mem>>)
      %dma_wait3A_365 = arith.constant 0 : i32
      %dma_wait3A_366 = tpu.memref_slice %arg9[%mul3A_0, %dma_wait3A_365] : memref<10240x32xf32, #tpu.memory_space<vmem_shared>> -> memref<640x32xf32, #tpu.memory_space<vmem_shared>>
      %dma_wait3A_367 = arith.constant 0 : i32
      %dma_wait3A_368 = tpu.memref_slice %arg9[%mul3A_0, %dma_wait3A_367] : memref<10240x32xf32, #tpu.memory_space<vmem_shared>> -> memref<640x32xf32, #tpu.memory_space<vmem_shared>>
      tpu.wait_dma2 semaphore(%run_scoped3A : memref<!tpu.dma_semaphore, #tpu.memory_space<semaphore_mem>>) src(%arg17 : memref<640x32xf32, #tpu.memory_space<vmem>>) dst(%dma_wait3A_368 : memref<640x32xf32, #tpu.memory_space<vmem_shared>>)
      tpu.yield
    }) : () -> ()
    %mul3A_128 = arith.constant 32 : i32
    %mul3A_129 = arith.muli %arg0, %mul3A_128 : i32
    %add3A = arith.constant 192 : i32
    %add3A_130 = arith.addi %add3A, %mul3A_129 : i32
    "tpu.region"() ({
      %run_scoped3A = tpu.sem_alloc : memref<!tpu.dma_semaphore, #tpu.memory_space<semaphore_mem>>
      %dma_start3A_361 = tpu.memref_slice %arg4[%mul3A_0, %add3A_130] : memref<10240x256xf32, #tpu.memory_space<hbm>> -> memref<640x32xf32, #tpu.memory_space<hbm>>
      %dma_start3A_362 = tpu.memref_slice %arg4[%mul3A_0, %add3A_130] : memref<10240x256xf32, #tpu.memory_space<hbm>> -> memref<640x32xf32, #tpu.memory_space<hbm>>
      tpu.enqueue_dma source(%dma_start3A_362 : memref<640x32xf32, #tpu.memory_space<hbm>>) target(%arg16 : memref<640x32xf32, #tpu.memory_space<vmem>>) target_semaphore(%run_scoped3A : memref<!tpu.dma_semaphore, #tpu.memory_space<semaphore_mem>>)
      %dma_wait3A_363 = tpu.memref_slice %arg4[%mul3A_0, %add3A_130] : memref<10240x256xf32, #tpu.memory_space<hbm>> -> memref<640x32xf32, #tpu.memory_space<hbm>>
      %dma_wait3A_364 = tpu.memref_slice %arg4[%mul3A_0, %add3A_130] : memref<10240x256xf32, #tpu.memory_space<hbm>> -> memref<640x32xf32, #tpu.memory_space<hbm>>
      tpu.wait_dma2 semaphore(%run_scoped3A : memref<!tpu.dma_semaphore, #tpu.memory_space<semaphore_mem>>) src(%dma_wait3A_364 : memref<640x32xf32, #tpu.memory_space<hbm>>) dst(%arg16 : memref<640x32xf32, #tpu.memory_space<vmem>>)
      tpu.yield
    }) : () -> ()
    %scan3A_131 = arith.constant 0 : i32
    %scan3A_132 = arith.constant 0 : i32
    %scan3A_133 = arith.constant 640 : i32
    %scan3A_134 = arith.addi %scan3A_132, %scan3A_133 : i32
    %scan3A_135 = arith.constant 1 : i32
    %scan3A_136 = scf.for %scan3A_361 = %scan3A_132 to %scan3A_134 step %scan3A_135 iter_args(%scan3A_362 = %scan3A_131) -> (i32)  : i32 {
      %broadcast_in_dim3A_363 = vector.broadcast %scan3A_361 : i32 to vector<16xi32>
      %gather3A = tpu.vector_load_idx %arg19[%broadcast_in_dim3A_363] : memref<640xf32, #tpu.memory_space<vmem>>[vector<16xi32>], vector<16xf32>,
      %get3A = arith.index_cast %scan3A_361 : i32 to index
      %get3A_364 = arith.constant 0 : index
      %get3A_365 = tpu.vector_load %arg16[%get3A, %get3A_364] {strides = array<i32>} : memref<640x32xf32, #tpu.memory_space<vmem>>, vector<16xf32>,
      %mul3A_366 = arith.mulf %get3A_365, %gather3A : vector<16xf32>
      %swap3A_367 = arith.index_cast %scan3A_361 : i32 to index
      %swap3A_368 = arith.constant 0 : index
      %swap3A_369 = tpu.vector_load %arg16[%swap3A_367, %swap3A_368] {strides = array<i32>} : memref<640x32xf32, #tpu.memory_space<vmem>>, vector<16xf32>,
      tpu.vector_store %arg16[%swap3A_367, %swap3A_368], %mul3A_366 {strides = array<i32>} : memref<640x32xf32, #tpu.memory_space<vmem>>, vector<16xf32>,
      %get3A_370 = arith.index_cast %scan3A_361 : i32 to index
      %get3A_371 = arith.constant 16 : index
      %get3A_372 = tpu.vector_load %arg16[%get3A_370, %get3A_371] {strides = array<i32>} : memref<640x32xf32, #tpu.memory_space<vmem>>, vector<16xf32>,
      %mul3A_373 = arith.mulf %get3A_372, %gather3A : vector<16xf32>
      %swap3A_374 = arith.index_cast %scan3A_361 : i32 to index
      %swap3A_375 = arith.constant 16 : index
      %swap3A_376 = tpu.vector_load %arg16[%swap3A_374, %swap3A_375] {strides = array<i32>} : memref<640x32xf32, #tpu.memory_space<vmem>>, vector<16xf32>,
      tpu.vector_store %arg16[%swap3A_374, %swap3A_375], %mul3A_373 {strides = array<i32>} : memref<640x32xf32, #tpu.memory_space<vmem>>, vector<16xf32>,
      %scan3A_377 = arith.constant 0 : i32
      scf.yield %scan3A_377 : i32
    }
    %scan3A_137 = arith.constant 640 : i32
    %add3A_138 = arith.addi %mul3A_2, %mul3A_0 : i32
    "tpu.region"() ({
      %run_scoped3A = tpu.sem_alloc : memref<!tpu.dma_semaphore, #tpu.memory_space<semaphore_mem>>
      %dma_start3A_361 = arith.constant 0 : i32
      %dma_start3A_362 = tpu.memref_slice %arg8[%add3A_138, %dma_start3A_361] : memref<20480x32xf32, #tpu.memory_space<hbm>> -> memref<640x32xf32, #tpu.memory_space<hbm>>
      %dma_start3A_363 = arith.constant 0 : i32
      %dma_start3A_364 = tpu.memref_slice %arg8[%add3A_138, %dma_start3A_363] : memref<20480x32xf32, #tpu.memory_space<hbm>> -> memref<640x32xf32, #tpu.memory_space<hbm>>
      tpu.enqueue_dma source(%arg16 : memref<640x32xf32, #tpu.memory_space<vmem>>) target(%dma_start3A_364 : memref<640x32xf32, #tpu.memory_space<hbm>>) target_semaphore(%run_scoped3A : memref<!tpu.dma_semaphore, #tpu.memory_space<semaphore_mem>>)
      %dma_wait3A_365 = arith.constant 0 : i32
      %dma_wait3A_366 = tpu.memref_slice %arg8[%add3A_138, %dma_wait3A_365] : memref<20480x32xf32, #tpu.memory_space<hbm>> -> memref<640x32xf32, #tpu.memory_space<hbm>>
      %dma_wait3A_367 = arith.constant 0 : i32
      %dma_wait3A_368 = tpu.memref_slice %arg8[%add3A_138, %dma_wait3A_367] : memref<20480x32xf32, #tpu.memory_space<hbm>> -> memref<640x32xf32, #tpu.memory_space<hbm>>
      tpu.wait_dma2 semaphore(%run_scoped3A : memref<!tpu.dma_semaphore, #tpu.memory_space<semaphore_mem>>) src(%arg16 : memref<640x32xf32, #tpu.memory_space<vmem>>) dst(%dma_wait3A_368 : memref<640x32xf32, #tpu.memory_space<hbm>>)
      tpu.yield
    }) : () -> ()
    %barrier3A_139 = arith.constant 0 : index
    tpu.barrier barrier_id(%barrier3A_139)
    %scan3A_140 = arith.constant 0 : i32
    %scan3A_141 = arith.constant 0 : i32
    %scan3A_142 = arith.constant 26 : i32
    %scan3A_143 = arith.addi %scan3A_141, %scan3A_142 : i32
    %scan3A_144 = arith.constant 1 : i32
    %scan3A_145 = scf.for %scan3A_361 = %scan3A_141 to %scan3A_143 step %scan3A_144 iter_args(%scan3A_362 = %scan3A_140) -> (i32)  : i32 {
      %mul3A_363 = arith.constant 6 : i32
      %mul3A_364 = arith.muli %scan3A_361, %mul3A_363 : i32
      %add3A_365 = arith.constant 0 : i32
      %add3A_366 = arith.addi %mul3A_364, %add3A_365 : i32
      %dma_start3A_367 = arith.constant 0 : i32
      %dma_start3A_368 = arith.constant 0 : i32
      %dma_start3A_369 = arith.constant 0 : i32
      %dma_start3A_370 = tpu.memref_slice %arg13[%dma_start3A_367, %dma_start3A_368, %dma_start3A_369] : memref<6x128x32xf32, #tpu.memory_space<vmem>> -> memref<1x128x32xf32, #tpu.memory_space<vmem>>
      %dma_start3A_371 = tpu.memref_squeeze %dma_start3A_370 : memref<1x128x32xf32, #tpu.memory_space<vmem>> -> memref<128x32xf32, #tpu.memory_space<vmem>>
      %dma_start3A_372 = arith.constant 0 : i32
      %dma_start3A_373 = tpu.memref_slice %arg11[%add3A_366, %dma_start3A_372] : memref<157x128xi32, #tpu.memory_space<vmem>> -> memref<1x128xi32, #tpu.memory_space<vmem>>
      %dma_start3A_374 = tpu.memref_squeeze %dma_start3A_373 : memref<1x128xi32, #tpu.memory_space<vmem>> -> memref<128xi32, #tpu.memory_space<vmem>>
      %dma_start3A_375 = arith.constant 0 : i32
      %dma_start3A_376 = arith.constant 0 : i32
      %dma_start3A_377 = tpu.memref_slice %arg8[%dma_start3A_375, %dma_start3A_376] : memref<20480x32xf32, #tpu.memory_space<hbm>> -> memref<20480x32xf32, #tpu.memory_space<hbm>>
      tpu.enqueue_indirect_dma source(%dma_start3A_377 : memref<20480x32xf32, #tpu.memory_space<hbm>>) target(%dma_start3A_371 : memref<128x32xf32, #tpu.memory_space<vmem>>) offsets(%dma_start3A_374 : memref<128xi32, #tpu.memory_space<vmem>>) semaphore(%arg20 : memref<!tpu.dma_semaphore, #tpu.memory_space<semaphore_mem>>)
      %add3A_378 = arith.constant 1 : i32
      %add3A_379 = arith.addi %mul3A_364, %add3A_378 : i32
      %dma_start3A_380 = arith.constant 1 : i32
      %dma_start3A_381 = arith.constant 0 : i32
      %dma_start3A_382 = arith.constant 0 : i32
      %dma_start3A_383 = tpu.memref_slice %arg13[%dma_start3A_380, %dma_start3A_381, %dma_start3A_382] : memref<6x128x32xf32, #tpu.memory_space<vmem>> -> memref<1x128x32xf32, #tpu.memory_space<vmem>>
      %dma_start3A_384 = tpu.memref_squeeze %dma_start3A_383 : memref<1x128x32xf32, #tpu.memory_space<vmem>> -> memref<128x32xf32, #tpu.memory_space<vmem>>
      %dma_start3A_385 = arith.constant 0 : i32
      %dma_start3A_386 = tpu.memref_slice %arg11[%add3A_379, %dma_start3A_385] : memref<157x128xi32, #tpu.memory_space<vmem>> -> memref<1x128xi32, #tpu.memory_space<vmem>>
      %dma_start3A_387 = tpu.memref_squeeze %dma_start3A_386 : memref<1x128xi32, #tpu.memory_space<vmem>> -> memref<128xi32, #tpu.memory_space<vmem>>
      %dma_start3A_388 = arith.constant 0 : i32
      %dma_start3A_389 = arith.constant 0 : i32
      %dma_start3A_390 = tpu.memref_slice %arg8[%dma_start3A_388, %dma_start3A_389] : memref<20480x32xf32, #tpu.memory_space<hbm>> -> memref<20480x32xf32, #tpu.memory_space<hbm>>
      tpu.enqueue_indirect_dma source(%dma_start3A_390 : memref<20480x32xf32, #tpu.memory_space<hbm>>) target(%dma_start3A_384 : memref<128x32xf32, #tpu.memory_space<vmem>>) offsets(%dma_start3A_387 : memref<128xi32, #tpu.memory_space<vmem>>) semaphore(%arg20 : memref<!tpu.dma_semaphore, #tpu.memory_space<semaphore_mem>>)
      %add3A_391 = arith.constant 2 : i32
      %add3A_392 = arith.addi %mul3A_364, %add3A_391 : i32
      %dma_start3A_393 = arith.constant 2 : i32
      %dma_start3A_394 = arith.constant 0 : i32
      %dma_start3A_395 = arith.constant 0 : i32
      %dma_start3A_396 = tpu.memref_slice %arg13[%dma_start3A_393, %dma_start3A_394, %dma_start3A_395] : memref<6x128x32xf32, #tpu.memory_space<vmem>> -> memref<1x128x32xf32, #tpu.memory_space<vmem>>
      %dma_start3A_397 = tpu.memref_squeeze %dma_start3A_396 : memref<1x128x32xf32, #tpu.memory_space<vmem>> -> memref<128x32xf32, #tpu.memory_space<vmem>>
      %dma_start3A_398 = arith.constant 0 : i32
      %dma_start3A_399 = tpu.memref_slice %arg11[%add3A_392, %dma_start3A_398] : memref<157x128xi32, #tpu.memory_space<vmem>> -> memref<1x128xi32, #tpu.memory_space<vmem>>
      %dma_start3A_400 = tpu.memref_squeeze %dma_start3A_399 : memref<1x128xi32, #tpu.memory_space<vmem>> -> memref<128xi32, #tpu.memory_space<vmem>>
      %dma_start3A_401 = arith.constant 0 : i32
      %dma_start3A_402 = arith.constant 0 : i32
      %dma_start3A_403 = tpu.memref_slice %arg8[%dma_start3A_401, %dma_start3A_402] : memref<20480x32xf32, #tpu.memory_space<hbm>> -> memref<20480x32xf32, #tpu.memory_space<hbm>>
      tpu.enqueue_indirect_dma source(%dma_start3A_403 : memref<20480x32xf32, #tpu.memory_space<hbm>>) target(%dma_start3A_397 : memref<128x32xf32, #tpu.memory_space<vmem>>) offsets(%dma_start3A_400 : memref<128xi32, #tpu.memory_space<vmem>>) semaphore(%arg20 : memref<!tpu.dma_semaphore, #tpu.memory_space<semaphore_mem>>)
      %add3A_404 = arith.constant 3 : i32
      %add3A_405 = arith.addi %mul3A_364, %add3A_404 : i32
      %dma_start3A_406 = arith.constant 3 : i32
      %dma_start3A_407 = arith.constant 0 : i32
      %dma_start3A_408 = arith.constant 0 : i32
      %dma_start3A_409 = tpu.memref_slice %arg13[%dma_start3A_406, %dma_start3A_407, %dma_start3A_408] : memref<6x128x32xf32, #tpu.memory_space<vmem>> -> memref<1x128x32xf32, #tpu.memory_space<vmem>>
      %dma_start3A_410 = tpu.memref_squeeze %dma_start3A_409 : memref<1x128x32xf32, #tpu.memory_space<vmem>> -> memref<128x32xf32, #tpu.memory_space<vmem>>
      %dma_start3A_411 = arith.constant 0 : i32
      %dma_start3A_412 = tpu.memref_slice %arg11[%add3A_405, %dma_start3A_411] : memref<157x128xi32, #tpu.memory_space<vmem>> -> memref<1x128xi32, #tpu.memory_space<vmem>>
      %dma_start3A_413 = tpu.memref_squeeze %dma_start3A_412 : memref<1x128xi32, #tpu.memory_space<vmem>> -> memref<128xi32, #tpu.memory_space<vmem>>
      %dma_start3A_414 = arith.constant 0 : i32
      %dma_start3A_415 = arith.constant 0 : i32
      %dma_start3A_416 = tpu.memref_slice %arg8[%dma_start3A_414, %dma_start3A_415] : memref<20480x32xf32, #tpu.memory_space<hbm>> -> memref<20480x32xf32, #tpu.memory_space<hbm>>
      tpu.enqueue_indirect_dma source(%dma_start3A_416 : memref<20480x32xf32, #tpu.memory_space<hbm>>) target(%dma_start3A_410 : memref<128x32xf32, #tpu.memory_space<vmem>>) offsets(%dma_start3A_413 : memref<128xi32, #tpu.memory_space<vmem>>) semaphore(%arg20 : memref<!tpu.dma_semaphore, #tpu.memory_space<semaphore_mem>>)
      %add3A_417 = arith.constant 4 : i32
      %add3A_418 = arith.addi %mul3A_364, %add3A_417 : i32
      %dma_start3A_419 = arith.constant 4 : i32
      %dma_start3A_420 = arith.constant 0 : i32
      %dma_start3A_421 = arith.constant 0 : i32
      %dma_start3A_422 = tpu.memref_slice %arg13[%dma_start3A_419, %dma_start3A_420, %dma_start3A_421] : memref<6x128x32xf32, #tpu.memory_space<vmem>> -> memref<1x128x32xf32, #tpu.memory_space<vmem>>
      %dma_start3A_423 = tpu.memref_squeeze %dma_start3A_422 : memref<1x128x32xf32, #tpu.memory_space<vmem>> -> memref<128x32xf32, #tpu.memory_space<vmem>>
      %dma_start3A_424 = arith.constant 0 : i32
      %dma_start3A_425 = tpu.memref_slice %arg11[%add3A_418, %dma_start3A_424] : memref<157x128xi32, #tpu.memory_space<vmem>> -> memref<1x128xi32, #tpu.memory_space<vmem>>
      %dma_start3A_426 = tpu.memref_squeeze %dma_start3A_425 : memref<1x128xi32, #tpu.memory_space<vmem>> -> memref<128xi32, #tpu.memory_space<vmem>>
      %dma_start3A_427 = arith.constant 0 : i32
      %dma_start3A_428 = arith.constant 0 : i32
      %dma_start3A_429 = tpu.memref_slice %arg8[%dma_start3A_427, %dma_start3A_428] : memref<20480x32xf32, #tpu.memory_space<hbm>> -> memref<20480x32xf32, #tpu.memory_space<hbm>>
      tpu.enqueue_indirect_dma source(%dma_start3A_429 : memref<20480x32xf32, #tpu.memory_space<hbm>>) target(%dma_start3A_423 : memref<128x32xf32, #tpu.memory_space<vmem>>) offsets(%dma_start3A_426 : memref<128xi32, #tpu.memory_space<vmem>>) semaphore(%arg20 : memref<!tpu.dma_semaphore, #tpu.memory_space<semaphore_mem>>)
      %add3A_430 = arith.constant 5 : i32
      %add3A_431 = arith.addi %mul3A_364, %add3A_430 : i32
      %dma_start3A_432 = arith.constant 5 : i32
      %dma_start3A_433 = arith.constant 0 : i32
      %dma_start3A_434 = arith.constant 0 : i32
      %dma_start3A_435 = tpu.memref_slice %arg13[%dma_start3A_432, %dma_start3A_433, %dma_start3A_434] : memref<6x128x32xf32, #tpu.memory_space<vmem>> -> memref<1x128x32xf32, #tpu.memory_space<vmem>>
      %dma_start3A_436 = tpu.memref_squeeze %dma_start3A_435 : memref<1x128x32xf32, #tpu.memory_space<vmem>> -> memref<128x32xf32, #tpu.memory_space<vmem>>
      %dma_start3A_437 = arith.constant 0 : i32
      %dma_start3A_438 = tpu.memref_slice %arg11[%add3A_431, %dma_start3A_437] : memref<157x128xi32, #tpu.memory_space<vmem>> -> memref<1x128xi32, #tpu.memory_space<vmem>>
      %dma_start3A_439 = tpu.memref_squeeze %dma_start3A_438 : memref<1x128xi32, #tpu.memory_space<vmem>> -> memref<128xi32, #tpu.memory_space<vmem>>
      %dma_start3A_440 = arith.constant 0 : i32
      %dma_start3A_441 = arith.constant 0 : i32
      %dma_start3A_442 = tpu.memref_slice %arg8[%dma_start3A_440, %dma_start3A_441] : memref<20480x32xf32, #tpu.memory_space<hbm>> -> memref<20480x32xf32, #tpu.memory_space<hbm>>
      tpu.enqueue_indirect_dma source(%dma_start3A_442 : memref<20480x32xf32, #tpu.memory_space<hbm>>) target(%dma_start3A_436 : memref<128x32xf32, #tpu.memory_space<vmem>>) offsets(%dma_start3A_439 : memref<128xi32, #tpu.memory_space<vmem>>) semaphore(%arg20 : memref<!tpu.dma_semaphore, #tpu.memory_space<semaphore_mem>>)
      %dma_wait3A_443 = arith.constant 0 : i32
      %dma_wait3A_444 = arith.constant 0 : i32
      %dma_wait3A_445 = arith.constant 0 : i32
      %dma_wait3A_446 = tpu.memref_slice %arg13[%dma_wait3A_443, %dma_wait3A_444, %dma_wait3A_445] : memref<6x128x32xf32, #tpu.memory_space<vmem>> -> memref<1x128x32xf32, #tpu.memory_space<vmem>>
      %dma_wait3A_447 = tpu.memref_squeeze %dma_wait3A_446 : memref<1x128x32xf32, #tpu.memory_space<vmem>> -> memref<128x32xf32, #tpu.memory_space<vmem>>
      %dma_wait3A_448 = arith.constant 0 : i32
      %dma_wait3A_449 = tpu.memref_slice %arg11[%add3A_366, %dma_wait3A_448] : memref<157x128xi32, #tpu.memory_space<vmem>> -> memref<1x128xi32, #tpu.memory_space<vmem>>
      %dma_wait3A_450 = tpu.memref_squeeze %dma_wait3A_449 : memref<1x128xi32, #tpu.memory_space<vmem>> -> memref<128xi32, #tpu.memory_space<vmem>>
      %dma_wait3A_451 = arith.constant 0 : i32
      %dma_wait3A_452 = arith.constant 0 : i32
      %dma_wait3A_453 = tpu.memref_slice %arg8[%dma_wait3A_451, %dma_wait3A_452] : memref<20480x32xf32, #tpu.memory_space<hbm>> -> memref<20480x32xf32, #tpu.memory_space<hbm>>
      tpu.wait_indirect_dma semaphore(%arg20 : memref<!tpu.dma_semaphore, #tpu.memory_space<semaphore_mem>>) src(%dma_wait3A_453 : memref<20480x32xf32, #tpu.memory_space<hbm>>) dst(%dma_wait3A_447 : memref<128x32xf32, #tpu.memory_space<vmem>>)
      %dma_wait3A_454 = arith.constant 1 : i32
      %dma_wait3A_455 = arith.constant 0 : i32
      %dma_wait3A_456 = arith.constant 0 : i32
      %dma_wait3A_457 = tpu.memref_slice %arg13[%dma_wait3A_454, %dma_wait3A_455, %dma_wait3A_456] : memref<6x128x32xf32, #tpu.memory_space<vmem>> -> memref<1x128x32xf32, #tpu.memory_space<vmem>>
      %dma_wait3A_458 = tpu.memref_squeeze %dma_wait3A_457 : memref<1x128x32xf32, #tpu.memory_space<vmem>> -> memref<128x32xf32, #tpu.memory_space<vmem>>
      %dma_wait3A_459 = arith.constant 0 : i32
      %dma_wait3A_460 = tpu.memref_slice %arg11[%add3A_379, %dma_wait3A_459] : memref<157x128xi32, #tpu.memory_space<vmem>> -> memref<1x128xi32, #tpu.memory_space<vmem>>
      %dma_wait3A_461 = tpu.memref_squeeze %dma_wait3A_460 : memref<1x128xi32, #tpu.memory_space<vmem>> -> memref<128xi32, #tpu.memory_space<vmem>>
      %dma_wait3A_462 = arith.constant 0 : i32
      %dma_wait3A_463 = arith.constant 0 : i32
      %dma_wait3A_464 = tpu.memref_slice %arg8[%dma_wait3A_462, %dma_wait3A_463] : memref<20480x32xf32, #tpu.memory_space<hbm>> -> memref<20480x32xf32, #tpu.memory_space<hbm>>
      tpu.wait_indirect_dma semaphore(%arg20 : memref<!tpu.dma_semaphore, #tpu.memory_space<semaphore_mem>>) src(%dma_wait3A_464 : memref<20480x32xf32, #tpu.memory_space<hbm>>) dst(%dma_wait3A_458 : memref<128x32xf32, #tpu.memory_space<vmem>>)
      %dma_wait3A_465 = arith.constant 2 : i32
      %dma_wait3A_466 = arith.constant 0 : i32
      %dma_wait3A_467 = arith.constant 0 : i32
      %dma_wait3A_468 = tpu.memref_slice %arg13[%dma_wait3A_465, %dma_wait3A_466, %dma_wait3A_467] : memref<6x128x32xf32, #tpu.memory_space<vmem>> -> memref<1x128x32xf32, #tpu.memory_space<vmem>>
      %dma_wait3A_469 = tpu.memref_squeeze %dma_wait3A_468 : memref<1x128x32xf32, #tpu.memory_space<vmem>> -> memref<128x32xf32, #tpu.memory_space<vmem>>
      %dma_wait3A_470 = arith.constant 0 : i32
      %dma_wait3A_471 = tpu.memref_slice %arg11[%add3A_392, %dma_wait3A_470] : memref<157x128xi32, #tpu.memory_space<vmem>> -> memref<1x128xi32, #tpu.memory_space<vmem>>
      %dma_wait3A_472 = tpu.memref_squeeze %dma_wait3A_471 : memref<1x128xi32, #tpu.memory_space<vmem>> -> memref<128xi32, #tpu.memory_space<vmem>>
      %dma_wait3A_473 = arith.constant 0 : i32
      %dma_wait3A_474 = arith.constant 0 : i32
      %dma_wait3A_475 = tpu.memref_slice %arg8[%dma_wait3A_473, %dma_wait3A_474] : memref<20480x32xf32, #tpu.memory_space<hbm>> -> memref<20480x32xf32, #tpu.memory_space<hbm>>
      tpu.wait_indirect_dma semaphore(%arg20 : memref<!tpu.dma_semaphore, #tpu.memory_space<semaphore_mem>>) src(%dma_wait3A_475 : memref<20480x32xf32, #tpu.memory_space<hbm>>) dst(%dma_wait3A_469 : memref<128x32xf32, #tpu.memory_space<vmem>>)
      %dma_wait3A_476 = arith.constant 3 : i32
      %dma_wait3A_477 = arith.constant 0 : i32
      %dma_wait3A_478 = arith.constant 0 : i32
      %dma_wait3A_479 = tpu.memref_slice %arg13[%dma_wait3A_476, %dma_wait3A_477, %dma_wait3A_478] : memref<6x128x32xf32, #tpu.memory_space<vmem>> -> memref<1x128x32xf32, #tpu.memory_space<vmem>>
      %dma_wait3A_480 = tpu.memref_squeeze %dma_wait3A_479 : memref<1x128x32xf32, #tpu.memory_space<vmem>> -> memref<128x32xf32, #tpu.memory_space<vmem>>
      %dma_wait3A_481 = arith.constant 0 : i32
      %dma_wait3A_482 = tpu.memref_slice %arg11[%add3A_405, %dma_wait3A_481] : memref<157x128xi32, #tpu.memory_space<vmem>> -> memref<1x128xi32, #tpu.memory_space<vmem>>
      %dma_wait3A_483 = tpu.memref_squeeze %dma_wait3A_482 : memref<1x128xi32, #tpu.memory_space<vmem>> -> memref<128xi32, #tpu.memory_space<vmem>>
      %dma_wait3A_484 = arith.constant 0 : i32
      %dma_wait3A_485 = arith.constant 0 : i32
      %dma_wait3A_486 = tpu.memref_slice %arg8[%dma_wait3A_484, %dma_wait3A_485] : memref<20480x32xf32, #tpu.memory_space<hbm>> -> memref<20480x32xf32, #tpu.memory_space<hbm>>
      tpu.wait_indirect_dma semaphore(%arg20 : memref<!tpu.dma_semaphore, #tpu.memory_space<semaphore_mem>>) src(%dma_wait3A_486 : memref<20480x32xf32, #tpu.memory_space<hbm>>) dst(%dma_wait3A_480 : memref<128x32xf32, #tpu.memory_space<vmem>>)
      %dma_wait3A_487 = arith.constant 4 : i32
      %dma_wait3A_488 = arith.constant 0 : i32
      %dma_wait3A_489 = arith.constant 0 : i32
      %dma_wait3A_490 = tpu.memref_slice %arg13[%dma_wait3A_487, %dma_wait3A_488, %dma_wait3A_489] : memref<6x128x32xf32, #tpu.memory_space<vmem>> -> memref<1x128x32xf32, #tpu.memory_space<vmem>>
      %dma_wait3A_491 = tpu.memref_squeeze %dma_wait3A_490 : memref<1x128x32xf32, #tpu.memory_space<vmem>> -> memref<128x32xf32, #tpu.memory_space<vmem>>
      %dma_wait3A_492 = arith.constant 0 : i32
      %dma_wait3A_493 = tpu.memref_slice %arg11[%add3A_418, %dma_wait3A_492] : memref<157x128xi32, #tpu.memory_space<vmem>> -> memref<1x128xi32, #tpu.memory_space<vmem>>
      %dma_wait3A_494 = tpu.memref_squeeze %dma_wait3A_493 : memref<1x128xi32, #tpu.memory_space<vmem>> -> memref<128xi32, #tpu.memory_space<vmem>>
      %dma_wait3A_495 = arith.constant 0 : i32
      %dma_wait3A_496 = arith.constant 0 : i32
      %dma_wait3A_497 = tpu.memref_slice %arg8[%dma_wait3A_495, %dma_wait3A_496] : memref<20480x32xf32, #tpu.memory_space<hbm>> -> memref<20480x32xf32, #tpu.memory_space<hbm>>
      tpu.wait_indirect_dma semaphore(%arg20 : memref<!tpu.dma_semaphore, #tpu.memory_space<semaphore_mem>>) src(%dma_wait3A_497 : memref<20480x32xf32, #tpu.memory_space<hbm>>) dst(%dma_wait3A_491 : memref<128x32xf32, #tpu.memory_space<vmem>>)
      %dma_wait3A_498 = arith.constant 5 : i32
      %dma_wait3A_499 = arith.constant 0 : i32
      %dma_wait3A_500 = arith.constant 0 : i32
      %dma_wait3A_501 = tpu.memref_slice %arg13[%dma_wait3A_498, %dma_wait3A_499, %dma_wait3A_500] : memref<6x128x32xf32, #tpu.memory_space<vmem>> -> memref<1x128x32xf32, #tpu.memory_space<vmem>>
      %dma_wait3A_502 = tpu.memref_squeeze %dma_wait3A_501 : memref<1x128x32xf32, #tpu.memory_space<vmem>> -> memref<128x32xf32, #tpu.memory_space<vmem>>
      %dma_wait3A_503 = arith.constant 0 : i32
      %dma_wait3A_504 = tpu.memref_slice %arg11[%add3A_431, %dma_wait3A_503] : memref<157x128xi32, #tpu.memory_space<vmem>> -> memref<1x128xi32, #tpu.memory_space<vmem>>
      %dma_wait3A_505 = tpu.memref_squeeze %dma_wait3A_504 : memref<1x128xi32, #tpu.memory_space<vmem>> -> memref<128xi32, #tpu.memory_space<vmem>>
      %dma_wait3A_506 = arith.constant 0 : i32
      %dma_wait3A_507 = arith.constant 0 : i32
      %dma_wait3A_508 = tpu.memref_slice %arg8[%dma_wait3A_506, %dma_wait3A_507] : memref<20480x32xf32, #tpu.memory_space<hbm>> -> memref<20480x32xf32, #tpu.memory_space<hbm>>
      tpu.wait_indirect_dma semaphore(%arg20 : memref<!tpu.dma_semaphore, #tpu.memory_space<semaphore_mem>>) src(%dma_wait3A_508 : memref<20480x32xf32, #tpu.memory_space<hbm>>) dst(%dma_wait3A_502 : memref<128x32xf32, #tpu.memory_space<vmem>>)
      %add3A_509 = arith.constant 0 : i32
      %add3A_510 = arith.addi %mul3A_364, %add3A_509 : i32
      %dma_start3A_511 = arith.constant 0 : i32
      %dma_start3A_512 = arith.constant 0 : i32
      %dma_start3A_513 = arith.constant 0 : i32
      %dma_start3A_514 = tpu.memref_slice %arg13[%dma_start3A_511, %dma_start3A_512, %dma_start3A_513] : memref<6x128x32xf32, #tpu.memory_space<vmem>> -> memref<1x128x32xf32, #tpu.memory_space<vmem>>
      %dma_start3A_515 = tpu.memref_squeeze %dma_start3A_514 : memref<1x128x32xf32, #tpu.memory_space<vmem>> -> memref<128x32xf32, #tpu.memory_space<vmem>>
      %dma_start3A_516 = arith.constant 0 : i32
      %dma_start3A_517 = tpu.memref_slice %arg12[%add3A_510, %dma_start3A_516] : memref<157x128xi32, #tpu.memory_space<vmem>> -> memref<1x128xi32, #tpu.memory_space<vmem>>
      %dma_start3A_518 = tpu.memref_squeeze %dma_start3A_517 : memref<1x128xi32, #tpu.memory_space<vmem>> -> memref<128xi32, #tpu.memory_space<vmem>>
      %dma_start3A_519 = arith.constant 0 : i32
      %dma_start3A_520 = arith.constant 0 : i32
      %dma_start3A_521 = tpu.memref_slice %arg9[%dma_start3A_519, %dma_start3A_520] : memref<10240x32xf32, #tpu.memory_space<vmem_shared>> -> memref<10240x32xf32, #tpu.memory_space<vmem_shared>>
      tpu.enqueue_indirect_dma source(%dma_start3A_515 : memref<128x32xf32, #tpu.memory_space<vmem>>) target(%dma_start3A_521 : memref<10240x32xf32, #tpu.memory_space<vmem_shared>>) offsets(%dma_start3A_518 : memref<128xi32, #tpu.memory_space<vmem>>) semaphore(%arg21 : memref<!tpu.dma_semaphore, #tpu.memory_space<semaphore_mem>>) {add = true}
      %add3A_522 = arith.constant 1 : i32
      %add3A_523 = arith.addi %mul3A_364, %add3A_522 : i32
      %dma_start3A_524 = arith.constant 1 : i32
      %dma_start3A_525 = arith.constant 0 : i32
      %dma_start3A_526 = arith.constant 0 : i32
      %dma_start3A_527 = tpu.memref_slice %arg13[%dma_start3A_524, %dma_start3A_525, %dma_start3A_526] : memref<6x128x32xf32, #tpu.memory_space<vmem>> -> memref<1x128x32xf32, #tpu.memory_space<vmem>>
      %dma_start3A_528 = tpu.memref_squeeze %dma_start3A_527 : memref<1x128x32xf32, #tpu.memory_space<vmem>> -> memref<128x32xf32, #tpu.memory_space<vmem>>
      %dma_start3A_529 = arith.constant 0 : i32
      %dma_start3A_530 = tpu.memref_slice %arg12[%add3A_523, %dma_start3A_529] : memref<157x128xi32, #tpu.memory_space<vmem>> -> memref<1x128xi32, #tpu.memory_space<vmem>>
      %dma_start3A_531 = tpu.memref_squeeze %dma_start3A_530 : memref<1x128xi32, #tpu.memory_space<vmem>> -> memref<128xi32, #tpu.memory_space<vmem>>
      %dma_start3A_532 = arith.constant 0 : i32
      %dma_start3A_533 = arith.constant 0 : i32
      %dma_start3A_534 = tpu.memref_slice %arg9[%dma_start3A_532, %dma_start3A_533] : memref<10240x32xf32, #tpu.memory_space<vmem_shared>> -> memref<10240x32xf32, #tpu.memory_space<vmem_shared>>
      tpu.enqueue_indirect_dma source(%dma_start3A_528 : memref<128x32xf32, #tpu.memory_space<vmem>>) target(%dma_start3A_534 : memref<10240x32xf32, #tpu.memory_space<vmem_shared>>) offsets(%dma_start3A_531 : memref<128xi32, #tpu.memory_space<vmem>>) semaphore(%arg21 : memref<!tpu.dma_semaphore, #tpu.memory_space<semaphore_mem>>) {add = true}
      %add3A_535 = arith.constant 2 : i32
      %add3A_536 = arith.addi %mul3A_364, %add3A_535 : i32
      %dma_start3A_537 = arith.constant 2 : i32
      %dma_start3A_538 = arith.constant 0 : i32
      %dma_start3A_539 = arith.constant 0 : i32
      %dma_start3A_540 = tpu.memref_slice %arg13[%dma_start3A_537, %dma_start3A_538, %dma_start3A_539] : memref<6x128x32xf32, #tpu.memory_space<vmem>> -> memref<1x128x32xf32, #tpu.memory_space<vmem>>
      %dma_start3A_541 = tpu.memref_squeeze %dma_start3A_540 : memref<1x128x32xf32, #tpu.memory_space<vmem>> -> memref<128x32xf32, #tpu.memory_space<vmem>>
      %dma_start3A_542 = arith.constant 0 : i32
      %dma_start3A_543 = tpu.memref_slice %arg12[%add3A_536, %dma_start3A_542] : memref<157x128xi32, #tpu.memory_space<vmem>> -> memref<1x128xi32, #tpu.memory_space<vmem>>
      %dma_start3A_544 = tpu.memref_squeeze %dma_start3A_543 : memref<1x128xi32, #tpu.memory_space<vmem>> -> memref<128xi32, #tpu.memory_space<vmem>>
      %dma_start3A_545 = arith.constant 0 : i32
      %dma_start3A_546 = arith.constant 0 : i32
      %dma_start3A_547 = tpu.memref_slice %arg9[%dma_start3A_545, %dma_start3A_546] : memref<10240x32xf32, #tpu.memory_space<vmem_shared>> -> memref<10240x32xf32, #tpu.memory_space<vmem_shared>>
      tpu.enqueue_indirect_dma source(%dma_start3A_541 : memref<128x32xf32, #tpu.memory_space<vmem>>) target(%dma_start3A_547 : memref<10240x32xf32, #tpu.memory_space<vmem_shared>>) offsets(%dma_start3A_544 : memref<128xi32, #tpu.memory_space<vmem>>) semaphore(%arg21 : memref<!tpu.dma_semaphore, #tpu.memory_space<semaphore_mem>>) {add = true}
      %add3A_548 = arith.constant 3 : i32
      %add3A_549 = arith.addi %mul3A_364, %add3A_548 : i32
      %dma_start3A_550 = arith.constant 3 : i32
      %dma_start3A_551 = arith.constant 0 : i32
      %dma_start3A_552 = arith.constant 0 : i32
      %dma_start3A_553 = tpu.memref_slice %arg13[%dma_start3A_550, %dma_start3A_551, %dma_start3A_552] : memref<6x128x32xf32, #tpu.memory_space<vmem>> -> memref<1x128x32xf32, #tpu.memory_space<vmem>>
      %dma_start3A_554 = tpu.memref_squeeze %dma_start3A_553 : memref<1x128x32xf32, #tpu.memory_space<vmem>> -> memref<128x32xf32, #tpu.memory_space<vmem>>
      %dma_start3A_555 = arith.constant 0 : i32
      %dma_start3A_556 = tpu.memref_slice %arg12[%add3A_549, %dma_start3A_555] : memref<157x128xi32, #tpu.memory_space<vmem>> -> memref<1x128xi32, #tpu.memory_space<vmem>>
      %dma_start3A_557 = tpu.memref_squeeze %dma_start3A_556 : memref<1x128xi32, #tpu.memory_space<vmem>> -> memref<128xi32, #tpu.memory_space<vmem>>
      %dma_start3A_558 = arith.constant 0 : i32
      %dma_start3A_559 = arith.constant 0 : i32
      %dma_start3A_560 = tpu.memref_slice %arg9[%dma_start3A_558, %dma_start3A_559] : memref<10240x32xf32, #tpu.memory_space<vmem_shared>> -> memref<10240x32xf32, #tpu.memory_space<vmem_shared>>
      tpu.enqueue_indirect_dma source(%dma_start3A_554 : memref<128x32xf32, #tpu.memory_space<vmem>>) target(%dma_start3A_560 : memref<10240x32xf32, #tpu.memory_space<vmem_shared>>) offsets(%dma_start3A_557 : memref<128xi32, #tpu.memory_space<vmem>>) semaphore(%arg21 : memref<!tpu.dma_semaphore, #tpu.memory_space<semaphore_mem>>) {add = true}
      %add3A_561 = arith.constant 4 : i32
      %add3A_562 = arith.addi %mul3A_364, %add3A_561 : i32
      %dma_start3A_563 = arith.constant 4 : i32
      %dma_start3A_564 = arith.constant 0 : i32
      %dma_start3A_565 = arith.constant 0 : i32
      %dma_start3A_566 = tpu.memref_slice %arg13[%dma_start3A_563, %dma_start3A_564, %dma_start3A_565] : memref<6x128x32xf32, #tpu.memory_space<vmem>> -> memref<1x128x32xf32, #tpu.memory_space<vmem>>
      %dma_start3A_567 = tpu.memref_squeeze %dma_start3A_566 : memref<1x128x32xf32, #tpu.memory_space<vmem>> -> memref<128x32xf32, #tpu.memory_space<vmem>>
      %dma_start3A_568 = arith.constant 0 : i32
      %dma_start3A_569 = tpu.memref_slice %arg12[%add3A_562, %dma_start3A_568] : memref<157x128xi32, #tpu.memory_space<vmem>> -> memref<1x128xi32, #tpu.memory_space<vmem>>
      %dma_start3A_570 = tpu.memref_squeeze %dma_start3A_569 : memref<1x128xi32, #tpu.memory_space<vmem>> -> memref<128xi32, #tpu.memory_space<vmem>>
      %dma_start3A_571 = arith.constant 0 : i32
      %dma_start3A_572 = arith.constant 0 : i32
      %dma_start3A_573 = tpu.memref_slice %arg9[%dma_start3A_571, %dma_start3A_572] : memref<10240x32xf32, #tpu.memory_space<vmem_shared>> -> memref<10240x32xf32, #tpu.memory_space<vmem_shared>>
      tpu.enqueue_indirect_dma source(%dma_start3A_567 : memref<128x32xf32, #tpu.memory_space<vmem>>) target(%dma_start3A_573 : memref<10240x32xf32, #tpu.memory_space<vmem_shared>>) offsets(%dma_start3A_570 : memref<128xi32, #tpu.memory_space<vmem>>) semaphore(%arg21 : memref<!tpu.dma_semaphore, #tpu.memory_space<semaphore_mem>>) {add = true}
      %add3A_574 = arith.constant 5 : i32
      %add3A_575 = arith.addi %mul3A_364, %add3A_574 : i32
      %dma_start3A_576 = arith.constant 5 : i32
      %dma_start3A_577 = arith.constant 0 : i32
      %dma_start3A_578 = arith.constant 0 : i32
      %dma_start3A_579 = tpu.memref_slice %arg13[%dma_start3A_576, %dma_start3A_577, %dma_start3A_578] : memref<6x128x32xf32, #tpu.memory_space<vmem>> -> memref<1x128x32xf32, #tpu.memory_space<vmem>>
      %dma_start3A_580 = tpu.memref_squeeze %dma_start3A_579 : memref<1x128x32xf32, #tpu.memory_space<vmem>> -> memref<128x32xf32, #tpu.memory_space<vmem>>
      %dma_start3A_581 = arith.constant 0 : i32
      %dma_start3A_582 = tpu.memref_slice %arg12[%add3A_575, %dma_start3A_581] : memref<157x128xi32, #tpu.memory_space<vmem>> -> memref<1x128xi32, #tpu.memory_space<vmem>>
      %dma_start3A_583 = tpu.memref_squeeze %dma_start3A_582 : memref<1x128xi32, #tpu.memory_space<vmem>> -> memref<128xi32, #tpu.memory_space<vmem>>
      %dma_start3A_584 = arith.constant 0 : i32
      %dma_start3A_585 = arith.constant 0 : i32
      %dma_start3A_586 = tpu.memref_slice %arg9[%dma_start3A_584, %dma_start3A_585] : memref<10240x32xf32, #tpu.memory_space<vmem_shared>> -> memref<10240x32xf32, #tpu.memory_space<vmem_shared>>
      tpu.enqueue_indirect_dma source(%dma_start3A_580 : memref<128x32xf32, #tpu.memory_space<vmem>>) target(%dma_start3A_586 : memref<10240x32xf32, #tpu.memory_space<vmem_shared>>) offsets(%dma_start3A_583 : memref<128xi32, #tpu.memory_space<vmem>>) semaphore(%arg21 : memref<!tpu.dma_semaphore, #tpu.memory_space<semaphore_mem>>) {add = true}
      %dma_wait3A_587 = arith.constant 0 : i32
      %dma_wait3A_588 = arith.constant 0 : i32
      %dma_wait3A_589 = arith.constant 0 : i32
      %dma_wait3A_590 = tpu.memref_slice %arg13[%dma_wait3A_587, %dma_wait3A_588, %dma_wait3A_589] : memref<6x128x32xf32, #tpu.memory_space<vmem>> -> memref<1x128x32xf32, #tpu.memory_space<vmem>>
      %dma_wait3A_591 = tpu.memref_squeeze %dma_wait3A_590 : memref<1x128x32xf32, #tpu.memory_space<vmem>> -> memref<128x32xf32, #tpu.memory_space<vmem>>
      %dma_wait3A_592 = arith.constant 0 : i32
      %dma_wait3A_593 = tpu.memref_slice %arg12[%add3A_510, %dma_wait3A_592] : memref<157x128xi32, #tpu.memory_space<vmem>> -> memref<1x128xi32, #tpu.memory_space<vmem>>
      %dma_wait3A_594 = tpu.memref_squeeze %dma_wait3A_593 : memref<1x128xi32, #tpu.memory_space<vmem>> -> memref<128xi32, #tpu.memory_space<vmem>>
      %dma_wait3A_595 = arith.constant 0 : i32
      %dma_wait3A_596 = arith.constant 0 : i32
      %dma_wait3A_597 = tpu.memref_slice %arg9[%dma_wait3A_595, %dma_wait3A_596] : memref<10240x32xf32, #tpu.memory_space<vmem_shared>> -> memref<10240x32xf32, #tpu.memory_space<vmem_shared>>
      tpu.wait_indirect_dma semaphore(%arg21 : memref<!tpu.dma_semaphore, #tpu.memory_space<semaphore_mem>>) src(%dma_wait3A_591 : memref<128x32xf32, #tpu.memory_space<vmem>>) dst(%dma_wait3A_597 : memref<10240x32xf32, #tpu.memory_space<vmem_shared>>)
      %dma_wait3A_598 = arith.constant 1 : i32
      %dma_wait3A_599 = arith.constant 0 : i32
      %dma_wait3A_600 = arith.constant 0 : i32
      %dma_wait3A_601 = tpu.memref_slice %arg13[%dma_wait3A_598, %dma_wait3A_599, %dma_wait3A_600] : memref<6x128x32xf32, #tpu.memory_space<vmem>> -> memref<1x128x32xf32, #tpu.memory_space<vmem>>
      %dma_wait3A_602 = tpu.memref_squeeze %dma_wait3A_601 : memref<1x128x32xf32, #tpu.memory_space<vmem>> -> memref<128x32xf32, #tpu.memory_space<vmem>>
      %dma_wait3A_603 = arith.constant 0 : i32
      %dma_wait3A_604 = tpu.memref_slice %arg12[%add3A_523, %dma_wait3A_603] : memref<157x128xi32, #tpu.memory_space<vmem>> -> memref<1x128xi32, #tpu.memory_space<vmem>>
      %dma_wait3A_605 = tpu.memref_squeeze %dma_wait3A_604 : memref<1x128xi32, #tpu.memory_space<vmem>> -> memref<128xi32, #tpu.memory_space<vmem>>
      %dma_wait3A_606 = arith.constant 0 : i32
      %dma_wait3A_607 = arith.constant 0 : i32
      %dma_wait3A_608 = tpu.memref_slice %arg9[%dma_wait3A_606, %dma_wait3A_607] : memref<10240x32xf32, #tpu.memory_space<vmem_shared>> -> memref<10240x32xf32, #tpu.memory_space<vmem_shared>>
      tpu.wait_indirect_dma semaphore(%arg21 : memref<!tpu.dma_semaphore, #tpu.memory_space<semaphore_mem>>) src(%dma_wait3A_602 : memref<128x32xf32, #tpu.memory_space<vmem>>) dst(%dma_wait3A_608 : memref<10240x32xf32, #tpu.memory_space<vmem_shared>>)
      %dma_wait3A_609 = arith.constant 2 : i32
      %dma_wait3A_610 = arith.constant 0 : i32
      %dma_wait3A_611 = arith.constant 0 : i32
      %dma_wait3A_612 = tpu.memref_slice %arg13[%dma_wait3A_609, %dma_wait3A_610, %dma_wait3A_611] : memref<6x128x32xf32, #tpu.memory_space<vmem>> -> memref<1x128x32xf32, #tpu.memory_space<vmem>>
      %dma_wait3A_613 = tpu.memref_squeeze %dma_wait3A_612 : memref<1x128x32xf32, #tpu.memory_space<vmem>> -> memref<128x32xf32, #tpu.memory_space<vmem>>
      %dma_wait3A_614 = arith.constant 0 : i32
      %dma_wait3A_615 = tpu.memref_slice %arg12[%add3A_536, %dma_wait3A_614] : memref<157x128xi32, #tpu.memory_space<vmem>> -> memref<1x128xi32, #tpu.memory_space<vmem>>
      %dma_wait3A_616 = tpu.memref_squeeze %dma_wait3A_615 : memref<1x128xi32, #tpu.memory_space<vmem>> -> memref<128xi32, #tpu.memory_space<vmem>>
      %dma_wait3A_617 = arith.constant 0 : i32
      %dma_wait3A_618 = arith.constant 0 : i32
      %dma_wait3A_619 = tpu.memref_slice %arg9[%dma_wait3A_617, %dma_wait3A_618] : memref<10240x32xf32, #tpu.memory_space<vmem_shared>> -> memref<10240x32xf32, #tpu.memory_space<vmem_shared>>
      tpu.wait_indirect_dma semaphore(%arg21 : memref<!tpu.dma_semaphore, #tpu.memory_space<semaphore_mem>>) src(%dma_wait3A_613 : memref<128x32xf32, #tpu.memory_space<vmem>>) dst(%dma_wait3A_619 : memref<10240x32xf32, #tpu.memory_space<vmem_shared>>)
      %dma_wait3A_620 = arith.constant 3 : i32
      %dma_wait3A_621 = arith.constant 0 : i32
      %dma_wait3A_622 = arith.constant 0 : i32
      %dma_wait3A_623 = tpu.memref_slice %arg13[%dma_wait3A_620, %dma_wait3A_621, %dma_wait3A_622] : memref<6x128x32xf32, #tpu.memory_space<vmem>> -> memref<1x128x32xf32, #tpu.memory_space<vmem>>
      %dma_wait3A_624 = tpu.memref_squeeze %dma_wait3A_623 : memref<1x128x32xf32, #tpu.memory_space<vmem>> -> memref<128x32xf32, #tpu.memory_space<vmem>>
      %dma_wait3A_625 = arith.constant 0 : i32
      %dma_wait3A_626 = tpu.memref_slice %arg12[%add3A_549, %dma_wait3A_625] : memref<157x128xi32, #tpu.memory_space<vmem>> -> memref<1x128xi32, #tpu.memory_space<vmem>>
      %dma_wait3A_627 = tpu.memref_squeeze %dma_wait3A_626 : memref<1x128xi32, #tpu.memory_space<vmem>> -> memref<128xi32, #tpu.memory_space<vmem>>
      %dma_wait3A_628 = arith.constant 0 : i32
      %dma_wait3A_629 = arith.constant 0 : i32
      %dma_wait3A_630 = tpu.memref_slice %arg9[%dma_wait3A_628, %dma_wait3A_629] : memref<10240x32xf32, #tpu.memory_space<vmem_shared>> -> memref<10240x32xf32, #tpu.memory_space<vmem_shared>>
      tpu.wait_indirect_dma semaphore(%arg21 : memref<!tpu.dma_semaphore, #tpu.memory_space<semaphore_mem>>) src(%dma_wait3A_624 : memref<128x32xf32, #tpu.memory_space<vmem>>) dst(%dma_wait3A_630 : memref<10240x32xf32, #tpu.memory_space<vmem_shared>>)
      %dma_wait3A_631 = arith.constant 4 : i32
      %dma_wait3A_632 = arith.constant 0 : i32
      %dma_wait3A_633 = arith.constant 0 : i32
      %dma_wait3A_634 = tpu.memref_slice %arg13[%dma_wait3A_631, %dma_wait3A_632, %dma_wait3A_633] : memref<6x128x32xf32, #tpu.memory_space<vmem>> -> memref<1x128x32xf32, #tpu.memory_space<vmem>>
      %dma_wait3A_635 = tpu.memref_squeeze %dma_wait3A_634 : memref<1x128x32xf32, #tpu.memory_space<vmem>> -> memref<128x32xf32, #tpu.memory_space<vmem>>
      %dma_wait3A_636 = arith.constant 0 : i32
      %dma_wait3A_637 = tpu.memref_slice %arg12[%add3A_562, %dma_wait3A_636] : memref<157x128xi32, #tpu.memory_space<vmem>> -> memref<1x128xi32, #tpu.memory_space<vmem>>
      %dma_wait3A_638 = tpu.memref_squeeze %dma_wait3A_637 : memref<1x128xi32, #tpu.memory_space<vmem>> -> memref<128xi32, #tpu.memory_space<vmem>>
      %dma_wait3A_639 = arith.constant 0 : i32
      %dma_wait3A_640 = arith.constant 0 : i32
      %dma_wait3A_641 = tpu.memref_slice %arg9[%dma_wait3A_639, %dma_wait3A_640] : memref<10240x32xf32, #tpu.memory_space<vmem_shared>> -> memref<10240x32xf32, #tpu.memory_space<vmem_shared>>
      tpu.wait_indirect_dma semaphore(%arg21 : memref<!tpu.dma_semaphore, #tpu.memory_space<semaphore_mem>>) src(%dma_wait3A_635 : memref<128x32xf32, #tpu.memory_space<vmem>>) dst(%dma_wait3A_641 : memref<10240x32xf32, #tpu.memory_space<vmem_shared>>)
      %dma_wait3A_642 = arith.constant 5 : i32
      %dma_wait3A_643 = arith.constant 0 : i32
      %dma_wait3A_644 = arith.constant 0 : i32
      %dma_wait3A_645 = tpu.memref_slice %arg13[%dma_wait3A_642, %dma_wait3A_643, %dma_wait3A_644] : memref<6x128x32xf32, #tpu.memory_space<vmem>> -> memref<1x128x32xf32, #tpu.memory_space<vmem>>
      %dma_wait3A_646 = tpu.memref_squeeze %dma_wait3A_645 : memref<1x128x32xf32, #tpu.memory_space<vmem>> -> memref<128x32xf32, #tpu.memory_space<vmem>>
      %dma_wait3A_647 = arith.constant 0 : i32
      %dma_wait3A_648 = tpu.memref_slice %arg12[%add3A_575, %dma_wait3A_647] : memref<157x128xi32, #tpu.memory_space<vmem>> -> memref<1x128xi32, #tpu.memory_space<vmem>>
      %dma_wait3A_649 = tpu.memref_squeeze %dma_wait3A_648 : memref<1x128xi32, #tpu.memory_space<vmem>> -> memref<128xi32, #tpu.memory_space<vmem>>
      %dma_wait3A_650 = arith.constant 0 : i32
      %dma_wait3A_651 = arith.constant 0 : i32
      %dma_wait3A_652 = tpu.memref_slice %arg9[%dma_wait3A_650, %dma_wait3A_651] : memref<10240x32xf32, #tpu.memory_space<vmem_shared>> -> memref<10240x32xf32, #tpu.memory_space<vmem_shared>>
      tpu.wait_indirect_dma semaphore(%arg21 : memref<!tpu.dma_semaphore, #tpu.memory_space<semaphore_mem>>) src(%dma_wait3A_646 : memref<128x32xf32, #tpu.memory_space<vmem>>) dst(%dma_wait3A_652 : memref<10240x32xf32, #tpu.memory_space<vmem_shared>>)
      %scan3A_653 = arith.constant 0 : i32
      scf.yield %scan3A_653 : i32
    }
    %scan3A_146 = arith.constant 26 : i32
    %dma_start3A_147 = arith.constant 156 : i32
    %dma_start3A_148 = arith.constant 0 : i32
    %dma_start3A_149 = arith.constant 0 : i32
    %dma_start3A_150 = arith.constant 0 : i32
    %dma_start3A_151 = tpu.memref_slice %arg13[%dma_start3A_148, %dma_start3A_149, %dma_start3A_150] : memref<6x128x32xf32, #tpu.memory_space<vmem>> -> memref<1x128x32xf32, #tpu.memory_space<vmem>>
    %dma_start3A_152 = tpu.memref_squeeze %dma_start3A_151 : memref<1x128x32xf32, #tpu.memory_space<vmem>> -> memref<128x32xf32, #tpu.memory_space<vmem>>
    %dma_start3A_153 = arith.constant 0 : i32
    %dma_start3A_154 = tpu.memref_slice %arg11[%dma_start3A_147, %dma_start3A_153] : memref<157x128xi32, #tpu.memory_space<vmem>> -> memref<1x128xi32, #tpu.memory_space<vmem>>
    %dma_start3A_155 = tpu.memref_squeeze %dma_start3A_154 : memref<1x128xi32, #tpu.memory_space<vmem>> -> memref<128xi32, #tpu.memory_space<vmem>>
    %dma_start3A_156 = arith.constant 0 : i32
    %dma_start3A_157 = arith.constant 0 : i32
    %dma_start3A_158 = tpu.memref_slice %arg8[%dma_start3A_156, %dma_start3A_157] : memref<20480x32xf32, #tpu.memory_space<hbm>> -> memref<20480x32xf32, #tpu.memory_space<hbm>>
    tpu.enqueue_indirect_dma source(%dma_start3A_158 : memref<20480x32xf32, #tpu.memory_space<hbm>>) target(%dma_start3A_152 : memref<128x32xf32, #tpu.memory_space<vmem>>) offsets(%dma_start3A_155 : memref<128xi32, #tpu.memory_space<vmem>>) semaphore(%arg20 : memref<!tpu.dma_semaphore, #tpu.memory_space<semaphore_mem>>)
    %dma_wait3A_159 = arith.constant 156 : i32
    %dma_wait3A_160 = arith.constant 0 : i32
    %dma_wait3A_161 = arith.constant 0 : i32
    %dma_wait3A_162 = arith.constant 0 : i32
    %dma_wait3A_163 = tpu.memref_slice %arg13[%dma_wait3A_160, %dma_wait3A_161, %dma_wait3A_162] : memref<6x128x32xf32, #tpu.memory_space<vmem>> -> memref<1x128x32xf32, #tpu.memory_space<vmem>>
    %dma_wait3A_164 = tpu.memref_squeeze %dma_wait3A_163 : memref<1x128x32xf32, #tpu.memory_space<vmem>> -> memref<128x32xf32, #tpu.memory_space<vmem>>
    %dma_wait3A_165 = arith.constant 0 : i32
    %dma_wait3A_166 = tpu.memref_slice %arg11[%dma_wait3A_159, %dma_wait3A_165] : memref<157x128xi32, #tpu.memory_space<vmem>> -> memref<1x128xi32, #tpu.memory_space<vmem>>
    %dma_wait3A_167 = tpu.memref_squeeze %dma_wait3A_166 : memref<1x128xi32, #tpu.memory_space<vmem>> -> memref<128xi32, #tpu.memory_space<vmem>>
    %dma_wait3A_168 = arith.constant 0 : i32
    %dma_wait3A_169 = arith.constant 0 : i32
    %dma_wait3A_170 = tpu.memref_slice %arg8[%dma_wait3A_168, %dma_wait3A_169] : memref<20480x32xf32, #tpu.memory_space<hbm>> -> memref<20480x32xf32, #tpu.memory_space<hbm>>
    tpu.wait_indirect_dma semaphore(%arg20 : memref<!tpu.dma_semaphore, #tpu.memory_space<semaphore_mem>>) src(%dma_wait3A_170 : memref<20480x32xf32, #tpu.memory_space<hbm>>) dst(%dma_wait3A_164 : memref<128x32xf32, #tpu.memory_space<vmem>>)
    %dma_start3A_171 = arith.constant 0 : i32
    %dma_start3A_172 = arith.constant 156 : i32
    %dma_start3A_173 = arith.constant 0 : i32
    %dma_start3A_174 = arith.constant 0 : i32
    %dma_start3A_175 = tpu.memref_slice %arg13[%dma_start3A_171, %dma_start3A_173, %dma_start3A_174] : memref<6x128x32xf32, #tpu.memory_space<vmem>> -> memref<1x128x32xf32, #tpu.memory_space<vmem>>
    %dma_start3A_176 = tpu.memref_squeeze %dma_start3A_175 : memref<1x128x32xf32, #tpu.memory_space<vmem>> -> memref<128x32xf32, #tpu.memory_space<vmem>>
    %dma_start3A_177 = arith.constant 0 : i32
    %dma_start3A_178 = tpu.memref_slice %arg12[%dma_start3A_172, %dma_start3A_177] : memref<157x128xi32, #tpu.memory_space<vmem>> -> memref<1x128xi32, #tpu.memory_space<vmem>>
    %dma_start3A_179 = tpu.memref_squeeze %dma_start3A_178 : memref<1x128xi32, #tpu.memory_space<vmem>> -> memref<128xi32, #tpu.memory_space<vmem>>
    %dma_start3A_180 = arith.constant 0 : i32
    %dma_start3A_181 = arith.constant 0 : i32
    %dma_start3A_182 = tpu.memref_slice %arg9[%dma_start3A_180, %dma_start3A_181] : memref<10240x32xf32, #tpu.memory_space<vmem_shared>> -> memref<10240x32xf32, #tpu.memory_space<vmem_shared>>
    tpu.enqueue_indirect_dma source(%dma_start3A_176 : memref<128x32xf32, #tpu.memory_space<vmem>>) target(%dma_start3A_182 : memref<10240x32xf32, #tpu.memory_space<vmem_shared>>) offsets(%dma_start3A_179 : memref<128xi32, #tpu.memory_space<vmem>>) semaphore(%arg21 : memref<!tpu.dma_semaphore, #tpu.memory_space<semaphore_mem>>) {add = true}
    %dma_wait3A_183 = arith.constant 0 : i32
    %dma_wait3A_184 = arith.constant 156 : i32
    %dma_wait3A_185 = arith.constant 0 : i32
    %dma_wait3A_186 = arith.constant 0 : i32
    %dma_wait3A_187 = tpu.memref_slice %arg13[%dma_wait3A_183, %dma_wait3A_185, %dma_wait3A_186] : memref<6x128x32xf32, #tpu.memory_space<vmem>> -> memref<1x128x32xf32, #tpu.memory_space<vmem>>
    %dma_wait3A_188 = tpu.memref_squeeze %dma_wait3A_187 : memref<1x128x32xf32, #tpu.memory_space<vmem>> -> memref<128x32xf32, #tpu.memory_space<vmem>>
    %dma_wait3A_189 = arith.constant 0 : i32
    %dma_wait3A_190 = tpu.memref_slice %arg12[%dma_wait3A_184, %dma_wait3A_189] : memref<157x128xi32, #tpu.memory_space<vmem>> -> memref<1x128xi32, #tpu.memory_space<vmem>>
    %dma_wait3A_191 = tpu.memref_squeeze %dma_wait3A_190 : memref<1x128xi32, #tpu.memory_space<vmem>> -> memref<128xi32, #tpu.memory_space<vmem>>
    %dma_wait3A_192 = arith.constant 0 : i32
    %dma_wait3A_193 = arith.constant 0 : i32
    %dma_wait3A_194 = tpu.memref_slice %arg9[%dma_wait3A_192, %dma_wait3A_193] : memref<10240x32xf32, #tpu.memory_space<vmem_shared>> -> memref<10240x32xf32, #tpu.memory_space<vmem_shared>>
    tpu.wait_indirect_dma semaphore(%arg21 : memref<!tpu.dma_semaphore, #tpu.memory_space<semaphore_mem>>) src(%dma_wait3A_188 : memref<128x32xf32, #tpu.memory_space<vmem>>) dst(%dma_wait3A_194 : memref<10240x32xf32, #tpu.memory_space<vmem_shared>>)
    %barrier3A_195 = arith.constant 0 : index
    tpu.barrier barrier_id(%barrier3A_195)
    "tpu.region"() ({
      %run_scoped3A = tpu.sem_alloc : memref<!tpu.dma_semaphore, #tpu.memory_space<semaphore_mem>>
      %dma_start3A_361 = arith.constant 0 : i32
      %dma_start3A_362 = tpu.memref_slice %arg9[%mul3A_0, %dma_start3A_361] : memref<10240x32xf32, #tpu.memory_space<vmem_shared>> -> memref<640x32xf32, #tpu.memory_space<vmem_shared>>
      %dma_start3A_363 = arith.constant 0 : i32
      %dma_start3A_364 = tpu.memref_slice %arg9[%mul3A_0, %dma_start3A_363] : memref<10240x32xf32, #tpu.memory_space<vmem_shared>> -> memref<640x32xf32, #tpu.memory_space<vmem_shared>>
      tpu.enqueue_dma source(%dma_start3A_364 : memref<640x32xf32, #tpu.memory_space<vmem_shared>>) target(%arg17 : memref<640x32xf32, #tpu.memory_space<vmem>>) target_semaphore(%run_scoped3A : memref<!tpu.dma_semaphore, #tpu.memory_space<semaphore_mem>>)
      %dma_wait3A_365 = arith.constant 0 : i32
      %dma_wait3A_366 = tpu.memref_slice %arg9[%mul3A_0, %dma_wait3A_365] : memref<10240x32xf32, #tpu.memory_space<vmem_shared>> -> memref<640x32xf32, #tpu.memory_space<vmem_shared>>
      %dma_wait3A_367 = arith.constant 0 : i32
      %dma_wait3A_368 = tpu.memref_slice %arg9[%mul3A_0, %dma_wait3A_367] : memref<10240x32xf32, #tpu.memory_space<vmem_shared>> -> memref<640x32xf32, #tpu.memory_space<vmem_shared>>
      tpu.wait_dma2 semaphore(%run_scoped3A : memref<!tpu.dma_semaphore, #tpu.memory_space<semaphore_mem>>) src(%dma_wait3A_368 : memref<640x32xf32, #tpu.memory_space<vmem_shared>>) dst(%arg17 : memref<640x32xf32, #tpu.memory_space<vmem>>)
      tpu.yield
    }) : () -> ()
    %mul3A_196 = arith.constant 32 : i32
    %mul3A_197 = arith.muli %arg0, %mul3A_196 : i32
    %add3A_198 = arith.constant 128 : i32
    %add3A_199 = arith.addi %add3A_198, %mul3A_197 : i32
    "tpu.region"() ({
      %run_scoped3A = tpu.sem_alloc : memref<!tpu.dma_semaphore, #tpu.memory_space<semaphore_mem>>
      %dma_start3A_361 = tpu.memref_slice %arg4[%mul3A_0, %add3A_199] : memref<10240x256xf32, #tpu.memory_space<hbm>> -> memref<640x32xf32, #tpu.memory_space<hbm>>
      %dma_start3A_362 = tpu.memref_slice %arg4[%mul3A_0, %add3A_199] : memref<10240x256xf32, #tpu.memory_space<hbm>> -> memref<640x32xf32, #tpu.memory_space<hbm>>
      tpu.enqueue_dma source(%dma_start3A_362 : memref<640x32xf32, #tpu.memory_space<hbm>>) target(%arg16 : memref<640x32xf32, #tpu.memory_space<vmem>>) target_semaphore(%run_scoped3A : memref<!tpu.dma_semaphore, #tpu.memory_space<semaphore_mem>>)
      %dma_wait3A_363 = tpu.memref_slice %arg4[%mul3A_0, %add3A_199] : memref<10240x256xf32, #tpu.memory_space<hbm>> -> memref<640x32xf32, #tpu.memory_space<hbm>>
      %dma_wait3A_364 = tpu.memref_slice %arg4[%mul3A_0, %add3A_199] : memref<10240x256xf32, #tpu.memory_space<hbm>> -> memref<640x32xf32, #tpu.memory_space<hbm>>
      tpu.wait_dma2 semaphore(%run_scoped3A : memref<!tpu.dma_semaphore, #tpu.memory_space<semaphore_mem>>) src(%dma_wait3A_364 : memref<640x32xf32, #tpu.memory_space<hbm>>) dst(%arg16 : memref<640x32xf32, #tpu.memory_space<vmem>>)
      tpu.yield
    }) : () -> ()
    %scan3A_200 = arith.constant 0 : i32
    %scan3A_201 = arith.constant 0 : i32
    %scan3A_202 = arith.constant 640 : i32
    %scan3A_203 = arith.addi %scan3A_201, %scan3A_202 : i32
    %scan3A_204 = arith.constant 1 : i32
    %scan3A_205 = scf.for %scan3A_361 = %scan3A_201 to %scan3A_203 step %scan3A_204 iter_args(%scan3A_362 = %scan3A_200) -> (i32)  : i32 {
      %broadcast_in_dim3A_363 = vector.broadcast %scan3A_361 : i32 to vector<16xi32>
      %gather3A = tpu.vector_load_idx %arg19[%broadcast_in_dim3A_363] : memref<640xf32, #tpu.memory_space<vmem>>[vector<16xi32>], vector<16xf32>,
      %mul3A_364 = arith.mulf %gather3A, %gather3A : vector<16xf32>
      %get3A = arith.index_cast %scan3A_361 : i32 to index
      %get3A_365 = arith.constant 0 : index
      %get3A_366 = tpu.vector_load %arg16[%get3A, %get3A_365] {strides = array<i32>} : memref<640x32xf32, #tpu.memory_space<vmem>>, vector<16xf32>,
      %mul3A_367 = arith.mulf %get3A_366, %gather3A : vector<16xf32>
      %get3A_368 = arith.index_cast %scan3A_361 : i32 to index
      %get3A_369 = arith.constant 0 : index
      %get3A_370 = tpu.vector_load %arg17[%get3A_368, %get3A_369] {strides = array<i32>} : memref<640x32xf32, #tpu.memory_space<vmem>>, vector<16xf32>,
      %mul3A_371 = arith.mulf %get3A_370, %mul3A_364 : vector<16xf32>
      %add3A_372 = arith.addf %mul3A_367, %mul3A_371 : vector<16xf32>
      %swap3A_373 = arith.index_cast %scan3A_361 : i32 to index
      %swap3A_374 = arith.constant 0 : index
      %swap3A_375 = tpu.vector_load %arg16[%swap3A_373, %swap3A_374] {strides = array<i32>} : memref<640x32xf32, #tpu.memory_space<vmem>>, vector<16xf32>,
      tpu.vector_store %arg16[%swap3A_373, %swap3A_374], %add3A_372 {strides = array<i32>} : memref<640x32xf32, #tpu.memory_space<vmem>>, vector<16xf32>,
      %get3A_376 = arith.index_cast %scan3A_361 : i32 to index
      %get3A_377 = arith.constant 16 : index
      %get3A_378 = tpu.vector_load %arg16[%get3A_376, %get3A_377] {strides = array<i32>} : memref<640x32xf32, #tpu.memory_space<vmem>>, vector<16xf32>,
      %mul3A_379 = arith.mulf %get3A_378, %gather3A : vector<16xf32>
      %get3A_380 = arith.index_cast %scan3A_361 : i32 to index
      %get3A_381 = arith.constant 16 : index
      %get3A_382 = tpu.vector_load %arg17[%get3A_380, %get3A_381] {strides = array<i32>} : memref<640x32xf32, #tpu.memory_space<vmem>>, vector<16xf32>,
      %mul3A_383 = arith.mulf %get3A_382, %mul3A_364 : vector<16xf32>
      %add3A_384 = arith.addf %mul3A_379, %mul3A_383 : vector<16xf32>
      %swap3A_385 = arith.index_cast %scan3A_361 : i32 to index
      %swap3A_386 = arith.constant 16 : index
      %swap3A_387 = tpu.vector_load %arg16[%swap3A_385, %swap3A_386] {strides = array<i32>} : memref<640x32xf32, #tpu.memory_space<vmem>>, vector<16xf32>,
      tpu.vector_store %arg16[%swap3A_385, %swap3A_386], %add3A_384 {strides = array<i32>} : memref<640x32xf32, #tpu.memory_space<vmem>>, vector<16xf32>,
      %scan3A_388 = arith.constant 0 : i32
      scf.yield %scan3A_388 : i32
    }
    %scan3A_206 = arith.constant 640 : i32
    %add3A_207 = arith.addi %mul3A_2, %mul3A_0 : i32
    "tpu.region"() ({
      %run_scoped3A = tpu.sem_alloc : memref<!tpu.dma_semaphore, #tpu.memory_space<semaphore_mem>>
      %dma_start3A_361 = arith.constant 0 : i32
      %dma_start3A_362 = tpu.memref_slice %arg8[%add3A_207, %dma_start3A_361] : memref<20480x32xf32, #tpu.memory_space<hbm>> -> memref<640x32xf32, #tpu.memory_space<hbm>>
      %dma_start3A_363 = arith.constant 0 : i32
      %dma_start3A_364 = tpu.memref_slice %arg8[%add3A_207, %dma_start3A_363] : memref<20480x32xf32, #tpu.memory_space<hbm>> -> memref<640x32xf32, #tpu.memory_space<hbm>>
      tpu.enqueue_dma source(%arg16 : memref<640x32xf32, #tpu.memory_space<vmem>>) target(%dma_start3A_364 : memref<640x32xf32, #tpu.memory_space<hbm>>) target_semaphore(%run_scoped3A : memref<!tpu.dma_semaphore, #tpu.memory_space<semaphore_mem>>)
      %dma_wait3A_365 = arith.constant 0 : i32
      %dma_wait3A_366 = tpu.memref_slice %arg8[%add3A_207, %dma_wait3A_365] : memref<20480x32xf32, #tpu.memory_space<hbm>> -> memref<640x32xf32, #tpu.memory_space<hbm>>
      %dma_wait3A_367 = arith.constant 0 : i32
      %dma_wait3A_368 = tpu.memref_slice %arg8[%add3A_207, %dma_wait3A_367] : memref<20480x32xf32, #tpu.memory_space<hbm>> -> memref<640x32xf32, #tpu.memory_space<hbm>>
      tpu.wait_dma2 semaphore(%run_scoped3A : memref<!tpu.dma_semaphore, #tpu.memory_space<semaphore_mem>>) src(%arg16 : memref<640x32xf32, #tpu.memory_space<vmem>>) dst(%dma_wait3A_368 : memref<640x32xf32, #tpu.memory_space<hbm>>)
      tpu.yield
    }) : () -> ()
    %scan3A_208 = arith.constant 0 : i32
    %scan3A_209 = arith.constant 0 : i32
    %scan3A_210 = arith.constant 640 : i32
    %scan3A_211 = arith.addi %scan3A_209, %scan3A_210 : i32
    %scan3A_212 = arith.constant 1 : i32
    %scan3A_213 = scf.for %scan3A_361 = %scan3A_209 to %scan3A_211 step %scan3A_212 iter_args(%scan3A_362 = %scan3A_208) -> (i32)  : i32 {
      %broadcast_in_dim3A_363 = arith.constant 0.000000e+00 : f32
      %broadcast_in_dim3A_364 = vector.broadcast %broadcast_in_dim3A_363 : f32 to vector<16xf32>
      %swap3A_365 = arith.index_cast %scan3A_361 : i32 to index
      %swap3A_366 = arith.constant 0 : index
      %swap3A_367 = tpu.vector_load %arg17[%swap3A_365, %swap3A_366] {strides = array<i32>} : memref<640x32xf32, #tpu.memory_space<vmem>>, vector<16xf32>,
      tpu.vector_store %arg17[%swap3A_365, %swap3A_366], %broadcast_in_dim3A_364 {strides = array<i32>} : memref<640x32xf32, #tpu.memory_space<vmem>>, vector<16xf32>,
      %broadcast_in_dim3A_368 = arith.constant 0.000000e+00 : f32
      %broadcast_in_dim3A_369 = vector.broadcast %broadcast_in_dim3A_368 : f32 to vector<16xf32>
      %swap3A_370 = arith.index_cast %scan3A_361 : i32 to index
      %swap3A_371 = arith.constant 16 : index
      %swap3A_372 = tpu.vector_load %arg17[%swap3A_370, %swap3A_371] {strides = array<i32>} : memref<640x32xf32, #tpu.memory_space<vmem>>, vector<16xf32>,
      tpu.vector_store %arg17[%swap3A_370, %swap3A_371], %broadcast_in_dim3A_369 {strides = array<i32>} : memref<640x32xf32, #tpu.memory_space<vmem>>, vector<16xf32>,
      %scan3A_373 = arith.constant 0 : i32
      scf.yield %scan3A_373 : i32
    }
    %scan3A_214 = arith.constant 640 : i32
    "tpu.region"() ({
      %run_scoped3A = tpu.sem_alloc : memref<!tpu.dma_semaphore, #tpu.memory_space<semaphore_mem>>
      %dma_start3A_361 = arith.constant 0 : i32
      %dma_start3A_362 = tpu.memref_slice %arg9[%mul3A_0, %dma_start3A_361] : memref<10240x32xf32, #tpu.memory_space<vmem_shared>> -> memref<640x32xf32, #tpu.memory_space<vmem_shared>>
      %dma_start3A_363 = arith.constant 0 : i32
      %dma_start3A_364 = tpu.memref_slice %arg9[%mul3A_0, %dma_start3A_363] : memref<10240x32xf32, #tpu.memory_space<vmem_shared>> -> memref<640x32xf32, #tpu.memory_space<vmem_shared>>
      tpu.enqueue_dma source(%arg17 : memref<640x32xf32, #tpu.memory_space<vmem>>) target(%dma_start3A_364 : memref<640x32xf32, #tpu.memory_space<vmem_shared>>) target_semaphore(%run_scoped3A : memref<!tpu.dma_semaphore, #tpu.memory_space<semaphore_mem>>)
      %dma_wait3A_365 = arith.constant 0 : i32
      %dma_wait3A_366 = tpu.memref_slice %arg9[%mul3A_0, %dma_wait3A_365] : memref<10240x32xf32, #tpu.memory_space<vmem_shared>> -> memref<640x32xf32, #tpu.memory_space<vmem_shared>>
      %dma_wait3A_367 = arith.constant 0 : i32
      %dma_wait3A_368 = tpu.memref_slice %arg9[%mul3A_0, %dma_wait3A_367] : memref<10240x32xf32, #tpu.memory_space<vmem_shared>> -> memref<640x32xf32, #tpu.memory_space<vmem_shared>>
      tpu.wait_dma2 semaphore(%run_scoped3A : memref<!tpu.dma_semaphore, #tpu.memory_space<semaphore_mem>>) src(%arg17 : memref<640x32xf32, #tpu.memory_space<vmem>>) dst(%dma_wait3A_368 : memref<640x32xf32, #tpu.memory_space<vmem_shared>>)
      tpu.yield
    }) : () -> ()
    %barrier3A_215 = arith.constant 0 : index
    tpu.barrier barrier_id(%barrier3A_215)
    %scan3A_216 = arith.constant 0 : i32
    %scan3A_217 = arith.constant 0 : i32
    %scan3A_218 = arith.constant 26 : i32
    %scan3A_219 = arith.addi %scan3A_217, %scan3A_218 : i32
    %scan3A_220 = arith.constant 1 : i32
    %scan3A_221 = scf.for %scan3A_361 = %scan3A_217 to %scan3A_219 step %scan3A_220 iter_args(%scan3A_362 = %scan3A_216) -> (i32)  : i32 {
      %mul3A_363 = arith.constant 6 : i32
      %mul3A_364 = arith.muli %scan3A_361, %mul3A_363 : i32
      %add3A_365 = arith.constant 0 : i32
      %add3A_366 = arith.addi %mul3A_364, %add3A_365 : i32
      %dma_start3A_367 = arith.constant 0 : i32
      %dma_start3A_368 = arith.constant 0 : i32
      %dma_start3A_369 = arith.constant 0 : i32
      %dma_start3A_370 = tpu.memref_slice %arg13[%dma_start3A_367, %dma_start3A_368, %dma_start3A_369] : memref<6x128x32xf32, #tpu.memory_space<vmem>> -> memref<1x128x32xf32, #tpu.memory_space<vmem>>
      %dma_start3A_371 = tpu.memref_squeeze %dma_start3A_370 : memref<1x128x32xf32, #tpu.memory_space<vmem>> -> memref<128x32xf32, #tpu.memory_space<vmem>>
      %dma_start3A_372 = arith.constant 0 : i32
      %dma_start3A_373 = tpu.memref_slice %arg11[%add3A_366, %dma_start3A_372] : memref<157x128xi32, #tpu.memory_space<vmem>> -> memref<1x128xi32, #tpu.memory_space<vmem>>
      %dma_start3A_374 = tpu.memref_squeeze %dma_start3A_373 : memref<1x128xi32, #tpu.memory_space<vmem>> -> memref<128xi32, #tpu.memory_space<vmem>>
      %dma_start3A_375 = arith.constant 0 : i32
      %dma_start3A_376 = arith.constant 0 : i32
      %dma_start3A_377 = tpu.memref_slice %arg8[%dma_start3A_375, %dma_start3A_376] : memref<20480x32xf32, #tpu.memory_space<hbm>> -> memref<20480x32xf32, #tpu.memory_space<hbm>>
      tpu.enqueue_indirect_dma source(%dma_start3A_377 : memref<20480x32xf32, #tpu.memory_space<hbm>>) target(%dma_start3A_371 : memref<128x32xf32, #tpu.memory_space<vmem>>) offsets(%dma_start3A_374 : memref<128xi32, #tpu.memory_space<vmem>>) semaphore(%arg20 : memref<!tpu.dma_semaphore, #tpu.memory_space<semaphore_mem>>)
      %add3A_378 = arith.constant 1 : i32
      %add3A_379 = arith.addi %mul3A_364, %add3A_378 : i32
      %dma_start3A_380 = arith.constant 1 : i32
      %dma_start3A_381 = arith.constant 0 : i32
      %dma_start3A_382 = arith.constant 0 : i32
      %dma_start3A_383 = tpu.memref_slice %arg13[%dma_start3A_380, %dma_start3A_381, %dma_start3A_382] : memref<6x128x32xf32, #tpu.memory_space<vmem>> -> memref<1x128x32xf32, #tpu.memory_space<vmem>>
      %dma_start3A_384 = tpu.memref_squeeze %dma_start3A_383 : memref<1x128x32xf32, #tpu.memory_space<vmem>> -> memref<128x32xf32, #tpu.memory_space<vmem>>
      %dma_start3A_385 = arith.constant 0 : i32
      %dma_start3A_386 = tpu.memref_slice %arg11[%add3A_379, %dma_start3A_385] : memref<157x128xi32, #tpu.memory_space<vmem>> -> memref<1x128xi32, #tpu.memory_space<vmem>>
      %dma_start3A_387 = tpu.memref_squeeze %dma_start3A_386 : memref<1x128xi32, #tpu.memory_space<vmem>> -> memref<128xi32, #tpu.memory_space<vmem>>
      %dma_start3A_388 = arith.constant 0 : i32
      %dma_start3A_389 = arith.constant 0 : i32
      %dma_start3A_390 = tpu.memref_slice %arg8[%dma_start3A_388, %dma_start3A_389] : memref<20480x32xf32, #tpu.memory_space<hbm>> -> memref<20480x32xf32, #tpu.memory_space<hbm>>
      tpu.enqueue_indirect_dma source(%dma_start3A_390 : memref<20480x32xf32, #tpu.memory_space<hbm>>) target(%dma_start3A_384 : memref<128x32xf32, #tpu.memory_space<vmem>>) offsets(%dma_start3A_387 : memref<128xi32, #tpu.memory_space<vmem>>) semaphore(%arg20 : memref<!tpu.dma_semaphore, #tpu.memory_space<semaphore_mem>>)
      %add3A_391 = arith.constant 2 : i32
      %add3A_392 = arith.addi %mul3A_364, %add3A_391 : i32
      %dma_start3A_393 = arith.constant 2 : i32
      %dma_start3A_394 = arith.constant 0 : i32
      %dma_start3A_395 = arith.constant 0 : i32
      %dma_start3A_396 = tpu.memref_slice %arg13[%dma_start3A_393, %dma_start3A_394, %dma_start3A_395] : memref<6x128x32xf32, #tpu.memory_space<vmem>> -> memref<1x128x32xf32, #tpu.memory_space<vmem>>
      %dma_start3A_397 = tpu.memref_squeeze %dma_start3A_396 : memref<1x128x32xf32, #tpu.memory_space<vmem>> -> memref<128x32xf32, #tpu.memory_space<vmem>>
      %dma_start3A_398 = arith.constant 0 : i32
      %dma_start3A_399 = tpu.memref_slice %arg11[%add3A_392, %dma_start3A_398] : memref<157x128xi32, #tpu.memory_space<vmem>> -> memref<1x128xi32, #tpu.memory_space<vmem>>
      %dma_start3A_400 = tpu.memref_squeeze %dma_start3A_399 : memref<1x128xi32, #tpu.memory_space<vmem>> -> memref<128xi32, #tpu.memory_space<vmem>>
      %dma_start3A_401 = arith.constant 0 : i32
      %dma_start3A_402 = arith.constant 0 : i32
      %dma_start3A_403 = tpu.memref_slice %arg8[%dma_start3A_401, %dma_start3A_402] : memref<20480x32xf32, #tpu.memory_space<hbm>> -> memref<20480x32xf32, #tpu.memory_space<hbm>>
      tpu.enqueue_indirect_dma source(%dma_start3A_403 : memref<20480x32xf32, #tpu.memory_space<hbm>>) target(%dma_start3A_397 : memref<128x32xf32, #tpu.memory_space<vmem>>) offsets(%dma_start3A_400 : memref<128xi32, #tpu.memory_space<vmem>>) semaphore(%arg20 : memref<!tpu.dma_semaphore, #tpu.memory_space<semaphore_mem>>)
      %add3A_404 = arith.constant 3 : i32
      %add3A_405 = arith.addi %mul3A_364, %add3A_404 : i32
      %dma_start3A_406 = arith.constant 3 : i32
      %dma_start3A_407 = arith.constant 0 : i32
      %dma_start3A_408 = arith.constant 0 : i32
      %dma_start3A_409 = tpu.memref_slice %arg13[%dma_start3A_406, %dma_start3A_407, %dma_start3A_408] : memref<6x128x32xf32, #tpu.memory_space<vmem>> -> memref<1x128x32xf32, #tpu.memory_space<vmem>>
      %dma_start3A_410 = tpu.memref_squeeze %dma_start3A_409 : memref<1x128x32xf32, #tpu.memory_space<vmem>> -> memref<128x32xf32, #tpu.memory_space<vmem>>
      %dma_start3A_411 = arith.constant 0 : i32
      %dma_start3A_412 = tpu.memref_slice %arg11[%add3A_405, %dma_start3A_411] : memref<157x128xi32, #tpu.memory_space<vmem>> -> memref<1x128xi32, #tpu.memory_space<vmem>>
      %dma_start3A_413 = tpu.memref_squeeze %dma_start3A_412 : memref<1x128xi32, #tpu.memory_space<vmem>> -> memref<128xi32, #tpu.memory_space<vmem>>
      %dma_start3A_414 = arith.constant 0 : i32
      %dma_start3A_415 = arith.constant 0 : i32
      %dma_start3A_416 = tpu.memref_slice %arg8[%dma_start3A_414, %dma_start3A_415] : memref<20480x32xf32, #tpu.memory_space<hbm>> -> memref<20480x32xf32, #tpu.memory_space<hbm>>
      tpu.enqueue_indirect_dma source(%dma_start3A_416 : memref<20480x32xf32, #tpu.memory_space<hbm>>) target(%dma_start3A_410 : memref<128x32xf32, #tpu.memory_space<vmem>>) offsets(%dma_start3A_413 : memref<128xi32, #tpu.memory_space<vmem>>) semaphore(%arg20 : memref<!tpu.dma_semaphore, #tpu.memory_space<semaphore_mem>>)
      %add3A_417 = arith.constant 4 : i32
      %add3A_418 = arith.addi %mul3A_364, %add3A_417 : i32
      %dma_start3A_419 = arith.constant 4 : i32
      %dma_start3A_420 = arith.constant 0 : i32
      %dma_start3A_421 = arith.constant 0 : i32
      %dma_start3A_422 = tpu.memref_slice %arg13[%dma_start3A_419, %dma_start3A_420, %dma_start3A_421] : memref<6x128x32xf32, #tpu.memory_space<vmem>> -> memref<1x128x32xf32, #tpu.memory_space<vmem>>
      %dma_start3A_423 = tpu.memref_squeeze %dma_start3A_422 : memref<1x128x32xf32, #tpu.memory_space<vmem>> -> memref<128x32xf32, #tpu.memory_space<vmem>>
      %dma_start3A_424 = arith.constant 0 : i32
      %dma_start3A_425 = tpu.memref_slice %arg11[%add3A_418, %dma_start3A_424] : memref<157x128xi32, #tpu.memory_space<vmem>> -> memref<1x128xi32, #tpu.memory_space<vmem>>
      %dma_start3A_426 = tpu.memref_squeeze %dma_start3A_425 : memref<1x128xi32, #tpu.memory_space<vmem>> -> memref<128xi32, #tpu.memory_space<vmem>>
      %dma_start3A_427 = arith.constant 0 : i32
      %dma_start3A_428 = arith.constant 0 : i32
      %dma_start3A_429 = tpu.memref_slice %arg8[%dma_start3A_427, %dma_start3A_428] : memref<20480x32xf32, #tpu.memory_space<hbm>> -> memref<20480x32xf32, #tpu.memory_space<hbm>>
      tpu.enqueue_indirect_dma source(%dma_start3A_429 : memref<20480x32xf32, #tpu.memory_space<hbm>>) target(%dma_start3A_423 : memref<128x32xf32, #tpu.memory_space<vmem>>) offsets(%dma_start3A_426 : memref<128xi32, #tpu.memory_space<vmem>>) semaphore(%arg20 : memref<!tpu.dma_semaphore, #tpu.memory_space<semaphore_mem>>)
      %add3A_430 = arith.constant 5 : i32
      %add3A_431 = arith.addi %mul3A_364, %add3A_430 : i32
      %dma_start3A_432 = arith.constant 5 : i32
      %dma_start3A_433 = arith.constant 0 : i32
      %dma_start3A_434 = arith.constant 0 : i32
      %dma_start3A_435 = tpu.memref_slice %arg13[%dma_start3A_432, %dma_start3A_433, %dma_start3A_434] : memref<6x128x32xf32, #tpu.memory_space<vmem>> -> memref<1x128x32xf32, #tpu.memory_space<vmem>>
      %dma_start3A_436 = tpu.memref_squeeze %dma_start3A_435 : memref<1x128x32xf32, #tpu.memory_space<vmem>> -> memref<128x32xf32, #tpu.memory_space<vmem>>
      %dma_start3A_437 = arith.constant 0 : i32
      %dma_start3A_438 = tpu.memref_slice %arg11[%add3A_431, %dma_start3A_437] : memref<157x128xi32, #tpu.memory_space<vmem>> -> memref<1x128xi32, #tpu.memory_space<vmem>>
      %dma_start3A_439 = tpu.memref_squeeze %dma_start3A_438 : memref<1x128xi32, #tpu.memory_space<vmem>> -> memref<128xi32, #tpu.memory_space<vmem>>
      %dma_start3A_440 = arith.constant 0 : i32
      %dma_start3A_441 = arith.constant 0 : i32
      %dma_start3A_442 = tpu.memref_slice %arg8[%dma_start3A_440, %dma_start3A_441] : memref<20480x32xf32, #tpu.memory_space<hbm>> -> memref<20480x32xf32, #tpu.memory_space<hbm>>
      tpu.enqueue_indirect_dma source(%dma_start3A_442 : memref<20480x32xf32, #tpu.memory_space<hbm>>) target(%dma_start3A_436 : memref<128x32xf32, #tpu.memory_space<vmem>>) offsets(%dma_start3A_439 : memref<128xi32, #tpu.memory_space<vmem>>) semaphore(%arg20 : memref<!tpu.dma_semaphore, #tpu.memory_space<semaphore_mem>>)
      %dma_wait3A_443 = arith.constant 0 : i32
      %dma_wait3A_444 = arith.constant 0 : i32
      %dma_wait3A_445 = arith.constant 0 : i32
      %dma_wait3A_446 = tpu.memref_slice %arg13[%dma_wait3A_443, %dma_wait3A_444, %dma_wait3A_445] : memref<6x128x32xf32, #tpu.memory_space<vmem>> -> memref<1x128x32xf32, #tpu.memory_space<vmem>>
      %dma_wait3A_447 = tpu.memref_squeeze %dma_wait3A_446 : memref<1x128x32xf32, #tpu.memory_space<vmem>> -> memref<128x32xf32, #tpu.memory_space<vmem>>
      %dma_wait3A_448 = arith.constant 0 : i32
      %dma_wait3A_449 = tpu.memref_slice %arg11[%add3A_366, %dma_wait3A_448] : memref<157x128xi32, #tpu.memory_space<vmem>> -> memref<1x128xi32, #tpu.memory_space<vmem>>
      %dma_wait3A_450 = tpu.memref_squeeze %dma_wait3A_449 : memref<1x128xi32, #tpu.memory_space<vmem>> -> memref<128xi32, #tpu.memory_space<vmem>>
      %dma_wait3A_451 = arith.constant 0 : i32
      %dma_wait3A_452 = arith.constant 0 : i32
      %dma_wait3A_453 = tpu.memref_slice %arg8[%dma_wait3A_451, %dma_wait3A_452] : memref<20480x32xf32, #tpu.memory_space<hbm>> -> memref<20480x32xf32, #tpu.memory_space<hbm>>
      tpu.wait_indirect_dma semaphore(%arg20 : memref<!tpu.dma_semaphore, #tpu.memory_space<semaphore_mem>>) src(%dma_wait3A_453 : memref<20480x32xf32, #tpu.memory_space<hbm>>) dst(%dma_wait3A_447 : memref<128x32xf32, #tpu.memory_space<vmem>>)
      %dma_wait3A_454 = arith.constant 1 : i32
      %dma_wait3A_455 = arith.constant 0 : i32
      %dma_wait3A_456 = arith.constant 0 : i32
      %dma_wait3A_457 = tpu.memref_slice %arg13[%dma_wait3A_454, %dma_wait3A_455, %dma_wait3A_456] : memref<6x128x32xf32, #tpu.memory_space<vmem>> -> memref<1x128x32xf32, #tpu.memory_space<vmem>>
      %dma_wait3A_458 = tpu.memref_squeeze %dma_wait3A_457 : memref<1x128x32xf32, #tpu.memory_space<vmem>> -> memref<128x32xf32, #tpu.memory_space<vmem>>
      %dma_wait3A_459 = arith.constant 0 : i32
      %dma_wait3A_460 = tpu.memref_slice %arg11[%add3A_379, %dma_wait3A_459] : memref<157x128xi32, #tpu.memory_space<vmem>> -> memref<1x128xi32, #tpu.memory_space<vmem>>
      %dma_wait3A_461 = tpu.memref_squeeze %dma_wait3A_460 : memref<1x128xi32, #tpu.memory_space<vmem>> -> memref<128xi32, #tpu.memory_space<vmem>>
      %dma_wait3A_462 = arith.constant 0 : i32
      %dma_wait3A_463 = arith.constant 0 : i32
      %dma_wait3A_464 = tpu.memref_slice %arg8[%dma_wait3A_462, %dma_wait3A_463] : memref<20480x32xf32, #tpu.memory_space<hbm>> -> memref<20480x32xf32, #tpu.memory_space<hbm>>
      tpu.wait_indirect_dma semaphore(%arg20 : memref<!tpu.dma_semaphore, #tpu.memory_space<semaphore_mem>>) src(%dma_wait3A_464 : memref<20480x32xf32, #tpu.memory_space<hbm>>) dst(%dma_wait3A_458 : memref<128x32xf32, #tpu.memory_space<vmem>>)
      %dma_wait3A_465 = arith.constant 2 : i32
      %dma_wait3A_466 = arith.constant 0 : i32
      %dma_wait3A_467 = arith.constant 0 : i32
      %dma_wait3A_468 = tpu.memref_slice %arg13[%dma_wait3A_465, %dma_wait3A_466, %dma_wait3A_467] : memref<6x128x32xf32, #tpu.memory_space<vmem>> -> memref<1x128x32xf32, #tpu.memory_space<vmem>>
      %dma_wait3A_469 = tpu.memref_squeeze %dma_wait3A_468 : memref<1x128x32xf32, #tpu.memory_space<vmem>> -> memref<128x32xf32, #tpu.memory_space<vmem>>
      %dma_wait3A_470 = arith.constant 0 : i32
      %dma_wait3A_471 = tpu.memref_slice %arg11[%add3A_392, %dma_wait3A_470] : memref<157x128xi32, #tpu.memory_space<vmem>> -> memref<1x128xi32, #tpu.memory_space<vmem>>
      %dma_wait3A_472 = tpu.memref_squeeze %dma_wait3A_471 : memref<1x128xi32, #tpu.memory_space<vmem>> -> memref<128xi32, #tpu.memory_space<vmem>>
      %dma_wait3A_473 = arith.constant 0 : i32
      %dma_wait3A_474 = arith.constant 0 : i32
      %dma_wait3A_475 = tpu.memref_slice %arg8[%dma_wait3A_473, %dma_wait3A_474] : memref<20480x32xf32, #tpu.memory_space<hbm>> -> memref<20480x32xf32, #tpu.memory_space<hbm>>
      tpu.wait_indirect_dma semaphore(%arg20 : memref<!tpu.dma_semaphore, #tpu.memory_space<semaphore_mem>>) src(%dma_wait3A_475 : memref<20480x32xf32, #tpu.memory_space<hbm>>) dst(%dma_wait3A_469 : memref<128x32xf32, #tpu.memory_space<vmem>>)
      %dma_wait3A_476 = arith.constant 3 : i32
      %dma_wait3A_477 = arith.constant 0 : i32
      %dma_wait3A_478 = arith.constant 0 : i32
      %dma_wait3A_479 = tpu.memref_slice %arg13[%dma_wait3A_476, %dma_wait3A_477, %dma_wait3A_478] : memref<6x128x32xf32, #tpu.memory_space<vmem>> -> memref<1x128x32xf32, #tpu.memory_space<vmem>>
      %dma_wait3A_480 = tpu.memref_squeeze %dma_wait3A_479 : memref<1x128x32xf32, #tpu.memory_space<vmem>> -> memref<128x32xf32, #tpu.memory_space<vmem>>
      %dma_wait3A_481 = arith.constant 0 : i32
      %dma_wait3A_482 = tpu.memref_slice %arg11[%add3A_405, %dma_wait3A_481] : memref<157x128xi32, #tpu.memory_space<vmem>> -> memref<1x128xi32, #tpu.memory_space<vmem>>
      %dma_wait3A_483 = tpu.memref_squeeze %dma_wait3A_482 : memref<1x128xi32, #tpu.memory_space<vmem>> -> memref<128xi32, #tpu.memory_space<vmem>>
      %dma_wait3A_484 = arith.constant 0 : i32
      %dma_wait3A_485 = arith.constant 0 : i32
      %dma_wait3A_486 = tpu.memref_slice %arg8[%dma_wait3A_484, %dma_wait3A_485] : memref<20480x32xf32, #tpu.memory_space<hbm>> -> memref<20480x32xf32, #tpu.memory_space<hbm>>
      tpu.wait_indirect_dma semaphore(%arg20 : memref<!tpu.dma_semaphore, #tpu.memory_space<semaphore_mem>>) src(%dma_wait3A_486 : memref<20480x32xf32, #tpu.memory_space<hbm>>) dst(%dma_wait3A_480 : memref<128x32xf32, #tpu.memory_space<vmem>>)
      %dma_wait3A_487 = arith.constant 4 : i32
      %dma_wait3A_488 = arith.constant 0 : i32
      %dma_wait3A_489 = arith.constant 0 : i32
      %dma_wait3A_490 = tpu.memref_slice %arg13[%dma_wait3A_487, %dma_wait3A_488, %dma_wait3A_489] : memref<6x128x32xf32, #tpu.memory_space<vmem>> -> memref<1x128x32xf32, #tpu.memory_space<vmem>>
      %dma_wait3A_491 = tpu.memref_squeeze %dma_wait3A_490 : memref<1x128x32xf32, #tpu.memory_space<vmem>> -> memref<128x32xf32, #tpu.memory_space<vmem>>
      %dma_wait3A_492 = arith.constant 0 : i32
      %dma_wait3A_493 = tpu.memref_slice %arg11[%add3A_418, %dma_wait3A_492] : memref<157x128xi32, #tpu.memory_space<vmem>> -> memref<1x128xi32, #tpu.memory_space<vmem>>
      %dma_wait3A_494 = tpu.memref_squeeze %dma_wait3A_493 : memref<1x128xi32, #tpu.memory_space<vmem>> -> memref<128xi32, #tpu.memory_space<vmem>>
      %dma_wait3A_495 = arith.constant 0 : i32
      %dma_wait3A_496 = arith.constant 0 : i32
      %dma_wait3A_497 = tpu.memref_slice %arg8[%dma_wait3A_495, %dma_wait3A_496] : memref<20480x32xf32, #tpu.memory_space<hbm>> -> memref<20480x32xf32, #tpu.memory_space<hbm>>
      tpu.wait_indirect_dma semaphore(%arg20 : memref<!tpu.dma_semaphore, #tpu.memory_space<semaphore_mem>>) src(%dma_wait3A_497 : memref<20480x32xf32, #tpu.memory_space<hbm>>) dst(%dma_wait3A_491 : memref<128x32xf32, #tpu.memory_space<vmem>>)
      %dma_wait3A_498 = arith.constant 5 : i32
      %dma_wait3A_499 = arith.constant 0 : i32
      %dma_wait3A_500 = arith.constant 0 : i32
      %dma_wait3A_501 = tpu.memref_slice %arg13[%dma_wait3A_498, %dma_wait3A_499, %dma_wait3A_500] : memref<6x128x32xf32, #tpu.memory_space<vmem>> -> memref<1x128x32xf32, #tpu.memory_space<vmem>>
      %dma_wait3A_502 = tpu.memref_squeeze %dma_wait3A_501 : memref<1x128x32xf32, #tpu.memory_space<vmem>> -> memref<128x32xf32, #tpu.memory_space<vmem>>
      %dma_wait3A_503 = arith.constant 0 : i32
      %dma_wait3A_504 = tpu.memref_slice %arg11[%add3A_431, %dma_wait3A_503] : memref<157x128xi32, #tpu.memory_space<vmem>> -> memref<1x128xi32, #tpu.memory_space<vmem>>
      %dma_wait3A_505 = tpu.memref_squeeze %dma_wait3A_504 : memref<1x128xi32, #tpu.memory_space<vmem>> -> memref<128xi32, #tpu.memory_space<vmem>>
      %dma_wait3A_506 = arith.constant 0 : i32
      %dma_wait3A_507 = arith.constant 0 : i32
      %dma_wait3A_508 = tpu.memref_slice %arg8[%dma_wait3A_506, %dma_wait3A_507] : memref<20480x32xf32, #tpu.memory_space<hbm>> -> memref<20480x32xf32, #tpu.memory_space<hbm>>
      tpu.wait_indirect_dma semaphore(%arg20 : memref<!tpu.dma_semaphore, #tpu.memory_space<semaphore_mem>>) src(%dma_wait3A_508 : memref<20480x32xf32, #tpu.memory_space<hbm>>) dst(%dma_wait3A_502 : memref<128x32xf32, #tpu.memory_space<vmem>>)
      %add3A_509 = arith.constant 0 : i32
      %add3A_510 = arith.addi %mul3A_364, %add3A_509 : i32
      %dma_start3A_511 = arith.constant 0 : i32
      %dma_start3A_512 = arith.constant 0 : i32
      %dma_start3A_513 = arith.constant 0 : i32
      %dma_start3A_514 = tpu.memref_slice %arg13[%dma_start3A_511, %dma_start3A_512, %dma_start3A_513] : memref<6x128x32xf32, #tpu.memory_space<vmem>> -> memref<1x128x32xf32, #tpu.memory_space<vmem>>
      %dma_start3A_515 = tpu.memref_squeeze %dma_start3A_514 : memref<1x128x32xf32, #tpu.memory_space<vmem>> -> memref<128x32xf32, #tpu.memory_space<vmem>>
      %dma_start3A_516 = arith.constant 0 : i32
      %dma_start3A_517 = tpu.memref_slice %arg12[%add3A_510, %dma_start3A_516] : memref<157x128xi32, #tpu.memory_space<vmem>> -> memref<1x128xi32, #tpu.memory_space<vmem>>
      %dma_start3A_518 = tpu.memref_squeeze %dma_start3A_517 : memref<1x128xi32, #tpu.memory_space<vmem>> -> memref<128xi32, #tpu.memory_space<vmem>>
      %dma_start3A_519 = arith.constant 0 : i32
      %dma_start3A_520 = arith.constant 0 : i32
      %dma_start3A_521 = tpu.memref_slice %arg9[%dma_start3A_519, %dma_start3A_520] : memref<10240x32xf32, #tpu.memory_space<vmem_shared>> -> memref<10240x32xf32, #tpu.memory_space<vmem_shared>>
      tpu.enqueue_indirect_dma source(%dma_start3A_515 : memref<128x32xf32, #tpu.memory_space<vmem>>) target(%dma_start3A_521 : memref<10240x32xf32, #tpu.memory_space<vmem_shared>>) offsets(%dma_start3A_518 : memref<128xi32, #tpu.memory_space<vmem>>) semaphore(%arg21 : memref<!tpu.dma_semaphore, #tpu.memory_space<semaphore_mem>>) {add = true}
      %add3A_522 = arith.constant 1 : i32
      %add3A_523 = arith.addi %mul3A_364, %add3A_522 : i32
      %dma_start3A_524 = arith.constant 1 : i32
      %dma_start3A_525 = arith.constant 0 : i32
      %dma_start3A_526 = arith.constant 0 : i32
      %dma_start3A_527 = tpu.memref_slice %arg13[%dma_start3A_524, %dma_start3A_525, %dma_start3A_526] : memref<6x128x32xf32, #tpu.memory_space<vmem>> -> memref<1x128x32xf32, #tpu.memory_space<vmem>>
      %dma_start3A_528 = tpu.memref_squeeze %dma_start3A_527 : memref<1x128x32xf32, #tpu.memory_space<vmem>> -> memref<128x32xf32, #tpu.memory_space<vmem>>
      %dma_start3A_529 = arith.constant 0 : i32
      %dma_start3A_530 = tpu.memref_slice %arg12[%add3A_523, %dma_start3A_529] : memref<157x128xi32, #tpu.memory_space<vmem>> -> memref<1x128xi32, #tpu.memory_space<vmem>>
      %dma_start3A_531 = tpu.memref_squeeze %dma_start3A_530 : memref<1x128xi32, #tpu.memory_space<vmem>> -> memref<128xi32, #tpu.memory_space<vmem>>
      %dma_start3A_532 = arith.constant 0 : i32
      %dma_start3A_533 = arith.constant 0 : i32
      %dma_start3A_534 = tpu.memref_slice %arg9[%dma_start3A_532, %dma_start3A_533] : memref<10240x32xf32, #tpu.memory_space<vmem_shared>> -> memref<10240x32xf32, #tpu.memory_space<vmem_shared>>
      tpu.enqueue_indirect_dma source(%dma_start3A_528 : memref<128x32xf32, #tpu.memory_space<vmem>>) target(%dma_start3A_534 : memref<10240x32xf32, #tpu.memory_space<vmem_shared>>) offsets(%dma_start3A_531 : memref<128xi32, #tpu.memory_space<vmem>>) semaphore(%arg21 : memref<!tpu.dma_semaphore, #tpu.memory_space<semaphore_mem>>) {add = true}
      %add3A_535 = arith.constant 2 : i32
      %add3A_536 = arith.addi %mul3A_364, %add3A_535 : i32
      %dma_start3A_537 = arith.constant 2 : i32
      %dma_start3A_538 = arith.constant 0 : i32
      %dma_start3A_539 = arith.constant 0 : i32
      %dma_start3A_540 = tpu.memref_slice %arg13[%dma_start3A_537, %dma_start3A_538, %dma_start3A_539] : memref<6x128x32xf32, #tpu.memory_space<vmem>> -> memref<1x128x32xf32, #tpu.memory_space<vmem>>
      %dma_start3A_541 = tpu.memref_squeeze %dma_start3A_540 : memref<1x128x32xf32, #tpu.memory_space<vmem>> -> memref<128x32xf32, #tpu.memory_space<vmem>>
      %dma_start3A_542 = arith.constant 0 : i32
      %dma_start3A_543 = tpu.memref_slice %arg12[%add3A_536, %dma_start3A_542] : memref<157x128xi32, #tpu.memory_space<vmem>> -> memref<1x128xi32, #tpu.memory_space<vmem>>
      %dma_start3A_544 = tpu.memref_squeeze %dma_start3A_543 : memref<1x128xi32, #tpu.memory_space<vmem>> -> memref<128xi32, #tpu.memory_space<vmem>>
      %dma_start3A_545 = arith.constant 0 : i32
      %dma_start3A_546 = arith.constant 0 : i32
      %dma_start3A_547 = tpu.memref_slice %arg9[%dma_start3A_545, %dma_start3A_546] : memref<10240x32xf32, #tpu.memory_space<vmem_shared>> -> memref<10240x32xf32, #tpu.memory_space<vmem_shared>>
      tpu.enqueue_indirect_dma source(%dma_start3A_541 : memref<128x32xf32, #tpu.memory_space<vmem>>) target(%dma_start3A_547 : memref<10240x32xf32, #tpu.memory_space<vmem_shared>>) offsets(%dma_start3A_544 : memref<128xi32, #tpu.memory_space<vmem>>) semaphore(%arg21 : memref<!tpu.dma_semaphore, #tpu.memory_space<semaphore_mem>>) {add = true}
      %add3A_548 = arith.constant 3 : i32
      %add3A_549 = arith.addi %mul3A_364, %add3A_548 : i32
      %dma_start3A_550 = arith.constant 3 : i32
      %dma_start3A_551 = arith.constant 0 : i32
      %dma_start3A_552 = arith.constant 0 : i32
      %dma_start3A_553 = tpu.memref_slice %arg13[%dma_start3A_550, %dma_start3A_551, %dma_start3A_552] : memref<6x128x32xf32, #tpu.memory_space<vmem>> -> memref<1x128x32xf32, #tpu.memory_space<vmem>>
      %dma_start3A_554 = tpu.memref_squeeze %dma_start3A_553 : memref<1x128x32xf32, #tpu.memory_space<vmem>> -> memref<128x32xf32, #tpu.memory_space<vmem>>
      %dma_start3A_555 = arith.constant 0 : i32
      %dma_start3A_556 = tpu.memref_slice %arg12[%add3A_549, %dma_start3A_555] : memref<157x128xi32, #tpu.memory_space<vmem>> -> memref<1x128xi32, #tpu.memory_space<vmem>>
      %dma_start3A_557 = tpu.memref_squeeze %dma_start3A_556 : memref<1x128xi32, #tpu.memory_space<vmem>> -> memref<128xi32, #tpu.memory_space<vmem>>
      %dma_start3A_558 = arith.constant 0 : i32
      %dma_start3A_559 = arith.constant 0 : i32
      %dma_start3A_560 = tpu.memref_slice %arg9[%dma_start3A_558, %dma_start3A_559] : memref<10240x32xf32, #tpu.memory_space<vmem_shared>> -> memref<10240x32xf32, #tpu.memory_space<vmem_shared>>
      tpu.enqueue_indirect_dma source(%dma_start3A_554 : memref<128x32xf32, #tpu.memory_space<vmem>>) target(%dma_start3A_560 : memref<10240x32xf32, #tpu.memory_space<vmem_shared>>) offsets(%dma_start3A_557 : memref<128xi32, #tpu.memory_space<vmem>>) semaphore(%arg21 : memref<!tpu.dma_semaphore, #tpu.memory_space<semaphore_mem>>) {add = true}
      %add3A_561 = arith.constant 4 : i32
      %add3A_562 = arith.addi %mul3A_364, %add3A_561 : i32
      %dma_start3A_563 = arith.constant 4 : i32
      %dma_start3A_564 = arith.constant 0 : i32
      %dma_start3A_565 = arith.constant 0 : i32
      %dma_start3A_566 = tpu.memref_slice %arg13[%dma_start3A_563, %dma_start3A_564, %dma_start3A_565] : memref<6x128x32xf32, #tpu.memory_space<vmem>> -> memref<1x128x32xf32, #tpu.memory_space<vmem>>
      %dma_start3A_567 = tpu.memref_squeeze %dma_start3A_566 : memref<1x128x32xf32, #tpu.memory_space<vmem>> -> memref<128x32xf32, #tpu.memory_space<vmem>>
      %dma_start3A_568 = arith.constant 0 : i32
      %dma_start3A_569 = tpu.memref_slice %arg12[%add3A_562, %dma_start3A_568] : memref<157x128xi32, #tpu.memory_space<vmem>> -> memref<1x128xi32, #tpu.memory_space<vmem>>
      %dma_start3A_570 = tpu.memref_squeeze %dma_start3A_569 : memref<1x128xi32, #tpu.memory_space<vmem>> -> memref<128xi32, #tpu.memory_space<vmem>>
      %dma_start3A_571 = arith.constant 0 : i32
      %dma_start3A_572 = arith.constant 0 : i32
      %dma_start3A_573 = tpu.memref_slice %arg9[%dma_start3A_571, %dma_start3A_572] : memref<10240x32xf32, #tpu.memory_space<vmem_shared>> -> memref<10240x32xf32, #tpu.memory_space<vmem_shared>>
      tpu.enqueue_indirect_dma source(%dma_start3A_567 : memref<128x32xf32, #tpu.memory_space<vmem>>) target(%dma_start3A_573 : memref<10240x32xf32, #tpu.memory_space<vmem_shared>>) offsets(%dma_start3A_570 : memref<128xi32, #tpu.memory_space<vmem>>) semaphore(%arg21 : memref<!tpu.dma_semaphore, #tpu.memory_space<semaphore_mem>>) {add = true}
      %add3A_574 = arith.constant 5 : i32
      %add3A_575 = arith.addi %mul3A_364, %add3A_574 : i32
      %dma_start3A_576 = arith.constant 5 : i32
      %dma_start3A_577 = arith.constant 0 : i32
      %dma_start3A_578 = arith.constant 0 : i32
      %dma_start3A_579 = tpu.memref_slice %arg13[%dma_start3A_576, %dma_start3A_577, %dma_start3A_578] : memref<6x128x32xf32, #tpu.memory_space<vmem>> -> memref<1x128x32xf32, #tpu.memory_space<vmem>>
      %dma_start3A_580 = tpu.memref_squeeze %dma_start3A_579 : memref<1x128x32xf32, #tpu.memory_space<vmem>> -> memref<128x32xf32, #tpu.memory_space<vmem>>
      %dma_start3A_581 = arith.constant 0 : i32
      %dma_start3A_582 = tpu.memref_slice %arg12[%add3A_575, %dma_start3A_581] : memref<157x128xi32, #tpu.memory_space<vmem>> -> memref<1x128xi32, #tpu.memory_space<vmem>>
      %dma_start3A_583 = tpu.memref_squeeze %dma_start3A_582 : memref<1x128xi32, #tpu.memory_space<vmem>> -> memref<128xi32, #tpu.memory_space<vmem>>
      %dma_start3A_584 = arith.constant 0 : i32
      %dma_start3A_585 = arith.constant 0 : i32
      %dma_start3A_586 = tpu.memref_slice %arg9[%dma_start3A_584, %dma_start3A_585] : memref<10240x32xf32, #tpu.memory_space<vmem_shared>> -> memref<10240x32xf32, #tpu.memory_space<vmem_shared>>
      tpu.enqueue_indirect_dma source(%dma_start3A_580 : memref<128x32xf32, #tpu.memory_space<vmem>>) target(%dma_start3A_586 : memref<10240x32xf32, #tpu.memory_space<vmem_shared>>) offsets(%dma_start3A_583 : memref<128xi32, #tpu.memory_space<vmem>>) semaphore(%arg21 : memref<!tpu.dma_semaphore, #tpu.memory_space<semaphore_mem>>) {add = true}
      %dma_wait3A_587 = arith.constant 0 : i32
      %dma_wait3A_588 = arith.constant 0 : i32
      %dma_wait3A_589 = arith.constant 0 : i32
      %dma_wait3A_590 = tpu.memref_slice %arg13[%dma_wait3A_587, %dma_wait3A_588, %dma_wait3A_589] : memref<6x128x32xf32, #tpu.memory_space<vmem>> -> memref<1x128x32xf32, #tpu.memory_space<vmem>>
      %dma_wait3A_591 = tpu.memref_squeeze %dma_wait3A_590 : memref<1x128x32xf32, #tpu.memory_space<vmem>> -> memref<128x32xf32, #tpu.memory_space<vmem>>
      %dma_wait3A_592 = arith.constant 0 : i32
      %dma_wait3A_593 = tpu.memref_slice %arg12[%add3A_510, %dma_wait3A_592] : memref<157x128xi32, #tpu.memory_space<vmem>> -> memref<1x128xi32, #tpu.memory_space<vmem>>
      %dma_wait3A_594 = tpu.memref_squeeze %dma_wait3A_593 : memref<1x128xi32, #tpu.memory_space<vmem>> -> memref<128xi32, #tpu.memory_space<vmem>>
      %dma_wait3A_595 = arith.constant 0 : i32
      %dma_wait3A_596 = arith.constant 0 : i32
      %dma_wait3A_597 = tpu.memref_slice %arg9[%dma_wait3A_595, %dma_wait3A_596] : memref<10240x32xf32, #tpu.memory_space<vmem_shared>> -> memref<10240x32xf32, #tpu.memory_space<vmem_shared>>
      tpu.wait_indirect_dma semaphore(%arg21 : memref<!tpu.dma_semaphore, #tpu.memory_space<semaphore_mem>>) src(%dma_wait3A_591 : memref<128x32xf32, #tpu.memory_space<vmem>>) dst(%dma_wait3A_597 : memref<10240x32xf32, #tpu.memory_space<vmem_shared>>)
      %dma_wait3A_598 = arith.constant 1 : i32
      %dma_wait3A_599 = arith.constant 0 : i32
      %dma_wait3A_600 = arith.constant 0 : i32
      %dma_wait3A_601 = tpu.memref_slice %arg13[%dma_wait3A_598, %dma_wait3A_599, %dma_wait3A_600] : memref<6x128x32xf32, #tpu.memory_space<vmem>> -> memref<1x128x32xf32, #tpu.memory_space<vmem>>
      %dma_wait3A_602 = tpu.memref_squeeze %dma_wait3A_601 : memref<1x128x32xf32, #tpu.memory_space<vmem>> -> memref<128x32xf32, #tpu.memory_space<vmem>>
      %dma_wait3A_603 = arith.constant 0 : i32
      %dma_wait3A_604 = tpu.memref_slice %arg12[%add3A_523, %dma_wait3A_603] : memref<157x128xi32, #tpu.memory_space<vmem>> -> memref<1x128xi32, #tpu.memory_space<vmem>>
      %dma_wait3A_605 = tpu.memref_squeeze %dma_wait3A_604 : memref<1x128xi32, #tpu.memory_space<vmem>> -> memref<128xi32, #tpu.memory_space<vmem>>
      %dma_wait3A_606 = arith.constant 0 : i32
      %dma_wait3A_607 = arith.constant 0 : i32
      %dma_wait3A_608 = tpu.memref_slice %arg9[%dma_wait3A_606, %dma_wait3A_607] : memref<10240x32xf32, #tpu.memory_space<vmem_shared>> -> memref<10240x32xf32, #tpu.memory_space<vmem_shared>>
      tpu.wait_indirect_dma semaphore(%arg21 : memref<!tpu.dma_semaphore, #tpu.memory_space<semaphore_mem>>) src(%dma_wait3A_602 : memref<128x32xf32, #tpu.memory_space<vmem>>) dst(%dma_wait3A_608 : memref<10240x32xf32, #tpu.memory_space<vmem_shared>>)
      %dma_wait3A_609 = arith.constant 2 : i32
      %dma_wait3A_610 = arith.constant 0 : i32
      %dma_wait3A_611 = arith.constant 0 : i32
      %dma_wait3A_612 = tpu.memref_slice %arg13[%dma_wait3A_609, %dma_wait3A_610, %dma_wait3A_611] : memref<6x128x32xf32, #tpu.memory_space<vmem>> -> memref<1x128x32xf32, #tpu.memory_space<vmem>>
      %dma_wait3A_613 = tpu.memref_squeeze %dma_wait3A_612 : memref<1x128x32xf32, #tpu.memory_space<vmem>> -> memref<128x32xf32, #tpu.memory_space<vmem>>
      %dma_wait3A_614 = arith.constant 0 : i32
      %dma_wait3A_615 = tpu.memref_slice %arg12[%add3A_536, %dma_wait3A_614] : memref<157x128xi32, #tpu.memory_space<vmem>> -> memref<1x128xi32, #tpu.memory_space<vmem>>
      %dma_wait3A_616 = tpu.memref_squeeze %dma_wait3A_615 : memref<1x128xi32, #tpu.memory_space<vmem>> -> memref<128xi32, #tpu.memory_space<vmem>>
      %dma_wait3A_617 = arith.constant 0 : i32
      %dma_wait3A_618 = arith.constant 0 : i32
      %dma_wait3A_619 = tpu.memref_slice %arg9[%dma_wait3A_617, %dma_wait3A_618] : memref<10240x32xf32, #tpu.memory_space<vmem_shared>> -> memref<10240x32xf32, #tpu.memory_space<vmem_shared>>
      tpu.wait_indirect_dma semaphore(%arg21 : memref<!tpu.dma_semaphore, #tpu.memory_space<semaphore_mem>>) src(%dma_wait3A_613 : memref<128x32xf32, #tpu.memory_space<vmem>>) dst(%dma_wait3A_619 : memref<10240x32xf32, #tpu.memory_space<vmem_shared>>)
      %dma_wait3A_620 = arith.constant 3 : i32
      %dma_wait3A_621 = arith.constant 0 : i32
      %dma_wait3A_622 = arith.constant 0 : i32
      %dma_wait3A_623 = tpu.memref_slice %arg13[%dma_wait3A_620, %dma_wait3A_621, %dma_wait3A_622] : memref<6x128x32xf32, #tpu.memory_space<vmem>> -> memref<1x128x32xf32, #tpu.memory_space<vmem>>
      %dma_wait3A_624 = tpu.memref_squeeze %dma_wait3A_623 : memref<1x128x32xf32, #tpu.memory_space<vmem>> -> memref<128x32xf32, #tpu.memory_space<vmem>>
      %dma_wait3A_625 = arith.constant 0 : i32
      %dma_wait3A_626 = tpu.memref_slice %arg12[%add3A_549, %dma_wait3A_625] : memref<157x128xi32, #tpu.memory_space<vmem>> -> memref<1x128xi32, #tpu.memory_space<vmem>>
      %dma_wait3A_627 = tpu.memref_squeeze %dma_wait3A_626 : memref<1x128xi32, #tpu.memory_space<vmem>> -> memref<128xi32, #tpu.memory_space<vmem>>
      %dma_wait3A_628 = arith.constant 0 : i32
      %dma_wait3A_629 = arith.constant 0 : i32
      %dma_wait3A_630 = tpu.memref_slice %arg9[%dma_wait3A_628, %dma_wait3A_629] : memref<10240x32xf32, #tpu.memory_space<vmem_shared>> -> memref<10240x32xf32, #tpu.memory_space<vmem_shared>>
      tpu.wait_indirect_dma semaphore(%arg21 : memref<!tpu.dma_semaphore, #tpu.memory_space<semaphore_mem>>) src(%dma_wait3A_624 : memref<128x32xf32, #tpu.memory_space<vmem>>) dst(%dma_wait3A_630 : memref<10240x32xf32, #tpu.memory_space<vmem_shared>>)
      %dma_wait3A_631 = arith.constant 4 : i32
      %dma_wait3A_632 = arith.constant 0 : i32
      %dma_wait3A_633 = arith.constant 0 : i32
      %dma_wait3A_634 = tpu.memref_slice %arg13[%dma_wait3A_631, %dma_wait3A_632, %dma_wait3A_633] : memref<6x128x32xf32, #tpu.memory_space<vmem>> -> memref<1x128x32xf32, #tpu.memory_space<vmem>>
      %dma_wait3A_635 = tpu.memref_squeeze %dma_wait3A_634 : memref<1x128x32xf32, #tpu.memory_space<vmem>> -> memref<128x32xf32, #tpu.memory_space<vmem>>
      %dma_wait3A_636 = arith.constant 0 : i32
      %dma_wait3A_637 = tpu.memref_slice %arg12[%add3A_562, %dma_wait3A_636] : memref<157x128xi32, #tpu.memory_space<vmem>> -> memref<1x128xi32, #tpu.memory_space<vmem>>
      %dma_wait3A_638 = tpu.memref_squeeze %dma_wait3A_637 : memref<1x128xi32, #tpu.memory_space<vmem>> -> memref<128xi32, #tpu.memory_space<vmem>>
      %dma_wait3A_639 = arith.constant 0 : i32
      %dma_wait3A_640 = arith.constant 0 : i32
      %dma_wait3A_641 = tpu.memref_slice %arg9[%dma_wait3A_639, %dma_wait3A_640] : memref<10240x32xf32, #tpu.memory_space<vmem_shared>> -> memref<10240x32xf32, #tpu.memory_space<vmem_shared>>
      tpu.wait_indirect_dma semaphore(%arg21 : memref<!tpu.dma_semaphore, #tpu.memory_space<semaphore_mem>>) src(%dma_wait3A_635 : memref<128x32xf32, #tpu.memory_space<vmem>>) dst(%dma_wait3A_641 : memref<10240x32xf32, #tpu.memory_space<vmem_shared>>)
      %dma_wait3A_642 = arith.constant 5 : i32
      %dma_wait3A_643 = arith.constant 0 : i32
      %dma_wait3A_644 = arith.constant 0 : i32
      %dma_wait3A_645 = tpu.memref_slice %arg13[%dma_wait3A_642, %dma_wait3A_643, %dma_wait3A_644] : memref<6x128x32xf32, #tpu.memory_space<vmem>> -> memref<1x128x32xf32, #tpu.memory_space<vmem>>
      %dma_wait3A_646 = tpu.memref_squeeze %dma_wait3A_645 : memref<1x128x32xf32, #tpu.memory_space<vmem>> -> memref<128x32xf32, #tpu.memory_space<vmem>>
      %dma_wait3A_647 = arith.constant 0 : i32
      %dma_wait3A_648 = tpu.memref_slice %arg12[%add3A_575, %dma_wait3A_647] : memref<157x128xi32, #tpu.memory_space<vmem>> -> memref<1x128xi32, #tpu.memory_space<vmem>>
      %dma_wait3A_649 = tpu.memref_squeeze %dma_wait3A_648 : memref<1x128xi32, #tpu.memory_space<vmem>> -> memref<128xi32, #tpu.memory_space<vmem>>
      %dma_wait3A_650 = arith.constant 0 : i32
      %dma_wait3A_651 = arith.constant 0 : i32
      %dma_wait3A_652 = tpu.memref_slice %arg9[%dma_wait3A_650, %dma_wait3A_651] : memref<10240x32xf32, #tpu.memory_space<vmem_shared>> -> memref<10240x32xf32, #tpu.memory_space<vmem_shared>>
      tpu.wait_indirect_dma semaphore(%arg21 : memref<!tpu.dma_semaphore, #tpu.memory_space<semaphore_mem>>) src(%dma_wait3A_646 : memref<128x32xf32, #tpu.memory_space<vmem>>) dst(%dma_wait3A_652 : memref<10240x32xf32, #tpu.memory_space<vmem_shared>>)
      %scan3A_653 = arith.constant 0 : i32
      scf.yield %scan3A_653 : i32
    }
    %scan3A_222 = arith.constant 26 : i32
    %dma_start3A_223 = arith.constant 156 : i32
    %dma_start3A_224 = arith.constant 0 : i32
    %dma_start3A_225 = arith.constant 0 : i32
    %dma_start3A_226 = arith.constant 0 : i32
    %dma_start3A_227 = tpu.memref_slice %arg13[%dma_start3A_224, %dma_start3A_225, %dma_start3A_226] : memref<6x128x32xf32, #tpu.memory_space<vmem>> -> memref<1x128x32xf32, #tpu.memory_space<vmem>>
    %dma_start3A_228 = tpu.memref_squeeze %dma_start3A_227 : memref<1x128x32xf32, #tpu.memory_space<vmem>> -> memref<128x32xf32, #tpu.memory_space<vmem>>
    %dma_start3A_229 = arith.constant 0 : i32
    %dma_start3A_230 = tpu.memref_slice %arg11[%dma_start3A_223, %dma_start3A_229] : memref<157x128xi32, #tpu.memory_space<vmem>> -> memref<1x128xi32, #tpu.memory_space<vmem>>
    %dma_start3A_231 = tpu.memref_squeeze %dma_start3A_230 : memref<1x128xi32, #tpu.memory_space<vmem>> -> memref<128xi32, #tpu.memory_space<vmem>>
    %dma_start3A_232 = arith.constant 0 : i32
    %dma_start3A_233 = arith.constant 0 : i32
    %dma_start3A_234 = tpu.memref_slice %arg8[%dma_start3A_232, %dma_start3A_233] : memref<20480x32xf32, #tpu.memory_space<hbm>> -> memref<20480x32xf32, #tpu.memory_space<hbm>>
    tpu.enqueue_indirect_dma source(%dma_start3A_234 : memref<20480x32xf32, #tpu.memory_space<hbm>>) target(%dma_start3A_228 : memref<128x32xf32, #tpu.memory_space<vmem>>) offsets(%dma_start3A_231 : memref<128xi32, #tpu.memory_space<vmem>>) semaphore(%arg20 : memref<!tpu.dma_semaphore, #tpu.memory_space<semaphore_mem>>)
    %dma_wait3A_235 = arith.constant 156 : i32
    %dma_wait3A_236 = arith.constant 0 : i32
    %dma_wait3A_237 = arith.constant 0 : i32
    %dma_wait3A_238 = arith.constant 0 : i32
    %dma_wait3A_239 = tpu.memref_slice %arg13[%dma_wait3A_236, %dma_wait3A_237, %dma_wait3A_238] : memref<6x128x32xf32, #tpu.memory_space<vmem>> -> memref<1x128x32xf32, #tpu.memory_space<vmem>>
    %dma_wait3A_240 = tpu.memref_squeeze %dma_wait3A_239 : memref<1x128x32xf32, #tpu.memory_space<vmem>> -> memref<128x32xf32, #tpu.memory_space<vmem>>
    %dma_wait3A_241 = arith.constant 0 : i32
    %dma_wait3A_242 = tpu.memref_slice %arg11[%dma_wait3A_235, %dma_wait3A_241] : memref<157x128xi32, #tpu.memory_space<vmem>> -> memref<1x128xi32, #tpu.memory_space<vmem>>
    %dma_wait3A_243 = tpu.memref_squeeze %dma_wait3A_242 : memref<1x128xi32, #tpu.memory_space<vmem>> -> memref<128xi32, #tpu.memory_space<vmem>>
    %dma_wait3A_244 = arith.constant 0 : i32
    %dma_wait3A_245 = arith.constant 0 : i32
    %dma_wait3A_246 = tpu.memref_slice %arg8[%dma_wait3A_244, %dma_wait3A_245] : memref<20480x32xf32, #tpu.memory_space<hbm>> -> memref<20480x32xf32, #tpu.memory_space<hbm>>
    tpu.wait_indirect_dma semaphore(%arg20 : memref<!tpu.dma_semaphore, #tpu.memory_space<semaphore_mem>>) src(%dma_wait3A_246 : memref<20480x32xf32, #tpu.memory_space<hbm>>) dst(%dma_wait3A_240 : memref<128x32xf32, #tpu.memory_space<vmem>>)
    %dma_start3A_247 = arith.constant 0 : i32
    %dma_start3A_248 = arith.constant 156 : i32
    %dma_start3A_249 = arith.constant 0 : i32
    %dma_start3A_250 = arith.constant 0 : i32
    %dma_start3A_251 = tpu.memref_slice %arg13[%dma_start3A_247, %dma_start3A_249, %dma_start3A_250] : memref<6x128x32xf32, #tpu.memory_space<vmem>> -> memref<1x128x32xf32, #tpu.memory_space<vmem>>
    %dma_start3A_252 = tpu.memref_squeeze %dma_start3A_251 : memref<1x128x32xf32, #tpu.memory_space<vmem>> -> memref<128x32xf32, #tpu.memory_space<vmem>>
    %dma_start3A_253 = arith.constant 0 : i32
    %dma_start3A_254 = tpu.memref_slice %arg12[%dma_start3A_248, %dma_start3A_253] : memref<157x128xi32, #tpu.memory_space<vmem>> -> memref<1x128xi32, #tpu.memory_space<vmem>>
    %dma_start3A_255 = tpu.memref_squeeze %dma_start3A_254 : memref<1x128xi32, #tpu.memory_space<vmem>> -> memref<128xi32, #tpu.memory_space<vmem>>
    %dma_start3A_256 = arith.constant 0 : i32
    %dma_start3A_257 = arith.constant 0 : i32
    %dma_start3A_258 = tpu.memref_slice %arg9[%dma_start3A_256, %dma_start3A_257] : memref<10240x32xf32, #tpu.memory_space<vmem_shared>> -> memref<10240x32xf32, #tpu.memory_space<vmem_shared>>
    tpu.enqueue_indirect_dma source(%dma_start3A_252 : memref<128x32xf32, #tpu.memory_space<vmem>>) target(%dma_start3A_258 : memref<10240x32xf32, #tpu.memory_space<vmem_shared>>) offsets(%dma_start3A_255 : memref<128xi32, #tpu.memory_space<vmem>>) semaphore(%arg21 : memref<!tpu.dma_semaphore, #tpu.memory_space<semaphore_mem>>) {add = true}
    %dma_wait3A_259 = arith.constant 0 : i32
    %dma_wait3A_260 = arith.constant 156 : i32
    %dma_wait3A_261 = arith.constant 0 : i32
    %dma_wait3A_262 = arith.constant 0 : i32
    %dma_wait3A_263 = tpu.memref_slice %arg13[%dma_wait3A_259, %dma_wait3A_261, %dma_wait3A_262] : memref<6x128x32xf32, #tpu.memory_space<vmem>> -> memref<1x128x32xf32, #tpu.memory_space<vmem>>
    %dma_wait3A_264 = tpu.memref_squeeze %dma_wait3A_263 : memref<1x128x32xf32, #tpu.memory_space<vmem>> -> memref<128x32xf32, #tpu.memory_space<vmem>>
    %dma_wait3A_265 = arith.constant 0 : i32
    %dma_wait3A_266 = tpu.memref_slice %arg12[%dma_wait3A_260, %dma_wait3A_265] : memref<157x128xi32, #tpu.memory_space<vmem>> -> memref<1x128xi32, #tpu.memory_space<vmem>>
    %dma_wait3A_267 = tpu.memref_squeeze %dma_wait3A_266 : memref<1x128xi32, #tpu.memory_space<vmem>> -> memref<128xi32, #tpu.memory_space<vmem>>
    %dma_wait3A_268 = arith.constant 0 : i32
    %dma_wait3A_269 = arith.constant 0 : i32
    %dma_wait3A_270 = tpu.memref_slice %arg9[%dma_wait3A_268, %dma_wait3A_269] : memref<10240x32xf32, #tpu.memory_space<vmem_shared>> -> memref<10240x32xf32, #tpu.memory_space<vmem_shared>>
    tpu.wait_indirect_dma semaphore(%arg21 : memref<!tpu.dma_semaphore, #tpu.memory_space<semaphore_mem>>) src(%dma_wait3A_264 : memref<128x32xf32, #tpu.memory_space<vmem>>) dst(%dma_wait3A_270 : memref<10240x32xf32, #tpu.memory_space<vmem_shared>>)
    %barrier3A_271 = arith.constant 0 : index
    tpu.barrier barrier_id(%barrier3A_271)
    "tpu.region"() ({
      %run_scoped3A = tpu.sem_alloc : memref<!tpu.dma_semaphore, #tpu.memory_space<semaphore_mem>>
      %dma_start3A_361 = arith.constant 0 : i32
      %dma_start3A_362 = tpu.memref_slice %arg9[%mul3A_0, %dma_start3A_361] : memref<10240x32xf32, #tpu.memory_space<vmem_shared>> -> memref<640x32xf32, #tpu.memory_space<vmem_shared>>
      %dma_start3A_363 = arith.constant 0 : i32
      %dma_start3A_364 = tpu.memref_slice %arg9[%mul3A_0, %dma_start3A_363] : memref<10240x32xf32, #tpu.memory_space<vmem_shared>> -> memref<640x32xf32, #tpu.memory_space<vmem_shared>>
      tpu.enqueue_dma source(%dma_start3A_364 : memref<640x32xf32, #tpu.memory_space<vmem_shared>>) target(%arg17 : memref<640x32xf32, #tpu.memory_space<vmem>>) target_semaphore(%run_scoped3A : memref<!tpu.dma_semaphore, #tpu.memory_space<semaphore_mem>>)
      %dma_wait3A_365 = arith.constant 0 : i32
      %dma_wait3A_366 = tpu.memref_slice %arg9[%mul3A_0, %dma_wait3A_365] : memref<10240x32xf32, #tpu.memory_space<vmem_shared>> -> memref<640x32xf32, #tpu.memory_space<vmem_shared>>
      %dma_wait3A_367 = arith.constant 0 : i32
      %dma_wait3A_368 = tpu.memref_slice %arg9[%mul3A_0, %dma_wait3A_367] : memref<10240x32xf32, #tpu.memory_space<vmem_shared>> -> memref<640x32xf32, #tpu.memory_space<vmem_shared>>
      tpu.wait_dma2 semaphore(%run_scoped3A : memref<!tpu.dma_semaphore, #tpu.memory_space<semaphore_mem>>) src(%dma_wait3A_368 : memref<640x32xf32, #tpu.memory_space<vmem_shared>>) dst(%arg17 : memref<640x32xf32, #tpu.memory_space<vmem>>)
      tpu.yield
    }) : () -> ()
    %mul3A_272 = arith.constant 32 : i32
    %mul3A_273 = arith.muli %arg0, %mul3A_272 : i32
    %add3A_274 = arith.constant 64 : i32
    %add3A_275 = arith.addi %add3A_274, %mul3A_273 : i32
    "tpu.region"() ({
      %run_scoped3A = tpu.sem_alloc : memref<!tpu.dma_semaphore, #tpu.memory_space<semaphore_mem>>
      %dma_start3A_361 = tpu.memref_slice %arg4[%mul3A_0, %add3A_275] : memref<10240x256xf32, #tpu.memory_space<hbm>> -> memref<640x32xf32, #tpu.memory_space<hbm>>
      %dma_start3A_362 = tpu.memref_slice %arg4[%mul3A_0, %add3A_275] : memref<10240x256xf32, #tpu.memory_space<hbm>> -> memref<640x32xf32, #tpu.memory_space<hbm>>
      tpu.enqueue_dma source(%dma_start3A_362 : memref<640x32xf32, #tpu.memory_space<hbm>>) target(%arg16 : memref<640x32xf32, #tpu.memory_space<vmem>>) target_semaphore(%run_scoped3A : memref<!tpu.dma_semaphore, #tpu.memory_space<semaphore_mem>>)
      %dma_wait3A_363 = tpu.memref_slice %arg4[%mul3A_0, %add3A_275] : memref<10240x256xf32, #tpu.memory_space<hbm>> -> memref<640x32xf32, #tpu.memory_space<hbm>>
      %dma_wait3A_364 = tpu.memref_slice %arg4[%mul3A_0, %add3A_275] : memref<10240x256xf32, #tpu.memory_space<hbm>> -> memref<640x32xf32, #tpu.memory_space<hbm>>
      tpu.wait_dma2 semaphore(%run_scoped3A : memref<!tpu.dma_semaphore, #tpu.memory_space<semaphore_mem>>) src(%dma_wait3A_364 : memref<640x32xf32, #tpu.memory_space<hbm>>) dst(%arg16 : memref<640x32xf32, #tpu.memory_space<vmem>>)
      tpu.yield
    }) : () -> ()
    %scan3A_276 = arith.constant 0 : i32
    %scan3A_277 = arith.constant 0 : i32
    %scan3A_278 = arith.constant 640 : i32
    %scan3A_279 = arith.addi %scan3A_277, %scan3A_278 : i32
    %scan3A_280 = arith.constant 1 : i32
    %scan3A_281 = scf.for %scan3A_361 = %scan3A_277 to %scan3A_279 step %scan3A_280 iter_args(%scan3A_362 = %scan3A_276) -> (i32)  : i32 {
      %broadcast_in_dim3A_363 = vector.broadcast %scan3A_361 : i32 to vector<16xi32>
      %gather3A = tpu.vector_load_idx %arg19[%broadcast_in_dim3A_363] : memref<640xf32, #tpu.memory_space<vmem>>[vector<16xi32>], vector<16xf32>,
      %mul3A_364 = arith.mulf %gather3A, %gather3A : vector<16xf32>
      %get3A = arith.index_cast %scan3A_361 : i32 to index
      %get3A_365 = arith.constant 0 : index
      %get3A_366 = tpu.vector_load %arg16[%get3A, %get3A_365] {strides = array<i32>} : memref<640x32xf32, #tpu.memory_space<vmem>>, vector<16xf32>,
      %mul3A_367 = arith.mulf %get3A_366, %gather3A : vector<16xf32>
      %get3A_368 = arith.index_cast %scan3A_361 : i32 to index
      %get3A_369 = arith.constant 0 : index
      %get3A_370 = tpu.vector_load %arg17[%get3A_368, %get3A_369] {strides = array<i32>} : memref<640x32xf32, #tpu.memory_space<vmem>>, vector<16xf32>,
      %mul3A_371 = arith.mulf %get3A_370, %mul3A_364 : vector<16xf32>
      %add3A_372 = arith.addf %mul3A_367, %mul3A_371 : vector<16xf32>
      %swap3A_373 = arith.index_cast %scan3A_361 : i32 to index
      %swap3A_374 = arith.constant 0 : index
      %swap3A_375 = tpu.vector_load %arg16[%swap3A_373, %swap3A_374] {strides = array<i32>} : memref<640x32xf32, #tpu.memory_space<vmem>>, vector<16xf32>,
      tpu.vector_store %arg16[%swap3A_373, %swap3A_374], %add3A_372 {strides = array<i32>} : memref<640x32xf32, #tpu.memory_space<vmem>>, vector<16xf32>,
      %get3A_376 = arith.index_cast %scan3A_361 : i32 to index
      %get3A_377 = arith.constant 16 : index
      %get3A_378 = tpu.vector_load %arg16[%get3A_376, %get3A_377] {strides = array<i32>} : memref<640x32xf32, #tpu.memory_space<vmem>>, vector<16xf32>,
      %mul3A_379 = arith.mulf %get3A_378, %gather3A : vector<16xf32>
      %get3A_380 = arith.index_cast %scan3A_361 : i32 to index
      %get3A_381 = arith.constant 16 : index
      %get3A_382 = tpu.vector_load %arg17[%get3A_380, %get3A_381] {strides = array<i32>} : memref<640x32xf32, #tpu.memory_space<vmem>>, vector<16xf32>,
      %mul3A_383 = arith.mulf %get3A_382, %mul3A_364 : vector<16xf32>
      %add3A_384 = arith.addf %mul3A_379, %mul3A_383 : vector<16xf32>
      %swap3A_385 = arith.index_cast %scan3A_361 : i32 to index
      %swap3A_386 = arith.constant 16 : index
      %swap3A_387 = tpu.vector_load %arg16[%swap3A_385, %swap3A_386] {strides = array<i32>} : memref<640x32xf32, #tpu.memory_space<vmem>>, vector<16xf32>,
      tpu.vector_store %arg16[%swap3A_385, %swap3A_386], %add3A_384 {strides = array<i32>} : memref<640x32xf32, #tpu.memory_space<vmem>>, vector<16xf32>,
      %scan3A_388 = arith.constant 0 : i32
      scf.yield %scan3A_388 : i32
    }
    %scan3A_282 = arith.constant 640 : i32
    %add3A_283 = arith.addi %mul3A_2, %mul3A_0 : i32
    "tpu.region"() ({
      %run_scoped3A = tpu.sem_alloc : memref<!tpu.dma_semaphore, #tpu.memory_space<semaphore_mem>>
      %dma_start3A_361 = arith.constant 0 : i32
      %dma_start3A_362 = tpu.memref_slice %arg8[%add3A_283, %dma_start3A_361] : memref<20480x32xf32, #tpu.memory_space<hbm>> -> memref<640x32xf32, #tpu.memory_space<hbm>>
      %dma_start3A_363 = arith.constant 0 : i32
      %dma_start3A_364 = tpu.memref_slice %arg8[%add3A_283, %dma_start3A_363] : memref<20480x32xf32, #tpu.memory_space<hbm>> -> memref<640x32xf32, #tpu.memory_space<hbm>>
      tpu.enqueue_dma source(%arg16 : memref<640x32xf32, #tpu.memory_space<vmem>>) target(%dma_start3A_364 : memref<640x32xf32, #tpu.memory_space<hbm>>) target_semaphore(%run_scoped3A : memref<!tpu.dma_semaphore, #tpu.memory_space<semaphore_mem>>)
      %dma_wait3A_365 = arith.constant 0 : i32
      %dma_wait3A_366 = tpu.memref_slice %arg8[%add3A_283, %dma_wait3A_365] : memref<20480x32xf32, #tpu.memory_space<hbm>> -> memref<640x32xf32, #tpu.memory_space<hbm>>
      %dma_wait3A_367 = arith.constant 0 : i32
      %dma_wait3A_368 = tpu.memref_slice %arg8[%add3A_283, %dma_wait3A_367] : memref<20480x32xf32, #tpu.memory_space<hbm>> -> memref<640x32xf32, #tpu.memory_space<hbm>>
      tpu.wait_dma2 semaphore(%run_scoped3A : memref<!tpu.dma_semaphore, #tpu.memory_space<semaphore_mem>>) src(%arg16 : memref<640x32xf32, #tpu.memory_space<vmem>>) dst(%dma_wait3A_368 : memref<640x32xf32, #tpu.memory_space<hbm>>)
      tpu.yield
    }) : () -> ()
    %scan3A_284 = arith.constant 0 : i32
    %scan3A_285 = arith.constant 0 : i32
    %scan3A_286 = arith.constant 640 : i32
    %scan3A_287 = arith.addi %scan3A_285, %scan3A_286 : i32
    %scan3A_288 = arith.constant 1 : i32
    %scan3A_289 = scf.for %scan3A_361 = %scan3A_285 to %scan3A_287 step %scan3A_288 iter_args(%scan3A_362 = %scan3A_284) -> (i32)  : i32 {
      %broadcast_in_dim3A_363 = arith.constant 0.000000e+00 : f32
      %broadcast_in_dim3A_364 = vector.broadcast %broadcast_in_dim3A_363 : f32 to vector<16xf32>
      %swap3A_365 = arith.index_cast %scan3A_361 : i32 to index
      %swap3A_366 = arith.constant 0 : index
      %swap3A_367 = tpu.vector_load %arg17[%swap3A_365, %swap3A_366] {strides = array<i32>} : memref<640x32xf32, #tpu.memory_space<vmem>>, vector<16xf32>,
      tpu.vector_store %arg17[%swap3A_365, %swap3A_366], %broadcast_in_dim3A_364 {strides = array<i32>} : memref<640x32xf32, #tpu.memory_space<vmem>>, vector<16xf32>,
      %broadcast_in_dim3A_368 = arith.constant 0.000000e+00 : f32
      %broadcast_in_dim3A_369 = vector.broadcast %broadcast_in_dim3A_368 : f32 to vector<16xf32>
      %swap3A_370 = arith.index_cast %scan3A_361 : i32 to index
      %swap3A_371 = arith.constant 16 : index
      %swap3A_372 = tpu.vector_load %arg17[%swap3A_370, %swap3A_371] {strides = array<i32>} : memref<640x32xf32, #tpu.memory_space<vmem>>, vector<16xf32>,
      tpu.vector_store %arg17[%swap3A_370, %swap3A_371], %broadcast_in_dim3A_369 {strides = array<i32>} : memref<640x32xf32, #tpu.memory_space<vmem>>, vector<16xf32>,
      %scan3A_373 = arith.constant 0 : i32
      scf.yield %scan3A_373 : i32
    }
    %scan3A_290 = arith.constant 640 : i32
    "tpu.region"() ({
      %run_scoped3A = tpu.sem_alloc : memref<!tpu.dma_semaphore, #tpu.memory_space<semaphore_mem>>
      %dma_start3A_361 = arith.constant 0 : i32
      %dma_start3A_362 = tpu.memref_slice %arg9[%mul3A_0, %dma_start3A_361] : memref<10240x32xf32, #tpu.memory_space<vmem_shared>> -> memref<640x32xf32, #tpu.memory_space<vmem_shared>>
      %dma_start3A_363 = arith.constant 0 : i32
      %dma_start3A_364 = tpu.memref_slice %arg9[%mul3A_0, %dma_start3A_363] : memref<10240x32xf32, #tpu.memory_space<vmem_shared>> -> memref<640x32xf32, #tpu.memory_space<vmem_shared>>
      tpu.enqueue_dma source(%arg17 : memref<640x32xf32, #tpu.memory_space<vmem>>) target(%dma_start3A_364 : memref<640x32xf32, #tpu.memory_space<vmem_shared>>) target_semaphore(%run_scoped3A : memref<!tpu.dma_semaphore, #tpu.memory_space<semaphore_mem>>)
      %dma_wait3A_365 = arith.constant 0 : i32
      %dma_wait3A_366 = tpu.memref_slice %arg9[%mul3A_0, %dma_wait3A_365] : memref<10240x32xf32, #tpu.memory_space<vmem_shared>> -> memref<640x32xf32, #tpu.memory_space<vmem_shared>>
      %dma_wait3A_367 = arith.constant 0 : i32
      %dma_wait3A_368 = tpu.memref_slice %arg9[%mul3A_0, %dma_wait3A_367] : memref<10240x32xf32, #tpu.memory_space<vmem_shared>> -> memref<640x32xf32, #tpu.memory_space<vmem_shared>>
      tpu.wait_dma2 semaphore(%run_scoped3A : memref<!tpu.dma_semaphore, #tpu.memory_space<semaphore_mem>>) src(%arg17 : memref<640x32xf32, #tpu.memory_space<vmem>>) dst(%dma_wait3A_368 : memref<640x32xf32, #tpu.memory_space<vmem_shared>>)
      tpu.yield
    }) : () -> ()
    %barrier3A_291 = arith.constant 0 : index
    tpu.barrier barrier_id(%barrier3A_291)
    %scan3A_292 = arith.constant 0 : i32
    %scan3A_293 = arith.constant 0 : i32
    %scan3A_294 = arith.constant 26 : i32
    %scan3A_295 = arith.addi %scan3A_293, %scan3A_294 : i32
    %scan3A_296 = arith.constant 1 : i32
    %scan3A_297 = scf.for %scan3A_361 = %scan3A_293 to %scan3A_295 step %scan3A_296 iter_args(%scan3A_362 = %scan3A_292) -> (i32)  : i32 {
      %mul3A_363 = arith.constant 6 : i32
      %mul3A_364 = arith.muli %scan3A_361, %mul3A_363 : i32
      %add3A_365 = arith.constant 0 : i32
      %add3A_366 = arith.addi %mul3A_364, %add3A_365 : i32
      %dma_start3A_367 = arith.constant 0 : i32
      %dma_start3A_368 = arith.constant 0 : i32
      %dma_start3A_369 = arith.constant 0 : i32
      %dma_start3A_370 = tpu.memref_slice %arg13[%dma_start3A_367, %dma_start3A_368, %dma_start3A_369] : memref<6x128x32xf32, #tpu.memory_space<vmem>> -> memref<1x128x32xf32, #tpu.memory_space<vmem>>
      %dma_start3A_371 = tpu.memref_squeeze %dma_start3A_370 : memref<1x128x32xf32, #tpu.memory_space<vmem>> -> memref<128x32xf32, #tpu.memory_space<vmem>>
      %dma_start3A_372 = arith.constant 0 : i32
      %dma_start3A_373 = tpu.memref_slice %arg11[%add3A_366, %dma_start3A_372] : memref<157x128xi32, #tpu.memory_space<vmem>> -> memref<1x128xi32, #tpu.memory_space<vmem>>
      %dma_start3A_374 = tpu.memref_squeeze %dma_start3A_373 : memref<1x128xi32, #tpu.memory_space<vmem>> -> memref<128xi32, #tpu.memory_space<vmem>>
      %dma_start3A_375 = arith.constant 0 : i32
      %dma_start3A_376 = arith.constant 0 : i32
      %dma_start3A_377 = tpu.memref_slice %arg8[%dma_start3A_375, %dma_start3A_376] : memref<20480x32xf32, #tpu.memory_space<hbm>> -> memref<20480x32xf32, #tpu.memory_space<hbm>>
      tpu.enqueue_indirect_dma source(%dma_start3A_377 : memref<20480x32xf32, #tpu.memory_space<hbm>>) target(%dma_start3A_371 : memref<128x32xf32, #tpu.memory_space<vmem>>) offsets(%dma_start3A_374 : memref<128xi32, #tpu.memory_space<vmem>>) semaphore(%arg20 : memref<!tpu.dma_semaphore, #tpu.memory_space<semaphore_mem>>)
      %add3A_378 = arith.constant 1 : i32
      %add3A_379 = arith.addi %mul3A_364, %add3A_378 : i32
      %dma_start3A_380 = arith.constant 1 : i32
      %dma_start3A_381 = arith.constant 0 : i32
      %dma_start3A_382 = arith.constant 0 : i32
      %dma_start3A_383 = tpu.memref_slice %arg13[%dma_start3A_380, %dma_start3A_381, %dma_start3A_382] : memref<6x128x32xf32, #tpu.memory_space<vmem>> -> memref<1x128x32xf32, #tpu.memory_space<vmem>>
      %dma_start3A_384 = tpu.memref_squeeze %dma_start3A_383 : memref<1x128x32xf32, #tpu.memory_space<vmem>> -> memref<128x32xf32, #tpu.memory_space<vmem>>
      %dma_start3A_385 = arith.constant 0 : i32
      %dma_start3A_386 = tpu.memref_slice %arg11[%add3A_379, %dma_start3A_385] : memref<157x128xi32, #tpu.memory_space<vmem>> -> memref<1x128xi32, #tpu.memory_space<vmem>>
      %dma_start3A_387 = tpu.memref_squeeze %dma_start3A_386 : memref<1x128xi32, #tpu.memory_space<vmem>> -> memref<128xi32, #tpu.memory_space<vmem>>
      %dma_start3A_388 = arith.constant 0 : i32
      %dma_start3A_389 = arith.constant 0 : i32
      %dma_start3A_390 = tpu.memref_slice %arg8[%dma_start3A_388, %dma_start3A_389] : memref<20480x32xf32, #tpu.memory_space<hbm>> -> memref<20480x32xf32, #tpu.memory_space<hbm>>
      tpu.enqueue_indirect_dma source(%dma_start3A_390 : memref<20480x32xf32, #tpu.memory_space<hbm>>) target(%dma_start3A_384 : memref<128x32xf32, #tpu.memory_space<vmem>>) offsets(%dma_start3A_387 : memref<128xi32, #tpu.memory_space<vmem>>) semaphore(%arg20 : memref<!tpu.dma_semaphore, #tpu.memory_space<semaphore_mem>>)
      %add3A_391 = arith.constant 2 : i32
      %add3A_392 = arith.addi %mul3A_364, %add3A_391 : i32
      %dma_start3A_393 = arith.constant 2 : i32
      %dma_start3A_394 = arith.constant 0 : i32
      %dma_start3A_395 = arith.constant 0 : i32
      %dma_start3A_396 = tpu.memref_slice %arg13[%dma_start3A_393, %dma_start3A_394, %dma_start3A_395] : memref<6x128x32xf32, #tpu.memory_space<vmem>> -> memref<1x128x32xf32, #tpu.memory_space<vmem>>
      %dma_start3A_397 = tpu.memref_squeeze %dma_start3A_396 : memref<1x128x32xf32, #tpu.memory_space<vmem>> -> memref<128x32xf32, #tpu.memory_space<vmem>>
      %dma_start3A_398 = arith.constant 0 : i32
      %dma_start3A_399 = tpu.memref_slice %arg11[%add3A_392, %dma_start3A_398] : memref<157x128xi32, #tpu.memory_space<vmem>> -> memref<1x128xi32, #tpu.memory_space<vmem>>
      %dma_start3A_400 = tpu.memref_squeeze %dma_start3A_399 : memref<1x128xi32, #tpu.memory_space<vmem>> -> memref<128xi32, #tpu.memory_space<vmem>>
      %dma_start3A_401 = arith.constant 0 : i32
      %dma_start3A_402 = arith.constant 0 : i32
      %dma_start3A_403 = tpu.memref_slice %arg8[%dma_start3A_401, %dma_start3A_402] : memref<20480x32xf32, #tpu.memory_space<hbm>> -> memref<20480x32xf32, #tpu.memory_space<hbm>>
      tpu.enqueue_indirect_dma source(%dma_start3A_403 : memref<20480x32xf32, #tpu.memory_space<hbm>>) target(%dma_start3A_397 : memref<128x32xf32, #tpu.memory_space<vmem>>) offsets(%dma_start3A_400 : memref<128xi32, #tpu.memory_space<vmem>>) semaphore(%arg20 : memref<!tpu.dma_semaphore, #tpu.memory_space<semaphore_mem>>)
      %add3A_404 = arith.constant 3 : i32
      %add3A_405 = arith.addi %mul3A_364, %add3A_404 : i32
      %dma_start3A_406 = arith.constant 3 : i32
      %dma_start3A_407 = arith.constant 0 : i32
      %dma_start3A_408 = arith.constant 0 : i32
      %dma_start3A_409 = tpu.memref_slice %arg13[%dma_start3A_406, %dma_start3A_407, %dma_start3A_408] : memref<6x128x32xf32, #tpu.memory_space<vmem>> -> memref<1x128x32xf32, #tpu.memory_space<vmem>>
      %dma_start3A_410 = tpu.memref_squeeze %dma_start3A_409 : memref<1x128x32xf32, #tpu.memory_space<vmem>> -> memref<128x32xf32, #tpu.memory_space<vmem>>
      %dma_start3A_411 = arith.constant 0 : i32
      %dma_start3A_412 = tpu.memref_slice %arg11[%add3A_405, %dma_start3A_411] : memref<157x128xi32, #tpu.memory_space<vmem>> -> memref<1x128xi32, #tpu.memory_space<vmem>>
      %dma_start3A_413 = tpu.memref_squeeze %dma_start3A_412 : memref<1x128xi32, #tpu.memory_space<vmem>> -> memref<128xi32, #tpu.memory_space<vmem>>
      %dma_start3A_414 = arith.constant 0 : i32
      %dma_start3A_415 = arith.constant 0 : i32
      %dma_start3A_416 = tpu.memref_slice %arg8[%dma_start3A_414, %dma_start3A_415] : memref<20480x32xf32, #tpu.memory_space<hbm>> -> memref<20480x32xf32, #tpu.memory_space<hbm>>
      tpu.enqueue_indirect_dma source(%dma_start3A_416 : memref<20480x32xf32, #tpu.memory_space<hbm>>) target(%dma_start3A_410 : memref<128x32xf32, #tpu.memory_space<vmem>>) offsets(%dma_start3A_413 : memref<128xi32, #tpu.memory_space<vmem>>) semaphore(%arg20 : memref<!tpu.dma_semaphore, #tpu.memory_space<semaphore_mem>>)
      %add3A_417 = arith.constant 4 : i32
      %add3A_418 = arith.addi %mul3A_364, %add3A_417 : i32
      %dma_start3A_419 = arith.constant 4 : i32
      %dma_start3A_420 = arith.constant 0 : i32
      %dma_start3A_421 = arith.constant 0 : i32
      %dma_start3A_422 = tpu.memref_slice %arg13[%dma_start3A_419, %dma_start3A_420, %dma_start3A_421] : memref<6x128x32xf32, #tpu.memory_space<vmem>> -> memref<1x128x32xf32, #tpu.memory_space<vmem>>
      %dma_start3A_423 = tpu.memref_squeeze %dma_start3A_422 : memref<1x128x32xf32, #tpu.memory_space<vmem>> -> memref<128x32xf32, #tpu.memory_space<vmem>>
      %dma_start3A_424 = arith.constant 0 : i32
      %dma_start3A_425 = tpu.memref_slice %arg11[%add3A_418, %dma_start3A_424] : memref<157x128xi32, #tpu.memory_space<vmem>> -> memref<1x128xi32, #tpu.memory_space<vmem>>
      %dma_start3A_426 = tpu.memref_squeeze %dma_start3A_425 : memref<1x128xi32, #tpu.memory_space<vmem>> -> memref<128xi32, #tpu.memory_space<vmem>>
      %dma_start3A_427 = arith.constant 0 : i32
      %dma_start3A_428 = arith.constant 0 : i32
      %dma_start3A_429 = tpu.memref_slice %arg8[%dma_start3A_427, %dma_start3A_428] : memref<20480x32xf32, #tpu.memory_space<hbm>> -> memref<20480x32xf32, #tpu.memory_space<hbm>>
      tpu.enqueue_indirect_dma source(%dma_start3A_429 : memref<20480x32xf32, #tpu.memory_space<hbm>>) target(%dma_start3A_423 : memref<128x32xf32, #tpu.memory_space<vmem>>) offsets(%dma_start3A_426 : memref<128xi32, #tpu.memory_space<vmem>>) semaphore(%arg20 : memref<!tpu.dma_semaphore, #tpu.memory_space<semaphore_mem>>)
      %add3A_430 = arith.constant 5 : i32
      %add3A_431 = arith.addi %mul3A_364, %add3A_430 : i32
      %dma_start3A_432 = arith.constant 5 : i32
      %dma_start3A_433 = arith.constant 0 : i32
      %dma_start3A_434 = arith.constant 0 : i32
      %dma_start3A_435 = tpu.memref_slice %arg13[%dma_start3A_432, %dma_start3A_433, %dma_start3A_434] : memref<6x128x32xf32, #tpu.memory_space<vmem>> -> memref<1x128x32xf32, #tpu.memory_space<vmem>>
      %dma_start3A_436 = tpu.memref_squeeze %dma_start3A_435 : memref<1x128x32xf32, #tpu.memory_space<vmem>> -> memref<128x32xf32, #tpu.memory_space<vmem>>
      %dma_start3A_437 = arith.constant 0 : i32
      %dma_start3A_438 = tpu.memref_slice %arg11[%add3A_431, %dma_start3A_437] : memref<157x128xi32, #tpu.memory_space<vmem>> -> memref<1x128xi32, #tpu.memory_space<vmem>>
      %dma_start3A_439 = tpu.memref_squeeze %dma_start3A_438 : memref<1x128xi32, #tpu.memory_space<vmem>> -> memref<128xi32, #tpu.memory_space<vmem>>
      %dma_start3A_440 = arith.constant 0 : i32
      %dma_start3A_441 = arith.constant 0 : i32
      %dma_start3A_442 = tpu.memref_slice %arg8[%dma_start3A_440, %dma_start3A_441] : memref<20480x32xf32, #tpu.memory_space<hbm>> -> memref<20480x32xf32, #tpu.memory_space<hbm>>
      tpu.enqueue_indirect_dma source(%dma_start3A_442 : memref<20480x32xf32, #tpu.memory_space<hbm>>) target(%dma_start3A_436 : memref<128x32xf32, #tpu.memory_space<vmem>>) offsets(%dma_start3A_439 : memref<128xi32, #tpu.memory_space<vmem>>) semaphore(%arg20 : memref<!tpu.dma_semaphore, #tpu.memory_space<semaphore_mem>>)
      %dma_wait3A_443 = arith.constant 0 : i32
      %dma_wait3A_444 = arith.constant 0 : i32
      %dma_wait3A_445 = arith.constant 0 : i32
      %dma_wait3A_446 = tpu.memref_slice %arg13[%dma_wait3A_443, %dma_wait3A_444, %dma_wait3A_445] : memref<6x128x32xf32, #tpu.memory_space<vmem>> -> memref<1x128x32xf32, #tpu.memory_space<vmem>>
      %dma_wait3A_447 = tpu.memref_squeeze %dma_wait3A_446 : memref<1x128x32xf32, #tpu.memory_space<vmem>> -> memref<128x32xf32, #tpu.memory_space<vmem>>
      %dma_wait3A_448 = arith.constant 0 : i32
      %dma_wait3A_449 = tpu.memref_slice %arg11[%add3A_366, %dma_wait3A_448] : memref<157x128xi32, #tpu.memory_space<vmem>> -> memref<1x128xi32, #tpu.memory_space<vmem>>
      %dma_wait3A_450 = tpu.memref_squeeze %dma_wait3A_449 : memref<1x128xi32, #tpu.memory_space<vmem>> -> memref<128xi32, #tpu.memory_space<vmem>>
      %dma_wait3A_451 = arith.constant 0 : i32
      %dma_wait3A_452 = arith.constant 0 : i32
      %dma_wait3A_453 = tpu.memref_slice %arg8[%dma_wait3A_451, %dma_wait3A_452] : memref<20480x32xf32, #tpu.memory_space<hbm>> -> memref<20480x32xf32, #tpu.memory_space<hbm>>
      tpu.wait_indirect_dma semaphore(%arg20 : memref<!tpu.dma_semaphore, #tpu.memory_space<semaphore_mem>>) src(%dma_wait3A_453 : memref<20480x32xf32, #tpu.memory_space<hbm>>) dst(%dma_wait3A_447 : memref<128x32xf32, #tpu.memory_space<vmem>>)
      %dma_wait3A_454 = arith.constant 1 : i32
      %dma_wait3A_455 = arith.constant 0 : i32
      %dma_wait3A_456 = arith.constant 0 : i32
      %dma_wait3A_457 = tpu.memref_slice %arg13[%dma_wait3A_454, %dma_wait3A_455, %dma_wait3A_456] : memref<6x128x32xf32, #tpu.memory_space<vmem>> -> memref<1x128x32xf32, #tpu.memory_space<vmem>>
      %dma_wait3A_458 = tpu.memref_squeeze %dma_wait3A_457 : memref<1x128x32xf32, #tpu.memory_space<vmem>> -> memref<128x32xf32, #tpu.memory_space<vmem>>
      %dma_wait3A_459 = arith.constant 0 : i32
      %dma_wait3A_460 = tpu.memref_slice %arg11[%add3A_379, %dma_wait3A_459] : memref<157x128xi32, #tpu.memory_space<vmem>> -> memref<1x128xi32, #tpu.memory_space<vmem>>
      %dma_wait3A_461 = tpu.memref_squeeze %dma_wait3A_460 : memref<1x128xi32, #tpu.memory_space<vmem>> -> memref<128xi32, #tpu.memory_space<vmem>>
      %dma_wait3A_462 = arith.constant 0 : i32
      %dma_wait3A_463 = arith.constant 0 : i32
      %dma_wait3A_464 = tpu.memref_slice %arg8[%dma_wait3A_462, %dma_wait3A_463] : memref<20480x32xf32, #tpu.memory_space<hbm>> -> memref<20480x32xf32, #tpu.memory_space<hbm>>
      tpu.wait_indirect_dma semaphore(%arg20 : memref<!tpu.dma_semaphore, #tpu.memory_space<semaphore_mem>>) src(%dma_wait3A_464 : memref<20480x32xf32, #tpu.memory_space<hbm>>) dst(%dma_wait3A_458 : memref<128x32xf32, #tpu.memory_space<vmem>>)
      %dma_wait3A_465 = arith.constant 2 : i32
      %dma_wait3A_466 = arith.constant 0 : i32
      %dma_wait3A_467 = arith.constant 0 : i32
      %dma_wait3A_468 = tpu.memref_slice %arg13[%dma_wait3A_465, %dma_wait3A_466, %dma_wait3A_467] : memref<6x128x32xf32, #tpu.memory_space<vmem>> -> memref<1x128x32xf32, #tpu.memory_space<vmem>>
      %dma_wait3A_469 = tpu.memref_squeeze %dma_wait3A_468 : memref<1x128x32xf32, #tpu.memory_space<vmem>> -> memref<128x32xf32, #tpu.memory_space<vmem>>
      %dma_wait3A_470 = arith.constant 0 : i32
      %dma_wait3A_471 = tpu.memref_slice %arg11[%add3A_392, %dma_wait3A_470] : memref<157x128xi32, #tpu.memory_space<vmem>> -> memref<1x128xi32, #tpu.memory_space<vmem>>
      %dma_wait3A_472 = tpu.memref_squeeze %dma_wait3A_471 : memref<1x128xi32, #tpu.memory_space<vmem>> -> memref<128xi32, #tpu.memory_space<vmem>>
      %dma_wait3A_473 = arith.constant 0 : i32
      %dma_wait3A_474 = arith.constant 0 : i32
      %dma_wait3A_475 = tpu.memref_slice %arg8[%dma_wait3A_473, %dma_wait3A_474] : memref<20480x32xf32, #tpu.memory_space<hbm>> -> memref<20480x32xf32, #tpu.memory_space<hbm>>
      tpu.wait_indirect_dma semaphore(%arg20 : memref<!tpu.dma_semaphore, #tpu.memory_space<semaphore_mem>>) src(%dma_wait3A_475 : memref<20480x32xf32, #tpu.memory_space<hbm>>) dst(%dma_wait3A_469 : memref<128x32xf32, #tpu.memory_space<vmem>>)
      %dma_wait3A_476 = arith.constant 3 : i32
      %dma_wait3A_477 = arith.constant 0 : i32
      %dma_wait3A_478 = arith.constant 0 : i32
      %dma_wait3A_479 = tpu.memref_slice %arg13[%dma_wait3A_476, %dma_wait3A_477, %dma_wait3A_478] : memref<6x128x32xf32, #tpu.memory_space<vmem>> -> memref<1x128x32xf32, #tpu.memory_space<vmem>>
      %dma_wait3A_480 = tpu.memref_squeeze %dma_wait3A_479 : memref<1x128x32xf32, #tpu.memory_space<vmem>> -> memref<128x32xf32, #tpu.memory_space<vmem>>
      %dma_wait3A_481 = arith.constant 0 : i32
      %dma_wait3A_482 = tpu.memref_slice %arg11[%add3A_405, %dma_wait3A_481] : memref<157x128xi32, #tpu.memory_space<vmem>> -> memref<1x128xi32, #tpu.memory_space<vmem>>
      %dma_wait3A_483 = tpu.memref_squeeze %dma_wait3A_482 : memref<1x128xi32, #tpu.memory_space<vmem>> -> memref<128xi32, #tpu.memory_space<vmem>>
      %dma_wait3A_484 = arith.constant 0 : i32
      %dma_wait3A_485 = arith.constant 0 : i32
      %dma_wait3A_486 = tpu.memref_slice %arg8[%dma_wait3A_484, %dma_wait3A_485] : memref<20480x32xf32, #tpu.memory_space<hbm>> -> memref<20480x32xf32, #tpu.memory_space<hbm>>
      tpu.wait_indirect_dma semaphore(%arg20 : memref<!tpu.dma_semaphore, #tpu.memory_space<semaphore_mem>>) src(%dma_wait3A_486 : memref<20480x32xf32, #tpu.memory_space<hbm>>) dst(%dma_wait3A_480 : memref<128x32xf32, #tpu.memory_space<vmem>>)
      %dma_wait3A_487 = arith.constant 4 : i32
      %dma_wait3A_488 = arith.constant 0 : i32
      %dma_wait3A_489 = arith.constant 0 : i32
      %dma_wait3A_490 = tpu.memref_slice %arg13[%dma_wait3A_487, %dma_wait3A_488, %dma_wait3A_489] : memref<6x128x32xf32, #tpu.memory_space<vmem>> -> memref<1x128x32xf32, #tpu.memory_space<vmem>>
      %dma_wait3A_491 = tpu.memref_squeeze %dma_wait3A_490 : memref<1x128x32xf32, #tpu.memory_space<vmem>> -> memref<128x32xf32, #tpu.memory_space<vmem>>
      %dma_wait3A_492 = arith.constant 0 : i32
      %dma_wait3A_493 = tpu.memref_slice %arg11[%add3A_418, %dma_wait3A_492] : memref<157x128xi32, #tpu.memory_space<vmem>> -> memref<1x128xi32, #tpu.memory_space<vmem>>
      %dma_wait3A_494 = tpu.memref_squeeze %dma_wait3A_493 : memref<1x128xi32, #tpu.memory_space<vmem>> -> memref<128xi32, #tpu.memory_space<vmem>>
      %dma_wait3A_495 = arith.constant 0 : i32
      %dma_wait3A_496 = arith.constant 0 : i32
      %dma_wait3A_497 = tpu.memref_slice %arg8[%dma_wait3A_495, %dma_wait3A_496] : memref<20480x32xf32, #tpu.memory_space<hbm>> -> memref<20480x32xf32, #tpu.memory_space<hbm>>
      tpu.wait_indirect_dma semaphore(%arg20 : memref<!tpu.dma_semaphore, #tpu.memory_space<semaphore_mem>>) src(%dma_wait3A_497 : memref<20480x32xf32, #tpu.memory_space<hbm>>) dst(%dma_wait3A_491 : memref<128x32xf32, #tpu.memory_space<vmem>>)
      %dma_wait3A_498 = arith.constant 5 : i32
      %dma_wait3A_499 = arith.constant 0 : i32
      %dma_wait3A_500 = arith.constant 0 : i32
      %dma_wait3A_501 = tpu.memref_slice %arg13[%dma_wait3A_498, %dma_wait3A_499, %dma_wait3A_500] : memref<6x128x32xf32, #tpu.memory_space<vmem>> -> memref<1x128x32xf32, #tpu.memory_space<vmem>>
      %dma_wait3A_502 = tpu.memref_squeeze %dma_wait3A_501 : memref<1x128x32xf32, #tpu.memory_space<vmem>> -> memref<128x32xf32, #tpu.memory_space<vmem>>
      %dma_wait3A_503 = arith.constant 0 : i32
      %dma_wait3A_504 = tpu.memref_slice %arg11[%add3A_431, %dma_wait3A_503] : memref<157x128xi32, #tpu.memory_space<vmem>> -> memref<1x128xi32, #tpu.memory_space<vmem>>
      %dma_wait3A_505 = tpu.memref_squeeze %dma_wait3A_504 : memref<1x128xi32, #tpu.memory_space<vmem>> -> memref<128xi32, #tpu.memory_space<vmem>>
      %dma_wait3A_506 = arith.constant 0 : i32
      %dma_wait3A_507 = arith.constant 0 : i32
      %dma_wait3A_508 = tpu.memref_slice %arg8[%dma_wait3A_506, %dma_wait3A_507] : memref<20480x32xf32, #tpu.memory_space<hbm>> -> memref<20480x32xf32, #tpu.memory_space<hbm>>
      tpu.wait_indirect_dma semaphore(%arg20 : memref<!tpu.dma_semaphore, #tpu.memory_space<semaphore_mem>>) src(%dma_wait3A_508 : memref<20480x32xf32, #tpu.memory_space<hbm>>) dst(%dma_wait3A_502 : memref<128x32xf32, #tpu.memory_space<vmem>>)
      %add3A_509 = arith.constant 0 : i32
      %add3A_510 = arith.addi %mul3A_364, %add3A_509 : i32
      %dma_start3A_511 = arith.constant 0 : i32
      %dma_start3A_512 = arith.constant 0 : i32
      %dma_start3A_513 = arith.constant 0 : i32
      %dma_start3A_514 = tpu.memref_slice %arg13[%dma_start3A_511, %dma_start3A_512, %dma_start3A_513] : memref<6x128x32xf32, #tpu.memory_space<vmem>> -> memref<1x128x32xf32, #tpu.memory_space<vmem>>
      %dma_start3A_515 = tpu.memref_squeeze %dma_start3A_514 : memref<1x128x32xf32, #tpu.memory_space<vmem>> -> memref<128x32xf32, #tpu.memory_space<vmem>>
      %dma_start3A_516 = arith.constant 0 : i32
      %dma_start3A_517 = tpu.memref_slice %arg12[%add3A_510, %dma_start3A_516] : memref<157x128xi32, #tpu.memory_space<vmem>> -> memref<1x128xi32, #tpu.memory_space<vmem>>
      %dma_start3A_518 = tpu.memref_squeeze %dma_start3A_517 : memref<1x128xi32, #tpu.memory_space<vmem>> -> memref<128xi32, #tpu.memory_space<vmem>>
      %dma_start3A_519 = arith.constant 0 : i32
      %dma_start3A_520 = arith.constant 0 : i32
      %dma_start3A_521 = tpu.memref_slice %arg9[%dma_start3A_519, %dma_start3A_520] : memref<10240x32xf32, #tpu.memory_space<vmem_shared>> -> memref<10240x32xf32, #tpu.memory_space<vmem_shared>>
      tpu.enqueue_indirect_dma source(%dma_start3A_515 : memref<128x32xf32, #tpu.memory_space<vmem>>) target(%dma_start3A_521 : memref<10240x32xf32, #tpu.memory_space<vmem_shared>>) offsets(%dma_start3A_518 : memref<128xi32, #tpu.memory_space<vmem>>) semaphore(%arg21 : memref<!tpu.dma_semaphore, #tpu.memory_space<semaphore_mem>>) {add = true}
      %add3A_522 = arith.constant 1 : i32
      %add3A_523 = arith.addi %mul3A_364, %add3A_522 : i32
      %dma_start3A_524 = arith.constant 1 : i32
      %dma_start3A_525 = arith.constant 0 : i32
      %dma_start3A_526 = arith.constant 0 : i32
      %dma_start3A_527 = tpu.memref_slice %arg13[%dma_start3A_524, %dma_start3A_525, %dma_start3A_526] : memref<6x128x32xf32, #tpu.memory_space<vmem>> -> memref<1x128x32xf32, #tpu.memory_space<vmem>>
      %dma_start3A_528 = tpu.memref_squeeze %dma_start3A_527 : memref<1x128x32xf32, #tpu.memory_space<vmem>> -> memref<128x32xf32, #tpu.memory_space<vmem>>
      %dma_start3A_529 = arith.constant 0 : i32
      %dma_start3A_530 = tpu.memref_slice %arg12[%add3A_523, %dma_start3A_529] : memref<157x128xi32, #tpu.memory_space<vmem>> -> memref<1x128xi32, #tpu.memory_space<vmem>>
      %dma_start3A_531 = tpu.memref_squeeze %dma_start3A_530 : memref<1x128xi32, #tpu.memory_space<vmem>> -> memref<128xi32, #tpu.memory_space<vmem>>
      %dma_start3A_532 = arith.constant 0 : i32
      %dma_start3A_533 = arith.constant 0 : i32
      %dma_start3A_534 = tpu.memref_slice %arg9[%dma_start3A_532, %dma_start3A_533] : memref<10240x32xf32, #tpu.memory_space<vmem_shared>> -> memref<10240x32xf32, #tpu.memory_space<vmem_shared>>
      tpu.enqueue_indirect_dma source(%dma_start3A_528 : memref<128x32xf32, #tpu.memory_space<vmem>>) target(%dma_start3A_534 : memref<10240x32xf32, #tpu.memory_space<vmem_shared>>) offsets(%dma_start3A_531 : memref<128xi32, #tpu.memory_space<vmem>>) semaphore(%arg21 : memref<!tpu.dma_semaphore, #tpu.memory_space<semaphore_mem>>) {add = true}
      %add3A_535 = arith.constant 2 : i32
      %add3A_536 = arith.addi %mul3A_364, %add3A_535 : i32
      %dma_start3A_537 = arith.constant 2 : i32
      %dma_start3A_538 = arith.constant 0 : i32
      %dma_start3A_539 = arith.constant 0 : i32
      %dma_start3A_540 = tpu.memref_slice %arg13[%dma_start3A_537, %dma_start3A_538, %dma_start3A_539] : memref<6x128x32xf32, #tpu.memory_space<vmem>> -> memref<1x128x32xf32, #tpu.memory_space<vmem>>
      %dma_start3A_541 = tpu.memref_squeeze %dma_start3A_540 : memref<1x128x32xf32, #tpu.memory_space<vmem>> -> memref<128x32xf32, #tpu.memory_space<vmem>>
      %dma_start3A_542 = arith.constant 0 : i32
      %dma_start3A_543 = tpu.memref_slice %arg12[%add3A_536, %dma_start3A_542] : memref<157x128xi32, #tpu.memory_space<vmem>> -> memref<1x128xi32, #tpu.memory_space<vmem>>
      %dma_start3A_544 = tpu.memref_squeeze %dma_start3A_543 : memref<1x128xi32, #tpu.memory_space<vmem>> -> memref<128xi32, #tpu.memory_space<vmem>>
      %dma_start3A_545 = arith.constant 0 : i32
      %dma_start3A_546 = arith.constant 0 : i32
      %dma_start3A_547 = tpu.memref_slice %arg9[%dma_start3A_545, %dma_start3A_546] : memref<10240x32xf32, #tpu.memory_space<vmem_shared>> -> memref<10240x32xf32, #tpu.memory_space<vmem_shared>>
      tpu.enqueue_indirect_dma source(%dma_start3A_541 : memref<128x32xf32, #tpu.memory_space<vmem>>) target(%dma_start3A_547 : memref<10240x32xf32, #tpu.memory_space<vmem_shared>>) offsets(%dma_start3A_544 : memref<128xi32, #tpu.memory_space<vmem>>) semaphore(%arg21 : memref<!tpu.dma_semaphore, #tpu.memory_space<semaphore_mem>>) {add = true}
      %add3A_548 = arith.constant 3 : i32
      %add3A_549 = arith.addi %mul3A_364, %add3A_548 : i32
      %dma_start3A_550 = arith.constant 3 : i32
      %dma_start3A_551 = arith.constant 0 : i32
      %dma_start3A_552 = arith.constant 0 : i32
      %dma_start3A_553 = tpu.memref_slice %arg13[%dma_start3A_550, %dma_start3A_551, %dma_start3A_552] : memref<6x128x32xf32, #tpu.memory_space<vmem>> -> memref<1x128x32xf32, #tpu.memory_space<vmem>>
      %dma_start3A_554 = tpu.memref_squeeze %dma_start3A_553 : memref<1x128x32xf32, #tpu.memory_space<vmem>> -> memref<128x32xf32, #tpu.memory_space<vmem>>
      %dma_start3A_555 = arith.constant 0 : i32
      %dma_start3A_556 = tpu.memref_slice %arg12[%add3A_549, %dma_start3A_555] : memref<157x128xi32, #tpu.memory_space<vmem>> -> memref<1x128xi32, #tpu.memory_space<vmem>>
      %dma_start3A_557 = tpu.memref_squeeze %dma_start3A_556 : memref<1x128xi32, #tpu.memory_space<vmem>> -> memref<128xi32, #tpu.memory_space<vmem>>
      %dma_start3A_558 = arith.constant 0 : i32
      %dma_start3A_559 = arith.constant 0 : i32
      %dma_start3A_560 = tpu.memref_slice %arg9[%dma_start3A_558, %dma_start3A_559] : memref<10240x32xf32, #tpu.memory_space<vmem_shared>> -> memref<10240x32xf32, #tpu.memory_space<vmem_shared>>
      tpu.enqueue_indirect_dma source(%dma_start3A_554 : memref<128x32xf32, #tpu.memory_space<vmem>>) target(%dma_start3A_560 : memref<10240x32xf32, #tpu.memory_space<vmem_shared>>) offsets(%dma_start3A_557 : memref<128xi32, #tpu.memory_space<vmem>>) semaphore(%arg21 : memref<!tpu.dma_semaphore, #tpu.memory_space<semaphore_mem>>) {add = true}
      %add3A_561 = arith.constant 4 : i32
      %add3A_562 = arith.addi %mul3A_364, %add3A_561 : i32
      %dma_start3A_563 = arith.constant 4 : i32
      %dma_start3A_564 = arith.constant 0 : i32
      %dma_start3A_565 = arith.constant 0 : i32
      %dma_start3A_566 = tpu.memref_slice %arg13[%dma_start3A_563, %dma_start3A_564, %dma_start3A_565] : memref<6x128x32xf32, #tpu.memory_space<vmem>> -> memref<1x128x32xf32, #tpu.memory_space<vmem>>
      %dma_start3A_567 = tpu.memref_squeeze %dma_start3A_566 : memref<1x128x32xf32, #tpu.memory_space<vmem>> -> memref<128x32xf32, #tpu.memory_space<vmem>>
      %dma_start3A_568 = arith.constant 0 : i32
      %dma_start3A_569 = tpu.memref_slice %arg12[%add3A_562, %dma_start3A_568] : memref<157x128xi32, #tpu.memory_space<vmem>> -> memref<1x128xi32, #tpu.memory_space<vmem>>
      %dma_start3A_570 = tpu.memref_squeeze %dma_start3A_569 : memref<1x128xi32, #tpu.memory_space<vmem>> -> memref<128xi32, #tpu.memory_space<vmem>>
      %dma_start3A_571 = arith.constant 0 : i32
      %dma_start3A_572 = arith.constant 0 : i32
      %dma_start3A_573 = tpu.memref_slice %arg9[%dma_start3A_571, %dma_start3A_572] : memref<10240x32xf32, #tpu.memory_space<vmem_shared>> -> memref<10240x32xf32, #tpu.memory_space<vmem_shared>>
      tpu.enqueue_indirect_dma source(%dma_start3A_567 : memref<128x32xf32, #tpu.memory_space<vmem>>) target(%dma_start3A_573 : memref<10240x32xf32, #tpu.memory_space<vmem_shared>>) offsets(%dma_start3A_570 : memref<128xi32, #tpu.memory_space<vmem>>) semaphore(%arg21 : memref<!tpu.dma_semaphore, #tpu.memory_space<semaphore_mem>>) {add = true}
      %add3A_574 = arith.constant 5 : i32
      %add3A_575 = arith.addi %mul3A_364, %add3A_574 : i32
      %dma_start3A_576 = arith.constant 5 : i32
      %dma_start3A_577 = arith.constant 0 : i32
      %dma_start3A_578 = arith.constant 0 : i32
      %dma_start3A_579 = tpu.memref_slice %arg13[%dma_start3A_576, %dma_start3A_577, %dma_start3A_578] : memref<6x128x32xf32, #tpu.memory_space<vmem>> -> memref<1x128x32xf32, #tpu.memory_space<vmem>>
      %dma_start3A_580 = tpu.memref_squeeze %dma_start3A_579 : memref<1x128x32xf32, #tpu.memory_space<vmem>> -> memref<128x32xf32, #tpu.memory_space<vmem>>
      %dma_start3A_581 = arith.constant 0 : i32
      %dma_start3A_582 = tpu.memref_slice %arg12[%add3A_575, %dma_start3A_581] : memref<157x128xi32, #tpu.memory_space<vmem>> -> memref<1x128xi32, #tpu.memory_space<vmem>>
      %dma_start3A_583 = tpu.memref_squeeze %dma_start3A_582 : memref<1x128xi32, #tpu.memory_space<vmem>> -> memref<128xi32, #tpu.memory_space<vmem>>
      %dma_start3A_584 = arith.constant 0 : i32
      %dma_start3A_585 = arith.constant 0 : i32
      %dma_start3A_586 = tpu.memref_slice %arg9[%dma_start3A_584, %dma_start3A_585] : memref<10240x32xf32, #tpu.memory_space<vmem_shared>> -> memref<10240x32xf32, #tpu.memory_space<vmem_shared>>
      tpu.enqueue_indirect_dma source(%dma_start3A_580 : memref<128x32xf32, #tpu.memory_space<vmem>>) target(%dma_start3A_586 : memref<10240x32xf32, #tpu.memory_space<vmem_shared>>) offsets(%dma_start3A_583 : memref<128xi32, #tpu.memory_space<vmem>>) semaphore(%arg21 : memref<!tpu.dma_semaphore, #tpu.memory_space<semaphore_mem>>) {add = true}
      %dma_wait3A_587 = arith.constant 0 : i32
      %dma_wait3A_588 = arith.constant 0 : i32
      %dma_wait3A_589 = arith.constant 0 : i32
      %dma_wait3A_590 = tpu.memref_slice %arg13[%dma_wait3A_587, %dma_wait3A_588, %dma_wait3A_589] : memref<6x128x32xf32, #tpu.memory_space<vmem>> -> memref<1x128x32xf32, #tpu.memory_space<vmem>>
      %dma_wait3A_591 = tpu.memref_squeeze %dma_wait3A_590 : memref<1x128x32xf32, #tpu.memory_space<vmem>> -> memref<128x32xf32, #tpu.memory_space<vmem>>
      %dma_wait3A_592 = arith.constant 0 : i32
      %dma_wait3A_593 = tpu.memref_slice %arg12[%add3A_510, %dma_wait3A_592] : memref<157x128xi32, #tpu.memory_space<vmem>> -> memref<1x128xi32, #tpu.memory_space<vmem>>
      %dma_wait3A_594 = tpu.memref_squeeze %dma_wait3A_593 : memref<1x128xi32, #tpu.memory_space<vmem>> -> memref<128xi32, #tpu.memory_space<vmem>>
      %dma_wait3A_595 = arith.constant 0 : i32
      %dma_wait3A_596 = arith.constant 0 : i32
      %dma_wait3A_597 = tpu.memref_slice %arg9[%dma_wait3A_595, %dma_wait3A_596] : memref<10240x32xf32, #tpu.memory_space<vmem_shared>> -> memref<10240x32xf32, #tpu.memory_space<vmem_shared>>
      tpu.wait_indirect_dma semaphore(%arg21 : memref<!tpu.dma_semaphore, #tpu.memory_space<semaphore_mem>>) src(%dma_wait3A_591 : memref<128x32xf32, #tpu.memory_space<vmem>>) dst(%dma_wait3A_597 : memref<10240x32xf32, #tpu.memory_space<vmem_shared>>)
      %dma_wait3A_598 = arith.constant 1 : i32
      %dma_wait3A_599 = arith.constant 0 : i32
      %dma_wait3A_600 = arith.constant 0 : i32
      %dma_wait3A_601 = tpu.memref_slice %arg13[%dma_wait3A_598, %dma_wait3A_599, %dma_wait3A_600] : memref<6x128x32xf32, #tpu.memory_space<vmem>> -> memref<1x128x32xf32, #tpu.memory_space<vmem>>
      %dma_wait3A_602 = tpu.memref_squeeze %dma_wait3A_601 : memref<1x128x32xf32, #tpu.memory_space<vmem>> -> memref<128x32xf32, #tpu.memory_space<vmem>>
      %dma_wait3A_603 = arith.constant 0 : i32
      %dma_wait3A_604 = tpu.memref_slice %arg12[%add3A_523, %dma_wait3A_603] : memref<157x128xi32, #tpu.memory_space<vmem>> -> memref<1x128xi32, #tpu.memory_space<vmem>>
      %dma_wait3A_605 = tpu.memref_squeeze %dma_wait3A_604 : memref<1x128xi32, #tpu.memory_space<vmem>> -> memref<128xi32, #tpu.memory_space<vmem>>
      %dma_wait3A_606 = arith.constant 0 : i32
      %dma_wait3A_607 = arith.constant 0 : i32
      %dma_wait3A_608 = tpu.memref_slice %arg9[%dma_wait3A_606, %dma_wait3A_607] : memref<10240x32xf32, #tpu.memory_space<vmem_shared>> -> memref<10240x32xf32, #tpu.memory_space<vmem_shared>>
      tpu.wait_indirect_dma semaphore(%arg21 : memref<!tpu.dma_semaphore, #tpu.memory_space<semaphore_mem>>) src(%dma_wait3A_602 : memref<128x32xf32, #tpu.memory_space<vmem>>) dst(%dma_wait3A_608 : memref<10240x32xf32, #tpu.memory_space<vmem_shared>>)
      %dma_wait3A_609 = arith.constant 2 : i32
      %dma_wait3A_610 = arith.constant 0 : i32
      %dma_wait3A_611 = arith.constant 0 : i32
      %dma_wait3A_612 = tpu.memref_slice %arg13[%dma_wait3A_609, %dma_wait3A_610, %dma_wait3A_611] : memref<6x128x32xf32, #tpu.memory_space<vmem>> -> memref<1x128x32xf32, #tpu.memory_space<vmem>>
      %dma_wait3A_613 = tpu.memref_squeeze %dma_wait3A_612 : memref<1x128x32xf32, #tpu.memory_space<vmem>> -> memref<128x32xf32, #tpu.memory_space<vmem>>
      %dma_wait3A_614 = arith.constant 0 : i32
      %dma_wait3A_615 = tpu.memref_slice %arg12[%add3A_536, %dma_wait3A_614] : memref<157x128xi32, #tpu.memory_space<vmem>> -> memref<1x128xi32, #tpu.memory_space<vmem>>
      %dma_wait3A_616 = tpu.memref_squeeze %dma_wait3A_615 : memref<1x128xi32, #tpu.memory_space<vmem>> -> memref<128xi32, #tpu.memory_space<vmem>>
      %dma_wait3A_617 = arith.constant 0 : i32
      %dma_wait3A_618 = arith.constant 0 : i32
      %dma_wait3A_619 = tpu.memref_slice %arg9[%dma_wait3A_617, %dma_wait3A_618] : memref<10240x32xf32, #tpu.memory_space<vmem_shared>> -> memref<10240x32xf32, #tpu.memory_space<vmem_shared>>
      tpu.wait_indirect_dma semaphore(%arg21 : memref<!tpu.dma_semaphore, #tpu.memory_space<semaphore_mem>>) src(%dma_wait3A_613 : memref<128x32xf32, #tpu.memory_space<vmem>>) dst(%dma_wait3A_619 : memref<10240x32xf32, #tpu.memory_space<vmem_shared>>)
      %dma_wait3A_620 = arith.constant 3 : i32
      %dma_wait3A_621 = arith.constant 0 : i32
      %dma_wait3A_622 = arith.constant 0 : i32
      %dma_wait3A_623 = tpu.memref_slice %arg13[%dma_wait3A_620, %dma_wait3A_621, %dma_wait3A_622] : memref<6x128x32xf32, #tpu.memory_space<vmem>> -> memref<1x128x32xf32, #tpu.memory_space<vmem>>
      %dma_wait3A_624 = tpu.memref_squeeze %dma_wait3A_623 : memref<1x128x32xf32, #tpu.memory_space<vmem>> -> memref<128x32xf32, #tpu.memory_space<vmem>>
      %dma_wait3A_625 = arith.constant 0 : i32
      %dma_wait3A_626 = tpu.memref_slice %arg12[%add3A_549, %dma_wait3A_625] : memref<157x128xi32, #tpu.memory_space<vmem>> -> memref<1x128xi32, #tpu.memory_space<vmem>>
      %dma_wait3A_627 = tpu.memref_squeeze %dma_wait3A_626 : memref<1x128xi32, #tpu.memory_space<vmem>> -> memref<128xi32, #tpu.memory_space<vmem>>
      %dma_wait3A_628 = arith.constant 0 : i32
      %dma_wait3A_629 = arith.constant 0 : i32
      %dma_wait3A_630 = tpu.memref_slice %arg9[%dma_wait3A_628, %dma_wait3A_629] : memref<10240x32xf32, #tpu.memory_space<vmem_shared>> -> memref<10240x32xf32, #tpu.memory_space<vmem_shared>>
      tpu.wait_indirect_dma semaphore(%arg21 : memref<!tpu.dma_semaphore, #tpu.memory_space<semaphore_mem>>) src(%dma_wait3A_624 : memref<128x32xf32, #tpu.memory_space<vmem>>) dst(%dma_wait3A_630 : memref<10240x32xf32, #tpu.memory_space<vmem_shared>>)
      %dma_wait3A_631 = arith.constant 4 : i32
      %dma_wait3A_632 = arith.constant 0 : i32
      %dma_wait3A_633 = arith.constant 0 : i32
      %dma_wait3A_634 = tpu.memref_slice %arg13[%dma_wait3A_631, %dma_wait3A_632, %dma_wait3A_633] : memref<6x128x32xf32, #tpu.memory_space<vmem>> -> memref<1x128x32xf32, #tpu.memory_space<vmem>>
      %dma_wait3A_635 = tpu.memref_squeeze %dma_wait3A_634 : memref<1x128x32xf32, #tpu.memory_space<vmem>> -> memref<128x32xf32, #tpu.memory_space<vmem>>
      %dma_wait3A_636 = arith.constant 0 : i32
      %dma_wait3A_637 = tpu.memref_slice %arg12[%add3A_562, %dma_wait3A_636] : memref<157x128xi32, #tpu.memory_space<vmem>> -> memref<1x128xi32, #tpu.memory_space<vmem>>
      %dma_wait3A_638 = tpu.memref_squeeze %dma_wait3A_637 : memref<1x128xi32, #tpu.memory_space<vmem>> -> memref<128xi32, #tpu.memory_space<vmem>>
      %dma_wait3A_639 = arith.constant 0 : i32
      %dma_wait3A_640 = arith.constant 0 : i32
      %dma_wait3A_641 = tpu.memref_slice %arg9[%dma_wait3A_639, %dma_wait3A_640] : memref<10240x32xf32, #tpu.memory_space<vmem_shared>> -> memref<10240x32xf32, #tpu.memory_space<vmem_shared>>
      tpu.wait_indirect_dma semaphore(%arg21 : memref<!tpu.dma_semaphore, #tpu.memory_space<semaphore_mem>>) src(%dma_wait3A_635 : memref<128x32xf32, #tpu.memory_space<vmem>>) dst(%dma_wait3A_641 : memref<10240x32xf32, #tpu.memory_space<vmem_shared>>)
      %dma_wait3A_642 = arith.constant 5 : i32
      %dma_wait3A_643 = arith.constant 0 : i32
      %dma_wait3A_644 = arith.constant 0 : i32
      %dma_wait3A_645 = tpu.memref_slice %arg13[%dma_wait3A_642, %dma_wait3A_643, %dma_wait3A_644] : memref<6x128x32xf32, #tpu.memory_space<vmem>> -> memref<1x128x32xf32, #tpu.memory_space<vmem>>
      %dma_wait3A_646 = tpu.memref_squeeze %dma_wait3A_645 : memref<1x128x32xf32, #tpu.memory_space<vmem>> -> memref<128x32xf32, #tpu.memory_space<vmem>>
      %dma_wait3A_647 = arith.constant 0 : i32
      %dma_wait3A_648 = tpu.memref_slice %arg12[%add3A_575, %dma_wait3A_647] : memref<157x128xi32, #tpu.memory_space<vmem>> -> memref<1x128xi32, #tpu.memory_space<vmem>>
      %dma_wait3A_649 = tpu.memref_squeeze %dma_wait3A_648 : memref<1x128xi32, #tpu.memory_space<vmem>> -> memref<128xi32, #tpu.memory_space<vmem>>
      %dma_wait3A_650 = arith.constant 0 : i32
      %dma_wait3A_651 = arith.constant 0 : i32
      %dma_wait3A_652 = tpu.memref_slice %arg9[%dma_wait3A_650, %dma_wait3A_651] : memref<10240x32xf32, #tpu.memory_space<vmem_shared>> -> memref<10240x32xf32, #tpu.memory_space<vmem_shared>>
      tpu.wait_indirect_dma semaphore(%arg21 : memref<!tpu.dma_semaphore, #tpu.memory_space<semaphore_mem>>) src(%dma_wait3A_646 : memref<128x32xf32, #tpu.memory_space<vmem>>) dst(%dma_wait3A_652 : memref<10240x32xf32, #tpu.memory_space<vmem_shared>>)
      %scan3A_653 = arith.constant 0 : i32
      scf.yield %scan3A_653 : i32
    }
    %scan3A_298 = arith.constant 26 : i32
    %dma_start3A_299 = arith.constant 156 : i32
    %dma_start3A_300 = arith.constant 0 : i32
    %dma_start3A_301 = arith.constant 0 : i32
    %dma_start3A_302 = arith.constant 0 : i32
    %dma_start3A_303 = tpu.memref_slice %arg13[%dma_start3A_300, %dma_start3A_301, %dma_start3A_302] : memref<6x128x32xf32, #tpu.memory_space<vmem>> -> memref<1x128x32xf32, #tpu.memory_space<vmem>>
    %dma_start3A_304 = tpu.memref_squeeze %dma_start3A_303 : memref<1x128x32xf32, #tpu.memory_space<vmem>> -> memref<128x32xf32, #tpu.memory_space<vmem>>
    %dma_start3A_305 = arith.constant 0 : i32
    %dma_start3A_306 = tpu.memref_slice %arg11[%dma_start3A_299, %dma_start3A_305] : memref<157x128xi32, #tpu.memory_space<vmem>> -> memref<1x128xi32, #tpu.memory_space<vmem>>
    %dma_start3A_307 = tpu.memref_squeeze %dma_start3A_306 : memref<1x128xi32, #tpu.memory_space<vmem>> -> memref<128xi32, #tpu.memory_space<vmem>>
    %dma_start3A_308 = arith.constant 0 : i32
    %dma_start3A_309 = arith.constant 0 : i32
    %dma_start3A_310 = tpu.memref_slice %arg8[%dma_start3A_308, %dma_start3A_309] : memref<20480x32xf32, #tpu.memory_space<hbm>> -> memref<20480x32xf32, #tpu.memory_space<hbm>>
    tpu.enqueue_indirect_dma source(%dma_start3A_310 : memref<20480x32xf32, #tpu.memory_space<hbm>>) target(%dma_start3A_304 : memref<128x32xf32, #tpu.memory_space<vmem>>) offsets(%dma_start3A_307 : memref<128xi32, #tpu.memory_space<vmem>>) semaphore(%arg20 : memref<!tpu.dma_semaphore, #tpu.memory_space<semaphore_mem>>)
    %dma_wait3A_311 = arith.constant 156 : i32
    %dma_wait3A_312 = arith.constant 0 : i32
    %dma_wait3A_313 = arith.constant 0 : i32
    %dma_wait3A_314 = arith.constant 0 : i32
    %dma_wait3A_315 = tpu.memref_slice %arg13[%dma_wait3A_312, %dma_wait3A_313, %dma_wait3A_314] : memref<6x128x32xf32, #tpu.memory_space<vmem>> -> memref<1x128x32xf32, #tpu.memory_space<vmem>>
    %dma_wait3A_316 = tpu.memref_squeeze %dma_wait3A_315 : memref<1x128x32xf32, #tpu.memory_space<vmem>> -> memref<128x32xf32, #tpu.memory_space<vmem>>
    %dma_wait3A_317 = arith.constant 0 : i32
    %dma_wait3A_318 = tpu.memref_slice %arg11[%dma_wait3A_311, %dma_wait3A_317] : memref<157x128xi32, #tpu.memory_space<vmem>> -> memref<1x128xi32, #tpu.memory_space<vmem>>
    %dma_wait3A_319 = tpu.memref_squeeze %dma_wait3A_318 : memref<1x128xi32, #tpu.memory_space<vmem>> -> memref<128xi32, #tpu.memory_space<vmem>>
    %dma_wait3A_320 = arith.constant 0 : i32
    %dma_wait3A_321 = arith.constant 0 : i32
    %dma_wait3A_322 = tpu.memref_slice %arg8[%dma_wait3A_320, %dma_wait3A_321] : memref<20480x32xf32, #tpu.memory_space<hbm>> -> memref<20480x32xf32, #tpu.memory_space<hbm>>
    tpu.wait_indirect_dma semaphore(%arg20 : memref<!tpu.dma_semaphore, #tpu.memory_space<semaphore_mem>>) src(%dma_wait3A_322 : memref<20480x32xf32, #tpu.memory_space<hbm>>) dst(%dma_wait3A_316 : memref<128x32xf32, #tpu.memory_space<vmem>>)
    %dma_start3A_323 = arith.constant 0 : i32
    %dma_start3A_324 = arith.constant 156 : i32
    %dma_start3A_325 = arith.constant 0 : i32
    %dma_start3A_326 = arith.constant 0 : i32
    %dma_start3A_327 = tpu.memref_slice %arg13[%dma_start3A_323, %dma_start3A_325, %dma_start3A_326] : memref<6x128x32xf32, #tpu.memory_space<vmem>> -> memref<1x128x32xf32, #tpu.memory_space<vmem>>
    %dma_start3A_328 = tpu.memref_squeeze %dma_start3A_327 : memref<1x128x32xf32, #tpu.memory_space<vmem>> -> memref<128x32xf32, #tpu.memory_space<vmem>>
    %dma_start3A_329 = arith.constant 0 : i32
    %dma_start3A_330 = tpu.memref_slice %arg12[%dma_start3A_324, %dma_start3A_329] : memref<157x128xi32, #tpu.memory_space<vmem>> -> memref<1x128xi32, #tpu.memory_space<vmem>>
    %dma_start3A_331 = tpu.memref_squeeze %dma_start3A_330 : memref<1x128xi32, #tpu.memory_space<vmem>> -> memref<128xi32, #tpu.memory_space<vmem>>
    %dma_start3A_332 = arith.constant 0 : i32
    %dma_start3A_333 = arith.constant 0 : i32
    %dma_start3A_334 = tpu.memref_slice %arg9[%dma_start3A_332, %dma_start3A_333] : memref<10240x32xf32, #tpu.memory_space<vmem_shared>> -> memref<10240x32xf32, #tpu.memory_space<vmem_shared>>
    tpu.enqueue_indirect_dma source(%dma_start3A_328 : memref<128x32xf32, #tpu.memory_space<vmem>>) target(%dma_start3A_334 : memref<10240x32xf32, #tpu.memory_space<vmem_shared>>) offsets(%dma_start3A_331 : memref<128xi32, #tpu.memory_space<vmem>>) semaphore(%arg21 : memref<!tpu.dma_semaphore, #tpu.memory_space<semaphore_mem>>) {add = true}
    %dma_wait3A_335 = arith.constant 0 : i32
    %dma_wait3A_336 = arith.constant 156 : i32
    %dma_wait3A_337 = arith.constant 0 : i32
    %dma_wait3A_338 = arith.constant 0 : i32
    %dma_wait3A_339 = tpu.memref_slice %arg13[%dma_wait3A_335, %dma_wait3A_337, %dma_wait3A_338] : memref<6x128x32xf32, #tpu.memory_space<vmem>> -> memref<1x128x32xf32, #tpu.memory_space<vmem>>
    %dma_wait3A_340 = tpu.memref_squeeze %dma_wait3A_339 : memref<1x128x32xf32, #tpu.memory_space<vmem>> -> memref<128x32xf32, #tpu.memory_space<vmem>>
    %dma_wait3A_341 = arith.constant 0 : i32
    %dma_wait3A_342 = tpu.memref_slice %arg12[%dma_wait3A_336, %dma_wait3A_341] : memref<157x128xi32, #tpu.memory_space<vmem>> -> memref<1x128xi32, #tpu.memory_space<vmem>>
    %dma_wait3A_343 = tpu.memref_squeeze %dma_wait3A_342 : memref<1x128xi32, #tpu.memory_space<vmem>> -> memref<128xi32, #tpu.memory_space<vmem>>
    %dma_wait3A_344 = arith.constant 0 : i32
    %dma_wait3A_345 = arith.constant 0 : i32
    %dma_wait3A_346 = tpu.memref_slice %arg9[%dma_wait3A_344, %dma_wait3A_345] : memref<10240x32xf32, #tpu.memory_space<vmem_shared>> -> memref<10240x32xf32, #tpu.memory_space<vmem_shared>>
    tpu.wait_indirect_dma semaphore(%arg21 : memref<!tpu.dma_semaphore, #tpu.memory_space<semaphore_mem>>) src(%dma_wait3A_340 : memref<128x32xf32, #tpu.memory_space<vmem>>) dst(%dma_wait3A_346 : memref<10240x32xf32, #tpu.memory_space<vmem_shared>>)
    %barrier3A_347 = arith.constant 0 : index
    tpu.barrier barrier_id(%barrier3A_347)
    "tpu.region"() ({
      %run_scoped3A = tpu.sem_alloc : memref<!tpu.dma_semaphore, #tpu.memory_space<semaphore_mem>>
      %dma_start3A_361 = arith.constant 0 : i32
      %dma_start3A_362 = tpu.memref_slice %arg9[%mul3A_0, %dma_start3A_361] : memref<10240x32xf32, #tpu.memory_space<vmem_shared>> -> memref<640x32xf32, #tpu.memory_space<vmem_shared>>
      %dma_start3A_363 = arith.constant 0 : i32
      %dma_start3A_364 = tpu.memref_slice %arg9[%mul3A_0, %dma_start3A_363] : memref<10240x32xf32, #tpu.memory_space<vmem_shared>> -> memref<640x32xf32, #tpu.memory_space<vmem_shared>>
      tpu.enqueue_dma source(%dma_start3A_364 : memref<640x32xf32, #tpu.memory_space<vmem_shared>>) target(%arg17 : memref<640x32xf32, #tpu.memory_space<vmem>>) target_semaphore(%run_scoped3A : memref<!tpu.dma_semaphore, #tpu.memory_space<semaphore_mem>>)
      %dma_wait3A_365 = arith.constant 0 : i32
      %dma_wait3A_366 = tpu.memref_slice %arg9[%mul3A_0, %dma_wait3A_365] : memref<10240x32xf32, #tpu.memory_space<vmem_shared>> -> memref<640x32xf32, #tpu.memory_space<vmem_shared>>
      %dma_wait3A_367 = arith.constant 0 : i32
      %dma_wait3A_368 = tpu.memref_slice %arg9[%mul3A_0, %dma_wait3A_367] : memref<10240x32xf32, #tpu.memory_space<vmem_shared>> -> memref<640x32xf32, #tpu.memory_space<vmem_shared>>
      tpu.wait_dma2 semaphore(%run_scoped3A : memref<!tpu.dma_semaphore, #tpu.memory_space<semaphore_mem>>) src(%dma_wait3A_368 : memref<640x32xf32, #tpu.memory_space<vmem_shared>>) dst(%arg17 : memref<640x32xf32, #tpu.memory_space<vmem>>)
      tpu.yield
    }) : () -> ()
    %mul3A_348 = arith.constant 32 : i32
    %mul3A_349 = arith.muli %arg0, %mul3A_348 : i32
    %add3A_350 = arith.constant 0 : i32
    %add3A_351 = arith.addi %add3A_350, %mul3A_349 : i32
    "tpu.region"() ({
      %run_scoped3A = tpu.sem_alloc : memref<!tpu.dma_semaphore, #tpu.memory_space<semaphore_mem>>
      %dma_start3A_361 = tpu.memref_slice %arg4[%mul3A_0, %add3A_351] : memref<10240x256xf32, #tpu.memory_space<hbm>> -> memref<640x32xf32, #tpu.memory_space<hbm>>
      %dma_start3A_362 = tpu.memref_slice %arg4[%mul3A_0, %add3A_351] : memref<10240x256xf32, #tpu.memory_space<hbm>> -> memref<640x32xf32, #tpu.memory_space<hbm>>
      tpu.enqueue_dma source(%dma_start3A_362 : memref<640x32xf32, #tpu.memory_space<hbm>>) target(%arg16 : memref<640x32xf32, #tpu.memory_space<vmem>>) target_semaphore(%run_scoped3A : memref<!tpu.dma_semaphore, #tpu.memory_space<semaphore_mem>>)
      %dma_wait3A_363 = tpu.memref_slice %arg4[%mul3A_0, %add3A_351] : memref<10240x256xf32, #tpu.memory_space<hbm>> -> memref<640x32xf32, #tpu.memory_space<hbm>>
      %dma_wait3A_364 = tpu.memref_slice %arg4[%mul3A_0, %add3A_351] : memref<10240x256xf32, #tpu.memory_space<hbm>> -> memref<640x32xf32, #tpu.memory_space<hbm>>
      tpu.wait_dma2 semaphore(%run_scoped3A : memref<!tpu.dma_semaphore, #tpu.memory_space<semaphore_mem>>) src(%dma_wait3A_364 : memref<640x32xf32, #tpu.memory_space<hbm>>) dst(%arg16 : memref<640x32xf32, #tpu.memory_space<vmem>>)
      tpu.yield
    }) : () -> ()
    %scan3A_352 = arith.constant 0 : i32
    %scan3A_353 = arith.constant 0 : i32
    %scan3A_354 = arith.constant 640 : i32
    %scan3A_355 = arith.addi %scan3A_353, %scan3A_354 : i32
    %scan3A_356 = arith.constant 1 : i32
    %scan3A_357 = scf.for %scan3A_361 = %scan3A_353 to %scan3A_355 step %scan3A_356 iter_args(%scan3A_362 = %scan3A_352) -> (i32)  : i32 {
      %broadcast_in_dim3A_363 = vector.broadcast %scan3A_361 : i32 to vector<16xi32>
      %gather3A = tpu.vector_load_idx %arg19[%broadcast_in_dim3A_363] : memref<640xf32, #tpu.memory_space<vmem>>[vector<16xi32>], vector<16xf32>,
      %get3A = arith.index_cast %scan3A_361 : i32 to index
      %get3A_364 = arith.constant 0 : index
      %get3A_365 = tpu.vector_load %arg16[%get3A, %get3A_364] {strides = array<i32>} : memref<640x32xf32, #tpu.memory_space<vmem>>, vector<16xf32>,
      %get3A_366 = arith.index_cast %scan3A_361 : i32 to index
      %get3A_367 = arith.constant 0 : index
      %get3A_368 = tpu.vector_load %arg17[%get3A_366, %get3A_367] {strides = array<i32>} : memref<640x32xf32, #tpu.memory_space<vmem>>, vector<16xf32>,
      %mul3A_369 = arith.mulf %get3A_368, %gather3A : vector<16xf32>
      %add3A_370 = arith.addf %get3A_365, %mul3A_369 : vector<16xf32>
      %mul3A_371 = arith.constant 32 : i32
      %mul3A_372 = arith.muli %arg0, %mul3A_371 : i32
      %add3A_373 = arith.constant 0 : i32
      %add3A_374 = arith.addi %mul3A_372, %add3A_373 : i32
      %get3A_375 = arith.index_cast %add3A_374 : i32 to index
      %get3A_376 = tpu.vector_load %arg18[%get3A_375] {strides = array<i32>} : memref<64xf32, #tpu.memory_space<vmem>>, vector<16xf32>,
      %add3A_377 = arith.addf %add3A_370, %get3A_376 : vector<16xf32>
      %max3A = arith.constant 0.000000e+00 : f32
      %max3A_378 = vector.broadcast %max3A : f32 to vector<16xf32>
      %max3A_379 = arith.maximumf %add3A_377, %max3A_378 : vector<16xf32>
      %swap3A_380 = arith.index_cast %scan3A_361 : i32 to index
      %swap3A_381 = arith.constant 0 : index
      %swap3A_382 = tpu.vector_load %arg16[%swap3A_380, %swap3A_381] {strides = array<i32>} : memref<640x32xf32, #tpu.memory_space<vmem>>, vector<16xf32>,
      tpu.vector_store %arg16[%swap3A_380, %swap3A_381], %max3A_379 {strides = array<i32>} : memref<640x32xf32, #tpu.memory_space<vmem>>, vector<16xf32>,
      %get3A_383 = arith.index_cast %scan3A_361 : i32 to index
      %get3A_384 = arith.constant 16 : index
      %get3A_385 = tpu.vector_load %arg16[%get3A_383, %get3A_384] {strides = array<i32>} : memref<640x32xf32, #tpu.memory_space<vmem>>, vector<16xf32>,
      %get3A_386 = arith.index_cast %scan3A_361 : i32 to index
      %get3A_387 = arith.constant 16 : index
      %get3A_388 = tpu.vector_load %arg17[%get3A_386, %get3A_387] {strides = array<i32>} : memref<640x32xf32, #tpu.memory_space<vmem>>, vector<16xf32>,
      %mul3A_389 = arith.mulf %get3A_388, %gather3A : vector<16xf32>
      %add3A_390 = arith.addf %get3A_385, %mul3A_389 : vector<16xf32>
      %mul3A_391 = arith.constant 32 : i32
      %mul3A_392 = arith.muli %arg0, %mul3A_391 : i32
      %add3A_393 = arith.constant 16 : i32
      %add3A_394 = arith.addi %mul3A_392, %add3A_393 : i32
      %get3A_395 = arith.index_cast %add3A_394 : i32 to index
      %get3A_396 = tpu.vector_load %arg18[%get3A_395] {strides = array<i32>} : memref<64xf32, #tpu.memory_space<vmem>>, vector<16xf32>,
      %add3A_397 = arith.addf %add3A_390, %get3A_396 : vector<16xf32>
      %max3A_398 = arith.constant 0.000000e+00 : f32
      %max3A_399 = vector.broadcast %max3A_398 : f32 to vector<16xf32>
      %max3A_400 = arith.maximumf %add3A_397, %max3A_399 : vector<16xf32>
      %swap3A_401 = arith.index_cast %scan3A_361 : i32 to index
      %swap3A_402 = arith.constant 16 : index
      %swap3A_403 = tpu.vector_load %arg16[%swap3A_401, %swap3A_402] {strides = array<i32>} : memref<640x32xf32, #tpu.memory_space<vmem>>, vector<16xf32>,
      tpu.vector_store %arg16[%swap3A_401, %swap3A_402], %max3A_400 {strides = array<i32>} : memref<640x32xf32, #tpu.memory_space<vmem>>, vector<16xf32>,
      %scan3A_404 = arith.constant 0 : i32
      scf.yield %scan3A_404 : i32
    }
    %scan3A_358 = arith.constant 640 : i32
    %mul3A_359 = arith.constant 32 : i32
    %mul3A_360 = arith.muli %arg0, %mul3A_359 : i32
    "tpu.region"() ({
      %run_scoped3A = tpu.sem_alloc : memref<!tpu.dma_semaphore, #tpu.memory_space<semaphore_mem>>
      %dma_start3A_361 = tpu.memref_slice %arg6[%mul3A_0, %mul3A_360] : memref<10240x64xf32, #tpu.memory_space<hbm>> -> memref<640x32xf32, #tpu.memory_space<hbm>>
      %dma_start3A_362 = tpu.memref_slice %arg6[%mul3A_0, %mul3A_360] : memref<10240x64xf32, #tpu.memory_space<hbm>> -> memref<640x32xf32, #tpu.memory_space<hbm>>
      tpu.enqueue_dma source(%arg16 : memref<640x32xf32, #tpu.memory_space<vmem>>) target(%dma_start3A_362 : memref<640x32xf32, #tpu.memory_space<hbm>>) target_semaphore(%run_scoped3A : memref<!tpu.dma_semaphore, #tpu.memory_space<semaphore_mem>>)
      %dma_wait3A_363 = tpu.memref_slice %arg6[%mul3A_0, %mul3A_360] : memref<10240x64xf32, #tpu.memory_space<hbm>> -> memref<640x32xf32, #tpu.memory_space<hbm>>
      %dma_wait3A_364 = tpu.memref_slice %arg6[%mul3A_0, %mul3A_360] : memref<10240x64xf32, #tpu.memory_space<hbm>> -> memref<640x32xf32, #tpu.memory_space<hbm>>
      tpu.wait_dma2 semaphore(%run_scoped3A : memref<!tpu.dma_semaphore, #tpu.memory_space<semaphore_mem>>) src(%arg16 : memref<640x32xf32, #tpu.memory_space<vmem>>) dst(%dma_wait3A_364 : memref<640x32xf32, #tpu.memory_space<hbm>>)
      tpu.yield
    }) : () -> ()
    return
  }
}

module attributes {stable_mosaic.version = 14 : i64} {
  func.func @_mm_body(%arg0: memref<10240x128xf32, #tpu.memory_space<vmem>>, %arg1: memref<128x256xf32, #tpu.memory_space<vmem>>, %arg2: memref<10240x256xf32, #tpu.memory_space<vmem>>) attributes {dimension_semantics = [], scalar_prefetch = 0 : i64, scratch_operands = 0 : i64, tpu.core_type = #tpu.core_type<tc>} {
    %get3A = arith.constant 0 : index
    %get3A_0 = arith.constant 0 : index
    %get3A_1 = vector.load %arg0[%get3A, %get3A_0] : memref<10240x128xf32, #tpu.memory_space<vmem>>, vector<10240x128xf32>
    %get3A_2 = arith.constant 0 : index
    %get3A_3 = arith.constant 0 : index
    %get3A_4 = vector.load %arg1[%get3A_2, %get3A_3] : memref<128x256xf32, #tpu.memory_space<vmem>>, vector<128x256xf32>
    %dot_general3A = arith.constant dense<0.000000e+00> : vector<10240x256xf32>
    %dot_general3A_5 = tpu.matmul %get3A_1, %get3A_4, %dot_general3A {dimension_numbers = #tpu.dot_dimension_numbers<[1], [0], [0], [1], [0, 0, 1, 1], [], []>, transpose_lhs_hint = false} : vector<10240x128xf32>, vector<128x256xf32>, vector<10240x256xf32> -> vector<10240x256xf32>
    %swap3A = arith.constant 0 : index
    %swap3A_6 = arith.constant 0 : index
    %swap3A_7 = vector.load %arg2[%swap3A, %swap3A_6] : memref<10240x256xf32, #tpu.memory_space<vmem>>, vector<10240x256xf32>
    tpu.vector_store %arg2[%swap3A, %swap3A_6], %dot_general3A_5 {strides = array<i32>} : memref<10240x256xf32, #tpu.memory_space<vmem>>, vector<10240x256xf32>,
    return
  }
}

</mosaic_0001>

<sc_bundles>
// kernel: kernel.5.cloned.1.call-start
scs
__scs_entry_jumppad:
0x0: {  	(pc) =	sbr.rel $0x88, $3  }
0x1: {  	(tag) =	ssettag $0x0;
	lr =	simm.s32 $0x1  }
0x2: {  	[smem:$0x3F9B] =	sst lr;
	_ =	strace $0xD0000000  }
0x3: {  	_ = 	snop  }
0x4: {  	_ = 	snop  }
0x5: {  	_ = 	snop  }
0x6: {  	_ = 	snop  }
0x7: {  	_ = 	snop  }
__scs_overlays_trampoline_lowered:
0x8: {  	[smem:$0x3FAA] =	sst s0  }
0x9: {  	[smem:$0x3FAB] =	sst s1  }
0xa: {  	[smem:$0x3FAC] =	sst s2  }
0xb: {  	[smem:$0x3FAD] =	sst s3  }
0xc: {  	[smem:$0x3FAE] =	sst s4  }
0xd: {  	[smem:$0x3FAF] =	sst s5  }
0xe: {  	[smem:$0x3FB0] =	sst s6  }
0xf: {  	[smem:$0x3FB1] =	sst s7  }
0x10: {  	[smem:$0x3FB2] =	sst s8  }
0x11: {  	[smem:$0x3FB3] =	sst s9;
	s0 =	simm.s32 @!p0 $0x0  }
0x12: {  	s1 =	sld [smem:$0x3F99];
	s0 =	simm.s32 @p0 $0x1  }
0x13: {  	[smem:$0x3FB4] =	sst s0;
	s0 =	simm.s32 @!p1 $0x0  }
0x14: {  	s2 =	sld [smem:$0x3F98];
	s0 =	simm.s32 @p1 $0x1  }
0x15: {  	[smem:$0x3FB5] =	sst s0;
	s0 =	simm.s32 @!p2 $0x0  }
0x16: {  	s3 =	sld [smem:$0x3FDB];
	s0 =	simm.s32 @p2 $0x1  }
0x17: {  	s4 =	simm.s32 $0x1BF5;
	[smem:$0x3FB7] =	sst s0  }
0x18: {  	s0 =	sld [smem:$0x3F9A];
	_ =	swait.ge [sflag:s4], $0x0  }
0x19: {  	s7 =	sld [smem:$0x3F9B]  }
0x1a: {  	s8 =	sadd.s32 $0xFFFFE003, lr  }
0x1b: {  	s9 =	sadd.s32 $0xFFFFFEF7, lr;
	s5 =	simm.s32 $0xFFFFFFFF;
	p2 =	slt.u32 s8, $0xFFFFF086  }
0x1c: {  	p1 =	slt.u32 s9, $0xF7A;
	s5 =	simm.s32 @!p2 $0x0  }
0x1d: {  	s5 =	simm.s32 @p1 $0x1;
	p0 =	seq.s32 s7, s2  }
0x1e: {  	s7 =	smul.u32 @!p0 $0xF7A, s2;
	p2 =	seq.s32 @!p0 s5, $0x0  }
0x1f: {  	s9 =	smul.u32 $0xF7A, s1;
	s8 =	simm.s32 @!p0 $0x1BF5;
	p2 =	por !p2, p0  }
0x20: {  	[sflag:s8] =	ssyncset.s32 @!p0 $0xFFFFF086;
	s6 =	sadd.s32 @!p0 s3, s7;
	s7 =	simm.s32 @!p0 $0x108  }
0x21: {  	s3 =	sadd.s32 s3, s9;
	s6 =	sadd.s32 @!p0 $0x88, s6;
	s7 =	simm.s32 @p2 $0x1082  }
0x22: {  	[simem:s7], [sflag:s8] =	dma.local @!p0 [hbm:s6], $0xF7A  }
0x23: {  	s9 =	sor.u32 $0xD0000000, s2;
	s6 =	simm.s32 $0x108;
	_ =	swait.ge @!p0 [sflag:s8], $0x0  }
0x24: {  	s3 =	sadd.s32 $0x88, s3;
	s6 =	simm.s32 @!p1 $0x1082;
	[sflag:s4] =	ssyncset.s32 $0xFFFFF086  }
0x25: {  	[simem:s6], [sflag:s4] =	dma.local [hbm:s3], $0xF7A  }
0x26: {  	[smem:$0x3F9B] =	sst s1;
	(tag) =	ssettag s2;
	_ =	strace s9  }
0x27: {  	s1 =	sld [smem:$0x3FAB]  }
0x28: {  	s2 =	sld [smem:$0x3FAC]  }
0x29: {  	s4 =	sld [smem:$0x3FAE]  }
0x2a: {  	p0 =	seq.s32 s5, $0x0;
	s5 =	sld [smem:$0x3FAF]  }
0x2b: {  	s6 =	sld [smem:$0x3FB0]  }
0x2c: {  	s7 =	sld [smem:$0x3FB1]  }
0x2d: {  	s3 =	simm.s32 $0x108;
	s8 =	sld [smem:$0x3FB2]  }
0x2e: {  	s3 =	simm.s32 @!p0 $0x1082;
	s9 =	sld [smem:$0x3FB3]  }
0x2f: {  	lr =	sadd.s32 s0, s3;
	s0 =	sld [smem:$0x3FAA]  }
0x30: {  	s3 =	sld [smem:$0x3FAD]  }
0x31: {  	[smem:$0x3FB6] =	sst s10  }
0x32: {  	s10 =	sld [smem:$0x3FB4];
	_ =	sdelay $0x3  }
0x33: {  	p0 =	seq.s32 s10, $0x1;
	s10 =	sld [smem:$0x3FB6];
	_ =	sdelay $0x3  }
0x34: {  	[smem:$0x3FB6] =	sst s10  }
0x35: {  	s10 =	sld [smem:$0x3FB5];
	_ =	sdelay $0x3  }
0x36: {  	p1 =	seq.s32 s10, $0x1;
	s10 =	sld [smem:$0x3FB6];
	_ =	sdelay $0x3  }
0x37: {  	[smem:$0x3FB6] =	sst s10  }
0x38: {  	s10 =	sld [smem:$0x3FB7]  }
0x39: {  	_ = 	snop;
	(pc) =	sbr.ind lr, $3  }
0x3a: {  	_ = 	snop  }
0x3b: {  	_ = 	snop  }
0x3c: {  	p2 =	seq.s32 s10, $0x1;
	s10 =	sld [smem:$0x3FB6]  }
0x3d: {  	_ =	shalt  }
0x3e: {  	_ =	shalt  }
0x3f: {  	_ =	shalt  }
0x40: {  	_ =	shalt  }
0x41: {  	_ =	shalt  }
0x42: {  	_ =	shalt  }
0x43: {  	_ =	shalt  }
0x44: {  	_ =	shalt  }
0x45: {  	_ =	shalt  }
0x46: {  	_ =	shalt  }
0x47: {  	_ =	shalt  }
0x48: {  	_ =	shalt  }
0x49: {  	_ =	shalt  }
0x4a: {  	_ =	shalt  }
0x4b: {  	_ =	shalt  }
0x4c: {  	_ =	shalt  }
0x4d: {  	_ =	shalt  }
0x4e: {  	_ =	shalt  }
0x4f: {  	_ =	shalt  }
0x50: {  	_ =	shalt  }
0x51: {  	_ =	shalt  }
0x52: {  	_ =	shalt  }
0x53: {  	_ =	shalt  }
0x54: {  	_ =	shalt  }
0x55: {  	_ =	shalt  }
0x56: {  	_ =	shalt  }
0x57: {  	_ =	shalt  }
0x58: {  	_ =	shalt  }
0x59: {  	_ =	shalt  }
0x5a: {  	_ =	shalt  }
0x5b: {  	_ =	shalt  }
0x5c: {  	_ =	shalt  }
0x5d: {  	_ =	shalt  }
0x5e: {  	_ =	shalt  }
0x5f: {  	_ =	shalt  }
0x60: {  	_ =	shalt  }
0x61: {  	_ =	shalt  }
0x62: {  	_ =	shalt  }
0x63: {  	_ =	shalt  }
0x64: {  	_ =	shalt  }
0x65: {  	_ =	shalt  }
0x66: {  	_ =	shalt  }
0x67: {  	_ =	shalt  }
0x68: {  	_ =	shalt  }
0x69: {  	_ =	shalt  }
0x6a: {  	_ =	shalt  }
0x6b: {  	_ =	shalt  }
0x6c: {  	_ =	shalt  }
0x6d: {  	_ =	shalt  }
0x6e: {  	_ =	shalt  }
0x6f: {  	_ =	shalt  }
0x70: {  	_ =	shalt  }
0x71: {  	_ =	shalt  }
0x72: {  	_ =	shalt  }
0x73: {  	_ =	shalt  }
0x74: {  	_ =	shalt  }
0x75: {  	_ =	shalt  }
0x76: {  	_ =	shalt  }
0x77: {  	_ =	shalt  }
0x78: {  	_ =	shalt  }
0x79: {  	_ =	shalt  }
0x7a: {  	_ =	shalt  }
0x7b: {  	_ =	shalt  }
0x7c: {  	_ =	shalt  }
0x7d: {  	_ =	shalt  }
0x7e: {  	_ =	shalt  }
0x7f: {  	_ =	shalt  }
0x80: {  	_ =	shalt  }
0x81: {  	_ =	shalt  }
0x82: {  	_ =	shalt  }
0x83: {  	_ =	shalt  }
0x84: {  	_ =	shalt  }
0x85: {  	_ =	shalt  }
0x86: {  	_ =	shalt  }
0x87: {  	_ =	shalt  }
.Lfunc_end0:
.L_simem_size_0:
called_computation_lowered:
.L_overlay_start_0:
0x88: {  	s2 =	sld [smem:$0x3FD9]  }
0x89: {  	s3 =	sld [smem:$0x3FFE];
	_ =	sdelay $0x1  }
0x8a: {  	s1 =	srdreg.scid  }
0x8b: {  	s0 =	sand.u32 $0x1, s1  }
0x8c: {  	s17 =	sshll.u32 s0, $0xA;
	s2 =	sadd.s32 s3, s2  }
0x8d: {  	s2 =	sadd.s32 s2, s17  }
0x8e: {  	[smem:$0x3FC2] =	sst s2  }
0x8f: {  	_ = 	snop  }
0x90: {  	s2 =	sld [smem:$0x3FC6];
	(tm) =	ssettm $0x1  }
0x91: {  	s18 =	sld [smem:$0x3FFB];
	_ =	sdelay $0x3  }
0x92: {  	_ =	strace s18  }
0x93: {  	s3 =	sld [smem:$0x3FFC];
	_ =	sdelay $0x3  }
0x94: {  	_ =	strace s3  }
0x95: {  	s3 =	sld [smem:$0x3FFD];
	_ =	sdelay $0x3  }
0x96: {  	_ =	strace s3  }
0x97: {  	_ =	strace $0x8FFFFFFF  }
0x98: {  	s19 =	sld [smem:$0x3FDB];
	_ =	sdelay $0x1  }
0x99: {  	s4 =	simm.s32 $_scs_section_size  }
0x9a: {  	s5 =	simm.s32 $_size__tile_overlayer_lowered;
	s6 =	simm.s32 $_tile_overlayer_lowered  }
0x9b: {  	s22 =	simm.s32 $0x1BFF;
	s21 =	sshll.u32 s6, $0x1;
	s3 =	sadd.s32 s4, s19  }
0x9c: {  	s7 =	simm.s32 $0x0;
	s20 =	sshll.u32 s5, $0x1;
	s5 =	sadd.s32 s21, s3  }
0x9d: {  	[timem:s7], [sflag:s22] =	dma.local [hbm:s5], s20  }
0x9e: {  	_ =	swait.ge [sflag:s22], s20  }
0x9f: {  	s4 =	ssub.s32 $0x0, s20;
	[sflag:s22] =	ssyncset.done $0x0  }
0xa0: {  	[sflag:s22] =	ssyncadd.s32 s4;
	_ =	sdelay $0x1  }
0xa1: {  	s23 =	simm.s32 $0x1B8B  }
0xa2: {  	_ =	swait.ge [sflag:s23], $0x1  }
0xa3: {  	[sflag:s23] =	ssyncset.done $0x0  }
0xa4: {  	s25 =	simm.s32 $0x1B8E;
	s24 =	sld [smem:$0x3FFE];
	[sflag:s23] =	ssyncadd.s32 $0xFFFFFFFF  }
0xa5: {  	s26 =	simm.s32 $execute0_lowered;
	[smem:$0x3FD2] =	sst s25  }
0xa6: {  	s5 =	sshll.u32 s26, $0x1;
	_ =	strace $0x80000046;
	[dreg:$0x1] =	wrdreg $0xFFFFFFFF  }
0xa7: {  	s28 =	simm.s32 $_size_execute0_lowered;
	s3 =	sadd.s32 s3, s5;
	[dreg:$0x0] =	wrdreg $0x0  }
0xa8: {  	s5 =	sshll.u32 s28, $0x1;
	[dreg:$0x2] =	wrdreg s3  }
0xa9: {  	[dreg:$0x3] =	wrdreg s5  }
0xaa: {  	[dreg:$0x4] =	wrdreg $0xC0  }
0xab: {  	_ =	task [dreg:s7], $0x5FFFF  }
0xac: {  	[dreg:$0x1] =	wrdreg $0xFFFFFFFF  }
0xad: {  	[dreg:$0x0] =	wrdreg $0x60  }
0xae: {  	[dreg:$0x2] =	wrdreg s24  }
0xaf: {  	[dreg:$0x3] =	wrdreg s2  }
0xb0: {  	[dreg:$0x4] =	wrdreg $0x50000  }
0xb1: {  	[dreg:$0x5] =	wrdreg $0x0  }
0xb2: {  	[dreg:$0x6] =	wrdreg $0x9  }
0xb3: {  	_ =	task.clear_ibuf [dreg:s7], $0x7FFFF;
	_ =	strace $0x90000046  }
0xb4: {  	s29 =	simm.s32 $0x9;
	_ =	strace $0x80000048  }
0xb5: {  	_ =	swait.ge [sflag:s29], $0x1  }
0xb6: {  	[sflag:s29] =	ssyncadd.s32 $0xFFFFFFFF  }
0xb7: {  	_ =	strace $0x90000048  }
0xb8: {  	_ =	sfence  }
0xb9: {  	s30 =	sld [smem:$0x0];
	_ =	sdelay $0x2  }
0xba: {  	s31 =	sshll.u32 s1, $0xD;
	s1 =	sshrl.u32 s1, $0x2  }
0xbb: {  	s3 =	sand.u32 $0x4000, s31;
	s1 =	sadd.s32 s1, s30  }
0xbc: {  	s0 =	sor.u32 s3, s0;
	s1 =	sshll.u32 s1, $0x11  }
0xbd: {  	s0 =	sor.u32 s1, s0  }
0xbe: {  	s0 =	sadd.s32 $0x8F2B, s0  }
0xbf: {  	[sflag:s0] =	ssyncadd.remote.s32 $0x1  }
0xc0: {  	_ =	sfence.sel $0xFFFF  }
0xc1: {  	[dreg:$0x0] =	wrdreg $0xFFFFFFFF;
	(pc) =	sbr.abs _section_cstart, $3  }
0xc2: {  	[dreg:$0x1] =	wrdreg $0xFFFFFFFF  }
0xc3: {  	_ =	task.clear_ibuf [dreg:s7], $0x2FFFF;
	_ =	strace $0x9FFFFFFF  }
0xc4: {  	(tm) =	ssettm $0x7FFFFFFF  }
0xc5: {  	_ =	shalt  }
tec
execute0_lowered:
.L_overlay_start_1:
0x0: {  	(tag) =	ssettag $0x1  }
0x1: {  	s0 =	rddreg [dreg:$0x0]  }
0x2: {  	s3 =	rddreg [dreg:$0x2];
	s12 =	stileid.u32  }
0x3: {  	s4 =	rddreg [dreg:$0x3];
	s5 =	simm.s32 $0x0;
	s2 =	smul.u32 $0x28000, s12  }
0x4: {  	s1 =	srdreg.scid;
	s28 =	simm.s32 $0x2;
	s18 =	smul.u32 $0xA000, s12  }
0x5: {  	s29 =	simm.s32 $0x1F2C0;
	s30 =	simm.s32 $0xEF80;
	s7 =	smul.u32 $0x9D0, s12  }
0x6: {  	s31 =	simm.s32 $0xFF80;
	s15 =	simm.s32 $0x0;
	s8 =	smul.u32 $0x280, s12  }
0x7: {  	[smem:$0x7FF] =	sst s5;
	s1 =	sand.u32 $0x1, s1;
	s12 =	smul.u32 $0x14000, s12  }
0x8: {  	_ =	strace $0x80000047;
	s6 =	sshll.u32 s1, $0x5;
	s11 =	ssub.s32 $0x2, s1  }
0x9: {  	s13 =	smul.u32 $0x2800, s1;
	p0 =	sne.s32 s1, $0x0;
	s2 =	sor.u32 s6, s2  }
0xa: {  	s5 =	sor.u32 s6, s18;
	s9 =	sadd.s32 s7, s0;
	s19 =	sshrl.u32 s8, $0x3  }
0xb: {  	s7 =	sadd.s32 $0x63E00, s0;
	s20 =	sshrl.u32 s11, $0x1;
	s18 =	sadd.s32 s8, s3  }
0xc: {  	s22 =	sshrl.u32 s12, $0x2;
	s2 =	sshrl.u32 s2, $0x3;
	s5 =	sshrl.u32 s5, $0x3  }
0xd: {  	s10 =	sadd.s32 s19, s0;
	s21 =	sadd.s32 $0x5A000, s9;
	s9 =	sadd.s32 $0x50200, s9  }
0xe: {  	s8 =	sadd.s32 s8, s13;
	s12 =	sadd.s32 s22, s4;
	s19 =	simm.s32 $0x15000  }
0xf: {  	s22 =	simm.s32 $0x100;
	s2 =	sadd.s32 s2, s0;
	[dreg:$0x5] =	wrdreg s21  }
0x10: {  	s5 =	sadd.s32 s5, s0;
	[dreg:$0x6] =	wrdreg s9;
	s10 =	sadd.s32 $0x8BE00, s10  }
0x11: {  	s0 =	ssub.s32 s11, s20;
	[dreg:$0x7] =	wrdreg s10;
	s23 =	sadd.s32 $0x218, s2  }
0x12: {  	s8 =	sshll.u32 s8, $0x2;
	s24 =	sadd.s32 $0x210, s2;
	[dreg:$0x8] =	wrdreg s23  }
0x13: {  	s21 =	simm.s32 $0x3;
	s25 =	sadd.s32 $0x208, s2;
	[dreg:$0x9] =	wrdreg s24  }
0x14: {  	s20 =	simm.s32 $0x20;
	s2 =	sadd.s32 $0x200, s2;
	[dreg:$0xa] =	wrdreg s25  }
0x15: {  	s9 =	simm.s32 $0x13F80;
	s26 =	sadd.s32 $0x77E00, s5;
	[dreg:$0xb] =	wrdreg s2  }
0x16: {  	s11 =	simm.s32 $0x1;
	s0 =	smax.u32 s0, $0x1;
	[dreg:$0xc] =	wrdreg s26  }
0x17: {  	s14 =	sadd.s32 s7, s8;
	s8 =	simm.s32 $0x12F80;
	[dreg:$0xd] =	wrdreg s0  }
0x18: {  	s25 =	simm.s32 $0x80;
	s26 =	simm.s32 $0x14F80;
	s2 =	simm.s32 $0x1A280  }
0x19: {  	v1 =	vimm.f32 $1.000000000e+00;
	v2 =	vimm.f32 $0.0e+00;
	v0 =	vmov s13;
	s23 =	simm.s32 $0x15280;
	s0 =	simm.s32 $0x10F80;
	s24 =	simm.s32 $0x11F80  }
.LBB2_1:
0x1a: {  	s10 =	simm.s32 $0x0;
	s5 =	rddreg [dreg:$0x5];
	s1 =	simm.s32 $0x5280  }
0x1b: {  	[tilespmem:s1], [sflag:$0x3] =	stream.linear.gather [hbm4b:s5+s10], $0x4E80, $0x38;
	[tilespmem:$0x1F540] =	vst v63  }
0x1c: {  	_ =	swait.ge [sflag:s21], $0x4E80  }
0x1d: {  	[sflag:s21] =	ssyncset.done $0x0  }
0x1e: {  	s13 =	simm.s32 $0xA100;
	s1 =	rddreg [dreg:$0x6];
	[sflag:s21] =	ssyncadd.s32 $0xFFFFB180  }
0x1f: {  	[tilespmem:s13], [sflag:$0x3] =	stream.linear.gather [hbm4b:s1+s10], $0x4E80, $0x38;
	[tilespmem:$0x1F540] =	vst v63  }
0x20: {  	_ =	swait.ge [sflag:s21], $0x4E80  }
0x21: {  	[sflag:s21] =	ssyncset.done $0x0  }
0x22: {  	[sflag:s21] =	ssyncadd.s32 $0xFFFFB180  }
0x23: {  	s17 =	simm.s32 $0x1F280;
	s16 =	rddreg [dreg:$0x1]  }
0x24: {  	[tilespmem:s17], [sflag:$0x3] =	stream.linear.gather [hbm4b:s16+s10], $0x40, $0x38;
	[tilespmem:$0x1F540] =	vst v63  }
0x25: {  	_ =	swait.ge [sflag:s21], $0x40  }
0x26: {  	[sflag:s21] =	ssyncset.done $0x0  }
0x27: {  	s5 =	simm.s32 $0x0;
	[sflag:s21] =	ssyncadd.s32 $0xFFFFFFC0  }
0x28: {  	v5 =	vld [tilespmem:s5+$0x5280]  }
0x29: {  	v7 =	vld [tilespmem:s5+$0x5290]  }
0x2a: {  	v6 =	vld [tilespmem:s5+$0x52A0]  }
0x2b: {  	v4 =	vld [tilespmem:s5+$0x52B0]  }
0x2c: {  	v3 =	vld [tilespmem:s5+$0x52C0]  }
0x2d: {  	v8 =	vadd.s32 v0, v5;
	v5 =	vld [tilespmem:s5+$0x52D0]  }
0x2e: {  	s10 =	simm.s32 $0x200;
	[tilespmem:s5+$0x5280] =	vst v8;
	v8 =	vadd.s32 v0, v7;
	v7 =	vld [tilespmem:s5+$0x52E0]  }
.LBB2_2:
0x2f: {  	s13 =	sshra.s32 s10, $0x2;
	p1 =	sne.s32 s10, $0x13800;
	[tilespmem:s5+$0x5290] =	vst v8;
	v6 =	vadd.s32 v0, v6;
	v8 =	vld [tilespmem:s5+$0x52F0]  }
0x30: {  	v9 =	vld [tilespmem:s13+$0x5280];
	[tilespmem:s5+$0x52A0] =	vst v6;
	v4 =	vadd.s32 v0, v4  }
0x31: {  	v10 =	vld [tilespmem:s13+$0x5290];
	[tilespmem:s5+$0x52B0] =	vst v4;
	v3 =	vadd.s32 v0, v3  }
.Ltmp0:
0x32: {  	v6 =	vld [tilespmem:s13+$0x52A0];
	[tilespmem:s5+$0x52C0] =	vst v3;
	v3 =	vadd.s32 v0, v5;
	(pc) =	sbr.rel @p1 .LBB2_2-.Ltmp0, $4  }
0x33: {  	v4 =	vld [tilespmem:s13+$0x52B0];
	[tilespmem:s5+$0x52D0] =	vst v3;
	v5 =	vadd.s32 v0, v7  }
0x34: {  	v3 =	vld [tilespmem:s13+$0x52C0];
	[tilespmem:s5+$0x52E0] =	vst v5;
	v7 =	vadd.s32 v0, v8  }
0x35: {  	v8 =	vadd.s32 v0, v9;
	v5 =	vld [tilespmem:s13+$0x52D0];
	[tilespmem:s5+$0x52F0] =	vst v7;
	s5 =	smov.u32 s13  }
0x36: {  	s10 =	sadd.s32 $0x200, s10;
	[tilespmem:s5+$0x5280] =	vst v8;
	v8 =	vadd.s32 v0, v10;
	v7 =	vld [tilespmem:s5+$0x52E0]  }
0x37: {  	[tilespmem:s5+$0x5290] =	vst v8;
	v6 =	vadd.s32 v0, v6;
	v63 =	vld [tilespmem:s5+$0x52F0]  }
0x38: {  	[tilespmem:s5+$0x52A0] =	vst v6;
	v4 =	vadd.s32 v0, v4  }
0x39: {  	[tilespmem:s5+$0x52B0] =	vst v4;
	v3 =	vadd.s32 v0, v3  }
0x3a: {  	[tilespmem:s5+$0x52C0] =	vst v3;
	v3 =	vadd.s32 v0, v5  }
0x3b: {  	[tilespmem:s5+$0x52D0] =	vst v3;
	v3 =	vadd.s32 v0, v7  }
0x3c: {  	[tilespmem:s5+$0x52E0] =	vst v3;
	v3 =	vadd.s32 v0, v63  }
0x3d: {  	[tilespmem:s5+$0x52F0] =	vst v3  }
0x3e: {  	[tilespmem:$0x14F80] =	vst v1  }
0x3f: {  	[tilespmem:$0x14F90] =	vst v1  }
0x40: {  	[tilespmem:$0x14FA0] =	vst v1  }
0x41: {  	[tilespmem:$0x14FB0] =	vst v1  }
0x42: {  	[tilespmem:$0x14FC0] =	vst v1  }
0x43: {  	[tilespmem:$0x14FD0] =	vst v1  }
0x44: {  	[tilespmem:$0x14FE0] =	vst v1  }
0x45: {  	[tilespmem:$0x14FF0] =	vst v1  }
0x46: {  	[tilespmem:$0x15000] =	vst v2  }
0x47: {  	[tilespmem:$0x15010] =	vst v2  }
0x48: {  	[tilespmem:$0x15020] =	vst v2  }
0x49: {  	[tilespmem:$0x15030] =	vst v2  }
0x4a: {  	[tilespmem:$0x15040] =	vst v2  }
0x4b: {  	[tilespmem:$0x15050] =	vst v2  }
0x4c: {  	[tilespmem:$0x15060] =	vst v2  }
0x4d: {  	[tilespmem:$0x15070] =	vst v2  }
0x4e: {  	[tilespmem:$0x15080] =	vst v2  }
0x4f: {  	[tilespmem:$0x15090] =	vst v2  }
0x50: {  	[tilespmem:$0x150A0] =	vst v2  }
0x51: {  	[tilespmem:$0x150B0] =	vst v2  }
0x52: {  	[tilespmem:$0x150C0] =	vst v2  }
0x53: {  	[tilespmem:$0x150D0] =	vst v2  }
0x54: {  	[tilespmem:$0x150E0] =	vst v2  }
0x55: {  	[tilespmem:$0x150F0] =	vst v2  }
0x56: {  	[tilespmem:$0x15100] =	vst v2  }
0x57: {  	[tilespmem:$0x15110] =	vst v2  }
0x58: {  	[tilespmem:$0x15120] =	vst v2  }
0x59: {  	[tilespmem:$0x15130] =	vst v2  }
0x5a: {  	[tilespmem:$0x15140] =	vst v2  }
0x5b: {  	[tilespmem:$0x15150] =	vst v2  }
0x5c: {  	[tilespmem:$0x15160] =	vst v2  }
0x5d: {  	[tilespmem:$0x15170] =	vst v2  }
0x5e: {  	[tilespmem:$0x15180] =	vst v2  }
0x5f: {  	[tilespmem:$0x15190] =	vst v2  }
0x60: {  	[tilespmem:$0x151A0] =	vst v2  }
0x61: {  	[tilespmem:$0x151B0] =	vst v2  }
0x62: {  	[tilespmem:$0x151C0] =	vst v2  }
0x63: {  	[tilespmem:$0x151D0] =	vst v2  }
0x64: {  	[tilespmem:$0x151E0] =	vst v2  }
0x65: {  	[tilespmem:$0x151F0] =	vst v2  }
0x66: {  	[tilespmem:$0x15200] =	vst v2  }
0x67: {  	[tilespmem:$0x15210] =	vst v2  }
0x68: {  	[tilespmem:$0x15220] =	vst v2  }
0x69: {  	[tilespmem:$0x15230] =	vst v2  }
0x6a: {  	[tilespmem:$0x15240] =	vst v2  }
0x6b: {  	[tilespmem:$0x15250] =	vst v2  }
0x6c: {  	[tilespmem:$0x15260] =	vst v2  }
0x6d: {  	[tilespmem:$0x15270] =	vst v2  }
0x6e: {  	[spmem:s18] =	stream.linear.scatter [tilespmem:s19], [sflag:$0x3], $0x280, $0x38;
	[tilespmem:$0x1F540] =	vst v63  }
0x6f: {  	_ =	swait.ge [sflag:s21], $0x280  }
0x70: {  	[sflag:s21] =	ssyncset.done $0x0  }
0x71: {  	[sflag:s21] =	ssyncadd.s32 $0xFFFFFD80  }
0x72: {  	s13 =	simm.s32 $0xA100;
	[bflag:$0x0] =	sbarrier.arrive $0xFFFF  }
0x73: {  	[spmem:s3] =	stream.indirect.scatter.add.f32 [tilespmem:s26], [sflag:$0x2], $0x1, s13, s25, $0xb8;
	[tilespmem:$0x1F540] =	vst v63  }
0x74: {  	s16 =	simm.s32 $0xA180  }
0x75: {  	[spmem:s3] =	stream.indirect.scatter.add.f32 [tilespmem:s26], [sflag:$0x2], $0x1, s16, s25, $0xb8;
	[tilespmem:$0x1F540] =	vst v63  }
0x76: {  	s17 =	simm.s32 $0xA200  }
0x77: {  	[spmem:s3] =	stream.indirect.scatter.add.f32 [tilespmem:s26], [sflag:$0x2], $0x1, s17, s25, $0xb8;
	[tilespmem:$0x1F540] =	vst v63  }
0x78: {  	s1 =	simm.s32 $0xA280  }
0x79: {  	[spmem:s3] =	stream.indirect.scatter.add.f32 [tilespmem:s26], [sflag:$0x2], $0x1, s1, s25, $0xb8;
	[tilespmem:$0x1F540] =	vst v63  }
0x7a: {  	s10 =	simm.s32 $0xA300  }
0x7b: {  	[spmem:s3] =	stream.indirect.scatter.add.f32 [tilespmem:s26], [sflag:$0x2], $0x1, s10, s25, $0xb8;
	[tilespmem:$0x1F540] =	vst v63  }
0x7c: {  	s13 =	simm.s32 $0xA380  }
0x7d: {  	[spmem:s3] =	stream.indirect.scatter.add.f32 [tilespmem:s26], [sflag:$0x2], $0x1, s13, s25, $0xb8;
	[tilespmem:$0x1F540] =	vst v63  }
0x7e: {  	s16 =	simm.s32 $0xA400  }
0x7f: {  	[spmem:s3] =	stream.indirect.scatter.add.f32 [tilespmem:s26], [sflag:$0x2], $0x1, s16, s25, $0xb8;
	[tilespmem:$0x1F540] =	vst v63  }
0x80: {  	s17 =	simm.s32 $0xA480  }
0x81: {  	[spmem:s3] =	stream.indirect.scatter.add.f32 [tilespmem:s26], [sflag:$0x2], $0x1, s17, s25, $0xb8;
	[tilespmem:$0x1F540] =	vst v63  }
0x82: {  	_ =	swait.ge [sflag:s28], $0x80  }
0x83: {  	[sflag:s28] =	ssyncset.done $0x0  }
0x84: {  	[sflag:s28] =	ssyncadd.s32 $0xFFFFFF80  }
0x85: {  	_ =	swait.ge [sflag:s28], $0x80  }
0x86: {  	[sflag:s28] =	ssyncset.done $0x0  }
0x87: {  	[sflag:s28] =	ssyncadd.s32 $0xFFFFFF80  }
0x88: {  	_ =	swait.ge [sflag:s28], $0x80  }
0x89: {  	[sflag:s28] =	ssyncset.done $0x0  }
0x8a: {  	[sflag:s28] =	ssyncadd.s32 $0xFFFFFF80  }
0x8b: {  	_ =	swait.ge [sflag:s28], $0x80  }
0x8c: {  	[sflag:s28] =	ssyncset.done $0x0  }
0x8d: {  	[sflag:s28] =	ssyncadd.s32 $0xFFFFFF80  }
0x8e: {  	_ =	swait.ge [sflag:s28], $0x80  }
0x8f: {  	[sflag:s28] =	ssyncset.done $0x0  }
0x90: {  	[sflag:s28] =	ssyncadd.s32 $0xFFFFFF80  }
0x91: {  	_ =	swait.ge [sflag:s28], $0x80  }
0x92: {  	[sflag:s28] =	ssyncset.done $0x0  }
0x93: {  	[sflag:s28] =	ssyncadd.s32 $0xFFFFFF80  }
0x94: {  	_ =	swait.ge [sflag:s28], $0x80  }
0x95: {  	[sflag:s28] =	ssyncset.done $0x0  }
0x96: {  	[sflag:s28] =	ssyncadd.s32 $0xFFFFFF80  }
0x97: {  	_ =	swait.ge [sflag:s28], $0x80  }
0x98: {  	s10 =	simm.s32 $0x2000;
	s16 =	simm.s32 $0x400;
	[sflag:s28] =	ssyncset.done $0x0  }
.LBB2_4:
0x99: {  	s17 =	sadd.s32 $0xA100, s16  }
0x9a: {  	[sflag:s28] =	ssyncadd.s32 $0xFFFFFF80;
	s13 =	smov.u32 s10;
	s5 =	sadd.s32 $0x1000, s10  }
0x9b: {  	[spmem:s3] =	stream.indirect.scatter.add.f32 [tilespmem:s26], [sflag:$0x2], $0x1, s17, s25, $0xb8;
	[tilespmem:$0x1F540] =	vst v63  }
0x9c: {  	p1 =	sne.s32 s10, $0x12000;
	s10 =	sadd.s32 $0xA180, s16  }
0x9d: {  	[spmem:s3] =	stream.indirect.scatter.add.f32 [tilespmem:s26], [sflag:$0x2], $0x1, s10, s25, $0xb8;
	[tilespmem:$0x1F540] =	vst v63  }
0x9e: {  	s10 =	sadd.s32 $0xA200, s16  }
0x9f: {  	[spmem:s3] =	stream.indirect.scatter.add.f32 [tilespmem:s26], [sflag:$0x2], $0x1, s10, s25, $0xb8;
	[tilespmem:$0x1F540] =	vst v63  }
0xa0: {  	s10 =	sadd.s32 $0xA280, s16  }
0xa1: {  	[spmem:s3] =	stream.indirect.scatter.add.f32 [tilespmem:s26], [sflag:$0x2], $0x1, s10, s25, $0xb8;
	[tilespmem:$0x1F540] =	vst v63  }
0xa2: {  	s10 =	sadd.s32 $0xA300, s16  }
0xa3: {  	[spmem:s3] =	stream.indirect.scatter.add.f32 [tilespmem:s26], [sflag:$0x2], $0x1, s10, s25, $0xb8;
	[tilespmem:$0x1F540] =	vst v63  }
0xa4: {  	s10 =	sadd.s32 $0xA380, s16  }
0xa5: {  	[spmem:s3] =	stream.indirect.scatter.add.f32 [tilespmem:s26], [sflag:$0x2], $0x1, s10, s25, $0xb8;
	[tilespmem:$0x1F540] =	vst v63  }
0xa6: {  	s10 =	sadd.s32 $0xA400, s16  }
0xa7: {  	[spmem:s3] =	stream.indirect.scatter.add.f32 [tilespmem:s26], [sflag:$0x2], $0x1, s10, s25, $0xb8;
	[tilespmem:$0x1F540] =	vst v63  }
0xa8: {  	s10 =	sadd.s32 $0xA480, s16  }
0xa9: {  	[spmem:s3] =	stream.indirect.scatter.add.f32 [tilespmem:s26], [sflag:$0x2], $0x1, s10, s25, $0xb8;
	[tilespmem:$0x1F540] =	vst v63  }
0xaa: {  	_ =	swait.ge [sflag:s28], $0x80  }
0xab: {  	[sflag:s28] =	ssyncset.done $0x0  }
0xac: {  	[sflag:s28] =	ssyncadd.s32 $0xFFFFFF80  }
0xad: {  	_ =	swait.ge [sflag:s28], $0x80  }
0xae: {  	[sflag:s28] =	ssyncset.done $0x0  }
0xaf: {  	[sflag:s28] =	ssyncadd.s32 $0xFFFFFF80  }
0xb0: {  	_ =	swait.ge [sflag:s28], $0x80  }
0xb1: {  	[sflag:s28] =	ssyncset.done $0x0  }
0xb2: {  	[sflag:s28] =	ssyncadd.s32 $0xFFFFFF80  }
0xb3: {  	_ =	swait.ge [sflag:s28], $0x80  }
0xb4: {  	[sflag:s28] =	ssyncset.done $0x0  }
0xb5: {  	[sflag:s28] =	ssyncadd.s32 $0xFFFFFF80  }
0xb6: {  	_ =	swait.ge [sflag:s28], $0x80  }
0xb7: {  	[sflag:s28] =	ssyncset.done $0x0  }
0xb8: {  	[sflag:s28] =	ssyncadd.s32 $0xFFFFFF80  }
0xb9: {  	_ =	swait.ge [sflag:s28], $0x80  }
0xba: {  	[sflag:s28] =	ssyncset.done $0x0  }
0xbb: {  	[sflag:s28] =	ssyncadd.s32 $0xFFFFFF80  }
.Ltmp1:
0xbc: {  	_ =	swait.ge [sflag:s28], $0x80;
	(pc) =	sbr.rel @p1 .LBB2_4-.Ltmp1, $4  }
0xbd: {  	[sflag:s28] =	ssyncset.done $0x0  }
0xbe: {  	[sflag:s28] =	ssyncadd.s32 $0xFFFFFF80  }
0xbf: {  	_ =	swait.ge [sflag:s28], $0x80  }
0xc0: {  	s16 =	sshra.s32 s13, $0x2;
	s10 =	smov.u32 s5;
	[sflag:s28] =	ssyncset.done $0x0  }
0xc1: {  	s5 =	sadd.s32 $0xA100, s16;
	[sflag:s28] =	ssyncadd.s32 $0xFFFFFF80  }
0xc2: {  	[spmem:s3] =	stream.indirect.scatter.add.f32 [tilespmem:s26], [sflag:$0x2], $0x1, s5, s25, $0xb8;
	[tilespmem:$0x1F540] =	vst v63  }
0xc3: {  	s13 =	sadd.s32 $0xA180, s16  }
0xc4: {  	[spmem:s3] =	stream.indirect.scatter.add.f32 [tilespmem:s26], [sflag:$0x2], $0x1, s13, s25, $0xb8;
	[tilespmem:$0x1F540] =	vst v63  }
0xc5: {  	s17 =	sadd.s32 $0xA200, s16  }
0xc6: {  	[spmem:s3] =	stream.indirect.scatter.add.f32 [tilespmem:s26], [sflag:$0x2], $0x1, s17, s25, $0xb8;
	[tilespmem:$0x1F540] =	vst v63  }
0xc7: {  	s1 =	sadd.s32 $0xA280, s16  }
0xc8: {  	[spmem:s3] =	stream.indirect.scatter.add.f32 [tilespmem:s26], [sflag:$0x2], $0x1, s1, s25, $0xb8;
	[tilespmem:$0x1F540] =	vst v63  }
0xc9: {  	s10 =	sadd.s32 $0xA300, s16  }
0xca: {  	[spmem:s3] =	stream.indirect.scatter.add.f32 [tilespmem:s26], [sflag:$0x2], $0x1, s10, s25, $0xb8;
	[tilespmem:$0x1F540] =	vst v63  }
0xcb: {  	s13 =	sadd.s32 $0xA380, s16  }
0xcc: {  	[spmem:s3] =	stream.indirect.scatter.add.f32 [tilespmem:s26], [sflag:$0x2], $0x1, s13, s25, $0xb8;
	[tilespmem:$0x1F540] =	vst v63  }
0xcd: {  	s17 =	sadd.s32 $0xA400, s16  }
0xce: {  	[spmem:s3] =	stream.indirect.scatter.add.f32 [tilespmem:s26], [sflag:$0x2], $0x1, s17, s25, $0xb8;
	[tilespmem:$0x1F540] =	vst v63  }
0xcf: {  	s1 =	sadd.s32 $0xA480, s16  }
0xd0: {  	[spmem:s3] =	stream.indirect.scatter.add.f32 [tilespmem:s26], [sflag:$0x2], $0x1, s1, s25, $0xb8;
	[tilespmem:$0x1F540] =	vst v63  }
0xd1: {  	_ =	swait.ge [sflag:s28], $0x80  }
0xd2: {  	[sflag:s28] =	ssyncset.done $0x0  }
0xd3: {  	[sflag:s28] =	ssyncadd.s32 $0xFFFFFF80  }
0xd4: {  	_ =	swait.ge [sflag:s28], $0x80  }
0xd5: {  	[sflag:s28] =	ssyncset.done $0x0  }
0xd6: {  	[sflag:s28] =	ssyncadd.s32 $0xFFFFFF80  }
0xd7: {  	_ =	swait.ge [sflag:s28], $0x80  }
0xd8: {  	[sflag:s28] =	ssyncset.done $0x0  }
0xd9: {  	[sflag:s28] =	ssyncadd.s32 $0xFFFFFF80  }
0xda: {  	_ =	swait.ge [sflag:s28], $0x80  }
0xdb: {  	[sflag:s28] =	ssyncset.done $0x0  }
0xdc: {  	[sflag:s28] =	ssyncadd.s32 $0xFFFFFF80  }
0xdd: {  	_ =	swait.ge [sflag:s28], $0x80  }
0xde: {  	[sflag:s28] =	ssyncset.done $0x0  }
0xdf: {  	[sflag:s28] =	ssyncadd.s32 $0xFFFFFF80  }
0xe0: {  	_ =	swait.ge [sflag:s28], $0x80  }
0xe1: {  	[sflag:s28] =	ssyncset.done $0x0  }
0xe2: {  	[sflag:s28] =	ssyncadd.s32 $0xFFFFFF80  }
0xe3: {  	_ =	swait.ge [sflag:s28], $0x80  }
0xe4: {  	[sflag:s28] =	ssyncset.done $0x0  }
0xe5: {  	[sflag:s28] =	ssyncadd.s32 $0xFFFFFF80  }
0xe6: {  	_ =	swait.ge [sflag:s28], $0x80  }
0xe7: {  	[sflag:s28] =	ssyncset.done $0x0  }
0xe8: {  	s1 =	simm.s32 $0xED00;
	[sflag:s28] =	ssyncadd.s32 $0xFFFFFF80  }
0xe9: {  	[spmem:s3] =	stream.indirect.scatter.add.f32 [tilespmem:s26], [sflag:$0x2], $0x1, s1, s25, $0xb8;
	[tilespmem:$0x1F540] =	vst v63  }
0xea: {  	s10 =	simm.s32 $0xED80  }
0xeb: {  	[spmem:s3] =	stream.indirect.scatter.add.f32 [tilespmem:s26], [sflag:$0x2], $0x1, s10, s25, $0xb8;
	[tilespmem:$0x1F540] =	vst v63  }
0xec: {  	s13 =	simm.s32 $0xEE00  }
0xed: {  	[spmem:s3] =	stream.indirect.scatter.add.f32 [tilespmem:s26], [sflag:$0x2], $0x1, s13, s25, $0xb8;
	[tilespmem:$0x1F540] =	vst v63  }
0xee: {  	s16 =	simm.s32 $0xEE80  }
0xef: {  	[spmem:s3] =	stream.indirect.scatter.add.f32 [tilespmem:s26], [sflag:$0x2], $0x1, s16, s25, $0xb8;
	[tilespmem:$0x1F540] =	vst v63  }
0xf0: {  	s17 =	simm.s32 $0xEF00  }
0xf1: {  	[spmem:s3] =	stream.indirect.scatter.add.f32 [tilespmem:s26], [sflag:$0x2], $0x1, s17, s25, $0xb8;
	[tilespmem:$0x1F540] =	vst v63  }
0xf2: {  	_ =	swait.ge [sflag:s28], $0x80  }
0xf3: {  	[sflag:s28] =	ssyncset.done $0x0  }
0xf4: {  	[sflag:s28] =	ssyncadd.s32 $0xFFFFFF80  }
0xf5: {  	_ =	swait.ge [sflag:s28], $0x80  }
0xf6: {  	[sflag:s28] =	ssyncset.done $0x0  }
0xf7: {  	[sflag:s28] =	ssyncadd.s32 $0xFFFFFF80  }
0xf8: {  	_ =	swait.ge [sflag:s28], $0x80  }
0xf9: {  	[sflag:s28] =	ssyncset.done $0x0  }
0xfa: {  	[sflag:s28] =	ssyncadd.s32 $0xFFFFFF80  }
0xfb: {  	_ =	swait.ge [sflag:s28], $0x80  }
0xfc: {  	[sflag:s28] =	ssyncset.done $0x0  }
0xfd: {  	[sflag:s28] =	ssyncadd.s32 $0xFFFFFF80  }
0xfe: {  	_ =	swait.ge [sflag:s28], $0x80  }
0xff: {  	[sflag:s28] =	ssyncset.done $0x0  }
0x100: {  	[sflag:s28] =	ssyncadd.s32 $0xFFFFFF80  }
0x101: {  	[bflag:$0x0] =	sbarrier.arrive $0xFFFF  }
0x102: {  	[tilespmem:s19], [sflag:$0x3] =	stream.linear.gather [spmem:s18], $0x280, $0x38;
	[tilespmem:$0x1F540] =	vst v63  }
0x103: {  	_ =	swait.ge [sflag:s21], $0x280  }
0x104: {  	[sflag:s21] =	ssyncset.done $0x0  }
0x105: {  	s17 =	simm.s32 $0x0;
	[sflag:s21] =	ssyncadd.s32 $0xFFFFFD80  }
0x106: {  	v3 =	vld [tilespmem:s17+$0x15000];
	_ =	sdelay $0x4  }
0x107: {  	vm1 =	vgt.f32 v3, $0.0e+00  }
0x108: {  	v3 =	vnsel vm1, $0x3F800000, v3  }
0x109: {  	s16 =	simm.s32 $0x10;
	v6 =	vmul.f32 $5.000000000e-01, v3;
	v3 =	vshrl.u32 v3, $0x1  }
0x10a: {  	v4 =	vld [tilespmem:s16+$0x15000];
	v3 =	vsub.s32 $0x5F3759DF, v3  }
0x10b: {  	v5 =	vmul.f32 v3, v6;
	_ =	sdelay $0x1  }
0x10c: {  	v5 =	vmul.f32 v3, v5;
	_ =	sdelay $0x1  }
0x10d: {  	vm2 =	vgt.f32 v4, $0.0e+00;
	v5 =	vsub.f32 $1.500000000e+00, v5  }
0x10e: {  	s1 =	smov.u32 s18;
	s18 =	simm.s32 $0x20;
	v7 =	vnsel vm2, $0x3F800000, v4  }
0x10f: {  	v8 =	vld [tilespmem:s18+$0x15000];
	v4 =	vmul.f32 $5.000000000e-01, v7;
	v7 =	vshrl.u32 v7, $0x1;
	v5 =	vmul.f32 v3, v5  }
0x110: {  	s19 =	simm.s32 $0x30;
	v7 =	vsub.s32 $0x5F3759DF, v7  }
0x111: {  	v11 =	vld [tilespmem:s19+$0x15000];
	v3 =	vmul.f32 v7, v4;
	v9 =	vmul.f32 v5, v6;
	_ =	sdelay $0x1  }
0x112: {  	v3 =	vmul.f32 v7, v3;
	v9 =	vmul.f32 v9, v5  }
0x113: {  	vm0 =	vgt.f32 v8, $0.0e+00  }
0x114: {  	v8 =	vnsel vm0, $0x3F800000, v8;
	v10 =	vsub.f32 $1.500000000e+00, v3;
	v9 =	vsub.f32 $1.500000000e+00, v9  }
0x115: {  	vm3 =	vgt.f32 v11, $0.0e+00;
	v3 =	vmul.f32 $5.000000000e-01, v8;
	v8 =	vshrl.u32 v8, $0x1  }
0x116: {  	v8 =	vsub.s32 $0x5F3759DF, v8;
	v7 =	vmul.f32 v7, v10;
	v9 =	vmul.f32 v9, v5  }
0x117: {  	vm1 =	vmmov vm1;
	vm2 =	vmmov vm2;
	v5 =	vmul.f32 v8, v3  }
0x118: {  	v11 =	vnsel vm3, $0x3F800000, v11;
	v10 =	vmul.f32 v7, v4;
	v12 =	vmul.f32 v9, v6  }
0x119: {  	vm0 =	vmmov vm0;
	vm1 =	vmmov vm1;
	v5 =	vmul.f32 v8, v5  }
0x11a: {  	vm2 =	vmmov vm2;
	v10 =	vmul.f32 v10, v7;
	v12 =	vmul.f32 v12, v9  }
0x11b: {  	vm1 =	vmmov vm1;
	vm2 =	vmmov vm2;
	v13 =	vsub.f32 $1.500000000e+00, v5  }
0x11c: {  	s5 =	simm.s32 $0x40;
	vm4 =	vmmov vm1;
	v10 =	vsub.f32 $1.500000000e+00, v10;
	v12 =	vsub.f32 $1.500000000e+00, v12  }
0x11d: {  	v5 =	vmul.f32 $5.000000000e-01, v11;
	v11 =	vshrl.u32 v11, $0x1;
	v13 =	vmul.f32 v8, v13;
	v8 =	vld [tilespmem:s5+$0x15000]  }
0x11e: {  	v7 =	vmul.f32 v10, v7;
	v10 =	vsub.s32 $0x5F3759DF, v11;
	v11 =	vmul.f32 v12, v9  }
0x11f: {  	vm1 =	vmmov vm0;
	v9 =	vmul.f32 v10, v5;
	v12 =	vmul.f32 v13, v3  }
0x120: {  	vm0 =	vmmov vm3;
	v14 =	vmul.f32 v7, v4;
	v6 =	vmul.f32 v11, v6  }
0x121: {  	vm4 =	vmmov vm4;
	v9 =	vmul.f32 v10, v9;
	v12 =	vmul.f32 v12, v13  }
0x122: {  	v14 =	vmul.f32 v14, v7;
	vm3 =	vgt.f32 v8, $0.0e+00;
	v15 =	vmul.f32 v6, v11  }
0x123: {  	v8 =	vnsel vm3, $0x3F800000, v8;
	v9 =	vsub.f32 $1.500000000e+00, v9;
	v12 =	vsub.f32 $1.500000000e+00, v12  }
0x124: {  	v14 =	vsub.f32 $1.500000000e+00, v14;
	v6 =	vmul.f32 $5.000000000e-01, v8;
	v15 =	vsub.f32 $1.500000000e+00, v15  }
0x125: {  	s13 =	simm.s32 $0x50;
	v16 =	vshrl.u32 v8, $0x1;
	v8 =	vmul.f32 v10, v9;
	v12 =	vmul.f32 v12, v13  }
0x126: {  	s10 =	simm.s32 $0x180;
	v10 =	vld [tilespmem:s13+$0x15000];
	v9 =	vsub.s32 $0x5F3759DF, v16;
	v7 =	vmul.f32 v14, v7;
	v11 =	vmul.f32 v15, v11  }
.LBB2_6:
0x127: {  	v13 =	vmul.f32 v9, v6;
	v14 =	vmul.f32 v8, v5;
	vm5 =	vmmov vm2  }
0x128: {  	p1 =	sne.s32 s10, $0x9C0;
	v15 =	vmovc v12;
	vm2 =	vmmov vm1;
	vm1 =	vmmov vm0;
	vm0 =	vmmov vm3  }
0x129: {  	v12 =	vmul.f32 v15, v3;
	v16 =	vmul.f32 v7, v4;
	v11 =	vnsel vm4, $0x0, v11;
	v4 =	vmovc v3;
	v3 =	vmovc v5  }
0x12a: {  	v5 =	vmovc v6;
	vm4 =	vmmov vm5;
	v13 =	vmul.f32 v9, v13;
	v14 =	vmul.f32 v14, v8;
	[tilespmem:s17+$0x1F2C0] =	vst v11;
	s17 =	smov.u32 s16;
	s16 =	smov.u32 s18;
	s18 =	smov.u32 s19  }
.Ltmp2:
0x12b: {  	s19 =	smov.u32 s5;
	s5 =	smov.u32 s13;
	vm3 =	vgt.f32 v10, $0.0e+00;
	v11 =	vmul.f32 v12, v15;
	v12 =	vmul.f32 v16, v7;
	(pc) =	sbr.rel @p1 .LBB2_6-.Ltmp2, $4  }
0x12c: {  	v16 =	vnsel vm3, $0x3F800000, v10;
	v13 =	vsub.f32 $1.500000000e+00, v13;
	v14 =	vsub.f32 $1.500000000e+00, v14  }
0x12d: {  	s13 =	sshra.s32 s10, $0x2;
	v6 =	vmul.f32 $5.000000000e-01, v16;
	v17 =	vsub.f32 $1.500000000e+00, v11;
	v11 =	vsub.f32 $1.500000000e+00, v12  }
0x12e: {  	v16 =	vshrl.u32 v16, $0x1;
	v10 =	vld [tilespmem:s13+$0x15000];
	v12 =	vmul.f32 v14, v8;
	v8 =	vmul.f32 v9, v13  }
0x12f: {  	s10 =	sadd.s32 $0x40, s10;
	v9 =	vsub.s32 $0x5F3759DF, v16;
	v11 =	vmul.f32 v11, v7;
	v7 =	vmul.f32 v17, v15  }
0x130: {  	_ =	sdelay $0x2  }
0x131: {  	vm5 =	vgt.f32 v10, $0.0e+00  }
0x132: {  	v10 =	vnsel vm5, $0x3F800000, v10  }
0x133: {  	v13 =	vmul.f32 $5.000000000e-01, v10;
	v10 =	vshrl.u32 v10, $0x1  }
0x134: {  	v14 =	vmul.f32 v9, v6;
	v10 =	vsub.s32 $0x5F3759DF, v10  }
0x135: {  	v15 =	vmul.f32 v10, v13  }
0x136: {  	v14 =	vmul.f32 v9, v14  }
0x137: {  	v15 =	vmul.f32 v10, v15  }
0x138: {  	v14 =	vsub.f32 $1.500000000e+00, v14  }
0x139: {  	v15 =	vsub.f32 $1.500000000e+00, v15  }
0x13a: {  	v45 =	vmul.f32 v9, v14  }
0x13b: {  	v16 =	vmul.f32 v8, v5;
	v10 =	vmul.f32 v10, v15  }
0x13c: {  	v48 =	vmul.f32 v45, v6  }
0x13d: {  	v47 =	vmul.f32 v16, v8;
	v17 =	vmul.f32 v10, v13  }
0x13e: {  	v46 =	vmul.f32 v12, v3;
	vm2 =	vmmov vm2;
	v16 =	vmul.f32 v48, v45  }
0x13f: {  	v4 =	vmul.f32 v7, v4;
	v15 =	vsub.f32 $1.500000000e+00, v47;
	v17 =	vmul.f32 v17, v10  }
0x140: {  	vm1 =	vmmov vm1;
	vm0 =	vmmov vm0;
	v50 =	vsub.f32 $1.500000000e+00, v16  }
0x141: {  	v4 =	vmul.f32 v4, v7;
	v49 =	vmul.f32 v15, v8;
	v52 =	vsub.f32 $1.500000000e+00, v17  }
0x142: {  	vm3 =	vmmov vm3;
	v14 =	vmul.f32 v46, v12;
	v9 =	vmul.f32 v50, v45  }
0x143: {  	v11 =	vnsel vm4, $0x0, v11;
	v53 =	vmul.f32 v49, v5;
	v10 =	vmul.f32 v52, v10  }
0x144: {  	vm2 =	vmmov vm2;
	v4 =	vsub.f32 $1.500000000e+00, v4;
	v55 =	vmul.f32 v9, v6  }
0x145: {  	v14 =	vsub.f32 $1.500000000e+00, v14;
	v54 =	vmul.f32 v53, v49;
	v56 =	vmul.f32 v10, v13  }
0x146: {  	vm1 =	vmmov vm1;
	v4 =	vmul.f32 v4, v7;
	v15 =	vmul.f32 v55, v9  }
0x147: {  	v51 =	vmul.f32 v14, v12;
	v14 =	vsub.f32 $1.500000000e+00, v54;
	v7 =	vmul.f32 v56, v10  }
0x148: {  	vm0 =	vmmov vm0;
	vm3 =	vmmov vm3;
	v57 =	vsub.f32 $1.500000000e+00, v15  }
0x149: {  	vm1 =	vmmov vm1;
	v8 =	vmul.f32 v14, v49;
	v7 =	vsub.f32 $1.500000000e+00, v7  }
0x14a: {  	vm0 =	vmmov vm0;
	v3 =	vmul.f32 v51, v3;
	v9 =	vmul.f32 v57, v9  }
0x14b: {  	vm9 =	vmmov vm3;
	v58 =	vmul.f32 v8, v5;
	v7 =	vmul.f32 v7, v10  }
0x14c: {  	vm0 =	vmmov vm0;
	v3 =	vmul.f32 v3, v51;
	v59 =	vmul.f32 v9, v6  }
0x14d: {  	vm11 =	vmmov vm9;
	v5 =	vmul.f32 v58, v8;
	v10 =	vmul.f32 v7, v13  }
0x14e: {  	vm8 =	vmmov vm5;
	v3 =	vsub.f32 $1.500000000e+00, v3;
	v6 =	vmul.f32 v59, v9  }
0x14f: {  	vm13 =	vmmov vm11;
	v5 =	vsub.f32 $1.500000000e+00, v5;
	v10 =	vmul.f32 v10, v7  }
0x150: {  	vm10 =	vmmov vm8;
	v3 =	vmul.f32 v3, v51;
	v6 =	vsub.f32 $1.500000000e+00, v6  }
0x151: {  	[tilespmem:s17+$0x1F2C0] =	vst v11;
	v4 =	vnsel vm2, $0x0, v4;
	v5 =	vmul.f32 v5, v8;
	v60 =	vsub.f32 $1.500000000e+00, v10  }
0x152: {  	vm12 =	vmmov vm10;
	[tilespmem:s16+$0x1F2C0] =	vst v4;
	v3 =	vnsel vm1, $0x0, v3;
	v62 =	vmul.f32 v6, v9  }
0x153: {  	vm14 =	vmmov vm12;
	[tilespmem:s18+$0x1F2C0] =	vst v3;
	v61 =	vnsel vm0, $0x0, v5;
	v3 =	vmul.f32 v60, v7  }
0x154: {  	vm15 =	vmmov vm14;
	v63 =	vnsel vm13, $0x0, v62;
	[tilespmem:s19+$0x1F2C0] =	vst v61  }
0x155: {  	[tilespmem:s5+$0x1F2C0] =	vst v63;
	v3 =	vnsel vm15, $0x0, v3  }
0x156: {  	s10 =	simm.s32 @!p0 $0x1F2C0;
	s5 =	simm.s32 @!p0 $0x0;
	[tilespmem:s13+$0x1F2C0] =	vst v3;
	s13 =	rddreg [dreg:$0x7]  }
0x157: {  	[hbm4b:s13+s5] =	stream.linear.scatter @!p0 [tilespmem:s10], [sflag:$0x3], $0x280, $0x38;
	[tilespmem:$0x1F540] =	vst v63  }
0x158: {  	s5 =	simm.s32 @!p0 $0x3  }
0x159: {  	_ =	swait.ge @!p0 [sflag:s5], $0x280  }
0x15a: {  	[sflag:s5] =	ssyncset.done @!p0 $0x0  }
0x15b: {  	s10 =	simm.s32 $0x0;
	[sflag:s5] =	ssyncadd.s32 @!p0 $0xFFFFFD80;
	s5 =	simm.s32 $0x80  }
.LBB2_8:
0x15c: {  	p1 =	sne.s32 s5, $0x13F80;
	[tilespmem:s10+$0x1A280] =	vst v2;
	s13 =	smov.u32 s5;
	s5 =	sadd.s32 $0x80, s5  }
.Ltmp3:
0x15d: {  	[tilespmem:s10+$0x1A290] =	vst v2;
	(pc) =	sbr.rel @p1 .LBB2_8-.Ltmp3, $2  }
0x15e: {  	_ =	sdelay $0x2  }
0x15f: {  	s10 =	sshra.s32 s13, $0x2  }
0x160: {  	[tilespmem:s10+$0x1A280] =	vst v2  }
0x161: {  	[tilespmem:s10+$0x1A290] =	vst v2  }
0x162: {  	[spmem:s12] =	stream.linear.scatter [tilespmem:s2], [sflag:$0x3], $0x5000, $0x38;
	[tilespmem:$0x1F540] =	vst v63  }
0x163: {  	_ =	swait.ge [sflag:s21], $0x5000  }
0x164: {  	[sflag:s21] =	ssyncset.done $0x0  }
0x165: {  	s5 =	simm.s32 $0x0;
	s18 =	rddreg [dreg:$0x8];
	[sflag:s21] =	ssyncadd.s32 $0xFFFFB000  }
0x166: {  	v3 =	vmov s5;
	[tilespmem:s23], [sflag:$0x3] =	stream.strided.gather [hbm4b:s18+s20], $0x5000, s22, s20, $0x38;
	[tilespmem:$0x1F540] =	vst v63  }
0x167: {  	_ =	swait.ge [sflag:s21], $0x5000  }
0x168: {  	[sflag:s21] =	ssyncset.done $0x0  }
0x169: {  	s5 =	simm.s32 $0x15290;
	[sflag:s21] =	ssyncadd.s32 $0xFFFFB000  }
0x16a: {  	v4 =	vld [tilespmem:s5+$0xFFFFFFF0]  }
0x16b: {  	v5 =	vld.idx.msk [tilespmem:v3+s29+$0x0], $0xffff  }
0x16c: {  	v6 =	vld [tilespmem:s5+$0x0];
	_ =	sdelay $0x2  }
0x16d: {  	s19 =	simm.s32 $0x1;
	s13 =	simm.s32 $0x2  }
0x16e: {  	s10 =	simm.s32 $0x15290;
	s18 =	smov.u32 s1;
	v3 =	vmov s19;
	s19 =	simm.s32 $0x15000  }
.LBB2_10:
0x16f: {  	p1 =	sne.s32 s13, $0x27F;
	v4 =	vmul.f32 v4, v5;
	v5 =	vmul.f32 v6, v5;
	_ =	sdelay $0x1  }
0x170: {  	s10 =	sadd.s32 $0x20, s10;
	[tilespmem:s5+$0xFFFFFFF0] =	vst v4  }
0x171: {  	v4 =	vld [tilespmem:s10+$0xFFFFFFF0];
	[tilespmem:s5+$0x0] =	vst v5;
	s5 =	smov.u32 s10  }
0x172: {  	v5 =	vld.idx.msk [tilespmem:v3+s29+$0x0], $0xffff  }
.Ltmp4:
0x173: {  	v6 =	vld [tilespmem:s10+$0x0];
	(pc) =	sbr.rel @p1 .LBB2_10-.Ltmp4, $2  }
0x174: {  	_ =	sdelay $0x2  }
0x175: {  	v3 =	vmov s13;
	s13 =	sadd.s32 $0x1, s13  }
0x176: {  	v4 =	vmul.f32 v4, v5  }
0x177: {  	v63 =	vmul.f32 v6, v5  }
0x178: {  	s10 =	sadd.s32 $0x20, s10;
	[tilespmem:s5+$0xFFFFFFF0] =	vst v4  }
0x179: {  	v4 =	vld [tilespmem:s10+$0xFFFFFFF0];
	[tilespmem:s5+$0x0] =	vst v63  }
0x17a: {  	v3 =	vld.idx.msk [tilespmem:v3+s29+$0x0], $0xffff  }
0x17b: {  	v5 =	vld [tilespmem:s10+$0x0];
	_ =	sdelay $0x3  }
0x17c: {  	v4 =	vmul.f32 v4, v3  }
0x17d: {  	v3 =	vmul.f32 v5, v3  }
0x17e: {  	[tilespmem:s10+$0xFFFFFFF0] =	vst v4  }
0x17f: {  	s13 =	simm.s32 $0x0;
	[tilespmem:s10+$0x0] =	vst v3  }
0x180: {  	[hbm4b:s14+s13] =	stream.linear.scatter [tilespmem:s23], [sflag:$0x3], $0x5000, $0x38;
	[tilespmem:$0x1F540] =	vst v63  }
0x181: {  	_ =	swait.ge [sflag:s21], $0x5000  }
0x182: {  	[sflag:s21] =	ssyncset.done $0x0  }
0x183: {  	[sflag:s21] =	ssyncadd.s32 $0xFFFFB000  }
0x184: {  	s16 =	simm.s32 $0x5280;
	[bflag:$0x0] =	sbarrier.arrive $0xFFFF  }
0x185: {  	[tilespmem:s30], [sflag:$0x1] =	stream.indirect.gather [hbm4b:s7+s25], $0x20, s16, s25, $0xb8;
	[tilespmem:$0x1F540] =	vst v63  }
0x186: {  	s17 =	simm.s32 $0x5300  }
0x187: {  	[tilespmem:s31], [sflag:$0x1] =	stream.indirect.gather [hbm4b:s7+s25], $0x20, s17, s25, $0xb8;
	[tilespmem:$0x1F540] =	vst v63  }
0x188: {  	s1 =	simm.s32 $0x5380  }
0x189: {  	[tilespmem:s0], [sflag:$0x1] =	stream.indirect.gather [hbm4b:s7+s25], $0x20, s1, s25, $0xb8;
	[tilespmem:$0x1F540] =	vst v63  }
0x18a: {  	s10 =	simm.s32 $0x5400  }
0x18b: {  	[tilespmem:s24], [sflag:$0x1] =	stream.indirect.gather [hbm4b:s7+s25], $0x20, s10, s25, $0xb8;
	[tilespmem:$0x1F540] =	vst v63  }
0x18c: {  	s13 =	simm.s32 $0x5480  }
0x18d: {  	[tilespmem:s8], [sflag:$0x1] =	stream.indirect.gather [hbm4b:s7+s25], $0x20, s13, s25, $0xb8;
	[tilespmem:$0x1F540] =	vst v63  }
0x18e: {  	s16 =	simm.s32 $0x5500  }
0x18f: {  	[tilespmem:s9], [sflag:$0x1] =	stream.indirect.gather [hbm4b:s7+s25], $0x20, s16, s25, $0xb8;
	[tilespmem:$0x1F540] =	vst v63  }
0x190: {  	_ =	swait.ge [sflag:s11], $0x1000  }
0x191: {  	[sflag:s11] =	ssyncset.done $0x0  }
0x192: {  	[sflag:s11] =	ssyncadd.s32 $0xFFFFF000  }
0x193: {  	_ =	swait.ge [sflag:s11], $0x1000  }
0x194: {  	[sflag:s11] =	ssyncset.done $0x0  }
0x195: {  	[sflag:s11] =	ssyncadd.s32 $0xFFFFF000  }
0x196: {  	_ =	swait.ge [sflag:s11], $0x1000  }
0x197: {  	[sflag:s11] =	ssyncset.done $0x0  }
0x198: {  	[sflag:s11] =	ssyncadd.s32 $0xFFFFF000  }
0x199: {  	_ =	swait.ge [sflag:s11], $0x1000  }
0x19a: {  	[sflag:s11] =	ssyncset.done $0x0  }
0x19b: {  	[sflag:s11] =	ssyncadd.s32 $0xFFFFF000  }
0x19c: {  	_ =	swait.ge [sflag:s11], $0x1000  }
0x19d: {  	[sflag:s11] =	ssyncset.done $0x0  }
0x19e: {  	[sflag:s11] =	ssyncadd.s32 $0xFFFFF000  }
0x19f: {  	_ =	swait.ge [sflag:s11], $0x1000  }
0x1a0: {  	[sflag:s11] =	ssyncset.done $0x0  }
0x1a1: {  	s17 =	simm.s32 $0xA100;
	[sflag:s11] =	ssyncadd.s32 $0xFFFFF000  }
0x1a2: {  	[spmem:s4] =	stream.indirect.scatter.add.f32 [tilespmem:s30], [sflag:$0x2], $0x20, s17, s25, $0xb8;
	[tilespmem:$0x1F540] =	vst v63  }
0x1a3: {  	s1 =	simm.s32 $0xA180  }
0x1a4: {  	[spmem:s4] =	stream.indirect.scatter.add.f32 [tilespmem:s31], [sflag:$0x2], $0x20, s1, s25, $0xb8;
	[tilespmem:$0x1F540] =	vst v63  }
0x1a5: {  	s10 =	simm.s32 $0xA200  }
0x1a6: {  	[spmem:s4] =	stream.indirect.scatter.add.f32 [tilespmem:s0], [sflag:$0x2], $0x20, s10, s25, $0xb8;
	[tilespmem:$0x1F540] =	vst v63  }
0x1a7: {  	s13 =	simm.s32 $0xA280  }
0x1a8: {  	[spmem:s4] =	stream.indirect.scatter.add.f32 [tilespmem:s24], [sflag:$0x2], $0x20, s13, s25, $0xb8;
	[tilespmem:$0x1F540] =	vst v63  }
0x1a9: {  	s16 =	simm.s32 $0xA300  }
0x1aa: {  	[spmem:s4] =	stream.indirect.scatter.add.f32 [tilespmem:s8], [sflag:$0x2], $0x20, s16, s25, $0xb8;
	[tilespmem:$0x1F540] =	vst v63  }
0x1ab: {  	s17 =	simm.s32 $0xA380  }
0x1ac: {  	[spmem:s4] =	stream.indirect.scatter.add.f32 [tilespmem:s9], [sflag:$0x2], $0x20, s17, s25, $0xb8;
	[tilespmem:$0x1F540] =	vst v63  }
0x1ad: {  	_ =	swait.ge [sflag:s28], $0x1000  }
0x1ae: {  	[sflag:s28] =	ssyncset.done $0x0  }
0x1af: {  	[sflag:s28] =	ssyncadd.s32 $0xFFFFF000  }
0x1b0: {  	_ =	swait.ge [sflag:s28], $0x1000  }
0x1b1: {  	[sflag:s28] =	ssyncset.done $0x0  }
0x1b2: {  	[sflag:s28] =	ssyncadd.s32 $0xFFFFF000  }
0x1b3: {  	_ =	swait.ge [sflag:s28], $0x1000  }
0x1b4: {  	[sflag:s28] =	ssyncset.done $0x0  }
0x1b5: {  	[sflag:s28] =	ssyncadd.s32 $0xFFFFF000  }
0x1b6: {  	_ =	swait.ge [sflag:s28], $0x1000  }
0x1b7: {  	[sflag:s28] =	ssyncset.done $0x0  }
0x1b8: {  	[sflag:s28] =	ssyncadd.s32 $0xFFFFF000  }
0x1b9: {  	_ =	swait.ge [sflag:s28], $0x1000  }
0x1ba: {  	[sflag:s28] =	ssyncset.done $0x0  }
0x1bb: {  	[sflag:s28] =	ssyncadd.s32 $0xFFFFF000  }
0x1bc: {  	_ =	swait.ge [sflag:s28], $0x1000  }
0x1bd: {  	s5 =	simm.s32 $0x300;
	s10 =	simm.s32 $0x1800;
	[sflag:s28] =	ssyncset.done $0x0  }
.LBB2_12:
0x1be: {  	s17 =	sadd.s32 $0x5280, s5  }
0x1bf: {  	[sflag:s28] =	ssyncadd.s32 $0xFFFFF000;
	s16 =	smov.u32 s10;
	s13 =	sadd.s32 $0xC00, s10  }
0x1c0: {  	[tilespmem:s30], [sflag:$0x1] =	stream.indirect.gather [hbm4b:s7+s25], $0x20, s17, s25, $0xb8;
	[tilespmem:$0x1F540] =	vst v63  }
0x1c1: {  	p1 =	sne.s32 s10, $0x12C00;
	s10 =	sadd.s32 $0x5300, s5  }
0x1c2: {  	[tilespmem:s31], [sflag:$0x1] =	stream.indirect.gather [hbm4b:s7+s25], $0x20, s10, s25, $0xb8;
	[tilespmem:$0x1F540] =	vst v63  }
0x1c3: {  	s10 =	sadd.s32 $0x5380, s5  }
0x1c4: {  	[tilespmem:s0], [sflag:$0x1] =	stream.indirect.gather [hbm4b:s7+s25], $0x20, s10, s25, $0xb8;
	[tilespmem:$0x1F540] =	vst v63  }
0x1c5: {  	s10 =	sadd.s32 $0x5400, s5  }
0x1c6: {  	[tilespmem:s24], [sflag:$0x1] =	stream.indirect.gather [hbm4b:s7+s25], $0x20, s10, s25, $0xb8;
	[tilespmem:$0x1F540] =	vst v63  }
0x1c7: {  	s10 =	sadd.s32 $0x5480, s5  }
0x1c8: {  	[tilespmem:s8], [sflag:$0x1] =	stream.indirect.gather [hbm4b:s7+s25], $0x20, s10, s25, $0xb8;
	[tilespmem:$0x1F540] =	vst v63  }
0x1c9: {  	s10 =	sadd.s32 $0x5500, s5  }
0x1ca: {  	[tilespmem:s9], [sflag:$0x1] =	stream.indirect.gather [hbm4b:s7+s25], $0x20, s10, s25, $0xb8;
	[tilespmem:$0x1F540] =	vst v63  }
0x1cb: {  	_ =	swait.ge [sflag:s11], $0x1000  }
0x1cc: {  	[sflag:s11] =	ssyncset.done $0x0  }
0x1cd: {  	[sflag:s11] =	ssyncadd.s32 $0xFFFFF000  }
0x1ce: {  	_ =	swait.ge [sflag:s11], $0x1000  }
0x1cf: {  	[sflag:s11] =	ssyncset.done $0x0  }
0x1d0: {  	[sflag:s11] =	ssyncadd.s32 $0xFFFFF000  }
0x1d1: {  	_ =	swait.ge [sflag:s11], $0x1000  }
0x1d2: {  	[sflag:s11] =	ssyncset.done $0x0  }
0x1d3: {  	[sflag:s11] =	ssyncadd.s32 $0xFFFFF000  }
0x1d4: {  	_ =	swait.ge [sflag:s11], $0x1000  }
0x1d5: {  	[sflag:s11] =	ssyncset.done $0x0  }
0x1d6: {  	[sflag:s11] =	ssyncadd.s32 $0xFFFFF000  }
0x1d7: {  	_ =	swait.ge [sflag:s11], $0x1000  }
0x1d8: {  	[sflag:s11] =	ssyncset.done $0x0  }
0x1d9: {  	[sflag:s11] =	ssyncadd.s32 $0xFFFFF000  }
0x1da: {  	_ =	swait.ge [sflag:s11], $0x1000  }
0x1db: {  	[sflag:s11] =	ssyncset.done $0x0  }
0x1dc: {  	s10 =	sadd.s32 $0xA100, s5;
	[sflag:s11] =	ssyncadd.s32 $0xFFFFF000  }
0x1dd: {  	[spmem:s4] =	stream.indirect.scatter.add.f32 [tilespmem:s30], [sflag:$0x2], $0x20, s10, s25, $0xb8;
	[tilespmem:$0x1F540] =	vst v63  }
0x1de: {  	s10 =	sadd.s32 $0xA180, s5  }
0x1df: {  	[spmem:s4] =	stream.indirect.scatter.add.f32 [tilespmem:s31], [sflag:$0x2], $0x20, s10, s25, $0xb8;
	[tilespmem:$0x1F540] =	vst v63  }
0x1e0: {  	s10 =	sadd.s32 $0xA200, s5  }
0x1e1: {  	[spmem:s4] =	stream.indirect.scatter.add.f32 [tilespmem:s0], [sflag:$0x2], $0x20, s10, s25, $0xb8;
	[tilespmem:$0x1F540] =	vst v63  }
0x1e2: {  	s10 =	sadd.s32 $0xA280, s5  }
0x1e3: {  	[spmem:s4] =	stream.indirect.scatter.add.f32 [tilespmem:s24], [sflag:$0x2], $0x20, s10, s25, $0xb8;
	[tilespmem:$0x1F540] =	vst v63  }
0x1e4: {  	s10 =	sadd.s32 $0xA300, s5  }
0x1e5: {  	[spmem:s4] =	stream.indirect.scatter.add.f32 [tilespmem:s8], [sflag:$0x2], $0x20, s10, s25, $0xb8;
	[tilespmem:$0x1F540] =	vst v63  }
0x1e6: {  	s5 =	sadd.s32 $0xA380, s5  }
0x1e7: {  	[spmem:s4] =	stream.indirect.scatter.add.f32 [tilespmem:s9], [sflag:$0x2], $0x20, s5, s25, $0xb8;
	[tilespmem:$0x1F540] =	vst v63  }
0x1e8: {  	_ =	swait.ge [sflag:s28], $0x1000  }
0x1e9: {  	[sflag:s28] =	ssyncset.done $0x0  }
0x1ea: {  	[sflag:s28] =	ssyncadd.s32 $0xFFFFF000  }
0x1eb: {  	_ =	swait.ge [sflag:s28], $0x1000  }
0x1ec: {  	[sflag:s28] =	ssyncset.done $0x0  }
0x1ed: {  	[sflag:s28] =	ssyncadd.s32 $0xFFFFF000  }
0x1ee: {  	_ =	swait.ge [sflag:s28], $0x1000  }
0x1ef: {  	[sflag:s28] =	ssyncset.done $0x0  }
0x1f0: {  	[sflag:s28] =	ssyncadd.s32 $0xFFFFF000  }
0x1f1: {  	_ =	swait.ge [sflag:s28], $0x1000  }
0x1f2: {  	[sflag:s28] =	ssyncset.done $0x0  }
0x1f3: {  	[sflag:s28] =	ssyncadd.s32 $0xFFFFF000  }
.Ltmp5:
0x1f4: {  	_ =	swait.ge [sflag:s28], $0x1000;
	(pc) =	sbr.rel @p1 .LBB2_12-.Ltmp5, $4  }
0x1f5: {  	[sflag:s28] =	ssyncset.done $0x0  }
0x1f6: {  	[sflag:s28] =	ssyncadd.s32 $0xFFFFF000  }
0x1f7: {  	_ =	swait.ge [sflag:s28], $0x1000  }
0x1f8: {  	s10 =	smov.u32 s13;
	s5 =	sshra.s32 s16, $0x2;
	[sflag:s28] =	ssyncset.done $0x0  }
0x1f9: {  	s10 =	sadd.s32 $0x5280, s5;
	[sflag:s28] =	ssyncadd.s32 $0xFFFFF000  }
0x1fa: {  	[tilespmem:s30], [sflag:$0x1] =	stream.indirect.gather [hbm4b:s7+s25], $0x20, s10, s25, $0xb8;
	[tilespmem:$0x1F540] =	vst v63  }
0x1fb: {  	s17 =	sadd.s32 $0x5300, s5  }
0x1fc: {  	[tilespmem:s31], [sflag:$0x1] =	stream.indirect.gather [hbm4b:s7+s25], $0x20, s17, s25, $0xb8;
	[tilespmem:$0x1F540] =	vst v63  }
0x1fd: {  	s1 =	sadd.s32 $0x5380, s5  }
0x1fe: {  	[tilespmem:s0], [sflag:$0x1] =	stream.indirect.gather [hbm4b:s7+s25], $0x20, s1, s25, $0xb8;
	[tilespmem:$0x1F540] =	vst v63  }
0x1ff: {  	s13 =	sadd.s32 $0x5400, s5  }
0x200: {  	[tilespmem:s24], [sflag:$0x1] =	stream.indirect.gather [hbm4b:s7+s25], $0x20, s13, s25, $0xb8;
	[tilespmem:$0x1F540] =	vst v63  }
0x201: {  	s16 =	sadd.s32 $0x5480, s5  }
0x202: {  	[tilespmem:s8], [sflag:$0x1] =	stream.indirect.gather [hbm4b:s7+s25], $0x20, s16, s25, $0xb8;
	[tilespmem:$0x1F540] =	vst v63  }
0x203: {  	s17 =	sadd.s32 $0x5500, s5  }
0x204: {  	[tilespmem:s9], [sflag:$0x1] =	stream.indirect.gather [hbm4b:s7+s25], $0x20, s17, s25, $0xb8;
	[tilespmem:$0x1F540] =	vst v63  }
0x205: {  	_ =	swait.ge [sflag:s11], $0x1000  }
0x206: {  	[sflag:s11] =	ssyncset.done $0x0  }
0x207: {  	[sflag:s11] =	ssyncadd.s32 $0xFFFFF000  }
0x208: {  	_ =	swait.ge [sflag:s11], $0x1000  }
0x209: {  	[sflag:s11] =	ssyncset.done $0x0  }
0x20a: {  	[sflag:s11] =	ssyncadd.s32 $0xFFFFF000  }
0x20b: {  	_ =	swait.ge [sflag:s11], $0x1000  }
0x20c: {  	[sflag:s11] =	ssyncset.done $0x0  }
0x20d: {  	[sflag:s11] =	ssyncadd.s32 $0xFFFFF000  }
0x20e: {  	_ =	swait.ge [sflag:s11], $0x1000  }
0x20f: {  	[sflag:s11] =	ssyncset.done $0x0  }
0x210: {  	[sflag:s11] =	ssyncadd.s32 $0xFFFFF000  }
0x211: {  	_ =	swait.ge [sflag:s11], $0x1000  }
0x212: {  	[sflag:s11] =	ssyncset.done $0x0  }
0x213: {  	[sflag:s11] =	ssyncadd.s32 $0xFFFFF000  }
0x214: {  	_ =	swait.ge [sflag:s11], $0x1000  }
0x215: {  	[sflag:s11] =	ssyncset.done $0x0  }
0x216: {  	s1 =	sadd.s32 $0xA100, s5;
	[sflag:s11] =	ssyncadd.s32 $0xFFFFF000  }
0x217: {  	[spmem:s4] =	stream.indirect.scatter.add.f32 [tilespmem:s30], [sflag:$0x2], $0x20, s1, s25, $0xb8;
	[tilespmem:$0x1F540] =	vst v63  }
0x218: {  	s13 =	sadd.s32 $0xA180, s5  }
0x219: {  	[spmem:s4] =	stream.indirect.scatter.add.f32 [tilespmem:s31], [sflag:$0x2], $0x20, s13, s25, $0xb8;
	[tilespmem:$0x1F540] =	vst v63  }
0x21a: {  	s16 =	sadd.s32 $0xA200, s5  }
0x21b: {  	[spmem:s4] =	stream.indirect.scatter.add.f32 [tilespmem:s0], [sflag:$0x2], $0x20, s16, s25, $0xb8;
	[tilespmem:$0x1F540] =	vst v63  }
0x21c: {  	s17 =	sadd.s32 $0xA280, s5  }
0x21d: {  	[spmem:s4] =	stream.indirect.scatter.add.f32 [tilespmem:s24], [sflag:$0x2], $0x20, s17, s25, $0xb8;
	[tilespmem:$0x1F540] =	vst v63  }
0x21e: {  	s1 =	sadd.s32 $0xA300, s5  }
0x21f: {  	[spmem:s4] =	stream.indirect.scatter.add.f32 [tilespmem:s8], [sflag:$0x2], $0x20, s1, s25, $0xb8;
	[tilespmem:$0x1F540] =	vst v63  }
0x220: {  	s10 =	sadd.s32 $0xA380, s5  }
0x221: {  	[spmem:s4] =	stream.indirect.scatter.add.f32 [tilespmem:s9], [sflag:$0x2], $0x20, s10, s25, $0xb8;
	[tilespmem:$0x1F540] =	vst v63  }
0x222: {  	_ =	swait.ge [sflag:s28], $0x1000  }
0x223: {  	[sflag:s28] =	ssyncset.done $0x0  }
0x224: {  	[sflag:s28] =	ssyncadd.s32 $0xFFFFF000  }
0x225: {  	_ =	swait.ge [sflag:s28], $0x1000  }
0x226: {  	[sflag:s28] =	ssyncset.done $0x0  }
0x227: {  	[sflag:s28] =	ssyncadd.s32 $0xFFFFF000  }
0x228: {  	_ =	swait.ge [sflag:s28], $0x1000  }
0x229: {  	[sflag:s28] =	ssyncset.done $0x0  }
0x22a: {  	[sflag:s28] =	ssyncadd.s32 $0xFFFFF000  }
0x22b: {  	_ =	swait.ge [sflag:s28], $0x1000  }
0x22c: {  	[sflag:s28] =	ssyncset.done $0x0  }
0x22d: {  	[sflag:s28] =	ssyncadd.s32 $0xFFFFF000  }
0x22e: {  	_ =	swait.ge [sflag:s28], $0x1000  }
0x22f: {  	[sflag:s28] =	ssyncset.done $0x0  }
0x230: {  	[sflag:s28] =	ssyncadd.s32 $0xFFFFF000  }
0x231: {  	_ =	swait.ge [sflag:s28], $0x1000  }
0x232: {  	[sflag:s28] =	ssyncset.done $0x0  }
0x233: {  	s1 =	simm.s32 $0xA080;
	[sflag:s28] =	ssyncadd.s32 $0xFFFFF000  }
0x234: {  	[tilespmem:s30], [sflag:$0x1] =	stream.indirect.gather [hbm4b:s7+s25], $0x20, s1, s25, $0xb8;
	[tilespmem:$0x1F540] =	vst v63  }
0x235: {  	_ =	swait.ge [sflag:s11], $0x1000  }
0x236: {  	[sflag:s11] =	ssyncset.done $0x0  }
0x237: {  	s13 =	simm.s32 $0xEF00;
	[sflag:s11] =	ssyncadd.s32 $0xFFFFF000  }
0x238: {  	[spmem:s4] =	stream.indirect.scatter.add.f32 [tilespmem:s30], [sflag:$0x2], $0x20, s13, s25, $0xb8;
	[tilespmem:$0x1F540] =	vst v63  }
0x239: {  	_ =	swait.ge [sflag:s28], $0x1000  }
0x23a: {  	[sflag:s28] =	ssyncset.done $0x0  }
0x23b: {  	[sflag:s28] =	ssyncadd.s32 $0xFFFFF000  }
0x23c: {  	[bflag:$0x0] =	sbarrier.arrive $0xFFFF  }
0x23d: {  	[tilespmem:s2], [sflag:$0x3] =	stream.linear.gather [spmem:s12], $0x5000, $0x38;
	[tilespmem:$0x1F540] =	vst v63  }
0x23e: {  	_ =	swait.ge [sflag:s21], $0x5000  }
0x23f: {  	s16 =	simm.s32 $0x0;
	[sflag:s21] =	ssyncset.done $0x0  }
0x240: {  	v3 =	vmov s16;
	s17 =	rddreg [dreg:$0x9];
	[sflag:s21] =	ssyncadd.s32 $0xFFFFB000  }
0x241: {  	[tilespmem:s23], [sflag:$0x3] =	stream.strided.gather [hbm4b:s17+s20], $0x5000, s22, s20, $0x38;
	[tilespmem:$0x1F540] =	vst v63  }
0x242: {  	_ =	swait.ge [sflag:s21], $0x5000  }
0x243: {  	[sflag:s21] =	ssyncset.done $0x0  }
0x244: {  	[sflag:s21] =	ssyncadd.s32 $0xFFFFB000  }
0x245: {  	s5 =	simm.s32 $0x15290;
	v3 =	vld.idx.msk [tilespmem:v3+s29+$0x0], $0xffff  }
0x246: {  	s13 =	simm.s32 $0x1A290;
	v4 =	vld [tilespmem:s5+$0xFFFFFFF0]  }
0x247: {  	v5 =	vld [tilespmem:s13+$0xFFFFFFF0];
	_ =	sdelay $0x2  }
0x248: {  	v6 =	vmul.f32 v3, v3;
	_ =	sdelay $0x1  }
0x249: {  	v4 =	vmul.f32 v4, v3;
	v5 =	vmul.f32 v5, v6;
	_ =	sdelay $0x1  }
0x24a: {  	v4 =	vadd.f32 v5, v4;
	_ =	sdelay $0x1  }
0x24b: {  	[tilespmem:s5+$0xFFFFFFF0] =	vst v4;
	v4 =	vld [tilespmem:s5+$0x0]  }
0x24c: {  	v5 =	vld [tilespmem:s13+$0x0];
	_ =	sdelay $0x3  }
0x24d: {  	s16 =	simm.s32 $0x1  }
0x24e: {  	v4 =	vmul.f32 v4, v3;
	v3 =	vmov s16;
	v5 =	vmul.f32 v5, v6;
	_ =	sdelay $0x1  }
0x24f: {  	s10 =	simm.s32 $0x2;
	v4 =	vadd.f32 v5, v4  }
.LBB2_14:
0x250: {  	s13 =	sadd.s32 $0x20, s13  }
0x251: {  	s16 =	smov.u32 s10;
	s17 =	sadd.s32 $0x1, s10;
	[tilespmem:s5+$0x0] =	vst v4;
	s5 =	sadd.s32 $0x20, s5  }
0x252: {  	p1 =	sne.s32 s10, $0x27F;
	v4 =	vld.idx.msk [tilespmem:v3+s29+$0x0], $0xffff;
	_ =	sdelay $0x1  }
0x253: {  	v3 =	vld [tilespmem:s5+$0xFFFFFFF0]  }
0x254: {  	v5 =	vld [tilespmem:s13+$0xFFFFFFF0];
	_ =	sdelay $0x2  }
0x255: {  	v6 =	vmul.f32 v4, v4;
	_ =	sdelay $0x1  }
0x256: {  	v3 =	vmul.f32 v3, v4;
	v5 =	vmul.f32 v5, v6;
	_ =	sdelay $0x1  }
0x257: {  	v3 =	vadd.f32 v5, v3;
	_ =	sdelay $0x1  }
0x258: {  	[tilespmem:s5+$0xFFFFFFF0] =	vst v3;
	v5 =	vld [tilespmem:s5+$0x0]  }
0x259: {  	v7 =	vld [tilespmem:s13+$0x0];
	_ =	sdelay $0x2  }
.Ltmp6:
0x25a: {  	(pc) =	sbr.rel @p1 .LBB2_14-.Ltmp6, $3  }
0x25b: {  	_ = 	snop  }
0x25c: {  	v3 =	vmov s16;
	v4 =	vmul.f32 v5, v4;
	v5 =	vmul.f32 v7, v6;
	_ =	sdelay $0x1  }
0x25d: {  	s10 =	smov.u32 s17;
	v4 =	vadd.f32 v5, v4  }
0x25e: {  	_ =	sdelay $0x2  }
0x25f: {  	[tilespmem:s5+$0x0] =	vst v4  }
0x260: {  	s16 =	sadd.s32 $0x20, s5;
	v3 =	vld.idx.msk [tilespmem:v3+s29+$0x0], $0xffff  }
0x261: {  	s10 =	sadd.s32 $0x20, s13;
	v4 =	vld [tilespmem:s16+$0xFFFFFFF0]  }
0x262: {  	v5 =	vld [tilespmem:s10+$0xFFFFFFF0];
	_ =	sdelay $0x2  }
0x263: {  	v6 =	vmul.f32 v3, v3;
	_ =	sdelay $0x1  }
0x264: {  	v4 =	vmul.f32 v4, v3;
	v5 =	vmul.f32 v5, v6;
	_ =	sdelay $0x1  }
0x265: {  	v4 =	vadd.f32 v5, v4;
	_ =	sdelay $0x1  }
0x266: {  	v61 =	vld [tilespmem:s16+$0x0];
	[tilespmem:s16+$0xFFFFFFF0] =	vst v4  }
0x267: {  	v62 =	vld [tilespmem:s10+$0x0];
	_ =	sdelay $0x4  }
0x268: {  	v3 =	vmul.f32 v61, v3;
	v63 =	vmul.f32 v62, v6;
	_ =	sdelay $0x1  }
0x269: {  	v3 =	vadd.f32 v63, v3;
	_ =	sdelay $0x1  }
0x26a: {  	s17 =	simm.s32 $0x0;
	[tilespmem:s16+$0x0] =	vst v3  }
0x26b: {  	[hbm4b:s14+s17] =	stream.linear.scatter [tilespmem:s23], [sflag:$0x3], $0x5000, $0x38;
	[tilespmem:$0x1F540] =	vst v63  }
0x26c: {  	_ =	swait.ge [sflag:s21], $0x5000  }
0x26d: {  	[sflag:s21] =	ssyncset.done $0x0  }
0x26e: {  	s5 =	simm.s32 $0x80;
	s10 =	simm.s32 $0x0;
	[sflag:s21] =	ssyncadd.s32 $0xFFFFB000  }
.LBB2_16:
0x26f: {  	p1 =	sne.s32 s5, $0x13F80;
	[tilespmem:s10+$0x1A280] =	vst v2;
	s13 =	smov.u32 s5;
	s5 =	sadd.s32 $0x80, s5  }
.Ltmp7:
0x270: {  	[tilespmem:s10+$0x1A290] =	vst v2;
	(pc) =	sbr.rel @p1 .LBB2_16-.Ltmp7, $2  }
0x271: {  	_ =	sdelay $0x2  }
0x272: {  	s10 =	sshra.s32 s13, $0x2  }
0x273: {  	[tilespmem:s10+$0x1A280] =	vst v2  }
0x274: {  	[tilespmem:s10+$0x1A290] =	vst v2  }
0x275: {  	[spmem:s12] =	stream.linear.scatter [tilespmem:s2], [sflag:$0x3], $0x5000, $0x38;
	[tilespmem:$0x1F540] =	vst v63  }
0x276: {  	_ =	swait.ge [sflag:s21], $0x5000  }
0x277: {  	[sflag:s21] =	ssyncset.done $0x0  }
0x278: {  	[sflag:s21] =	ssyncadd.s32 $0xFFFFB000  }
0x279: {  	s5 =	simm.s32 $0x5280;
	[bflag:$0x0] =	sbarrier.arrive $0xFFFF  }
0x27a: {  	[tilespmem:s30], [sflag:$0x1] =	stream.indirect.gather [hbm4b:s7+s25], $0x20, s5, s25, $0xb8;
	[tilespmem:$0x1F540] =	vst v63  }
0x27b: {  	s17 =	simm.s32 $0x5300  }
0x27c: {  	[tilespmem:s31], [sflag:$0x1] =	stream.indirect.gather [hbm4b:s7+s25], $0x20, s17, s25, $0xb8;
	[tilespmem:$0x1F540] =	vst v63  }
0x27d: {  	s1 =	simm.s32 $0x5380  }
0x27e: {  	[tilespmem:s0], [sflag:$0x1] =	stream.indirect.gather [hbm4b:s7+s25], $0x20, s1, s25, $0xb8;
	[tilespmem:$0x1F540] =	vst v63  }
0x27f: {  	s10 =	simm.s32 $0x5400  }
0x280: {  	[tilespmem:s24], [sflag:$0x1] =	stream.indirect.gather [hbm4b:s7+s25], $0x20, s10, s25, $0xb8;
	[tilespmem:$0x1F540] =	vst v63  }
0x281: {  	s13 =	simm.s32 $0x5480  }
0x282: {  	[tilespmem:s8], [sflag:$0x1] =	stream.indirect.gather [hbm4b:s7+s25], $0x20, s13, s25, $0xb8;
	[tilespmem:$0x1F540] =	vst v63  }
0x283: {  	s16 =	simm.s32 $0x5500  }
0x284: {  	[tilespmem:s9], [sflag:$0x1] =	stream.indirect.gather [hbm4b:s7+s25], $0x20, s16, s25, $0xb8;
	[tilespmem:$0x1F540] =	vst v63  }
0x285: {  	_ =	swait.ge [sflag:s11], $0x1000  }
0x286: {  	[sflag:s11] =	ssyncset.done $0x0  }
0x287: {  	[sflag:s11] =	ssyncadd.s32 $0xFFFFF000  }
0x288: {  	_ =	swait.ge [sflag:s11], $0x1000  }
0x289: {  	[sflag:s11] =	ssyncset.done $0x0  }
0x28a: {  	[sflag:s11] =	ssyncadd.s32 $0xFFFFF000  }
0x28b: {  	_ =	swait.ge [sflag:s11], $0x1000  }
0x28c: {  	[sflag:s11] =	ssyncset.done $0x0  }
0x28d: {  	[sflag:s11] =	ssyncadd.s32 $0xFFFFF000  }
0x28e: {  	_ =	swait.ge [sflag:s11], $0x1000  }
0x28f: {  	[sflag:s11] =	ssyncset.done $0x0  }
0x290: {  	[sflag:s11] =	ssyncadd.s32 $0xFFFFF000  }
0x291: {  	_ =	swait.ge [sflag:s11], $0x1000  }
0x292: {  	[sflag:s11] =	ssyncset.done $0x0  }
0x293: {  	[sflag:s11] =	ssyncadd.s32 $0xFFFFF000  }
0x294: {  	_ =	swait.ge [sflag:s11], $0x1000  }
0x295: {  	[sflag:s11] =	ssyncset.done $0x0  }
0x296: {  	s17 =	simm.s32 $0xA100;
	[sflag:s11] =	ssyncadd.s32 $0xFFFFF000  }
0x297: {  	[spmem:s4] =	stream.indirect.scatter.add.f32 [tilespmem:s30], [sflag:$0x2], $0x20, s17, s25, $0xb8;
	[tilespmem:$0x1F540] =	vst v63  }
0x298: {  	s1 =	simm.s32 $0xA180  }
0x299: {  	[spmem:s4] =	stream.indirect.scatter.add.f32 [tilespmem:s31], [sflag:$0x2], $0x20, s1, s25, $0xb8;
	[tilespmem:$0x1F540] =	vst v63  }
0x29a: {  	s10 =	simm.s32 $0xA200  }
0x29b: {  	[spmem:s4] =	stream.indirect.scatter.add.f32 [tilespmem:s0], [sflag:$0x2], $0x20, s10, s25, $0xb8;
	[tilespmem:$0x1F540] =	vst v63  }
0x29c: {  	s13 =	simm.s32 $0xA280  }
0x29d: {  	[spmem:s4] =	stream.indirect.scatter.add.f32 [tilespmem:s24], [sflag:$0x2], $0x20, s13, s25, $0xb8;
	[tilespmem:$0x1F540] =	vst v63  }
0x29e: {  	s16 =	simm.s32 $0xA300  }
0x29f: {  	[spmem:s4] =	stream.indirect.scatter.add.f32 [tilespmem:s8], [sflag:$0x2], $0x20, s16, s25, $0xb8;
	[tilespmem:$0x1F540] =	vst v63  }
0x2a0: {  	s17 =	simm.s32 $0xA380  }
0x2a1: {  	[spmem:s4] =	stream.indirect.scatter.add.f32 [tilespmem:s9], [sflag:$0x2], $0x20, s17, s25, $0xb8;
	[tilespmem:$0x1F540] =	vst v63  }
0x2a2: {  	_ =	swait.ge [sflag:s28], $0x1000  }
0x2a3: {  	[sflag:s28] =	ssyncset.done $0x0  }
0x2a4: {  	[sflag:s28] =	ssyncadd.s32 $0xFFFFF000  }
0x2a5: {  	_ =	swait.ge [sflag:s28], $0x1000  }
0x2a6: {  	[sflag:s28] =	ssyncset.done $0x0  }
0x2a7: {  	[sflag:s28] =	ssyncadd.s32 $0xFFFFF000  }
0x2a8: {  	_ =	swait.ge [sflag:s28], $0x1000  }
0x2a9: {  	[sflag:s28] =	ssyncset.done $0x0  }
0x2aa: {  	[sflag:s28] =	ssyncadd.s32 $0xFFFFF000  }
0x2ab: {  	_ =	swait.ge [sflag:s28], $0x1000  }
0x2ac: {  	[sflag:s28] =	ssyncset.done $0x0  }
0x2ad: {  	[sflag:s28] =	ssyncadd.s32 $0xFFFFF000  }
0x2ae: {  	_ =	swait.ge [sflag:s28], $0x1000  }
0x2af: {  	[sflag:s28] =	ssyncset.done $0x0  }
0x2b0: {  	[sflag:s28] =	ssyncadd.s32 $0xFFFFF000  }
0x2b1: {  	_ =	swait.ge [sflag:s28], $0x1000  }
0x2b2: {  	s5 =	simm.s32 $0x300;
	s10 =	simm.s32 $0x1800;
	[sflag:s28] =	ssyncset.done $0x0  }
.LBB2_18:
0x2b3: {  	s17 =	sadd.s32 $0x5280, s5  }
0x2b4: {  	[sflag:s28] =	ssyncadd.s32 $0xFFFFF000;
	s16 =	smov.u32 s10;
	s13 =	sadd.s32 $0xC00, s10  }
0x2b5: {  	[tilespmem:s30], [sflag:$0x1] =	stream.indirect.gather [hbm4b:s7+s25], $0x20, s17, s25, $0xb8;
	[tilespmem:$0x1F540] =	vst v63  }
0x2b6: {  	p1 =	sne.s32 s10, $0x12C00;
	s10 =	sadd.s32 $0x5300, s5  }
0x2b7: {  	[tilespmem:s31], [sflag:$0x1] =	stream.indirect.gather [hbm4b:s7+s25], $0x20, s10, s25, $0xb8;
	[tilespmem:$0x1F540] =	vst v63  }
0x2b8: {  	s10 =	sadd.s32 $0x5380, s5  }
0x2b9: {  	[tilespmem:s0], [sflag:$0x1] =	stream.indirect.gather [hbm4b:s7+s25], $0x20, s10, s25, $0xb8;
	[tilespmem:$0x1F540] =	vst v63  }
0x2ba: {  	s10 =	sadd.s32 $0x5400, s5  }
0x2bb: {  	[tilespmem:s24], [sflag:$0x1] =	stream.indirect.gather [hbm4b:s7+s25], $0x20, s10, s25, $0xb8;
	[tilespmem:$0x1F540] =	vst v63  }
0x2bc: {  	s10 =	sadd.s32 $0x5480, s5  }
0x2bd: {  	[tilespmem:s8], [sflag:$0x1] =	stream.indirect.gather [hbm4b:s7+s25], $0x20, s10, s25, $0xb8;
	[tilespmem:$0x1F540] =	vst v63  }
0x2be: {  	s10 =	sadd.s32 $0x5500, s5  }
0x2bf: {  	[tilespmem:s9], [sflag:$0x1] =	stream.indirect.gather [hbm4b:s7+s25], $0x20, s10, s25, $0xb8;
	[tilespmem:$0x1F540] =	vst v63  }
0x2c0: {  	_ =	swait.ge [sflag:s11], $0x1000  }
0x2c1: {  	[sflag:s11] =	ssyncset.done $0x0  }
0x2c2: {  	[sflag:s11] =	ssyncadd.s32 $0xFFFFF000  }
0x2c3: {  	_ =	swait.ge [sflag:s11], $0x1000  }
0x2c4: {  	[sflag:s11] =	ssyncset.done $0x0  }
0x2c5: {  	[sflag:s11] =	ssyncadd.s32 $0xFFFFF000  }
0x2c6: {  	_ =	swait.ge [sflag:s11], $0x1000  }
0x2c7: {  	[sflag:s11] =	ssyncset.done $0x0  }
0x2c8: {  	[sflag:s11] =	ssyncadd.s32 $0xFFFFF000  }
0x2c9: {  	_ =	swait.ge [sflag:s11], $0x1000  }
0x2ca: {  	[sflag:s11] =	ssyncset.done $0x0  }
0x2cb: {  	[sflag:s11] =	ssyncadd.s32 $0xFFFFF000  }
0x2cc: {  	_ =	swait.ge [sflag:s11], $0x1000  }
0x2cd: {  	[sflag:s11] =	ssyncset.done $0x0  }
0x2ce: {  	[sflag:s11] =	ssyncadd.s32 $0xFFFFF000  }
0x2cf: {  	_ =	swait.ge [sflag:s11], $0x1000  }
0x2d0: {  	[sflag:s11] =	ssyncset.done $0x0  }
0x2d1: {  	s10 =	sadd.s32 $0xA100, s5;
	[sflag:s11] =	ssyncadd.s32 $0xFFFFF000  }
0x2d2: {  	[spmem:s4] =	stream.indirect.scatter.add.f32 [tilespmem:s30], [sflag:$0x2], $0x20, s10, s25, $0xb8;
	[tilespmem:$0x1F540] =	vst v63  }
0x2d3: {  	s10 =	sadd.s32 $0xA180, s5  }
0x2d4: {  	[spmem:s4] =	stream.indirect.scatter.add.f32 [tilespmem:s31], [sflag:$0x2], $0x20, s10, s25, $0xb8;
	[tilespmem:$0x1F540] =	vst v63  }
0x2d5: {  	s10 =	sadd.s32 $0xA200, s5  }
0x2d6: {  	[spmem:s4] =	stream.indirect.scatter.add.f32 [tilespmem:s0], [sflag:$0x2], $0x20, s10, s25, $0xb8;
	[tilespmem:$0x1F540] =	vst v63  }
0x2d7: {  	s10 =	sadd.s32 $0xA280, s5  }
0x2d8: {  	[spmem:s4] =	stream.indirect.scatter.add.f32 [tilespmem:s24], [sflag:$0x2], $0x20, s10, s25, $0xb8;
	[tilespmem:$0x1F540] =	vst v63  }
0x2d9: {  	s10 =	sadd.s32 $0xA300, s5  }
0x2da: {  	[spmem:s4] =	stream.indirect.scatter.add.f32 [tilespmem:s8], [sflag:$0x2], $0x20, s10, s25, $0xb8;
	[tilespmem:$0x1F540] =	vst v63  }
0x2db: {  	s5 =	sadd.s32 $0xA380, s5  }
0x2dc: {  	[spmem:s4] =	stream.indirect.scatter.add.f32 [tilespmem:s9], [sflag:$0x2], $0x20, s5, s25, $0xb8;
	[tilespmem:$0x1F540] =	vst v63  }
0x2dd: {  	_ =	swait.ge [sflag:s28], $0x1000  }
0x2de: {  	[sflag:s28] =	ssyncset.done $0x0  }
0x2df: {  	[sflag:s28] =	ssyncadd.s32 $0xFFFFF000  }
0x2e0: {  	_ =	swait.ge [sflag:s28], $0x1000  }
0x2e1: {  	[sflag:s28] =	ssyncset.done $0x0  }
0x2e2: {  	[sflag:s28] =	ssyncadd.s32 $0xFFFFF000  }
0x2e3: {  	_ =	swait.ge [sflag:s28], $0x1000  }
0x2e4: {  	[sflag:s28] =	ssyncset.done $0x0  }
0x2e5: {  	[sflag:s28] =	ssyncadd.s32 $0xFFFFF000  }
0x2e6: {  	_ =	swait.ge [sflag:s28], $0x1000  }
0x2e7: {  	[sflag:s28] =	ssyncset.done $0x0  }
0x2e8: {  	[sflag:s28] =	ssyncadd.s32 $0xFFFFF000  }
.Ltmp8:
0x2e9: {  	_ =	swait.ge [sflag:s28], $0x1000;
	(pc) =	sbr.rel @p1 .LBB2_18-.Ltmp8, $4  }
0x2ea: {  	[sflag:s28] =	ssyncset.done $0x0  }
0x2eb: {  	[sflag:s28] =	ssyncadd.s32 $0xFFFFF000  }
0x2ec: {  	_ =	swait.ge [sflag:s28], $0x1000  }
0x2ed: {  	s10 =	smov.u32 s13;
	s5 =	sshra.s32 s16, $0x2;
	[sflag:s28] =	ssyncset.done $0x0  }
0x2ee: {  	s10 =	sadd.s32 $0x5280, s5;
	[sflag:s28] =	ssyncadd.s32 $0xFFFFF000  }
0x2ef: {  	[tilespmem:s30], [sflag:$0x1] =	stream.indirect.gather [hbm4b:s7+s25], $0x20, s10, s25, $0xb8;
	[tilespmem:$0x1F540] =	vst v63  }
0x2f0: {  	s17 =	sadd.s32 $0x5300, s5  }
0x2f1: {  	[tilespmem:s31], [sflag:$0x1] =	stream.indirect.gather [hbm4b:s7+s25], $0x20, s17, s25, $0xb8;
	[tilespmem:$0x1F540] =	vst v63  }
0x2f2: {  	s1 =	sadd.s32 $0x5380, s5  }
0x2f3: {  	[tilespmem:s0], [sflag:$0x1] =	stream.indirect.gather [hbm4b:s7+s25], $0x20, s1, s25, $0xb8;
	[tilespmem:$0x1F540] =	vst v63  }
0x2f4: {  	s13 =	sadd.s32 $0x5400, s5  }
0x2f5: {  	[tilespmem:s24], [sflag:$0x1] =	stream.indirect.gather [hbm4b:s7+s25], $0x20, s13, s25, $0xb8;
	[tilespmem:$0x1F540] =	vst v63  }
0x2f6: {  	s16 =	sadd.s32 $0x5480, s5  }
0x2f7: {  	[tilespmem:s8], [sflag:$0x1] =	stream.indirect.gather [hbm4b:s7+s25], $0x20, s16, s25, $0xb8;
	[tilespmem:$0x1F540] =	vst v63  }
0x2f8: {  	s17 =	sadd.s32 $0x5500, s5  }
0x2f9: {  	[tilespmem:s9], [sflag:$0x1] =	stream.indirect.gather [hbm4b:s7+s25], $0x20, s17, s25, $0xb8;
	[tilespmem:$0x1F540] =	vst v63  }
0x2fa: {  	_ =	swait.ge [sflag:s11], $0x1000  }
0x2fb: {  	[sflag:s11] =	ssyncset.done $0x0  }
0x2fc: {  	[sflag:s11] =	ssyncadd.s32 $0xFFFFF000  }
0x2fd: {  	_ =	swait.ge [sflag:s11], $0x1000  }
0x2fe: {  	[sflag:s11] =	ssyncset.done $0x0  }
0x2ff: {  	[sflag:s11] =	ssyncadd.s32 $0xFFFFF000  }
0x300: {  	_ =	swait.ge [sflag:s11], $0x1000  }
0x301: {  	[sflag:s11] =	ssyncset.done $0x0  }
0x302: {  	[sflag:s11] =	ssyncadd.s32 $0xFFFFF000  }
0x303: {  	_ =	swait.ge [sflag:s11], $0x1000  }
0x304: {  	[sflag:s11] =	ssyncset.done $0x0  }
0x305: {  	[sflag:s11] =	ssyncadd.s32 $0xFFFFF000  }
0x306: {  	_ =	swait.ge [sflag:s11], $0x1000  }
0x307: {  	[sflag:s11] =	ssyncset.done $0x0  }
0x308: {  	[sflag:s11] =	ssyncadd.s32 $0xFFFFF000  }
0x309: {  	_ =	swait.ge [sflag:s11], $0x1000  }
0x30a: {  	[sflag:s11] =	ssyncset.done $0x0  }
0x30b: {  	s1 =	sadd.s32 $0xA100, s5;
	[sflag:s11] =	ssyncadd.s32 $0xFFFFF000  }
0x30c: {  	[spmem:s4] =	stream.indirect.scatter.add.f32 [tilespmem:s30], [sflag:$0x2], $0x20, s1, s25, $0xb8;
	[tilespmem:$0x1F540] =	vst v63  }
0x30d: {  	s13 =	sadd.s32 $0xA180, s5  }
0x30e: {  	[spmem:s4] =	stream.indirect.scatter.add.f32 [tilespmem:s31], [sflag:$0x2], $0x20, s13, s25, $0xb8;
	[tilespmem:$0x1F540] =	vst v63  }
0x30f: {  	s16 =	sadd.s32 $0xA200, s5  }
0x310: {  	[spmem:s4] =	stream.indirect.scatter.add.f32 [tilespmem:s0], [sflag:$0x2], $0x20, s16, s25, $0xb8;
	[tilespmem:$0x1F540] =	vst v63  }
0x311: {  	s17 =	sadd.s32 $0xA280, s5  }
0x312: {  	[spmem:s4] =	stream.indirect.scatter.add.f32 [tilespmem:s24], [sflag:$0x2], $0x20, s17, s25, $0xb8;
	[tilespmem:$0x1F540] =	vst v63  }
0x313: {  	s1 =	sadd.s32 $0xA300, s5  }
0x314: {  	[spmem:s4] =	stream.indirect.scatter.add.f32 [tilespmem:s8], [sflag:$0x2], $0x20, s1, s25, $0xb8;
	[tilespmem:$0x1F540] =	vst v63  }
0x315: {  	s10 =	sadd.s32 $0xA380, s5  }
0x316: {  	[spmem:s4] =	stream.indirect.scatter.add.f32 [tilespmem:s9], [sflag:$0x2], $0x20, s10, s25, $0xb8;
	[tilespmem:$0x1F540] =	vst v63  }
0x317: {  	_ =	swait.ge [sflag:s28], $0x1000  }
0x318: {  	[sflag:s28] =	ssyncset.done $0x0  }
0x319: {  	[sflag:s28] =	ssyncadd.s32 $0xFFFFF000  }
0x31a: {  	_ =	swait.ge [sflag:s28], $0x1000  }
0x31b: {  	[sflag:s28] =	ssyncset.done $0x0  }
0x31c: {  	[sflag:s28] =	ssyncadd.s32 $0xFFFFF000  }
0x31d: {  	_ =	swait.ge [sflag:s28], $0x1000  }
0x31e: {  	[sflag:s28] =	ssyncset.done $0x0  }
0x31f: {  	[sflag:s28] =	ssyncadd.s32 $0xFFFFF000  }
0x320: {  	_ =	swait.ge [sflag:s28], $0x1000  }
0x321: {  	[sflag:s28] =	ssyncset.done $0x0  }
0x322: {  	[sflag:s28] =	ssyncadd.s32 $0xFFFFF000  }
0x323: {  	_ =	swait.ge [sflag:s28], $0x1000  }
0x324: {  	[sflag:s28] =	ssyncset.done $0x0  }
0x325: {  	[sflag:s28] =	ssyncadd.s32 $0xFFFFF000  }
0x326: {  	_ =	swait.ge [sflag:s28], $0x1000  }
0x327: {  	[sflag:s28] =	ssyncset.done $0x0  }
0x328: {  	s1 =	simm.s32 $0xA080;
	[sflag:s28] =	ssyncadd.s32 $0xFFFFF000  }
0x329: {  	[tilespmem:s30], [sflag:$0x1] =	stream.indirect.gather [hbm4b:s7+s25], $0x20, s1, s25, $0xb8;
	[tilespmem:$0x1F540] =	vst v63  }
0x32a: {  	_ =	swait.ge [sflag:s11], $0x1000  }
0x32b: {  	[sflag:s11] =	ssyncset.done $0x0  }
0x32c: {  	s13 =	simm.s32 $0xEF00;
	[sflag:s11] =	ssyncadd.s32 $0xFFFFF000  }
0x32d: {  	[spmem:s4] =	stream.indirect.scatter.add.f32 [tilespmem:s30], [sflag:$0x2], $0x20, s13, s25, $0xb8;
	[tilespmem:$0x1F540] =	vst v63  }
0x32e: {  	_ =	swait.ge [sflag:s28], $0x1000  }
0x32f: {  	[sflag:s28] =	ssyncset.done $0x0  }
0x330: {  	[sflag:s28] =	ssyncadd.s32 $0xFFFFF000  }
0x331: {  	[bflag:$0x0] =	sbarrier.arrive $0xFFFF  }
0x332: {  	[tilespmem:s2], [sflag:$0x3] =	stream.linear.gather [spmem:s12], $0x5000, $0x38;
	[tilespmem:$0x1F540] =	vst v63  }
0x333: {  	_ =	swait.ge [sflag:s21], $0x5000  }
0x334: {  	s16 =	simm.s32 $0x0;
	[sflag:s21] =	ssyncset.done $0x0  }
0x335: {  	v3 =	vmov s16;
	s17 =	rddreg [dreg:$0xa];
	[sflag:s21] =	ssyncadd.s32 $0xFFFFB000  }
0x336: {  	[tilespmem:s23], [sflag:$0x3] =	stream.strided.gather [hbm4b:s17+s20], $0x5000, s22, s20, $0x38;
	[tilespmem:$0x1F540] =	vst v63  }
0x337: {  	_ =	swait.ge [sflag:s21], $0x5000  }
0x338: {  	[sflag:s21] =	ssyncset.done $0x0  }
0x339: {  	[sflag:s21] =	ssyncadd.s32 $0xFFFFB000  }
0x33a: {  	s5 =	simm.s32 $0x15290;
	v3 =	vld.idx.msk [tilespmem:v3+s29+$0x0], $0xffff  }
0x33b: {  	s13 =	simm.s32 $0x1A290;
	v4 =	vld [tilespmem:s5+$0xFFFFFFF0]  }
0x33c: {  	v5 =	vld [tilespmem:s13+$0xFFFFFFF0];
	_ =	sdelay $0x2  }
0x33d: {  	v6 =	vmul.f32 v3, v3;
	_ =	sdelay $0x1  }
0x33e: {  	v4 =	vmul.f32 v4, v3;
	v5 =	vmul.f32 v5, v6;
	_ =	sdelay $0x1  }
0x33f: {  	v4 =	vadd.f32 v5, v4;
	_ =	sdelay $0x1  }
0x340: {  	[tilespmem:s5+$0xFFFFFFF0] =	vst v4;
	v4 =	vld [tilespmem:s5+$0x0]  }
0x341: {  	v5 =	vld [tilespmem:s13+$0x0];
	_ =	sdelay $0x3  }
0x342: {  	s16 =	simm.s32 $0x1  }
0x343: {  	v4 =	vmul.f32 v4, v3;
	v3 =	vmov s16;
	v5 =	vmul.f32 v5, v6;
	_ =	sdelay $0x1  }
0x344: {  	s10 =	simm.s32 $0x2;
	v4 =	vadd.f32 v5, v4  }
.LBB2_20:
0x345: {  	s13 =	sadd.s32 $0x20, s13  }
0x346: {  	s16 =	smov.u32 s10;
	s17 =	sadd.s32 $0x1, s10;
	[tilespmem:s5+$0x0] =	vst v4;
	s5 =	sadd.s32 $0x20, s5  }
0x347: {  	p1 =	sne.s32 s10, $0x27F;
	v4 =	vld.idx.msk [tilespmem:v3+s29+$0x0], $0xffff;
	_ =	sdelay $0x1  }
0x348: {  	v3 =	vld [tilespmem:s5+$0xFFFFFFF0]  }
0x349: {  	v5 =	vld [tilespmem:s13+$0xFFFFFFF0];
	_ =	sdelay $0x2  }
0x34a: {  	v6 =	vmul.f32 v4, v4;
	_ =	sdelay $0x1  }
0x34b: {  	v3 =	vmul.f32 v3, v4;
	v5 =	vmul.f32 v5, v6;
	_ =	sdelay $0x1  }
0x34c: {  	v3 =	vadd.f32 v5, v3;
	_ =	sdelay $0x1  }
0x34d: {  	[tilespmem:s5+$0xFFFFFFF0] =	vst v3;
	v5 =	vld [tilespmem:s5+$0x0]  }
0x34e: {  	v7 =	vld [tilespmem:s13+$0x0];
	_ =	sdelay $0x2  }
.Ltmp9:
0x34f: {  	(pc) =	sbr.rel @p1 .LBB2_20-.Ltmp9, $3  }
0x350: {  	_ = 	snop  }
0x351: {  	v3 =	vmov s16;
	v4 =	vmul.f32 v5, v4;
	v5 =	vmul.f32 v7, v6;
	_ =	sdelay $0x1  }
0x352: {  	s10 =	smov.u32 s17;
	v4 =	vadd.f32 v5, v4  }
0x353: {  	_ =	sdelay $0x2  }
0x354: {  	[tilespmem:s5+$0x0] =	vst v4  }
0x355: {  	s16 =	sadd.s32 $0x20, s5;
	v3 =	vld.idx.msk [tilespmem:v3+s29+$0x0], $0xffff  }
0x356: {  	s10 =	sadd.s32 $0x20, s13;
	v4 =	vld [tilespmem:s16+$0xFFFFFFF0]  }
0x357: {  	v5 =	vld [tilespmem:s10+$0xFFFFFFF0];
	_ =	sdelay $0x2  }
0x358: {  	v6 =	vmul.f32 v3, v3;
	_ =	sdelay $0x1  }
0x359: {  	v4 =	vmul.f32 v4, v3;
	v5 =	vmul.f32 v5, v6;
	_ =	sdelay $0x1  }
0x35a: {  	v4 =	vadd.f32 v5, v4;
	_ =	sdelay $0x1  }
0x35b: {  	v61 =	vld [tilespmem:s16+$0x0];
	[tilespmem:s16+$0xFFFFFFF0] =	vst v4  }
0x35c: {  	v62 =	vld [tilespmem:s10+$0x0];
	_ =	sdelay $0x4  }
0x35d: {  	v3 =	vmul.f32 v61, v3;
	v63 =	vmul.f32 v62, v6;
	_ =	sdelay $0x1  }
0x35e: {  	v3 =	vadd.f32 v63, v3;
	_ =	sdelay $0x1  }
0x35f: {  	s17 =	simm.s32 $0x0;
	[tilespmem:s16+$0x0] =	vst v3  }
0x360: {  	[hbm4b:s14+s17] =	stream.linear.scatter [tilespmem:s23], [sflag:$0x3], $0x5000, $0x38;
	[tilespmem:$0x1F540] =	vst v63  }
0x361: {  	_ =	swait.ge [sflag:s21], $0x5000  }
0x362: {  	[sflag:s21] =	ssyncset.done $0x0  }
0x363: {  	s5 =	simm.s32 $0x80;
	s10 =	simm.s32 $0x0;
	[sflag:s21] =	ssyncadd.s32 $0xFFFFB000  }
.LBB2_22:
0x364: {  	p1 =	sne.s32 s5, $0x13F80;
	[tilespmem:s10+$0x1A280] =	vst v2;
	s13 =	smov.u32 s5;
	s5 =	sadd.s32 $0x80, s5  }
.Ltmp10:
0x365: {  	[tilespmem:s10+$0x1A290] =	vst v2;
	(pc) =	sbr.rel @p1 .LBB2_22-.Ltmp10, $2  }
0x366: {  	_ =	sdelay $0x2  }
0x367: {  	s10 =	sshra.s32 s13, $0x2  }
0x368: {  	[tilespmem:s10+$0x1A280] =	vst v2  }
0x369: {  	[tilespmem:s10+$0x1A290] =	vst v2  }
0x36a: {  	[spmem:s12] =	stream.linear.scatter [tilespmem:s2], [sflag:$0x3], $0x5000, $0x38;
	[tilespmem:$0x1F540] =	vst v63  }
0x36b: {  	_ =	swait.ge [sflag:s21], $0x5000  }
0x36c: {  	[sflag:s21] =	ssyncset.done $0x0  }
0x36d: {  	[sflag:s21] =	ssyncadd.s32 $0xFFFFB000  }
0x36e: {  	s5 =	simm.s32 $0x5280;
	[bflag:$0x0] =	sbarrier.arrive $0xFFFF  }
0x36f: {  	[tilespmem:s30], [sflag:$0x1] =	stream.indirect.gather [hbm4b:s7+s25], $0x20, s5, s25, $0xb8;
	[tilespmem:$0x1F540] =	vst v63  }
0x370: {  	s17 =	simm.s32 $0x5300  }
0x371: {  	[tilespmem:s31], [sflag:$0x1] =	stream.indirect.gather [hbm4b:s7+s25], $0x20, s17, s25, $0xb8;
	[tilespmem:$0x1F540] =	vst v63  }
0x372: {  	s1 =	simm.s32 $0x5380  }
0x373: {  	[tilespmem:s0], [sflag:$0x1] =	stream.indirect.gather [hbm4b:s7+s25], $0x20, s1, s25, $0xb8;
	[tilespmem:$0x1F540] =	vst v63  }
0x374: {  	s10 =	simm.s32 $0x5400  }
0x375: {  	[tilespmem:s24], [sflag:$0x1] =	stream.indirect.gather [hbm4b:s7+s25], $0x20, s10, s25, $0xb8;
	[tilespmem:$0x1F540] =	vst v63  }
0x376: {  	s13 =	simm.s32 $0x5480  }
0x377: {  	[tilespmem:s8], [sflag:$0x1] =	stream.indirect.gather [hbm4b:s7+s25], $0x20, s13, s25, $0xb8;
	[tilespmem:$0x1F540] =	vst v63  }
0x378: {  	s16 =	simm.s32 $0x5500  }
0x379: {  	[tilespmem:s9], [sflag:$0x1] =	stream.indirect.gather [hbm4b:s7+s25], $0x20, s16, s25, $0xb8;
	[tilespmem:$0x1F540] =	vst v63  }
0x37a: {  	_ =	swait.ge [sflag:s11], $0x1000  }
0x37b: {  	[sflag:s11] =	ssyncset.done $0x0  }
0x37c: {  	[sflag:s11] =	ssyncadd.s32 $0xFFFFF000  }
0x37d: {  	_ =	swait.ge [sflag:s11], $0x1000  }
0x37e: {  	[sflag:s11] =	ssyncset.done $0x0  }
0x37f: {  	[sflag:s11] =	ssyncadd.s32 $0xFFFFF000  }
0x380: {  	_ =	swait.ge [sflag:s11], $0x1000  }
0x381: {  	[sflag:s11] =	ssyncset.done $0x0  }
0x382: {  	[sflag:s11] =	ssyncadd.s32 $0xFFFFF000  }
0x383: {  	_ =	swait.ge [sflag:s11], $0x1000  }
0x384: {  	[sflag:s11] =	ssyncset.done $0x0  }
0x385: {  	[sflag:s11] =	ssyncadd.s32 $0xFFFFF000  }
0x386: {  	_ =	swait.ge [sflag:s11], $0x1000  }
0x387: {  	[sflag:s11] =	ssyncset.done $0x0  }
0x388: {  	[sflag:s11] =	ssyncadd.s32 $0xFFFFF000  }
0x389: {  	_ =	swait.ge [sflag:s11], $0x1000  }
0x38a: {  	[sflag:s11] =	ssyncset.done $0x0  }
0x38b: {  	s17 =	simm.s32 $0xA100;
	[sflag:s11] =	ssyncadd.s32 $0xFFFFF000  }
0x38c: {  	[spmem:s4] =	stream.indirect.scatter.add.f32 [tilespmem:s30], [sflag:$0x2], $0x20, s17, s25, $0xb8;
	[tilespmem:$0x1F540] =	vst v63  }
0x38d: {  	s1 =	simm.s32 $0xA180  }
0x38e: {  	[spmem:s4] =	stream.indirect.scatter.add.f32 [tilespmem:s31], [sflag:$0x2], $0x20, s1, s25, $0xb8;
	[tilespmem:$0x1F540] =	vst v63  }
0x38f: {  	s10 =	simm.s32 $0xA200  }
0x390: {  	[spmem:s4] =	stream.indirect.scatter.add.f32 [tilespmem:s0], [sflag:$0x2], $0x20, s10, s25, $0xb8;
	[tilespmem:$0x1F540] =	vst v63  }
0x391: {  	s13 =	simm.s32 $0xA280  }
0x392: {  	[spmem:s4] =	stream.indirect.scatter.add.f32 [tilespmem:s24], [sflag:$0x2], $0x20, s13, s25, $0xb8;
	[tilespmem:$0x1F540] =	vst v63  }
0x393: {  	s16 =	simm.s32 $0xA300  }
0x394: {  	[spmem:s4] =	stream.indirect.scatter.add.f32 [tilespmem:s8], [sflag:$0x2], $0x20, s16, s25, $0xb8;
	[tilespmem:$0x1F540] =	vst v63  }
0x395: {  	s17 =	simm.s32 $0xA380  }
0x396: {  	[spmem:s4] =	stream.indirect.scatter.add.f32 [tilespmem:s9], [sflag:$0x2], $0x20, s17, s25, $0xb8;
	[tilespmem:$0x1F540] =	vst v63  }
0x397: {  	_ =	swait.ge [sflag:s28], $0x1000  }
0x398: {  	[sflag:s28] =	ssyncset.done $0x0  }
0x399: {  	[sflag:s28] =	ssyncadd.s32 $0xFFFFF000  }
0x39a: {  	_ =	swait.ge [sflag:s28], $0x1000  }
0x39b: {  	[sflag:s28] =	ssyncset.done $0x0  }
0x39c: {  	[sflag:s28] =	ssyncadd.s32 $0xFFFFF000  }
0x39d: {  	_ =	swait.ge [sflag:s28], $0x1000  }
0x39e: {  	[sflag:s28] =	ssyncset.done $0x0  }
0x39f: {  	[sflag:s28] =	ssyncadd.s32 $0xFFFFF000  }
0x3a0: {  	_ =	swait.ge [sflag:s28], $0x1000  }
0x3a1: {  	[sflag:s28] =	ssyncset.done $0x0  }
0x3a2: {  	[sflag:s28] =	ssyncadd.s32 $0xFFFFF000  }
0x3a3: {  	_ =	swait.ge [sflag:s28], $0x1000  }
0x3a4: {  	[sflag:s28] =	ssyncset.done $0x0  }
0x3a5: {  	[sflag:s28] =	ssyncadd.s32 $0xFFFFF000  }
0x3a6: {  	_ =	swait.ge [sflag:s28], $0x1000  }
0x3a7: {  	s5 =	simm.s32 $0x300;
	s10 =	simm.s32 $0x1800;
	[sflag:s28] =	ssyncset.done $0x0  }
.LBB2_24:
0x3a8: {  	s17 =	sadd.s32 $0x5280, s5  }
0x3a9: {  	[sflag:s28] =	ssyncadd.s32 $0xFFFFF000;
	s16 =	smov.u32 s10;
	s13 =	sadd.s32 $0xC00, s10  }
0x3aa: {  	[tilespmem:s30], [sflag:$0x1] =	stream.indirect.gather [hbm4b:s7+s25], $0x20, s17, s25, $0xb8;
	[tilespmem:$0x1F540] =	vst v63  }
0x3ab: {  	p1 =	sne.s32 s10, $0x12C00;
	s10 =	sadd.s32 $0x5300, s5  }
0x3ac: {  	[tilespmem:s31], [sflag:$0x1] =	stream.indirect.gather [hbm4b:s7+s25], $0x20, s10, s25, $0xb8;
	[tilespmem:$0x1F540] =	vst v63  }
0x3ad: {  	s10 =	sadd.s32 $0x5380, s5  }
0x3ae: {  	[tilespmem:s0], [sflag:$0x1] =	stream.indirect.gather [hbm4b:s7+s25], $0x20, s10, s25, $0xb8;
	[tilespmem:$0x1F540] =	vst v63  }
0x3af: {  	s10 =	sadd.s32 $0x5400, s5  }
0x3b0: {  	[tilespmem:s24], [sflag:$0x1] =	stream.indirect.gather [hbm4b:s7+s25], $0x20, s10, s25, $0xb8;
	[tilespmem:$0x1F540] =	vst v63  }
0x3b1: {  	s10 =	sadd.s32 $0x5480, s5  }
0x3b2: {  	[tilespmem:s8], [sflag:$0x1] =	stream.indirect.gather [hbm4b:s7+s25], $0x20, s10, s25, $0xb8;
	[tilespmem:$0x1F540] =	vst v63  }
0x3b3: {  	s10 =	sadd.s32 $0x5500, s5  }
0x3b4: {  	[tilespmem:s9], [sflag:$0x1] =	stream.indirect.gather [hbm4b:s7+s25], $0x20, s10, s25, $0xb8;
	[tilespmem:$0x1F540] =	vst v63  }
0x3b5: {  	_ =	swait.ge [sflag:s11], $0x1000  }
0x3b6: {  	[sflag:s11] =	ssyncset.done $0x0  }
0x3b7: {  	[sflag:s11] =	ssyncadd.s32 $0xFFFFF000  }
0x3b8: {  	_ =	swait.ge [sflag:s11], $0x1000  }
0x3b9: {  	[sflag:s11] =	ssyncset.done $0x0  }
0x3ba: {  	[sflag:s11] =	ssyncadd.s32 $0xFFFFF000  }
0x3bb: {  	_ =	swait.ge [sflag:s11], $0x1000  }
0x3bc: {  	[sflag:s11] =	ssyncset.done $0x0  }
0x3bd: {  	[sflag:s11] =	ssyncadd.s32 $0xFFFFF000  }
0x3be: {  	_ =	swait.ge [sflag:s11], $0x1000  }
0x3bf: {  	[sflag:s11] =	ssyncset.done $0x0  }
0x3c0: {  	[sflag:s11] =	ssyncadd.s32 $0xFFFFF000  }
0x3c1: {  	_ =	swait.ge [sflag:s11], $0x1000  }
0x3c2: {  	[sflag:s11] =	ssyncset.done $0x0  }
0x3c3: {  	[sflag:s11] =	ssyncadd.s32 $0xFFFFF000  }
0x3c4: {  	_ =	swait.ge [sflag:s11], $0x1000  }
0x3c5: {  	[sflag:s11] =	ssyncset.done $0x0  }
0x3c6: {  	s10 =	sadd.s32 $0xA100, s5;
	[sflag:s11] =	ssyncadd.s32 $0xFFFFF000  }
0x3c7: {  	[spmem:s4] =	stream.indirect.scatter.add.f32 [tilespmem:s30], [sflag:$0x2], $0x20, s10, s25, $0xb8;
	[tilespmem:$0x1F540] =	vst v63  }
0x3c8: {  	s10 =	sadd.s32 $0xA180, s5  }
0x3c9: {  	[spmem:s4] =	stream.indirect.scatter.add.f32 [tilespmem:s31], [sflag:$0x2], $0x20, s10, s25, $0xb8;
	[tilespmem:$0x1F540] =	vst v63  }
0x3ca: {  	s10 =	sadd.s32 $0xA200, s5  }
0x3cb: {  	[spmem:s4] =	stream.indirect.scatter.add.f32 [tilespmem:s0], [sflag:$0x2], $0x20, s10, s25, $0xb8;
	[tilespmem:$0x1F540] =	vst v63  }
0x3cc: {  	s10 =	sadd.s32 $0xA280, s5  }
0x3cd: {  	[spmem:s4] =	stream.indirect.scatter.add.f32 [tilespmem:s24], [sflag:$0x2], $0x20, s10, s25, $0xb8;
	[tilespmem:$0x1F540] =	vst v63  }
0x3ce: {  	s10 =	sadd.s32 $0xA300, s5  }
0x3cf: {  	[spmem:s4] =	stream.indirect.scatter.add.f32 [tilespmem:s8], [sflag:$0x2], $0x20, s10, s25, $0xb8;
	[tilespmem:$0x1F540] =	vst v63  }
0x3d0: {  	s5 =	sadd.s32 $0xA380, s5  }
0x3d1: {  	[spmem:s4] =	stream.indirect.scatter.add.f32 [tilespmem:s9], [sflag:$0x2], $0x20, s5, s25, $0xb8;
	[tilespmem:$0x1F540] =	vst v63  }
0x3d2: {  	_ =	swait.ge [sflag:s28], $0x1000  }
0x3d3: {  	[sflag:s28] =	ssyncset.done $0x0  }
0x3d4: {  	[sflag:s28] =	ssyncadd.s32 $0xFFFFF000  }
0x3d5: {  	_ =	swait.ge [sflag:s28], $0x1000  }
0x3d6: {  	[sflag:s28] =	ssyncset.done $0x0  }
0x3d7: {  	[sflag:s28] =	ssyncadd.s32 $0xFFFFF000  }
0x3d8: {  	_ =	swait.ge [sflag:s28], $0x1000  }
0x3d9: {  	[sflag:s28] =	ssyncset.done $0x0  }
0x3da: {  	[sflag:s28] =	ssyncadd.s32 $0xFFFFF000  }
0x3db: {  	_ =	swait.ge [sflag:s28], $0x1000  }
0x3dc: {  	[sflag:s28] =	ssyncset.done $0x0  }
0x3dd: {  	[sflag:s28] =	ssyncadd.s32 $0xFFFFF000  }
.Ltmp11:
0x3de: {  	_ =	swait.ge [sflag:s28], $0x1000;
	(pc) =	sbr.rel @p1 .LBB2_24-.Ltmp11, $4  }
0x3df: {  	[sflag:s28] =	ssyncset.done $0x0  }
0x3e0: {  	[sflag:s28] =	ssyncadd.s32 $0xFFFFF000  }
0x3e1: {  	_ =	swait.ge [sflag:s28], $0x1000  }
0x3e2: {  	s10 =	smov.u32 s13;
	s5 =	sshra.s32 s16, $0x2;
	[sflag:s28] =	ssyncset.done $0x0  }
0x3e3: {  	s10 =	sadd.s32 $0x5280, s5;
	[sflag:s28] =	ssyncadd.s32 $0xFFFFF000  }
0x3e4: {  	[tilespmem:s30], [sflag:$0x1] =	stream.indirect.gather [hbm4b:s7+s25], $0x20, s10, s25, $0xb8;
	[tilespmem:$0x1F540] =	vst v63  }
0x3e5: {  	s16 =	sadd.s32 $0x5300, s5  }
0x3e6: {  	[tilespmem:s31], [sflag:$0x1] =	stream.indirect.gather [hbm4b:s7+s25], $0x20, s16, s25, $0xb8;
	[tilespmem:$0x1F540] =	vst v63  }
0x3e7: {  	s17 =	sadd.s32 $0x5380, s5  }
0x3e8: {  	[tilespmem:s0], [sflag:$0x1] =	stream.indirect.gather [hbm4b:s7+s25], $0x20, s17, s25, $0xb8;
	[tilespmem:$0x1F540] =	vst v63  }
0x3e9: {  	s1 =	sadd.s32 $0x5400, s5  }
0x3ea: {  	[tilespmem:s24], [sflag:$0x1] =	stream.indirect.gather [hbm4b:s7+s25], $0x20, s1, s25, $0xb8;
	[tilespmem:$0x1F540] =	vst v63  }
0x3eb: {  	s13 =	sadd.s32 $0x5480, s5  }
0x3ec: {  	[tilespmem:s8], [sflag:$0x1] =	stream.indirect.gather [hbm4b:s7+s25], $0x20, s13, s25, $0xb8;
	[tilespmem:$0x1F540] =	vst v63  }
0x3ed: {  	s16 =	sadd.s32 $0x5500, s5  }
0x3ee: {  	[tilespmem:s9], [sflag:$0x1] =	stream.indirect.gather [hbm4b:s7+s25], $0x20, s16, s25, $0xb8;
	[tilespmem:$0x1F540] =	vst v63  }
0x3ef: {  	_ =	swait.ge [sflag:s11], $0x1000  }
0x3f0: {  	[sflag:s11] =	ssyncset.done $0x0  }
0x3f1: {  	[sflag:s11] =	ssyncadd.s32 $0xFFFFF000  }
0x3f2: {  	_ =	swait.ge [sflag:s11], $0x1000  }
0x3f3: {  	[sflag:s11] =	ssyncset.done $0x0  }
0x3f4: {  	[sflag:s11] =	ssyncadd.s32 $0xFFFFF000  }
0x3f5: {  	_ =	swait.ge [sflag:s11], $0x1000  }
0x3f6: {  	[sflag:s11] =	ssyncset.done $0x0  }
0x3f7: {  	[sflag:s11] =	ssyncadd.s32 $0xFFFFF000  }
0x3f8: {  	_ =	swait.ge [sflag:s11], $0x1000  }
0x3f9: {  	[sflag:s11] =	ssyncset.done $0x0  }
0x3fa: {  	[sflag:s11] =	ssyncadd.s32 $0xFFFFF000  }
0x3fb: {  	_ =	swait.ge [sflag:s11], $0x1000  }
0x3fc: {  	[sflag:s11] =	ssyncset.done $0x0  }
0x3fd: {  	[sflag:s11] =	ssyncadd.s32 $0xFFFFF000  }
0x3fe: {  	_ =	swait.ge [sflag:s11], $0x1000  }
0x3ff: {  	[sflag:s11] =	ssyncset.done $0x0  }
0x400: {  	s17 =	sadd.s32 $0xA100, s5;
	[sflag:s11] =	ssyncadd.s32 $0xFFFFF000  }
0x401: {  	[spmem:s4] =	stream.indirect.scatter.add.f32 [tilespmem:s30], [sflag:$0x2], $0x20, s17, s25, $0xb8;
	[tilespmem:$0x1F540] =	vst v63  }
0x402: {  	s1 =	sadd.s32 $0xA180, s5  }
0x403: {  	[spmem:s4] =	stream.indirect.scatter.add.f32 [tilespmem:s31], [sflag:$0x2], $0x20, s1, s25, $0xb8;
	[tilespmem:$0x1F540] =	vst v63  }
0x404: {  	s13 =	sadd.s32 $0xA200, s5  }
0x405: {  	[spmem:s4] =	stream.indirect.scatter.add.f32 [tilespmem:s0], [sflag:$0x2], $0x20, s13, s25, $0xb8;
	[tilespmem:$0x1F540] =	vst v63  }
0x406: {  	s16 =	sadd.s32 $0xA280, s5  }
0x407: {  	[spmem:s4] =	stream.indirect.scatter.add.f32 [tilespmem:s24], [sflag:$0x2], $0x20, s16, s25, $0xb8;
	[tilespmem:$0x1F540] =	vst v63  }
0x408: {  	s17 =	sadd.s32 $0xA300, s5  }
0x409: {  	[spmem:s4] =	stream.indirect.scatter.add.f32 [tilespmem:s8], [sflag:$0x2], $0x20, s17, s25, $0xb8;
	[tilespmem:$0x1F540] =	vst v63  }
0x40a: {  	s1 =	sadd.s32 $0xA380, s5  }
0x40b: {  	[spmem:s4] =	stream.indirect.scatter.add.f32 [tilespmem:s9], [sflag:$0x2], $0x20, s1, s25, $0xb8;
	[tilespmem:$0x1F540] =	vst v63  }
0x40c: {  	_ =	swait.ge [sflag:s28], $0x1000  }
0x40d: {  	[sflag:s28] =	ssyncset.done $0x0  }
0x40e: {  	[sflag:s28] =	ssyncadd.s32 $0xFFFFF000  }
0x40f: {  	_ =	swait.ge [sflag:s28], $0x1000  }
0x410: {  	[sflag:s28] =	ssyncset.done $0x0  }
0x411: {  	[sflag:s28] =	ssyncadd.s32 $0xFFFFF000  }
0x412: {  	_ =	swait.ge [sflag:s28], $0x1000  }
0x413: {  	[sflag:s28] =	ssyncset.done $0x0  }
0x414: {  	[sflag:s28] =	ssyncadd.s32 $0xFFFFF000  }
0x415: {  	_ =	swait.ge [sflag:s28], $0x1000  }
0x416: {  	[sflag:s28] =	ssyncset.done $0x0  }
0x417: {  	[sflag:s28] =	ssyncadd.s32 $0xFFFFF000  }
0x418: {  	_ =	swait.ge [sflag:s28], $0x1000  }
0x419: {  	[sflag:s28] =	ssyncset.done $0x0  }
0x41a: {  	[sflag:s28] =	ssyncadd.s32 $0xFFFFF000  }
0x41b: {  	_ =	swait.ge [sflag:s28], $0x1000  }
0x41c: {  	[sflag:s28] =	ssyncset.done $0x0  }
0x41d: {  	s1 =	simm.s32 $0xA080;
	[sflag:s28] =	ssyncadd.s32 $0xFFFFF000  }
0x41e: {  	[tilespmem:s30], [sflag:$0x1] =	stream.indirect.gather [hbm4b:s7+s25], $0x20, s1, s25, $0xb8;
	[tilespmem:$0x1F540] =	vst v63  }
0x41f: {  	_ =	swait.ge [sflag:s11], $0x1000  }
0x420: {  	[sflag:s11] =	ssyncset.done $0x0  }
0x421: {  	s10 =	simm.s32 $0xEF00;
	[sflag:s11] =	ssyncadd.s32 $0xFFFFF000  }
0x422: {  	[spmem:s4] =	stream.indirect.scatter.add.f32 [tilespmem:s30], [sflag:$0x2], $0x20, s10, s25, $0xb8;
	[tilespmem:$0x1F540] =	vst v63  }
0x423: {  	_ =	swait.ge [sflag:s28], $0x1000  }
0x424: {  	[sflag:s28] =	ssyncset.done $0x0  }
0x425: {  	[sflag:s28] =	ssyncadd.s32 $0xFFFFF000  }
0x426: {  	[bflag:$0x0] =	sbarrier.arrive $0xFFFF  }
0x427: {  	[tilespmem:s2], [sflag:$0x3] =	stream.linear.gather [spmem:s12], $0x5000, $0x38;
	[tilespmem:$0x1F540] =	vst v63  }
0x428: {  	_ =	swait.ge [sflag:s21], $0x5000  }
0x429: {  	s13 =	simm.s32 $0x0;
	[sflag:s21] =	ssyncset.done $0x0  }
0x42a: {  	v3 =	vmov s13;
	s16 =	rddreg [dreg:$0xb];
	[sflag:s21] =	ssyncadd.s32 $0xFFFFB000  }
0x42b: {  	[tilespmem:s23], [sflag:$0x3] =	stream.strided.gather [hbm4b:s16+s20], $0x5000, s22, s20, $0x38;
	[tilespmem:$0x1F540] =	vst v63  }
0x42c: {  	_ =	swait.ge [sflag:s21], $0x5000  }
0x42d: {  	[sflag:s21] =	ssyncset.done $0x0  }
0x42e: {  	[sflag:s21] =	ssyncadd.s32 $0xFFFFB000  }
0x42f: {  	s5 =	simm.s32 $0x1A290;
	v3 =	vld.idx.msk [tilespmem:v3+s29+$0x0], $0xffff  }
0x430: {  	v4 =	vld [tilespmem:s5+$0xFFFFFFF0]  }
0x431: {  	s13 =	simm.s32 $0x15290  }
0x432: {  	v5 =	vld [tilespmem:s13+$0xFFFFFFF0];
	_ =	sdelay $0x1  }
0x433: {  	v6 =	vld [tilespmem:s6+$0x1F280]  }
0x434: {  	v4 =	vmul.f32 v4, v3;
	_ =	sdelay $0x1  }
0x435: {  	v4 =	vadd.f32 v4, v5;
	_ =	sdelay $0x1  }
0x436: {  	v4 =	vadd.f32 v4, v6;
	_ =	sdelay $0x1  }
0x437: {  	v4 =	vmax.f32 v4, $0.0e+00  }
0x438: {  	[tilespmem:s13+$0xFFFFFFF0] =	vst v4  }
0x439: {  	v4 =	vld [tilespmem:s5+$0x0];
	_ =	sdelay $0x2  }
0x43a: {  	v5 =	vld [tilespmem:s13+$0x0];
	_ =	sdelay $0x1  }
0x43b: {  	v4 =	vmul.f32 v4, v3;
	v3 =	vld [tilespmem:s6+$0x1F290];
	_ =	sdelay $0x2  }
0x43c: {  	s17 =	simm.s32 $0x1;
	v5 =	vadd.f32 v4, v5  }
0x43d: {  	s10 =	simm.s32 $0x2;
	v4 =	vmov s17  }
.LBB2_26:
0x43e: {  	p1 =	sne.s32 s10, $0x27F;
	v3 =	vadd.f32 v5, v3;
	_ =	sdelay $0x1  }
0x43f: {  	v3 =	vmax.f32 v3, $0.0e+00  }
0x440: {  	[tilespmem:s13+$0x0] =	vst v3  }
0x441: {  	s5 =	sadd.s32 $0x20, s5;
	v4 =	vld.idx.msk [tilespmem:v4+s29+$0x0], $0xffff  }
0x442: {  	v3 =	vld [tilespmem:s5+$0xFFFFFFF0]  }
0x443: {  	s13 =	sadd.s32 $0x20, s13;
	v5 =	vld [tilespmem:s6+$0x1F280]  }
0x444: {  	v6 =	vld [tilespmem:s13+$0xFFFFFFF0];
	_ =	sdelay $0x2  }
0x445: {  	v3 =	vmul.f32 v3, v4;
	_ =	sdelay $0x1  }
0x446: {  	v3 =	vadd.f32 v3, v6;
	_ =	sdelay $0x1  }
0x447: {  	v3 =	vadd.f32 v3, v5;
	_ =	sdelay $0x1  }
0x448: {  	v3 =	vmax.f32 v3, $0.0e+00  }
0x449: {  	[tilespmem:s13+$0xFFFFFFF0] =	vst v3  }
0x44a: {  	v5 =	vld [tilespmem:s5+$0x0]  }
0x44b: {  	v3 =	vld [tilespmem:s6+$0x1F290]  }
0x44c: {  	v6 =	vld [tilespmem:s13+$0x0];
	_ =	sdelay $0x1  }
.Ltmp12:
0x44d: {  	(pc) =	sbr.rel @p1 .LBB2_26-.Ltmp12, $3  }
0x44e: {  	v4 =	vmul.f32 v5, v4;
	_ =	sdelay $0x1  }
0x44f: {  	v5 =	vadd.f32 v4, v6  }
0x450: {  	v4 =	vmov s10;
	s10 =	sadd.s32 $0x1, s10  }
0x451: {  	v3 =	vadd.f32 v5, v3;
	_ =	sdelay $0x1  }
0x452: {  	v3 =	vmax.f32 v3, $0.0e+00  }
0x453: {  	[tilespmem:s13+$0x0] =	vst v3  }
0x454: {  	s5 =	sadd.s32 $0x20, s5;
	v3 =	vld.idx.msk [tilespmem:v4+s29+$0x0], $0xffff  }
0x455: {  	v60 =	vld [tilespmem:s5+$0xFFFFFFF0]  }
0x456: {  	s10 =	sadd.s32 $0x20, s13  }
0x457: {  	v61 =	vld [tilespmem:s10+$0xFFFFFFF0];
	_ =	sdelay $0x1  }
0x458: {  	v6 =	vld [tilespmem:s6+$0x1F280]  }
0x459: {  	v4 =	vmul.f32 v60, v3;
	_ =	sdelay $0x1  }
0x45a: {  	v4 =	vadd.f32 v4, v61;
	_ =	sdelay $0x1  }
0x45b: {  	v4 =	vadd.f32 v4, v6;
	_ =	sdelay $0x1  }
0x45c: {  	v4 =	vmax.f32 v4, $0.0e+00  }
0x45d: {  	[tilespmem:s10+$0xFFFFFFF0] =	vst v4  }
0x45e: {  	v4 =	vld [tilespmem:s5+$0x0];
	_ =	sdelay $0x1  }
0x45f: {  	v62 =	vld [tilespmem:s10+$0x0];
	_ =	sdelay $0x1  }
0x460: {  	v63 =	vld [tilespmem:s6+$0x1F290]  }
0x461: {  	v3 =	vmul.f32 v4, v3;
	_ =	sdelay $0x1  }
0x462: {  	v3 =	vadd.f32 v3, v62;
	_ =	sdelay $0x1  }
0x463: {  	v3 =	vadd.f32 v3, v63;
	_ =	sdelay $0x1  }
0x464: {  	v3 =	vmax.f32 v3, $0.0e+00  }
0x465: {  	s1 =	rddreg [dreg:$0xc];
	s16 =	simm.s32 $0x40;
	[tilespmem:s10+$0x0] =	vst v3  }
0x466: {  	[hbm4b:s1+s20] =	stream.strided.scatter [tilespmem:s23], [sflag:$0x3], $0x5000, s16, s20, $0x38;
	[tilespmem:$0x1F540] =	vst v63  }
0x467: {  	_ =	swait.ge [sflag:s21], $0x5000  }
0x468: {  	s15 =	sadd.s32 $0x1, s15;
	s17 =	rddreg [dreg:$0xd]  }
0x469: {  	p1 =	sne.s32 s15, s17  }
.Ltmp13:
0x46a: {  	_ = 	snop;
	(pc) =	sbr.rel @p1 .LBB2_1-.Ltmp13, $3  }
0x46b: {  	_ =	sdelay $0x1  }
0x46c: {  	[sflag:s21] =	ssyncset.done $0x0  }
0x46d: {  	[sflag:s21] =	ssyncadd.s32 $0xFFFFB000  }
0x46e: {  	_ =	sfence.sel $0x180000  }
0x46f: {  	[bflag:$0x0] =	sbarrier.arrive $0xFFFF  }
0x470: {  	_ =	strace $0x90000047  }
0x471: {  	s0 =	stileid.u32;
	[bflag:$0x2] =	sbarrier.arrive $0xFFFF  }
0x472: {  	p0 =	sne.s32 s0, $0x0;
	s0 =	rddreg [dreg:$0x4]  }
0x473: {  	s0 =	sadd.s32 @!p0 $0x100000, s0  }
0x474: {  	[sflag:s0] =	ssyncadd.tile.s32 @!p0 $0x1;
	_ =	shalt  }
.Lfunc_end2:
_tile_overlayer_lowered:
.L_overlay_start_2:
0x475: {  	(tag) =	ssettag $0x2  }
0x476: {  	s0 =	rddreg [dreg:$0x0];
	s2 =	stileid.u32  }
0x477: {  	s1 =	rddreg [dreg:$0x1];
	p0 =	sne.s32 s2, $0x0  }
0x478: {  	s3 =	rddreg [dreg:$0x2];
	[bflag:$0x3] =	sbarrier.arrive $0xFFFF;
	s2 =	simm.s32 @!p0 $0x1C03  }
0x479: {  	[timem:s3], [sflag:s2] =	dma.local @!p0 [hbm:s0], s1  }
0x47a: {  	s0 =	simm.s32 @!p0 $0x3  }
0x47b: {  	_ =	swait.ge @!p0 [sflag:s0], s1  }
0x47c: {  	s1 =	ssub.s32 @!p0 $0x0, s1;
	[sflag:s0] =	ssyncset.done @!p0 $0x0  }
0x47d: {  	[sflag:s0] =	ssyncadd.s32 @!p0 s1  }
0x47e: {  	[bflag:$0x3] =	sbarrier.arrive $0xFFFF  }
0x47f: {  	_ =	shalt  }

// kernel: kernel.8.cloned.1.call-start
scs
__scs_entry_jumppad:
0x0: {  	(pc) =	sbr.rel $0x88, $3  }
0x1: {  	(tag) =	ssettag $0x0;
	lr =	simm.s32 $0x1  }
0x2: {  	[smem:$0x3F9B] =	sst lr;
	_ =	strace $0xD0000000  }
0x3: {  	_ = 	snop  }
0x4: {  	_ = 	snop  }
0x5: {  	_ = 	snop  }
0x6: {  	_ = 	snop  }
0x7: {  	_ = 	snop  }
__scs_overlays_trampoline_lowered:
0x8: {  	[smem:$0x3FAA] =	sst s0  }
0x9: {  	[smem:$0x3FAB] =	sst s1  }
0xa: {  	[smem:$0x3FAC] =	sst s2  }
0xb: {  	[smem:$0x3FAD] =	sst s3  }
0xc: {  	[smem:$0x3FAE] =	sst s4  }
0xd: {  	[smem:$0x3FAF] =	sst s5  }
0xe: {  	[smem:$0x3FB0] =	sst s6  }
0xf: {  	[smem:$0x3FB1] =	sst s7  }
0x10: {  	[smem:$0x3FB2] =	sst s8  }
0x11: {  	[smem:$0x3FB3] =	sst s9;
	s0 =	simm.s32 @!p0 $0x0  }
0x12: {  	s1 =	sld [smem:$0x3F99];
	s0 =	simm.s32 @p0 $0x1  }
0x13: {  	[smem:$0x3FB4] =	sst s0;
	s0 =	simm.s32 @!p1 $0x0  }
0x14: {  	s2 =	sld [smem:$0x3F98];
	s0 =	simm.s32 @p1 $0x1  }
0x15: {  	[smem:$0x3FB5] =	sst s0;
	s0 =	simm.s32 @!p2 $0x0  }
0x16: {  	s3 =	sld [smem:$0x3FDB];
	s0 =	simm.s32 @p2 $0x1  }
0x17: {  	s4 =	simm.s32 $0x1BF5;
	[smem:$0x3FB7] =	sst s0  }
0x18: {  	s0 =	sld [smem:$0x3F9A];
	_ =	swait.ge [sflag:s4], $0x0  }
0x19: {  	s7 =	sld [smem:$0x3F9B]  }
0x1a: {  	s8 =	sadd.s32 $0xFFFFE003, lr  }
0x1b: {  	s9 =	sadd.s32 $0xFFFFFEF7, lr;
	s5 =	simm.s32 $0xFFFFFFFF;
	p2 =	slt.u32 s8, $0xFFFFF086  }
0x1c: {  	p1 =	slt.u32 s9, $0xF7A;
	s5 =	simm.s32 @!p2 $0x0  }
0x1d: {  	s5 =	simm.s32 @p1 $0x1;
	p0 =	seq.s32 s7, s2  }
0x1e: {  	s7 =	smul.u32 @!p0 $0xF7A, s2;
	p2 =	seq.s32 @!p0 s5, $0x0  }
0x1f: {  	s9 =	smul.u32 $0xF7A, s1;
	s8 =	simm.s32 @!p0 $0x1BF5;
	p2 =	por !p2, p0  }
0x20: {  	[sflag:s8] =	ssyncset.s32 @!p0 $0xFFFFF086;
	s6 =	sadd.s32 @!p0 s3, s7;
	s7 =	simm.s32 @!p0 $0x108  }
0x21: {  	s3 =	sadd.s32 s3, s9;
	s6 =	sadd.s32 @!p0 $0x88, s6;
	s7 =	simm.s32 @p2 $0x1082  }
0x22: {  	[simem:s7], [sflag:s8] =	dma.local @!p0 [hbm:s6], $0xF7A  }
0x23: {  	s9 =	sor.u32 $0xD0000000, s2;
	s6 =	simm.s32 $0x108;
	_ =	swait.ge @!p0 [sflag:s8], $0x0  }
0x24: {  	s3 =	sadd.s32 $0x88, s3;
	s6 =	simm.s32 @!p1 $0x1082;
	[sflag:s4] =	ssyncset.s32 $0xFFFFF086  }
0x25: {  	[simem:s6], [sflag:s4] =	dma.local [hbm:s3], $0xF7A  }
0x26: {  	[smem:$0x3F9B] =	sst s1;
	(tag) =	ssettag s2;
	_ =	strace s9  }
0x27: {  	s1 =	sld [smem:$0x3FAB]  }
0x28: {  	s2 =	sld [smem:$0x3FAC]  }
0x29: {  	s4 =	sld [smem:$0x3FAE]  }
0x2a: {  	p0 =	seq.s32 s5, $0x0;
	s5 =	sld [smem:$0x3FAF]  }
0x2b: {  	s6 =	sld [smem:$0x3FB0]  }
0x2c: {  	s7 =	sld [smem:$0x3FB1]  }
0x2d: {  	s3 =	simm.s32 $0x108;
	s8 =	sld [smem:$0x3FB2]  }
0x2e: {  	s3 =	simm.s32 @!p0 $0x1082;
	s9 =	sld [smem:$0x3FB3]  }
0x2f: {  	lr =	sadd.s32 s0, s3;
	s0 =	sld [smem:$0x3FAA]  }
0x30: {  	s3 =	sld [smem:$0x3FAD]  }
0x31: {  	[smem:$0x3FB6] =	sst s10  }
0x32: {  	s10 =	sld [smem:$0x3FB4];
	_ =	sdelay $0x3  }
0x33: {  	p0 =	seq.s32 s10, $0x1;
	s10 =	sld [smem:$0x3FB6];
	_ =	sdelay $0x3  }
0x34: {  	[smem:$0x3FB6] =	sst s10  }
0x35: {  	s10 =	sld [smem:$0x3FB5];
	_ =	sdelay $0x3  }
0x36: {  	p1 =	seq.s32 s10, $0x1;
	s10 =	sld [smem:$0x3FB6];
	_ =	sdelay $0x3  }
0x37: {  	[smem:$0x3FB6] =	sst s10  }
0x38: {  	s10 =	sld [smem:$0x3FB7]  }
0x39: {  	_ = 	snop;
	(pc) =	sbr.ind lr, $3  }
0x3a: {  	_ = 	snop  }
0x3b: {  	_ = 	snop  }
0x3c: {  	p2 =	seq.s32 s10, $0x1;
	s10 =	sld [smem:$0x3FB6]  }
0x3d: {  	_ =	shalt  }
0x3e: {  	_ =	shalt  }
0x3f: {  	_ =	shalt  }
0x40: {  	_ =	shalt  }
0x41: {  	_ =	shalt  }
0x42: {  	_ =	shalt  }
0x43: {  	_ =	shalt  }
0x44: {  	_ =	shalt  }
0x45: {  	_ =	shalt  }
0x46: {  	_ =	shalt  }
0x47: {  	_ =	shalt  }
0x48: {  	_ =	shalt  }
0x49: {  	_ =	shalt  }
0x4a: {  	_ =	shalt  }
0x4b: {  	_ =	shalt  }
0x4c: {  	_ =	shalt  }
0x4d: {  	_ =	shalt  }
0x4e: {  	_ =	shalt  }
0x4f: {  	_ =	shalt  }
0x50: {  	_ =	shalt  }
0x51: {  	_ =	shalt  }
0x52: {  	_ =	shalt  }
0x53: {  	_ =	shalt  }
0x54: {  	_ =	shalt  }
0x55: {  	_ =	shalt  }
0x56: {  	_ =	shalt  }
0x57: {  	_ =	shalt  }
0x58: {  	_ =	shalt  }
0x59: {  	_ =	shalt  }
0x5a: {  	_ =	shalt  }
0x5b: {  	_ =	shalt  }
0x5c: {  	_ =	shalt  }
0x5d: {  	_ =	shalt  }
0x5e: {  	_ =	shalt  }
0x5f: {  	_ =	shalt  }
0x60: {  	_ =	shalt  }
0x61: {  	_ =	shalt  }
0x62: {  	_ =	shalt  }
0x63: {  	_ =	shalt  }
0x64: {  	_ =	shalt  }
0x65: {  	_ =	shalt  }
0x66: {  	_ =	shalt  }
0x67: {  	_ =	shalt  }
0x68: {  	_ =	shalt  }
0x69: {  	_ =	shalt  }
0x6a: {  	_ =	shalt  }
0x6b: {  	_ =	shalt  }
0x6c: {  	_ =	shalt  }
0x6d: {  	_ =	shalt  }
0x6e: {  	_ =	shalt  }
0x6f: {  	_ =	shalt  }
0x70: {  	_ =	shalt  }
0x71: {  	_ =	shalt  }
0x72: {  	_ =	shalt  }
0x73: {  	_ =	shalt  }
0x74: {  	_ =	shalt  }
0x75: {  	_ =	shalt  }
0x76: {  	_ =	shalt  }
0x77: {  	_ =	shalt  }
0x78: {  	_ =	shalt  }
0x79: {  	_ =	shalt  }
0x7a: {  	_ =	shalt  }
0x7b: {  	_ =	shalt  }
0x7c: {  	_ =	shalt  }
0x7d: {  	_ =	shalt  }
0x7e: {  	_ =	shalt  }
0x7f: {  	_ =	shalt  }
0x80: {  	_ =	shalt  }
0x81: {  	_ =	shalt  }
0x82: {  	_ =	shalt  }
0x83: {  	_ =	shalt  }
0x84: {  	_ =	shalt  }
0x85: {  	_ =	shalt  }
0x86: {  	_ =	shalt  }
0x87: {  	_ =	shalt  }
.Lfunc_end0:
.L_simem_size_0:
called_computation.1_lowered:
.L_overlay_start_0:
0x88: {  	s2 =	sld [smem:$0x3FD9]  }
0x89: {  	s3 =	sld [smem:$0x3FFE];
	_ =	sdelay $0x1  }
0x8a: {  	s1 =	srdreg.scid  }
0x8b: {  	s0 =	sand.u32 $0x1, s1  }
0x8c: {  	s17 =	sshll.u32 s0, $0xA;
	s2 =	sadd.s32 s3, s2  }
0x8d: {  	s2 =	sadd.s32 s2, s17  }
0x8e: {  	[smem:$0x3FC2] =	sst s2  }
0x8f: {  	_ = 	snop  }
0x90: {  	s2 =	sld [smem:$0x3FD0];
	(tm) =	ssettm $0x1  }
0x91: {  	s18 =	sld [smem:$0x3FFB];
	_ =	sdelay $0x3  }
0x92: {  	_ =	strace s18  }
0x93: {  	s3 =	sld [smem:$0x3FFC];
	_ =	sdelay $0x3  }
0x94: {  	_ =	strace s3  }
0x95: {  	s3 =	sld [smem:$0x3FFD];
	_ =	sdelay $0x3  }
0x96: {  	_ =	strace s3  }
0x97: {  	_ =	strace $0x8FFFFFFF  }
0x98: {  	s19 =	sld [smem:$0x3FDB];
	_ =	sdelay $0x1  }
0x99: {  	s4 =	simm.s32 $_scs_section_size  }
0x9a: {  	s5 =	simm.s32 $_size__tile_overlayer_lowered;
	s6 =	simm.s32 $_tile_overlayer_lowered  }
0x9b: {  	s22 =	simm.s32 $0x1BFF;
	s21 =	sshll.u32 s6, $0x1;
	s3 =	sadd.s32 s4, s19  }
0x9c: {  	s7 =	simm.s32 $0x0;
	s20 =	sshll.u32 s5, $0x1;
	s5 =	sadd.s32 s21, s3  }
0x9d: {  	[timem:s7], [sflag:s22] =	dma.local [hbm:s5], s20  }
0x9e: {  	_ =	swait.ge [sflag:s22], s20  }
0x9f: {  	s4 =	ssub.s32 $0x0, s20;
	[sflag:s22] =	ssyncset.done $0x0  }
0xa0: {  	[sflag:s22] =	ssyncadd.s32 s4;
	_ =	sdelay $0x1  }
0xa1: {  	s23 =	simm.s32 $0x1B8B  }
0xa2: {  	_ =	swait.ge [sflag:s23], $0x1  }
0xa3: {  	[sflag:s23] =	ssyncset.done $0x0  }
0xa4: {  	s25 =	simm.s32 $0x1B8E;
	s24 =	sld [smem:$0x3FFE];
	[sflag:s23] =	ssyncadd.s32 $0xFFFFFFFF  }
0xa5: {  	s26 =	simm.s32 $execute0_lowered;
	[smem:$0x3FD2] =	sst s25  }
0xa6: {  	s5 =	sshll.u32 s26, $0x1;
	_ =	strace $0x80000049;
	[dreg:$0x1] =	wrdreg $0xFFFFFFFF  }
0xa7: {  	s28 =	simm.s32 $_size_execute0_lowered;
	s3 =	sadd.s32 s3, s5;
	[dreg:$0x0] =	wrdreg $0x0  }
0xa8: {  	s5 =	sshll.u32 s28, $0x1;
	[dreg:$0x2] =	wrdreg s3  }
0xa9: {  	[dreg:$0x3] =	wrdreg s5  }
0xaa: {  	[dreg:$0x4] =	wrdreg $0xC0  }
0xab: {  	_ =	task [dreg:s7], $0x5FFFF  }
0xac: {  	[dreg:$0x1] =	wrdreg $0xFFFFFFFF  }
0xad: {  	[dreg:$0x0] =	wrdreg $0x60  }
0xae: {  	[dreg:$0x2] =	wrdreg s24  }
0xaf: {  	[dreg:$0x3] =	wrdreg s2  }
0xb0: {  	[dreg:$0x4] =	wrdreg $0x0  }
0xb1: {  	[dreg:$0x5] =	wrdreg $0x2800  }
0xb2: {  	[dreg:$0x6] =	wrdreg $0x9  }
0xb3: {  	_ =	task.clear_ibuf [dreg:s7], $0x7FFFF;
	_ =	strace $0x90000049  }
0xb4: {  	s29 =	simm.s32 $0x9;
	_ =	strace $0x8000004B  }
0xb5: {  	_ =	swait.ge [sflag:s29], $0x1  }
0xb6: {  	[sflag:s29] =	ssyncadd.s32 $0xFFFFFFFF  }
0xb7: {  	_ =	strace $0x9000004B  }
0xb8: {  	_ =	sfence  }
0xb9: {  	s30 =	sld [smem:$0x0];
	_ =	sdelay $0x2  }
0xba: {  	s31 =	sshll.u32 s1, $0xD;
	s1 =	sshrl.u32 s1, $0x2  }
0xbb: {  	s3 =	sand.u32 $0x4000, s31;
	s1 =	sadd.s32 s1, s30  }
0xbc: {  	s0 =	sor.u32 s3, s0;
	s1 =	sshll.u32 s1, $0x11  }
0xbd: {  	s0 =	sor.u32 s1, s0  }
0xbe: {  	s0 =	sadd.s32 $0x8F2B, s0  }
0xbf: {  	[sflag:s0] =	ssyncadd.remote.s32 $0x1  }
0xc0: {  	_ =	sfence.sel $0xFFFF  }
0xc1: {  	[dreg:$0x0] =	wrdreg $0xFFFFFFFF;
	(pc) =	sbr.abs _section_cstart, $3  }
0xc2: {  	[dreg:$0x1] =	wrdreg $0xFFFFFFFF  }
0xc3: {  	_ =	task.clear_ibuf [dreg:s7], $0x2FFFF;
	_ =	strace $0x9FFFFFFF  }
0xc4: {  	(tm) =	ssettm $0x7FFFFFFF  }
0xc5: {  	_ =	shalt  }
tec
execute0_lowered:
.L_overlay_start_1:
0x0: {  	(tag) =	ssettag $0x1  }
0x1: {  	s1 =	srdreg.scid  }
0x2: {  	s1 =	sand.u32 $0x1, s1  }
0x3: {  	s3 =	rddreg [dreg:$0x0];
	p0 =	seq.s32 s1, $0x1  }
.Ltmp0:
0x4: {  	s6 =	rddreg [dreg:$0x1];
	(pc) =	sbr.rel @p0 .LBB2_40-.Ltmp0, $4  }
0x5: {  	s5 =	rddreg [dreg:$0x2]  }
0x6: {  	s2 =	rddreg [dreg:$0x3];
	s4 =	simm.s32 $0x0  }
0x7: {  	[smem:$0x7FF] =	sst s4  }
0x8: {  	s0 =	rddreg [dreg:$0x4];
	_ =	strace $0x8000004A;
	s1 =	stileid.u32  }
0x9: {  	s7 =	smul.u32 $0x9D0, s1  }
0xa: {  	s8 =	sadd.s32 $0x5A000, s3  }
0xb: {  	s9 =	simm.s32 $0x2A80;
	s15 =	simm.s32 $0x1;
	s8 =	sadd.s32 s8, s7  }
0xc: {  	[tilespmem:s9], [sflag:$0x1] =	stream.linear.gather [hbm4b:s8+s4], $0x4E80, $0x38;
	[tilespmem:$0x1CC90] =	vst v63  }
0xd: {  	_ =	swait.ge [sflag:s15], $0x4E80  }
0xe: {  	s16 =	sadd.s32 $0x50200, s3;
	[sflag:s15] =	ssyncset.done $0x0  }
0xf: {  	s17 =	simm.s32 $0x7900;
	s7 =	sadd.s32 s16, s7;
	[sflag:s15] =	ssyncadd.s32 $0xFFFFB180  }
0x10: {  	[tilespmem:s17], [sflag:$0x1] =	stream.linear.gather [hbm4b:s7+s4], $0x4E80, $0x38;
	[tilespmem:$0x1CC90] =	vst v63  }
0x11: {  	_ =	swait.ge [sflag:s15], $0x4E80  }
0x12: {  	[sflag:s15] =	ssyncset.done $0x0  }
0x13: {  	s18 =	simm.s32 $0x1CB80;
	[sflag:s15] =	ssyncadd.s32 $0xFFFFB180  }
0x14: {  	[tilespmem:s18], [sflag:$0x1] =	stream.linear.gather [hbm4b:s6+s4], $0x100, $0x38;
	[tilespmem:$0x1CC90] =	vst v63  }
0x15: {  	_ =	swait.ge [sflag:s15], $0x100  }
0x16: {  	s19 =	sadd.s32 $0x8C400, s3;
	[sflag:s15] =	ssyncset.done $0x0  }
0x17: {  	s20 =	smul.u32 $0x280, s1;
	s21 =	simm.s32 $0x1CC80;
	[sflag:s15] =	ssyncadd.s32 $0xFFFFFF00  }
0x18: {  	[tilespmem:s21], [sflag:$0x1] =	stream.linear.gather [hbm4b:s19+s4], $0x10, $0x38;
	[tilespmem:$0x1CC90] =	vst v63  }
0x19: {  	s22 =	sadd.s32 $0x8BE00, s3;
	s10 =	simm.s32 $0x1C180;
	_ =	swait.ge [sflag:s15], $0x10  }
0x1a: {  	s24 =	smul.u32 $0xA000, s1;
	s23 =	sshrl.u32 s20, $0x3;
	[sflag:s15] =	ssyncset.done $0x0  }
0x1b: {  	s25 =	sadd.s32 $0x63E00, s3;
	s6 =	sadd.s32 s22, s23;
	[sflag:s15] =	ssyncadd.s32 $0xFFFFFFF0  }
0x1c: {  	[tilespmem:s10], [sflag:$0x1] =	stream.linear.gather [hbm4b:s6+s4], $0x280, $0x38;
	[tilespmem:$0x1CC90] =	vst v63  }
0x1d: {  	s30 =	simm.s32 $0x280;
	s31 =	simm.s32 $0x2800;
	_ =	swait.ge [sflag:s15], $0x280  }
0x1e: {  	s11 =	simm.s32 $0x11780;
	s28 =	sshrl.u32 s24, $0x2;
	[sflag:s15] =	ssyncset.done $0x0  }
0x1f: {  	s26 =	sadd.s32 s23, s3;
	s29 =	sadd.s32 s25, s23;
	[sflag:s15] =	ssyncadd.s32 $0xFFFFFD80  }
0x20: {  	[tilespmem:s11], [sflag:$0x1] =	stream.strided.gather [hbm4b:s29+s30], $0xA000, s31, s30, $0x38;
	[tilespmem:$0x1CC90] =	vst v63  }
0x21: {  	s3 =	sadd.s32 s20, s2;
	s8 =	simm.s32 $0x40;
	_ =	swait.ge [sflag:s15], $0xA000  }
0x22: {  	s7 =	simm.s32 $0x0;
	s6 =	sadd.s32 s20, s5;
	[sflag:s15] =	ssyncset.done $0x0  }
0x23: {  	v0 =	vimm.f32 $0.0e+00;
	s4 =	sadd.s32 s28, s2;
	s2 =	sadd.s32 $0x77E00, s26;
	[sflag:s15] =	ssyncadd.s32 $0xFFFF6000  }
.LBB2_2:
0x24: {  	p0 =	sne.s32 s8, $0x9C0;
	[tilespmem:s7+$0x1BF00] =	vst v0;
	s9 =	smov.u32 s8;
	s8 =	sadd.s32 $0x40, s8  }
.Ltmp1:
0x25: {  	[tilespmem:s7+$0x1BC80] =	vst v0;
	(pc) =	sbr.rel @p0 .LBB2_2-.Ltmp1, $3  }
0x26: {  	[tilespmem:s7+$0x1B780] =	vst v0  }
0x27: {  	[tilespmem:s7+$0x1BA00] =	vst v0;
	_ =	sdelay $0x1  }
0x28: {  	s7 =	sshra.s32 s9, $0x2  }
0x29: {  	[tilespmem:s7+$0x1BF00] =	vst v0  }
0x2a: {  	[tilespmem:s7+$0x1BC80] =	vst v0  }
0x2b: {  	[tilespmem:s7+$0x1B780] =	vst v0  }
0x2c: {  	[tilespmem:s7+$0x1BA00] =	vst v0;
	s7 =	simm.s32 $0x0;
	s8 =	simm.s32 $0x11780;
	s9 =	simm.s32 $0x1CB80  }
.LBB2_4:
0x2d: {  	v0 =	vmov s7;
	s31 =	sor.u32 $0xC0, s7  }
0x2e: {  	v4 =	vmov s31;
	_ =	sdelay $0x1  }
0x2f: {  	s10 =	sor.u32 $0x40, s7  }
0x30: {  	s30 =	sor.u32 $0x80, s7;
	v2 =	vmov s10  }
0x31: {  	v3 =	vmov s30;
	v1 =	vld.idx.msk [tilespmem:v0+s9+$0x0], $0xffff  }
0x32: {  	v0 =	vld.idx.msk [tilespmem:v4+s9+$0x0], $0xffff;
	v4 =	vmov s8;
	_ =	sdelay $0x2  }
0x33: {  	v2 =	vld.idx.msk [tilespmem:v2+s9+$0x0], $0xffff  }
0x34: {  	s11 =	simm.s32 $0x40;
	s10 =	simm.s32 $0x0;
	v3 =	vld.idx.msk [tilespmem:v3+s9+$0x0], $0xffff  }
.LBB2_5:
0x35: {  	p0 =	sne.s32 s11, $0x9C0;
	v5 =	vld.idx.msk [tilespmem:v4+s10+$0x0 ss:$0x1], $0xffff  }
0x36: {  	v6 =	vld [tilespmem:s10+$0x1BF00]  }
0x37: {  	v7 =	vld [tilespmem:s10+$0x1BA00]  }
0x38: {  	v8 =	vld [tilespmem:s10+$0x1B780]  }
0x39: {  	v9 =	vld [tilespmem:s10+$0x1BC80];
	_ =	sdelay $0x1  }
0x3a: {  	v10 =	vmul.f32 v5, v1;
	v11 =	vmul.f32 v5, v2  }
0x3b: {  	v12 =	vmul.f32 v5, v3;
	v5 =	vmul.f32 v5, v0  }
0x3c: {  	v7 =	vadd.f32 v7, v11;
	v8 =	vadd.f32 v10, v8  }
.Ltmp2:
0x3d: {  	v5 =	vadd.f32 v6, v5;
	v9 =	vadd.f32 v9, v12;
	(pc) =	sbr.rel @p0 .LBB2_5-.Ltmp2, $4  }
0x3e: {  	[tilespmem:s10+$0x1B780] =	vst v8  }
0x3f: {  	[tilespmem:s10+$0x1BA00] =	vst v7  }
0x40: {  	[tilespmem:s10+$0x1BC80] =	vst v9  }
0x41: {  	[tilespmem:s10+$0x1BF00] =	vst v5;
	s10 =	sshra.s32 s11, $0x2;
	s11 =	sadd.s32 $0x40, s11  }
0x42: {  	_ =	sdelay $0x3  }
0x43: {  	v4 =	vld.idx.msk [tilespmem:v4+s10+$0x0 ss:$0x1], $0xffff;
	_ =	sdelay $0x1  }
0x44: {  	v5 =	vld [tilespmem:s10+$0x1B780]  }
0x45: {  	v6 =	vld [tilespmem:s10+$0x1BA00]  }
0x46: {  	v7 =	vld [tilespmem:s10+$0x1BC80]  }
0x47: {  	v8 =	vld [tilespmem:s10+$0x1BF00];
	v1 =	vmul.f32 v4, v1  }
0x48: {  	s7 =	sadd.s32 $0x1, s7;
	v2 =	vmul.f32 v4, v2  }
0x49: {  	p0 =	sne.s32 s7, $0x40;
	v3 =	vmul.f32 v4, v3;
	v1 =	vadd.f32 v1, v5  }
.Ltmp3:
0x4a: {  	v0 =	vmul.f32 v4, v0;
	v2 =	vadd.f32 v6, v2;
	(pc) =	sbr.rel @p0 .LBB2_4-.Ltmp3, $4  }
0x4b: {  	v3 =	vadd.f32 v7, v3;
	[tilespmem:s10+$0x1B780] =	vst v1  }
0x4c: {  	v0 =	vadd.f32 v8, v0;
	[tilespmem:s10+$0x1BA00] =	vst v2  }
0x4d: {  	[tilespmem:s10+$0x1BC80] =	vst v3  }
0x4e: {  	s8 =	sadd.s32 $0x280, s8;
	[tilespmem:s10+$0x1BF00] =	vst v0  }
0x4f: {  	s7 =	simm.s32 $0x0  }
0x50: {  	v0 =	vld [tilespmem:s7+$0x1C180]  }
0x51: {  	s8 =	simm.s32 $0x40;
	v1 =	vld [tilespmem:s7+$0x1BF00]  }
.LBB2_8:
0x52: {  	_ = 	snop  }
0x53: {  	p0 =	sne.s32 s8, $0x9C0  }
.Ltmp4:
0x54: {  	_ = 	snop;
	(pc) =	sbr.rel @p0 .LBB2_8-.Ltmp4, $4  }
0x55: {  	_ = 	snop  }
0x56: {  	s9 =	sshra.s32 s8, $0x2;
	v2 =	vmul.f32 v1, v0  }
0x57: {  	v0 =	vld [tilespmem:s9+$0x1C180]  }
0x58: {  	s8 =	sadd.s32 $0x40, s8;
	v1 =	vld [tilespmem:s9+$0x1BF00];
	[tilespmem:s7+$0x1C900] =	vst v2;
	s7 =	smov.u32 s9  }
0x59: {  	_ =	sdelay $0x3  }
0x5a: {  	v0 =	vmul.f32 v1, v0;
	_ =	sdelay $0x1  }
0x5b: {  	s30 =	simm.s32 $0x1C900;
	s31 =	simm.s32 $0x1;
	[tilespmem:s7+$0x1C900] =	vst v0  }
0x5c: {  	[spmem:s6] =	stream.linear.scatter [tilespmem:s30], [sflag:$0x1], $0x280, $0x38;
	[tilespmem:$0x1CC90] =	vst v63  }
0x5d: {  	_ =	swait.ge [sflag:s31], $0x280  }
0x5e: {  	[sflag:s31] =	ssyncset.done $0x0  }
0x5f: {  	[sflag:s31] =	ssyncadd.s32 $0xFFFFFD80  }
0x60: {  	s8 =	simm.s32 $0xC780;
	[bflag:$0x0] =	sbarrier.arrive $0xFFFF  }
0x61: {  	[tilespmem:s8], [sflag:$0x1] =	stream.linear.gather [spmem:s5], $0x2800, $0x38;
	[tilespmem:$0x1CC90] =	vst v63  }
0x62: {  	_ =	swait.ge [sflag:s31], $0x2800  }
0x63: {  	[sflag:s31] =	ssyncset.done $0x0  }
0x64: {  	v0 =	vimm.f32 $0.0e+00;
	s7 =	simm.s32 $0x40;
	s8 =	simm.s32 $0x0;
	[sflag:s31] =	ssyncadd.s32 $0xFFFFD800  }
.LBB2_10:
0x65: {  	p0 =	sne.s32 s7, $0x9FC0;
	[tilespmem:s8+$0xEF80] =	vst v0;
	s8 =	smov.u32 s7;
	s7 =	sadd.s32 $0x40, s7  }
.Ltmp5:
0x66: {  	(pc) =	sbr.rel @p0 .LBB2_10-.Ltmp5, $2  }
0x67: {  	_ =	sdelay $0x2  }
0x68: {  	s8 =	sshra.s32 s8, $0x2  }
0x69: {  	[tilespmem:s8+$0xEF80] =	vst v0;
	s7 =	simm.s32 $0x0;
	s8 =	simm.s32 $0xC780;
	s9 =	simm.s32 $0xEF80  }
.LBB2_12:
0x6a: {  	s10 =	sshra.s32 s7, $0x2  }
0x6b: {  	v0 =	vld [tilespmem:s10+$0x2A80];
	_ =	sdelay $0x4  }
0x6c: {  	v1 =	vld [tilespmem:s10+$0x7900];
	_ =	sdelay $0x2  }
0x6d: {  	v0 =	vld.idx.msk [tilespmem:v0+s8+$0x0], $0xffff;
	_ =	sdelay $0x4  }
0x6e: {  	[tilespmem:v1+s9+$0x0] =	vst.idx.add.f32.msk $0xffff, v0  }
0x6f: {  	v0 =	vld [tilespmem:s10+$0x2A90];
	_ =	sdelay $0x4  }
0x70: {  	v1 =	vld [tilespmem:s10+$0x7910];
	_ =	sdelay $0x2  }
0x71: {  	v0 =	vld.idx.msk [tilespmem:v0+s8+$0x0], $0xffff;
	_ =	sdelay $0x4  }
0x72: {  	[tilespmem:v1+s9+$0x0] =	vst.idx.add.f32.msk $0xffff, v0  }
0x73: {  	v0 =	vld [tilespmem:s10+$0x2AA0];
	_ =	sdelay $0x4  }
0x74: {  	v1 =	vld [tilespmem:s10+$0x7920];
	_ =	sdelay $0x2  }
0x75: {  	v0 =	vld.idx.msk [tilespmem:v0+s8+$0x0], $0xffff;
	_ =	sdelay $0x4  }
0x76: {  	[tilespmem:v1+s9+$0x0] =	vst.idx.add.f32.msk $0xffff, v0  }
0x77: {  	v0 =	vld [tilespmem:s10+$0x2AB0];
	_ =	sdelay $0x4  }
0x78: {  	v1 =	vld [tilespmem:s10+$0x7930];
	_ =	sdelay $0x2  }
0x79: {  	v0 =	vld.idx.msk [tilespmem:v0+s8+$0x0], $0xffff;
	_ =	sdelay $0x4  }
0x7a: {  	[tilespmem:v1+s9+$0x0] =	vst.idx.add.f32.msk $0xffff, v0  }
0x7b: {  	v0 =	vld [tilespmem:s10+$0x2AC0];
	_ =	sdelay $0x4  }
0x7c: {  	v1 =	vld [tilespmem:s10+$0x7940];
	_ =	sdelay $0x2  }
0x7d: {  	v0 =	vld.idx.msk [tilespmem:v0+s8+$0x0], $0xffff;
	_ =	sdelay $0x4  }
0x7e: {  	[tilespmem:v1+s9+$0x0] =	vst.idx.add.f32.msk $0xffff, v0  }
0x7f: {  	v0 =	vld [tilespmem:s10+$0x2AD0];
	_ =	sdelay $0x4  }
0x80: {  	v1 =	vld [tilespmem:s10+$0x7950];
	_ =	sdelay $0x2  }
0x81: {  	v0 =	vld.idx.msk [tilespmem:v0+s8+$0x0], $0xffff;
	_ =	sdelay $0x4  }
0x82: {  	[tilespmem:v1+s9+$0x0] =	vst.idx.add.f32.msk $0xffff, v0  }
0x83: {  	v0 =	vld [tilespmem:s10+$0x2AE0];
	_ =	sdelay $0x4  }
0x84: {  	v1 =	vld [tilespmem:s10+$0x7960];
	_ =	sdelay $0x2  }
0x85: {  	v0 =	vld.idx.msk [tilespmem:v0+s8+$0x0], $0xffff;
	_ =	sdelay $0x4  }
0x86: {  	[tilespmem:v1+s9+$0x0] =	vst.idx.add.f32.msk $0xffff, v0  }
0x87: {  	v0 =	vld [tilespmem:s10+$0x2AF0];
	_ =	sdelay $0x4  }
0x88: {  	v1 =	vld [tilespmem:s10+$0x7970];
	_ =	sdelay $0x2  }
0x89: {  	p0 =	sne.s32 s7, $0x13800;
	v0 =	vld.idx.msk [tilespmem:v0+s8+$0x0], $0xffff  }
.Ltmp6:
0x8a: {  	_ = 	snop;
	(pc) =	sbr.rel @p0 .LBB2_12-.Ltmp6, $2  }
0x8b: {  	_ =	sdelay $0x2  }
0x8c: {  	s7 =	sadd.s32 $0x200, s7;
	[tilespmem:v1+s9+$0x0] =	vst.idx.add.f32.msk $0xffff, v0  }
0x8d: {  	s7 =	simm.s32 $0xEF80  }
0x8e: {  	[spmem:s4] =	stream.linear.scatter [tilespmem:s7], [sflag:$0x1], $0x2800, $0x38;
	[tilespmem:$0x1CC90] =	vst v63  }
0x8f: {  	s7 =	simm.s32 $0x1  }
0x90: {  	_ =	swait.ge [sflag:s7], $0x2800  }
0x91: {  	[sflag:s7] =	ssyncset.done $0x0  }
0x92: {  	[sflag:s7] =	ssyncadd.s32 $0xFFFFD800  }
0x93: {  	v0 =	vimm.f32 $0.0e+00;
	[bflag:$0x0] =	sbarrier.arrive $0xFFFF  }
0x94: {  	[tilespmem:$0x1C400] =	vst v0  }
0x95: {  	[tilespmem:$0x1C410] =	vst v0  }
0x96: {  	[tilespmem:$0x1C420] =	vst v0  }
0x97: {  	[tilespmem:$0x1C430] =	vst v0  }
0x98: {  	[tilespmem:$0x1C440] =	vst v0  }
0x99: {  	[tilespmem:$0x1C450] =	vst v0  }
0x9a: {  	[tilespmem:$0x1C460] =	vst v0  }
0x9b: {  	[tilespmem:$0x1C470] =	vst v0  }
0x9c: {  	[tilespmem:$0x1C480] =	vst v0  }
0x9d: {  	[tilespmem:$0x1C490] =	vst v0  }
0x9e: {  	[tilespmem:$0x1C4A0] =	vst v0  }
0x9f: {  	[tilespmem:$0x1C4B0] =	vst v0  }
0xa0: {  	[tilespmem:$0x1C4C0] =	vst v0  }
0xa1: {  	[tilespmem:$0x1C4D0] =	vst v0  }
0xa2: {  	[tilespmem:$0x1C4E0] =	vst v0  }
0xa3: {  	[tilespmem:$0x1C4F0] =	vst v0  }
0xa4: {  	[tilespmem:$0x1C500] =	vst v0  }
0xa5: {  	[tilespmem:$0x1C510] =	vst v0  }
0xa6: {  	[tilespmem:$0x1C520] =	vst v0  }
0xa7: {  	[tilespmem:$0x1C530] =	vst v0  }
0xa8: {  	[tilespmem:$0x1C540] =	vst v0  }
0xa9: {  	[tilespmem:$0x1C550] =	vst v0  }
0xaa: {  	[tilespmem:$0x1C560] =	vst v0  }
0xab: {  	[tilespmem:$0x1C570] =	vst v0  }
0xac: {  	[tilespmem:$0x1C580] =	vst v0  }
0xad: {  	[tilespmem:$0x1C590] =	vst v0  }
0xae: {  	[tilespmem:$0x1C5A0] =	vst v0  }
0xaf: {  	[tilespmem:$0x1C5B0] =	vst v0  }
0xb0: {  	[tilespmem:$0x1C5C0] =	vst v0  }
0xb1: {  	[tilespmem:$0x1C5D0] =	vst v0  }
0xb2: {  	[tilespmem:$0x1C5E0] =	vst v0  }
0xb3: {  	[tilespmem:$0x1C5F0] =	vst v0  }
0xb4: {  	[tilespmem:$0x1C600] =	vst v0  }
0xb5: {  	[tilespmem:$0x1C610] =	vst v0  }
0xb6: {  	[tilespmem:$0x1C620] =	vst v0  }
0xb7: {  	[tilespmem:$0x1C630] =	vst v0  }
0xb8: {  	[tilespmem:$0x1C640] =	vst v0  }
0xb9: {  	[tilespmem:$0x1C650] =	vst v0  }
0xba: {  	[tilespmem:$0x1C660] =	vst v0  }
0xbb: {  	s8 =	simm.s32 $0x0;
	s9 =	simm.s32 $0x1C680;
	[tilespmem:$0x1C670] =	vst v0  }
.LBB2_14:
0xbc: {  	s10 =	smul.u32 $0xA000, s8;
	_ =	sdelay $0x1  }
0xbd: {  	s10 =	sshra.s32 s10, $0x2  }
0xbe: {  	s10 =	sadd.s32 s10, s3  }
0xbf: {  	[tilespmem:s9], [sflag:$0x1] =	stream.linear.gather [spmem:s10], $0x280, $0x38;
	[tilespmem:$0x1CC90] =	vst v63  }
0xc0: {  	_ =	swait.ge [sflag:s7], $0x280  }
0xc1: {  	[sflag:s7] =	ssyncset.done $0x0  }
0xc2: {  	s10 =	simm.s32 $0x0;
	[sflag:s7] =	ssyncadd.s32 $0xFFFFFD80  }
0xc3: {  	s11 =	simm.s32 $0x40;
	v0 =	vld [tilespmem:s10+$0x1C680]  }
.LBB2_15:
0xc4: {  	p0 =	sne.s32 s11, $0x9C0;
	v1 =	vld [tilespmem:s10+$0x1C400];
	_ =	sdelay $0x2  }
.Ltmp7:
0xc5: {  	(pc) =	sbr.rel @p0 .LBB2_15-.Ltmp7, $4  }
0xc6: {  	_ = 	snop  }
0xc7: {  	v1 =	vadd.f32 v0, v1  }
0xc8: {  	s12 =	sshra.s32 s11, $0x2  }
0xc9: {  	s11 =	sadd.s32 $0x40, s11;
	v0 =	vld [tilespmem:s12+$0x1C680];
	[tilespmem:s10+$0x1C400] =	vst v1;
	s10 =	smov.u32 s12  }
0xca: {  	v1 =	vld [tilespmem:s10+$0x1C400]  }
0xcb: {  	s8 =	sadd.s32 $0x1, s8  }
0xcc: {  	p0 =	sne.s32 s8, $0x10  }
.Ltmp8:
0xcd: {  	_ = 	snop;
	(pc) =	sbr.rel @p0 .LBB2_14-.Ltmp8, $3  }
0xce: {  	_ = 	snop  }
0xcf: {  	v0 =	vadd.f32 v0, v1;
	_ =	sdelay $0x1  }
0xd0: {  	[tilespmem:s10+$0x1C400] =	vst v0  }
0xd1: {  	s7 =	simm.s32 $0x0  }
0xd2: {  	v1 =	vld [tilespmem:s7+$0x1C180]  }
0xd3: {  	v2 =	vld [tilespmem:s7+$0x1BC80]  }
0xd4: {  	v3 =	vld [tilespmem:s7+$0x1C400];
	_ =	sdelay $0x2  }
0xd5: {  	s8 =	simm.s32 $0x10;
	v4 =	vmul.f32 v1, v1  }
0xd6: {  	v0 =	vld [tilespmem:s8+$0x1C180]  }
0xd7: {  	v5 =	vmul.f32 v2, v1;
	v1 =	vld [tilespmem:s8+$0x1BC80];
	v3 =	vmul.f32 v3, v4  }
0xd8: {  	v2 =	vld [tilespmem:s8+$0x1C400]  }
0xd9: {  	s9 =	simm.s32 $0x80;
	v3 =	vadd.f32 v3, v5  }
.LBB2_18:
0xda: {  	p0 =	sne.s32 s9, $0x9C0  }
.Ltmp9:
0xdb: {  	s10 =	sshra.s32 s9, $0x2;
	s9 =	sadd.s32 $0x40, s9;
	v4 =	vmul.f32 v0, v0;
	[tilespmem:s7+$0x1C900] =	vst v3;
	v3 =	vmov v0;
	(pc) =	sbr.rel @p0 .LBB2_18-.Ltmp9, $4  }
0xdc: {  	s7 =	smov.u32 s8;
	s8 =	smov.u32 s10;
	v0 =	vld [tilespmem:s10+$0x1C180]  }
0xdd: {  	v3 =	vmul.f32 v1, v3;
	v1 =	vld [tilespmem:s8+$0x1BC80];
	v4 =	vmul.f32 v2, v4  }
0xde: {  	v2 =	vld [tilespmem:s8+$0x1C400]  }
0xdf: {  	v3 =	vadd.f32 v4, v3  }
0xe0: {  	_ = 	snop  }
0xe1: {  	v4 =	vmul.f32 v0, v0;
	_ =	sdelay $0x1  }
0xe2: {  	v0 =	vmul.f32 v1, v0;
	v1 =	vmul.f32 v2, v4;
	_ =	sdelay $0x1  }
0xe3: {  	v0 =	vadd.f32 v1, v0  }
0xe4: {  	[tilespmem:s7+$0x1C900] =	vst v3  }
0xe5: {  	s29 =	simm.s32 $0x1C900;
	s30 =	simm.s32 $0x1;
	[tilespmem:s8+$0x1C900] =	vst v0  }
0xe6: {  	[spmem:s6] =	stream.linear.scatter [tilespmem:s29], [sflag:$0x1], $0x280, $0x38;
	[tilespmem:$0x1CC90] =	vst v63  }
0xe7: {  	_ =	swait.ge [sflag:s30], $0x280  }
0xe8: {  	[sflag:s30] =	ssyncset.done $0x0  }
0xe9: {  	[sflag:s30] =	ssyncadd.s32 $0xFFFFFD80  }
0xea: {  	s31 =	simm.s32 $0xC780;
	[bflag:$0x0] =	sbarrier.arrive $0xFFFF  }
0xeb: {  	[tilespmem:s31], [sflag:$0x1] =	stream.linear.gather [spmem:s5], $0x2800, $0x38;
	[tilespmem:$0x1CC90] =	vst v63  }
0xec: {  	_ =	swait.ge [sflag:s30], $0x2800  }
0xed: {  	[sflag:s30] =	ssyncset.done $0x0  }
0xee: {  	s7 =	simm.s32 $0x40;
	v0 =	vimm.f32 $0.0e+00;
	s8 =	simm.s32 $0x0;
	[sflag:s30] =	ssyncadd.s32 $0xFFFFD800  }
.LBB2_20:
0xef: {  	p0 =	sne.s32 s7, $0x9FC0;
	[tilespmem:s8+$0xEF80] =	vst v0;
	s8 =	smov.u32 s7;
	s7 =	sadd.s32 $0x40, s7  }
.Ltmp10:
0xf0: {  	(pc) =	sbr.rel @p0 .LBB2_20-.Ltmp10, $2  }
0xf1: {  	_ =	sdelay $0x2  }
0xf2: {  	s8 =	sshra.s32 s8, $0x2  }
0xf3: {  	[tilespmem:s8+$0xEF80] =	vst v0;
	s7 =	simm.s32 $0x0;
	s8 =	simm.s32 $0xC780;
	s9 =	simm.s32 $0xEF80  }
.LBB2_22:
0xf4: {  	s10 =	sshra.s32 s7, $0x2  }
0xf5: {  	v0 =	vld [tilespmem:s10+$0x2A80];
	_ =	sdelay $0x4  }
0xf6: {  	v1 =	vld [tilespmem:s10+$0x7900];
	_ =	sdelay $0x2  }
0xf7: {  	v0 =	vld.idx.msk [tilespmem:v0+s8+$0x0], $0xffff;
	_ =	sdelay $0x4  }
0xf8: {  	[tilespmem:v1+s9+$0x0] =	vst.idx.add.f32.msk $0xffff, v0  }
0xf9: {  	v0 =	vld [tilespmem:s10+$0x2A90];
	_ =	sdelay $0x4  }
0xfa: {  	v1 =	vld [tilespmem:s10+$0x7910];
	_ =	sdelay $0x2  }
0xfb: {  	v0 =	vld.idx.msk [tilespmem:v0+s8+$0x0], $0xffff;
	_ =	sdelay $0x4  }
0xfc: {  	[tilespmem:v1+s9+$0x0] =	vst.idx.add.f32.msk $0xffff, v0  }
0xfd: {  	v0 =	vld [tilespmem:s10+$0x2AA0];
	_ =	sdelay $0x4  }
0xfe: {  	v1 =	vld [tilespmem:s10+$0x7920];
	_ =	sdelay $0x2  }
0xff: {  	v0 =	vld.idx.msk [tilespmem:v0+s8+$0x0], $0xffff;
	_ =	sdelay $0x4  }
0x100: {  	[tilespmem:v1+s9+$0x0] =	vst.idx.add.f32.msk $0xffff, v0  }
0x101: {  	v0 =	vld [tilespmem:s10+$0x2AB0];
	_ =	sdelay $0x4  }
0x102: {  	v1 =	vld [tilespmem:s10+$0x7930];
	_ =	sdelay $0x2  }
0x103: {  	v0 =	vld.idx.msk [tilespmem:v0+s8+$0x0], $0xffff;
	_ =	sdelay $0x4  }
0x104: {  	[tilespmem:v1+s9+$0x0] =	vst.idx.add.f32.msk $0xffff, v0  }
0x105: {  	v0 =	vld [tilespmem:s10+$0x2AC0];
	_ =	sdelay $0x4  }
0x106: {  	v1 =	vld [tilespmem:s10+$0x7940];
	_ =	sdelay $0x2  }
0x107: {  	v0 =	vld.idx.msk [tilespmem:v0+s8+$0x0], $0xffff;
	_ =	sdelay $0x4  }
0x108: {  	[tilespmem:v1+s9+$0x0] =	vst.idx.add.f32.msk $0xffff, v0  }
0x109: {  	v0 =	vld [tilespmem:s10+$0x2AD0];
	_ =	sdelay $0x4  }
0x10a: {  	v1 =	vld [tilespmem:s10+$0x7950];
	_ =	sdelay $0x2  }
0x10b: {  	v0 =	vld.idx.msk [tilespmem:v0+s8+$0x0], $0xffff;
	_ =	sdelay $0x4  }
0x10c: {  	[tilespmem:v1+s9+$0x0] =	vst.idx.add.f32.msk $0xffff, v0  }
0x10d: {  	v0 =	vld [tilespmem:s10+$0x2AE0];
	_ =	sdelay $0x4  }
0x10e: {  	v1 =	vld [tilespmem:s10+$0x7960];
	_ =	sdelay $0x2  }
0x10f: {  	v0 =	vld.idx.msk [tilespmem:v0+s8+$0x0], $0xffff;
	_ =	sdelay $0x4  }
0x110: {  	[tilespmem:v1+s9+$0x0] =	vst.idx.add.f32.msk $0xffff, v0  }
0x111: {  	v0 =	vld [tilespmem:s10+$0x2AF0];
	_ =	sdelay $0x4  }
0x112: {  	v1 =	vld [tilespmem:s10+$0x7970];
	_ =	sdelay $0x2  }
0x113: {  	p0 =	sne.s32 s7, $0x13800;
	v0 =	vld.idx.msk [tilespmem:v0+s8+$0x0], $0xffff  }
.Ltmp11:
0x114: {  	_ = 	snop;
	(pc) =	sbr.rel @p0 .LBB2_22-.Ltmp11, $2  }
0x115: {  	_ =	sdelay $0x2  }
0x116: {  	s7 =	sadd.s32 $0x200, s7;
	[tilespmem:v1+s9+$0x0] =	vst.idx.add.f32.msk $0xffff, v0  }
0x117: {  	s7 =	simm.s32 $0xEF80  }
0x118: {  	[spmem:s4] =	stream.linear.scatter [tilespmem:s7], [sflag:$0x1], $0x2800, $0x38;
	[tilespmem:$0x1CC90] =	vst v63  }
0x119: {  	s7 =	simm.s32 $0x1  }
0x11a: {  	_ =	swait.ge [sflag:s7], $0x2800  }
0x11b: {  	[sflag:s7] =	ssyncset.done $0x0  }
0x11c: {  	[sflag:s7] =	ssyncadd.s32 $0xFFFFD800  }
0x11d: {  	v0 =	vimm.f32 $0.0e+00;
	[bflag:$0x0] =	sbarrier.arrive $0xFFFF  }
0x11e: {  	[tilespmem:$0x1C400] =	vst v0  }
0x11f: {  	[tilespmem:$0x1C410] =	vst v0  }
0x120: {  	[tilespmem:$0x1C420] =	vst v0  }
0x121: {  	[tilespmem:$0x1C430] =	vst v0  }
0x122: {  	[tilespmem:$0x1C440] =	vst v0  }
0x123: {  	[tilespmem:$0x1C450] =	vst v0  }
0x124: {  	[tilespmem:$0x1C460] =	vst v0  }
0x125: {  	[tilespmem:$0x1C470] =	vst v0  }
0x126: {  	[tilespmem:$0x1C480] =	vst v0  }
0x127: {  	[tilespmem:$0x1C490] =	vst v0  }
0x128: {  	[tilespmem:$0x1C4A0] =	vst v0  }
0x129: {  	[tilespmem:$0x1C4B0] =	vst v0  }
0x12a: {  	[tilespmem:$0x1C4C0] =	vst v0  }
0x12b: {  	[tilespmem:$0x1C4D0] =	vst v0  }
0x12c: {  	[tilespmem:$0x1C4E0] =	vst v0  }
0x12d: {  	[tilespmem:$0x1C4F0] =	vst v0  }
0x12e: {  	[tilespmem:$0x1C500] =	vst v0  }
0x12f: {  	[tilespmem:$0x1C510] =	vst v0  }
0x130: {  	[tilespmem:$0x1C520] =	vst v0  }
0x131: {  	[tilespmem:$0x1C530] =	vst v0  }
0x132: {  	[tilespmem:$0x1C540] =	vst v0  }
0x133: {  	[tilespmem:$0x1C550] =	vst v0  }
0x134: {  	[tilespmem:$0x1C560] =	vst v0  }
0x135: {  	[tilespmem:$0x1C570] =	vst v0  }
0x136: {  	[tilespmem:$0x1C580] =	vst v0  }
0x137: {  	[tilespmem:$0x1C590] =	vst v0  }
0x138: {  	[tilespmem:$0x1C5A0] =	vst v0  }
0x139: {  	[tilespmem:$0x1C5B0] =	vst v0  }
0x13a: {  	[tilespmem:$0x1C5C0] =	vst v0  }
0x13b: {  	[tilespmem:$0x1C5D0] =	vst v0  }
0x13c: {  	[tilespmem:$0x1C5E0] =	vst v0  }
0x13d: {  	[tilespmem:$0x1C5F0] =	vst v0  }
0x13e: {  	[tilespmem:$0x1C600] =	vst v0  }
0x13f: {  	[tilespmem:$0x1C610] =	vst v0  }
0x140: {  	[tilespmem:$0x1C620] =	vst v0  }
0x141: {  	[tilespmem:$0x1C630] =	vst v0  }
0x142: {  	[tilespmem:$0x1C640] =	vst v0  }
0x143: {  	[tilespmem:$0x1C650] =	vst v0  }
0x144: {  	[tilespmem:$0x1C660] =	vst v0  }
0x145: {  	s8 =	simm.s32 $0x0;
	s9 =	simm.s32 $0x1C680;
	[tilespmem:$0x1C670] =	vst v0  }
.LBB2_24:
0x146: {  	s10 =	smul.u32 $0xA000, s8;
	_ =	sdelay $0x1  }
0x147: {  	s10 =	sshra.s32 s10, $0x2  }
0x148: {  	s10 =	sadd.s32 s10, s3  }
0x149: {  	[tilespmem:s9], [sflag:$0x1] =	stream.linear.gather [spmem:s10], $0x280, $0x38;
	[tilespmem:$0x1CC90] =	vst v63  }
0x14a: {  	_ =	swait.ge [sflag:s7], $0x280  }
0x14b: {  	[sflag:s7] =	ssyncset.done $0x0  }
0x14c: {  	s10 =	simm.s32 $0x0;
	[sflag:s7] =	ssyncadd.s32 $0xFFFFFD80  }
0x14d: {  	s11 =	simm.s32 $0x40;
	v0 =	vld [tilespmem:s10+$0x1C680]  }
.LBB2_25:
0x14e: {  	p0 =	sne.s32 s11, $0x9C0;
	v1 =	vld [tilespmem:s10+$0x1C400];
	_ =	sdelay $0x2  }
.Ltmp12:
0x14f: {  	(pc) =	sbr.rel @p0 .LBB2_25-.Ltmp12, $4  }
0x150: {  	_ = 	snop  }
0x151: {  	v1 =	vadd.f32 v0, v1  }
0x152: {  	s12 =	sshra.s32 s11, $0x2  }
0x153: {  	s11 =	sadd.s32 $0x40, s11;
	v0 =	vld [tilespmem:s12+$0x1C680];
	[tilespmem:s10+$0x1C400] =	vst v1;
	s10 =	smov.u32 s12  }
0x154: {  	v1 =	vld [tilespmem:s10+$0x1C400]  }
0x155: {  	s8 =	sadd.s32 $0x1, s8  }
0x156: {  	p0 =	sne.s32 s8, $0x10  }
.Ltmp13:
0x157: {  	_ = 	snop;
	(pc) =	sbr.rel @p0 .LBB2_24-.Ltmp13, $3  }
0x158: {  	_ = 	snop  }
0x159: {  	v0 =	vadd.f32 v0, v1;
	_ =	sdelay $0x1  }
0x15a: {  	[tilespmem:s10+$0x1C400] =	vst v0  }
0x15b: {  	s7 =	simm.s32 $0x0  }
0x15c: {  	v1 =	vld [tilespmem:s7+$0x1C180]  }
0x15d: {  	v2 =	vld [tilespmem:s7+$0x1BA00]  }
0x15e: {  	v3 =	vld [tilespmem:s7+$0x1C400];
	_ =	sdelay $0x2  }
0x15f: {  	s8 =	simm.s32 $0x10;
	v4 =	vmul.f32 v1, v1  }
0x160: {  	v0 =	vld [tilespmem:s8+$0x1C180]  }
0x161: {  	v5 =	vmul.f32 v2, v1;
	v1 =	vld [tilespmem:s8+$0x1BA00];
	v3 =	vmul.f32 v3, v4  }
0x162: {  	v2 =	vld [tilespmem:s8+$0x1C400]  }
0x163: {  	s9 =	simm.s32 $0x80;
	v3 =	vadd.f32 v3, v5  }
.LBB2_28:
0x164: {  	p0 =	sne.s32 s9, $0x9C0  }
.Ltmp14:
0x165: {  	s10 =	sshra.s32 s9, $0x2;
	s9 =	sadd.s32 $0x40, s9;
	v4 =	vmul.f32 v0, v0;
	[tilespmem:s7+$0x1C900] =	vst v3;
	v3 =	vmov v0;
	(pc) =	sbr.rel @p0 .LBB2_28-.Ltmp14, $4  }
0x166: {  	s7 =	smov.u32 s8;
	s8 =	smov.u32 s10;
	v0 =	vld [tilespmem:s10+$0x1C180]  }
0x167: {  	v3 =	vmul.f32 v1, v3;
	v1 =	vld [tilespmem:s8+$0x1BA00];
	v4 =	vmul.f32 v2, v4  }
0x168: {  	v2 =	vld [tilespmem:s8+$0x1C400]  }
0x169: {  	v3 =	vadd.f32 v4, v3  }
0x16a: {  	_ = 	snop  }
0x16b: {  	v4 =	vmul.f32 v0, v0;
	_ =	sdelay $0x1  }
0x16c: {  	v0 =	vmul.f32 v1, v0;
	v1 =	vmul.f32 v2, v4;
	_ =	sdelay $0x1  }
0x16d: {  	v0 =	vadd.f32 v1, v0  }
0x16e: {  	[tilespmem:s7+$0x1C900] =	vst v3  }
0x16f: {  	s29 =	simm.s32 $0x1C900;
	s30 =	simm.s32 $0x1;
	[tilespmem:s8+$0x1C900] =	vst v0  }
0x170: {  	[spmem:s6] =	stream.linear.scatter [tilespmem:s29], [sflag:$0x1], $0x280, $0x38;
	[tilespmem:$0x1CC90] =	vst v63  }
0x171: {  	_ =	swait.ge [sflag:s30], $0x280  }
0x172: {  	[sflag:s30] =	ssyncset.done $0x0  }
0x173: {  	[sflag:s30] =	ssyncadd.s32 $0xFFFFFD80  }
0x174: {  	s31 =	simm.s32 $0xC780;
	[bflag:$0x0] =	sbarrier.arrive $0xFFFF  }
0x175: {  	[tilespmem:s31], [sflag:$0x1] =	stream.linear.gather [spmem:s5], $0x2800, $0x38;
	[tilespmem:$0x1CC90] =	vst v63  }
0x176: {  	_ =	swait.ge [sflag:s30], $0x2800  }
0x177: {  	[sflag:s30] =	ssyncset.done $0x0  }
0x178: {  	v0 =	vimm.f32 $0.0e+00;
	s6 =	simm.s32 $0x0;
	s5 =	simm.s32 $0x40;
	[sflag:s30] =	ssyncadd.s32 $0xFFFFD800  }
.LBB2_30:
0x179: {  	p0 =	sne.s32 s5, $0x9FC0;
	[tilespmem:s6+$0xEF80] =	vst v0;
	s6 =	smov.u32 s5;
	s5 =	sadd.s32 $0x40, s5  }
.Ltmp15:
0x17a: {  	(pc) =	sbr.rel @p0 .LBB2_30-.Ltmp15, $2  }
0x17b: {  	_ =	sdelay $0x2  }
0x17c: {  	s6 =	sshra.s32 s6, $0x2  }
0x17d: {  	[tilespmem:s6+$0xEF80] =	vst v0;
	s5 =	simm.s32 $0x0;
	s6 =	simm.s32 $0xC780;
	s7 =	simm.s32 $0xEF80  }
.LBB2_32:
0x17e: {  	s8 =	sshra.s32 s5, $0x2  }
0x17f: {  	v0 =	vld [tilespmem:s8+$0x2A80];
	_ =	sdelay $0x4  }
0x180: {  	v1 =	vld [tilespmem:s8+$0x7900];
	_ =	sdelay $0x2  }
0x181: {  	v0 =	vld.idx.msk [tilespmem:v0+s6+$0x0], $0xffff;
	_ =	sdelay $0x4  }
0x182: {  	[tilespmem:v1+s7+$0x0] =	vst.idx.add.f32.msk $0xffff, v0  }
0x183: {  	v0 =	vld [tilespmem:s8+$0x2A90];
	_ =	sdelay $0x4  }
0x184: {  	v1 =	vld [tilespmem:s8+$0x7910];
	_ =	sdelay $0x2  }
0x185: {  	v0 =	vld.idx.msk [tilespmem:v0+s6+$0x0], $0xffff;
	_ =	sdelay $0x4  }
0x186: {  	[tilespmem:v1+s7+$0x0] =	vst.idx.add.f32.msk $0xffff, v0  }
0x187: {  	v0 =	vld [tilespmem:s8+$0x2AA0];
	_ =	sdelay $0x4  }
0x188: {  	v1 =	vld [tilespmem:s8+$0x7920];
	_ =	sdelay $0x2  }
0x189: {  	v0 =	vld.idx.msk [tilespmem:v0+s6+$0x0], $0xffff;
	_ =	sdelay $0x4  }
0x18a: {  	[tilespmem:v1+s7+$0x0] =	vst.idx.add.f32.msk $0xffff, v0  }
0x18b: {  	v0 =	vld [tilespmem:s8+$0x2AB0];
	_ =	sdelay $0x4  }
0x18c: {  	v1 =	vld [tilespmem:s8+$0x7930];
	_ =	sdelay $0x2  }
0x18d: {  	v0 =	vld.idx.msk [tilespmem:v0+s6+$0x0], $0xffff;
	_ =	sdelay $0x4  }
0x18e: {  	[tilespmem:v1+s7+$0x0] =	vst.idx.add.f32.msk $0xffff, v0  }
0x18f: {  	v0 =	vld [tilespmem:s8+$0x2AC0];
	_ =	sdelay $0x4  }
0x190: {  	v1 =	vld [tilespmem:s8+$0x7940];
	_ =	sdelay $0x2  }
0x191: {  	v0 =	vld.idx.msk [tilespmem:v0+s6+$0x0], $0xffff;
	_ =	sdelay $0x4  }
0x192: {  	[tilespmem:v1+s7+$0x0] =	vst.idx.add.f32.msk $0xffff, v0  }
0x193: {  	v0 =	vld [tilespmem:s8+$0x2AD0];
	_ =	sdelay $0x4  }
0x194: {  	v1 =	vld [tilespmem:s8+$0x7950];
	_ =	sdelay $0x2  }
0x195: {  	v0 =	vld.idx.msk [tilespmem:v0+s6+$0x0], $0xffff;
	_ =	sdelay $0x4  }
0x196: {  	[tilespmem:v1+s7+$0x0] =	vst.idx.add.f32.msk $0xffff, v0  }
0x197: {  	v0 =	vld [tilespmem:s8+$0x2AE0];
	_ =	sdelay $0x4  }
0x198: {  	v1 =	vld [tilespmem:s8+$0x7960];
	_ =	sdelay $0x2  }
0x199: {  	v0 =	vld.idx.msk [tilespmem:v0+s6+$0x0], $0xffff;
	_ =	sdelay $0x4  }
0x19a: {  	[tilespmem:v1+s7+$0x0] =	vst.idx.add.f32.msk $0xffff, v0  }
0x19b: {  	v0 =	vld [tilespmem:s8+$0x2AF0];
	_ =	sdelay $0x4  }
0x19c: {  	v1 =	vld [tilespmem:s8+$0x7970];
	_ =	sdelay $0x2  }
0x19d: {  	p0 =	sne.s32 s5, $0x13800;
	v0 =	vld.idx.msk [tilespmem:v0+s6+$0x0], $0xffff  }
.Ltmp16:
0x19e: {  	_ = 	snop;
	(pc) =	sbr.rel @p0 .LBB2_32-.Ltmp16, $2  }
0x19f: {  	_ =	sdelay $0x2  }
0x1a0: {  	s5 =	sadd.s32 $0x200, s5;
	[tilespmem:v1+s7+$0x0] =	vst.idx.add.f32.msk $0xffff, v0  }
0x1a1: {  	s5 =	simm.s32 $0xEF80  }
0x1a2: {  	[spmem:s4] =	stream.linear.scatter [tilespmem:s5], [sflag:$0x1], $0x2800, $0x38;
	[tilespmem:$0x1CC90] =	vst v63  }
0x1a3: {  	s4 =	simm.s32 $0x1  }
0x1a4: {  	_ =	swait.ge [sflag:s4], $0x2800  }
0x1a5: {  	[sflag:s4] =	ssyncset.done $0x0  }
0x1a6: {  	[sflag:s4] =	ssyncadd.s32 $0xFFFFD800  }
0x1a7: {  	v0 =	vimm.f32 $0.0e+00;
	[bflag:$0x0] =	sbarrier.arrive $0xFFFF  }
0x1a8: {  	[tilespmem:$0x1C400] =	vst v0  }
0x1a9: {  	[tilespmem:$0x1C410] =	vst v0  }
0x1aa: {  	[tilespmem:$0x1C420] =	vst v0  }
0x1ab: {  	[tilespmem:$0x1C430] =	vst v0  }
0x1ac: {  	[tilespmem:$0x1C440] =	vst v0  }
0x1ad: {  	[tilespmem:$0x1C450] =	vst v0  }
0x1ae: {  	[tilespmem:$0x1C460] =	vst v0  }
0x1af: {  	[tilespmem:$0x1C470] =	vst v0  }
0x1b0: {  	[tilespmem:$0x1C480] =	vst v0  }
0x1b1: {  	[tilespmem:$0x1C490] =	vst v0  }
0x1b2: {  	[tilespmem:$0x1C4A0] =	vst v0  }
0x1b3: {  	[tilespmem:$0x1C4B0] =	vst v0  }
0x1b4: {  	[tilespmem:$0x1C4C0] =	vst v0  }
0x1b5: {  	[tilespmem:$0x1C4D0] =	vst v0  }
0x1b6: {  	[tilespmem:$0x1C4E0] =	vst v0  }
0x1b7: {  	[tilespmem:$0x1C4F0] =	vst v0  }
0x1b8: {  	[tilespmem:$0x1C500] =	vst v0  }
0x1b9: {  	[tilespmem:$0x1C510] =	vst v0  }
0x1ba: {  	[tilespmem:$0x1C520] =	vst v0  }
0x1bb: {  	[tilespmem:$0x1C530] =	vst v0  }
0x1bc: {  	[tilespmem:$0x1C540] =	vst v0  }
0x1bd: {  	[tilespmem:$0x1C550] =	vst v0  }
0x1be: {  	[tilespmem:$0x1C560] =	vst v0  }
0x1bf: {  	[tilespmem:$0x1C570] =	vst v0  }
0x1c0: {  	[tilespmem:$0x1C580] =	vst v0  }
0x1c1: {  	[tilespmem:$0x1C590] =	vst v0  }
0x1c2: {  	[tilespmem:$0x1C5A0] =	vst v0  }
0x1c3: {  	[tilespmem:$0x1C5B0] =	vst v0  }
0x1c4: {  	[tilespmem:$0x1C5C0] =	vst v0  }
0x1c5: {  	[tilespmem:$0x1C5D0] =	vst v0  }
0x1c6: {  	[tilespmem:$0x1C5E0] =	vst v0  }
0x1c7: {  	[tilespmem:$0x1C5F0] =	vst v0  }
0x1c8: {  	[tilespmem:$0x1C600] =	vst v0  }
0x1c9: {  	[tilespmem:$0x1C610] =	vst v0  }
0x1ca: {  	[tilespmem:$0x1C620] =	vst v0  }
0x1cb: {  	[tilespmem:$0x1C630] =	vst v0  }
0x1cc: {  	[tilespmem:$0x1C640] =	vst v0  }
0x1cd: {  	[tilespmem:$0x1C650] =	vst v0  }
0x1ce: {  	[tilespmem:$0x1C660] =	vst v0  }
0x1cf: {  	s6 =	simm.s32 $0x1C680;
	s5 =	simm.s32 $0x0;
	[tilespmem:$0x1C670] =	vst v0  }
.LBB2_34:
0x1d0: {  	s7 =	smul.u32 $0xA000, s5;
	_ =	sdelay $0x1  }
0x1d1: {  	s7 =	sshra.s32 s7, $0x2  }
0x1d2: {  	s7 =	sadd.s32 s7, s3  }
0x1d3: {  	[tilespmem:s6], [sflag:$0x1] =	stream.linear.gather [spmem:s7], $0x280, $0x38;
	[tilespmem:$0x1CC90] =	vst v63  }
0x1d4: {  	_ =	swait.ge [sflag:s4], $0x280  }
0x1d5: {  	[sflag:s4] =	ssyncset.done $0x0  }
0x1d6: {  	s7 =	simm.s32 $0x0;
	[sflag:s4] =	ssyncadd.s32 $0xFFFFFD80  }
0x1d7: {  	s8 =	simm.s32 $0x40;
	v0 =	vld [tilespmem:s7+$0x1C680]  }
.LBB2_35:
0x1d8: {  	p0 =	sne.s32 s8, $0x9C0;
	v1 =	vld [tilespmem:s7+$0x1C400];
	_ =	sdelay $0x2  }
.Ltmp17:
0x1d9: {  	(pc) =	sbr.rel @p0 .LBB2_35-.Ltmp17, $4  }
0x1da: {  	_ = 	snop  }
0x1db: {  	v1 =	vadd.f32 v0, v1  }
0x1dc: {  	s9 =	sshra.s32 s8, $0x2  }
0x1dd: {  	s8 =	sadd.s32 $0x40, s8;
	v0 =	vld [tilespmem:s9+$0x1C680];
	[tilespmem:s7+$0x1C400] =	vst v1;
	s7 =	smov.u32 s9  }
0x1de: {  	v1 =	vld [tilespmem:s7+$0x1C400]  }
0x1df: {  	s5 =	sadd.s32 $0x1, s5  }
0x1e0: {  	p0 =	sne.s32 s5, $0x10  }
.Ltmp18:
0x1e1: {  	_ = 	snop;
	(pc) =	sbr.rel @p0 .LBB2_34-.Ltmp18, $3  }
0x1e2: {  	_ = 	snop  }
0x1e3: {  	v0 =	vadd.f32 v0, v1;
	_ =	sdelay $0x1  }
0x1e4: {  	[tilespmem:s7+$0x1C400] =	vst v0  }
0x1e5: {  	s3 =	simm.s32 $0x0  }
0x1e6: {  	v1 =	vld [tilespmem:s3+$0x1C180]  }
0x1e7: {  	v2 =	vld [tilespmem:s3+$0x1C400];
	_ =	sdelay $0x1  }
0x1e8: {  	v3 =	vld [tilespmem:s3+$0x1B780];
	_ =	sdelay $0x1  }
0x1e9: {  	s4 =	simm.s32 $0x1CC80  }
0x1ea: {  	v0 =	vld.msk [tilespmem:s4+$0x0], $0xffff;
	s4 =	simm.s32 $0x10;
	v2 =	vmul.f32 v2, v1  }
0x1eb: {  	v1 =	vld [tilespmem:s4+$0x1C180]  }
0x1ec: {  	v4 =	vadd.f32 v2, v3;
	v3 =	vld [tilespmem:s4+$0x1C400];
	_ =	sdelay $0x1  }
0x1ed: {  	v2 =	vld [tilespmem:s4+$0x1B780]  }
0x1ee: {  	s5 =	simm.s32 $0x80;
	v4 =	vadd.f32 v4, v0  }
.LBB2_38:
0x1ef: {  	s6 =	sshra.s32 s5, $0x2;
	p0 =	sne.s32 s5, $0x9C0  }
.Ltmp19:
0x1f0: {  	s5 =	sadd.s32 $0x40, s5;
	v5 =	vmul.f32 v3, v1;
	v1 =	vld [tilespmem:s6+$0x1C180];
	[tilespmem:s3+$0x1C900] =	vst v4;
	(pc) =	sbr.rel @p0 .LBB2_38-.Ltmp19, $4  }
0x1f1: {  	s3 =	smov.u32 s4;
	s4 =	smov.u32 s6;
	v3 =	vld [tilespmem:s6+$0x1C400]  }
0x1f2: {  	v4 =	vadd.f32 v5, v2  }
0x1f3: {  	v2 =	vld [tilespmem:s4+$0x1B780]  }
0x1f4: {  	v4 =	vadd.f32 v4, v0  }
0x1f5: {  	_ = 	snop  }
0x1f6: {  	v1 =	vmul.f32 v3, v1;
	_ =	sdelay $0x1  }
0x1f7: {  	v1 =	vadd.f32 v1, v2;
	_ =	sdelay $0x1  }
0x1f8: {  	v0 =	vadd.f32 v1, v0  }
0x1f9: {  	[tilespmem:s3+$0x1C900] =	vst v4  }
0x1fa: {  	s29 =	simm.s32 $0x0;
	s30 =	simm.s32 $0x1C900;
	s31 =	simm.s32 $0x1;
	[tilespmem:s4+$0x1C900] =	vst v0  }
0x1fb: {  	[hbm4b:s2+s29] =	stream.linear.scatter [tilespmem:s30], [sflag:$0x1], $0x280, $0x38;
	[tilespmem:$0x1CC90] =	vst v63  }
0x1fc: {  	_ =	swait.ge [sflag:s31], $0x280  }
0x1fd: {  	[sflag:s31] =	ssyncset.done $0x0  }
0x1fe: {  	[sflag:s31] =	ssyncadd.s32 $0xFFFFFD80  }
.LBB2_40:
0x1ff: {  	_ =	sfence.sel $0x180000  }
0x200: {  	[bflag:$0x0] =	sbarrier.arrive $0xFFFF  }
0x201: {  	p0 =	sne.s32 s1, $0x0;
	_ =	strace $0x9000004A  }
0x202: {  	s0 =	sadd.s32 @!p0 $0x100000, s0;
	[bflag:$0x2] =	sbarrier.arrive $0xFFFF  }
0x203: {  	[sflag:s0] =	ssyncadd.tile.s32 @!p0 $0x1;
	_ =	shalt  }
.Lfunc_end2:
_tile_overlayer_lowered:
.L_overlay_start_2:
0x204: {  	(tag) =	ssettag $0x2  }
0x205: {  	s0 =	rddreg [dreg:$0x0];
	s2 =	stileid.u32  }
0x206: {  	s1 =	rddreg [dreg:$0x1];
	p0 =	sne.s32 s2, $0x0  }
0x207: {  	s3 =	rddreg [dreg:$0x2];
	[bflag:$0x3] =	sbarrier.arrive $0xFFFF;
	s2 =	simm.s32 @!p0 $0x1C01  }
0x208: {  	[timem:s3], [sflag:s2] =	dma.local @!p0 [hbm:s0], s1  }
0x209: {  	s0 =	simm.s32 @!p0 $0x1  }
0x20a: {  	_ =	swait.ge @!p0 [sflag:s0], s1  }
0x20b: {  	s1 =	ssub.s32 @!p0 $0x0, s1;
	[sflag:s0] =	ssyncset.done @!p0 $0x0  }
0x20c: {  	[sflag:s0] =	ssyncadd.s32 @!p0 s1  }
0x20d: {  	[bflag:$0x3] =	sbarrier.arrive $0xFFFF  }
0x20e: {  	_ =	shalt  }

</sc_bundles>
